<compile_context>
chip_gen: v7x
topology: tpu7x:2x2x1
jax: 0.10.2.dev20260603
libtpu: 0.0.44.dev20260713+nightly
codegen_flags: <defaults>
</compile_context>

<pallas_src>
import functools

import numpy as np

import jax
import jax.numpy as jnp
from jax import lax
from jax.experimental import pallas as pl
from jax.experimental.pallas import tpu as pltpu
from jax.experimental.pallas import tpu_sc as plsc

N_EMBD = 768
N_HEAD = 12
N_KV_HEAD = 4
FFN = 128
N_EXP = 64
TOP_K = 2
HEAD_DIM = N_EMBD // N_HEAD
KV_DIM = N_KV_HEAD * HEAD_DIM
N_GROUPS = N_HEAD // N_KV_HEAD
KERNEL = 3
BASE = 50000.0

QT = 128
TILE = 128
SC_NC = 2
SC_NS = 16


def _rms_norm(x, w):
    return x * jax.lax.rsqrt(jnp.mean(x * x, axis=-1, keepdims=True) + 1e-6) * w


def _ln_na(x, eps=1e-5):
    m = jnp.mean(x, axis=-1, keepdims=True)
    v = jnp.mean((x - m) ** 2, axis=-1, keepdims=True)
    return (x - m) / jnp.sqrt(v + eps)


def _rope(x, cos, sin):
    h = x.shape[-1] // 2
    x1 = x[:, :h]
    x2 = x[:, h:]
    rot = jnp.concatenate((-x2, x1), axis=-1)
    return x * cos + rot * sin


def _qkv_body(x_ref, xp_ref, ln1_ref, wc_ref, w_ref, cosf_ref, sinf_ref,
              p1_ref, p2_ref, qf_ref, k_ref, v_ref):
    i = pl.program_id(0)
    MT = x_ref.shape[0]
    xn = _rms_norm(x_ref[...], ln1_ref[...])
    xnp = _rms_norm(xp_ref[...], ln1_ref[...])
    z1 = jnp.concatenate((xnp[MT - 1:], xn[:MT - 1]), 0)
    z2 = jnp.concatenate((xnp[MT - 2:], xn[:MT - 2]), 0)
    rows = i * MT + jax.lax.broadcasted_iota(jnp.int32, (MT, 1), 0)
    z1 = jnp.where(rows >= 1, z1, 0.0)
    z2 = jnp.where(rows >= 2, z2, 0.0)
    xc = xn * wc_ref[2:3, :] + z1 * wc_ref[1:2, :] + z2 * wc_ref[0:1, :]
    qkv = jnp.dot(xc, w_ref[...].T, preferred_element_type=jnp.float32)
    lanes = jax.lax.broadcasted_iota(jnp.int32, qkv.shape, 1)
    W = qkv.shape[1]
    rot = jnp.where(lanes % HEAD_DIM < HEAD_DIM // 2,
                    -pltpu.roll(qkv, W - HEAD_DIM // 2, 1),
                    pltpu.roll(qkv, HEAD_DIM // 2, 1))
    qr = qkv * cosf_ref[...] + rot * sinf_ref[...]
    mg = jnp.dot(qr, p1_ref[...], preferred_element_type=jnp.float32)
    m2g = jnp.dot(qr * qr, p1_ref[...], preferred_element_type=jnp.float32)
    mean_f = jnp.dot(mg, p2_ref[...], preferred_element_type=jnp.float32)
    m2_f = jnp.dot(m2g, p2_ref[...], preferred_element_type=jnp.float32)
    var = m2_f - mean_f * mean_f
    ln = (qr - mean_f) * jax.lax.rsqrt(var + 1e-5)
    out = jnp.where(lanes < N_EMBD + KV_DIM, ln, qr).astype(jnp.bfloat16)
    qf_ref[...] = out
    for h in range(N_KV_HEAD):
        k_ref[h] = out[:, N_EMBD + h * HEAD_DIM:N_EMBD + (h + 1) * HEAD_DIM]
        v_ref[h] = out[:, N_EMBD + KV_DIM + h * HEAD_DIM:
                       N_EMBD + KV_DIM + (h + 1) * HEAD_DIM]


def _attn_band_body(q_ref, k_ref, v_ref, o_ref, *, tile0):
    qt = tile0 + pl.program_id(0)
    q = q_ref[...]
    scale = 1.0 / jnp.sqrt(jnp.float32(HEAD_DIM))
    KW = k_ref.shape[1]
    rows = qt * QT + jax.lax.broadcasted_iota(jnp.int32, (QT, KW), 0)
    cols = jax.lax.broadcasted_iota(jnp.int32, (QT, KW), 1)
    causal = cols <= rows
    for h in range(N_HEAD):
        qh = q[:, h * HEAD_DIM:(h + 1) * HEAD_DIM]
        kh = k_ref[h // N_GROUPS]
        vh = v_ref[h // N_GROUPS]
        s = jax.lax.dot_general(qh, kh, (((1,), (1,)), ((), ())),
                                preferred_element_type=jnp.float32) * scale
        s = jnp.where(causal, s, -jnp.inf)
        m = jnp.max(s, axis=-1, keepdims=True)
        e = jnp.exp(s - m)
        p = (e / jnp.sum(e, axis=-1, keepdims=True)).astype(jnp.bfloat16)
        o_ref[:, h * HEAD_DIM:(h + 1) * HEAD_DIM] = jnp.dot(
            p, vh, preferred_element_type=jnp.float32)


def _proj_router_body(y0_ref, y1_ref, y2_ref, y3_ref, x_ref, wp_ref, ln2_ref,
                      wr_ref, x1_ref, xn2_ref, p0_ref, p1_ref, w0_ref, w1_ref,
                      cnt_ref, off_ref, aux_ref, cb_ref):
    T = x_ref.shape[0]
    yfull = jnp.concatenate(
        (y0_ref[...], y1_ref[...], y2_ref[...], y3_ref[...]), 0)
    y = jnp.dot(yfull, wp_ref[...].T, preferred_element_type=jnp.float32)
    x1 = x_ref[...] + y
    x1_ref[...] = x1
    xn2 = _rms_norm(x1, ln2_ref[...])
    xn2_ref[...] = xn2
    logits = jnp.dot(xn2, wr_ref[...].T, preferred_element_type=jnp.float32)
    ml = jnp.max(logits, axis=-1, keepdims=True)
    el = jnp.exp(logits - ml)
    probs = el / jnp.sum(el, axis=-1, keepdims=True)
    col = jax.lax.broadcasted_iota(jnp.int32, probs.shape, 1)
    m1 = jnp.max(probs, axis=-1, keepdims=True)
    i1 = jnp.min(jnp.where(probs == m1, col, N_EXP), axis=-1, keepdims=True)
    mask1 = col == i1
    pm = jnp.where(mask1, -1.0, probs)
    m2 = jnp.max(pm, axis=-1, keepdims=True)
    i2 = jnp.min(jnp.where(pm == m2, col, N_EXP), axis=-1, keepdims=True)
    mask2 = col == i2
    denom = m1 + m2
    w0_ref[...] = m1 / denom
    w1_ref[...] = m2 / denom
    avg = jnp.mean(probs, axis=0, keepdims=True)
    aux_ref[...] = N_EXP * jnp.sum(avg * avg, axis=-1, keepdims=True)

    oh = mask1.astype(jnp.float32) + mask2.astype(jnp.float32)
    r_i = jax.lax.broadcasted_iota(jnp.int32, (TILE, TILE), 0)
    c_i = jax.lax.broadcasted_iota(jnp.int32, (TILE, TILE), 1)
    ls = (r_i > c_i).astype(jnp.float32)
    carry = jnp.zeros((1, N_EXP), jnp.float32)
    for c in range(T // TILE):
        blk = oh[c * TILE:(c + 1) * TILE]
        cb_ref[c * TILE:(c + 1) * TILE, :] = carry + jnp.dot(
            ls, blk, preferred_element_type=jnp.float32)
        carry = carry + jnp.sum(blk, axis=0, keepdims=True)
    cnt = carry
    e_r = jax.lax.broadcasted_iota(jnp.int32, (N_EXP, N_EXP), 0)
    e_c = jax.lax.broadcasted_iota(jnp.int32, (N_EXP, N_EXP), 1)
    ue = (e_r < e_c).astype(jnp.float32)
    off = jnp.dot(cnt, ue, preferred_element_type=jnp.float32)
    base = off + cb_ref[...]
    p0 = jnp.sum(jnp.where(mask1, base, 0.0), axis=-1, keepdims=True)
    p1 = jnp.sum(jnp.where(mask2, base, 0.0), axis=-1, keepdims=True)
    p0_ref[...] = p0.astype(jnp.int32)
    p1_ref[...] = p1.astype(jnp.int32)
    cnt_ref[...] = cnt.astype(jnp.int32)
    off_ref[...] = off.astype(jnp.int32)


def _gmm_body(meta_ref, xg_ref, wv_ref, wp_ref, yg_ref):
    g = pl.program_id(0)
    mlo = meta_ref[2, g]
    mhi = meta_ref[3, g]
    first = meta_ref[4, g]
    rbase = meta_ref[1, g] * TILE
    xg = xg_ref[...].astype(jnp.bfloat16)
    h = jax.lax.dot_general(xg, wv_ref[0].astype(jnp.bfloat16),
                            (((1,), (1,)), ((), ())),
                            preferred_element_type=jnp.float32)
    gp = h[:, :FFN]
    vp = h[:, FFN:]
    act = gp * jax.lax.logistic(gp) * vp
    rows = rbase + jax.lax.broadcasted_iota(jnp.int32, (TILE, 1), 0)
    act = jnp.where((rows >= mlo) & (rows < mhi), act, 0.0)
    contrib = jax.lax.dot_general(act.astype(jnp.bfloat16),
                                  wp_ref[0].astype(jnp.bfloat16),
                                  (((1,), (1,)), ((), ())),
                                  preferred_element_type=jnp.float32)

    @pl.when(first == 1)
    def _():
        yg_ref[...] = contrib

    @pl.when(first == 0)
    def _():
        yg_ref[...] += contrib


def _combine_body(x1_ref, y0_ref, y1_ref, w0_ref, w1_ref, out_ref):
    out_ref[...] = (x1_ref[...] + w0_ref[...] * y0_ref[...]
                    + w1_ref[...] * y1_ref[...])


def _sc_mesh():
    return plsc.VectorSubcoreMesh(core_axis_name="c", subcore_axis_name="s")


def _sc_dispatch(xn2, p0, p1):
    T, C = xn2.shape
    NW = SC_NC * SC_NS
    CH = T // NW

    @functools.partial(
        pl.kernel, mesh=_sc_mesh(),
        out_type=jax.ShapeDtypeStruct((TOP_K * T, C), jnp.float32),
        scratch_types=[
            pltpu.VMEM((CH,), jnp.int32),
            pltpu.VMEM((CH, C), jnp.float32),
            pltpu.SemaphoreType.DMA,
        ],
    )
    def k(xn2_hbm, p0_hbm, p1_hbm, xg_hbm, idx_v, rows_v, sem):
        wid = lax.axis_index("s") * SC_NC + lax.axis_index("c")
        rb = wid * CH
        pltpu.sync_copy(xn2_hbm.at[pl.ds(rb, CH)], rows_v)
        pltpu.sync_copy(p0_hbm.at[pl.ds(rb, CH)], idx_v)
        pltpu.async_copy(rows_v, xg_hbm.at[idx_v], sem).wait()
        pltpu.sync_copy(p1_hbm.at[pl.ds(rb, CH)], idx_v)
        pltpu.async_copy(rows_v, xg_hbm.at[idx_v], sem).wait()

    return k(xn2, p0, p1)


def _sc_combine(yg, p0, p1):
    A, C = yg.shape
    T = A // TOP_K
    NW = SC_NC * SC_NS
    CH = T // NW

    @functools.partial(
        pl.kernel, mesh=_sc_mesh(),
        out_type=[
            jax.ShapeDtypeStruct((T, C), jnp.float32),
            jax.ShapeDtypeStruct((T, C), jnp.float32),
        ],
        scratch_types=[
            pltpu.VMEM((CH,), jnp.int32),
            pltpu.VMEM((CH, C), jnp.float32),
            pltpu.SemaphoreType.DMA,
        ],
    )
    def k(yg_hbm, p0_hbm, p1_hbm, y0_hbm, y1_hbm, idx_v, buf_v, sem):
        wid = lax.axis_index("s") * SC_NC + lax.axis_index("c")
        rb = wid * CH
        pltpu.sync_copy(p0_hbm.at[pl.ds(rb, CH)], idx_v)
        pltpu.async_copy(yg_hbm.at[idx_v], buf_v, sem).wait()
        pltpu.sync_copy(buf_v, y0_hbm.at[pl.ds(rb, CH)])
        pltpu.sync_copy(p1_hbm.at[pl.ds(rb, CH)], idx_v)
        pltpu.async_copy(yg_hbm.at[idx_v], buf_v, sem).wait()
        pltpu.sync_copy(buf_v, y1_hbm.at[pl.ds(rb, CH)])

    return k(yg, p0, p1)


def _pair_metadata(cnt, off, n_tiles):
    G = n_tiles + N_EXP
    end = off + cnt
    tlo = off // TILE
    thi = jnp.where(cnt > 0, (end - 1) // TILE, 0)
    p = jnp.where(cnt > 0, thi - tlo + 1, 0)
    s = jnp.cumsum(p) - p
    j = jnp.arange(G, dtype=jnp.int32)[:, None]
    sel = (j >= s[None, :]) & (j < (s + p)[None, :])
    valid = jnp.any(sel, axis=1)
    pair_e = jnp.argmax(sel, axis=1).astype(jnp.int32)
    pair_m = jnp.where(valid, tlo[pair_e] + (j[:, 0] - s[pair_e]), n_tiles - 1)
    mlo = jnp.where(valid, off[pair_e], 0)
    mhi = jnp.where(valid, end[pair_e], 0)
    first = jnp.concatenate(
        [jnp.ones((1,), jnp.int32),
         (pair_m[1:] != pair_m[:-1]).astype(jnp.int32)])
    return jnp.stack([pair_e, pair_m.astype(jnp.int32),
                      mlo.astype(jnp.int32), mhi.astype(jnp.int32), first])


@functools.lru_cache(maxsize=2)
def _const_tables(T):
    W = N_EMBD + 2 * KV_DIM
    inv_freq = 1.0 / (BASE ** (np.arange(0, HEAD_DIM, 2, dtype=np.float64) / HEAD_DIM))
    t = np.arange(T, dtype=np.float64)
    freqs = np.outer(t, inv_freq)
    emb = np.concatenate((freqs, freqs), axis=-1)
    cos = np.cos(emb.astype(np.float32)).astype(np.float32)
    sin = np.sin(emb.astype(np.float32)).astype(np.float32)
    cosf = np.concatenate(
        [np.tile(cos, (1, N_HEAD)), np.tile(cos, (1, N_KV_HEAD)),
         np.ones((T, KV_DIM), np.float32)], axis=1)
    sinf = np.concatenate(
        [np.tile(sin, (1, N_HEAD)), np.tile(sin, (1, N_KV_HEAD)),
         np.zeros((T, KV_DIM), np.float32)], axis=1)
    cgrp = np.arange(W) // HEAD_DIM
    normed = np.arange(W) < N_EMBD + KV_DIM
    NG = (N_EMBD + KV_DIM) // HEAD_DIM
    p1 = np.where((cgrp[:, None] == np.arange(NG)[None, :]) & normed[:, None],
                  1.0 / HEAD_DIM, 0.0).astype(np.float32)
    p2 = np.where((np.arange(NG)[:, None] == cgrp[None, :]) & normed[None, :],
                  1.0, 0.0).astype(np.float32)
    return cosf, sinf, p1, p2


def kernel(x, ln1_w, ln2_w, l_conv_w, c_attn_w, c_proj_w, router_w, expert_wv, expert_wproj):
    B, T, C = x.shape
    x2d = x.reshape(T, C)
    ln1 = ln1_w.reshape(1, C)
    ln2 = ln2_w.reshape(1, C)
    wconv = jnp.transpose(l_conv_w[:, 0, :], (1, 0))
    W = N_EMBD + 2 * KV_DIM
    NG = (N_EMBD + KV_DIM) // HEAD_DIM
    cosf, sinf, p1, p2 = _const_tables(T)

    MT = 128
    qf, k, v = pl.pallas_call(
        _qkv_body,
        grid=(T // MT,),
        in_specs=[
            pl.BlockSpec((MT, C), lambda i: (i, 0)),
            pl.BlockSpec((MT, C), lambda i: (jnp.maximum(i - 1, 0), 0)),
            pl.BlockSpec((1, C), lambda i: (0, 0)),
            pl.BlockSpec((KERNEL, C), lambda i: (0, 0)),
            pl.BlockSpec((W, C), lambda i: (0, 0)),
            pl.BlockSpec((MT, W), lambda i: (i, 0)),
            pl.BlockSpec((MT, W), lambda i: (i, 0)),
            pl.BlockSpec((W, NG), lambda i: (0, 0)),
            pl.BlockSpec((NG, W), lambda i: (0, 0)),
        ],
        out_specs=[
            pl.BlockSpec((MT, W), lambda i: (i, 0)),
            pl.BlockSpec((N_KV_HEAD, MT, HEAD_DIM), lambda i: (0, i, 0)),
            pl.BlockSpec((N_KV_HEAD, MT, HEAD_DIM), lambda i: (0, i, 0)),
        ],
        out_shape=[
            jax.ShapeDtypeStruct((T, W), jnp.bfloat16),
            jax.ShapeDtypeStruct((N_KV_HEAD, T, HEAD_DIM), jnp.bfloat16),
            jax.ShapeDtypeStruct((N_KV_HEAD, T, HEAD_DIM), jnp.bfloat16),
        ],
    )(x2d, x2d, ln1, wconv, c_attn_w, cosf, sinf, p1, p2)

    NB = 4
    BT = T // NB
    ys = []
    for b in range(NB):
        KW = (b + 1) * BT
        ys.append(pl.pallas_call(
            functools.partial(_attn_band_body, tile0=b * (BT // QT)),
            grid=(BT // QT,),
            in_specs=[
                pl.BlockSpec((QT, N_EMBD),
                             functools.partial(lambda i, b=0: (i + b, 0),
                                               b=b * (BT // QT))),
                pl.BlockSpec((N_KV_HEAD, KW, HEAD_DIM), lambda i: (0, 0, 0)),
                pl.BlockSpec((N_KV_HEAD, KW, HEAD_DIM), lambda i: (0, 0, 0)),
            ],
            out_specs=pl.BlockSpec((QT, N_EMBD), lambda i: (i, 0)),
            out_shape=jax.ShapeDtypeStruct((BT, N_EMBD), jnp.float32),
        )(qf, k, v))

    x1, xn2, p0, p1, w0, w1, cnt, off, aux = pl.pallas_call(
        _proj_router_body,
        out_shape=[
            jax.ShapeDtypeStruct((T, C), jnp.float32),
            jax.ShapeDtypeStruct((T, C), jnp.float32),
            jax.ShapeDtypeStruct((T, 1), jnp.int32),
            jax.ShapeDtypeStruct((T, 1), jnp.int32),
            jax.ShapeDtypeStruct((T, 1), jnp.float32),
            jax.ShapeDtypeStruct((T, 1), jnp.float32),
            jax.ShapeDtypeStruct((1, N_EXP), jnp.int32),
            jax.ShapeDtypeStruct((1, N_EXP), jnp.int32),
            jax.ShapeDtypeStruct((1, 1), jnp.float32),
        ],
        scratch_shapes=[pltpu.VMEM((T, N_EXP), jnp.float32)],
    )(ys[0], ys[1], ys[2], ys[3], x2d, c_proj_w, ln2, router_w)

    A = TOP_K * T
    n_tiles = A // TILE
    meta = _pair_metadata(cnt[0], off[0], n_tiles)

    p0f = p0.reshape(T)
    p1f = p1.reshape(T)
    xg = _sc_dispatch(xn2, p0f, p1f)

    G = n_tiles + N_EXP
    yg = pl.pallas_call(
        _gmm_body,
        grid_spec=pltpu.PrefetchScalarGridSpec(
            num_scalar_prefetch=1,
            grid=(G,),
            in_specs=[
                pl.BlockSpec((TILE, C), lambda g, m: (m[1, g], 0)),
                pl.BlockSpec((1, 2 * FFN, C), lambda g, m: (m[0, g], 0, 0)),
                pl.BlockSpec((1, C, FFN), lambda g, m: (m[0, g], 0, 0)),
            ],
            out_specs=pl.BlockSpec((TILE, C), lambda g, m: (m[1, g], 0)),
        ),
        out_shape=jax.ShapeDtypeStruct((A, C), jnp.float32),
    )(meta, xg, expert_wv, expert_wproj)

    y0, y1 = _sc_combine(yg, p0f, p1f)

    out2d = pl.pallas_call(
        _combine_body,
        grid=(T // 256,),
        in_specs=[
            pl.BlockSpec((256, C), lambda i: (i, 0)),
            pl.BlockSpec((256, C), lambda i: (i, 0)),
            pl.BlockSpec((256, C), lambda i: (i, 0)),
            pl.BlockSpec((256, 1), lambda i: (i, 0)),
            pl.BlockSpec((256, 1), lambda i: (i, 0)),
        ],
        out_specs=pl.BlockSpec((256, C), lambda i: (i, 0)),
        out_shape=jax.ShapeDtypeStruct((T, C), jnp.float32),
    )(x1, y0, y1, w0, w1)

    return out2d.reshape(B, T, C), aux[0, 0]

# --- scband reference (transcript-rebuilt; emitter-appended) ---
"""Pipeline reference for scband-block-39058432589978 (READ-ONLY COPY).

The authoritative reference and input builder live on the scoring server;
editing this copy changes nothing except your own understanding.
"""

import jax, jax.numpy as jnp
import numpy as np

N_EMBD = 768
N_HEAD = 12
N_KV_HEAD = 4
FFN = 128
N_EXP = 64
TOP_K = 2
HEAD_DIM = N_EMBD // N_HEAD
KV_DIM = N_KV_HEAD * HEAD_DIM
N_GROUPS = N_HEAD // N_KV_HEAD
KERNEL = 3
BASE = 50000.0


def rms_norm(x, w):
    return x * jax.lax.rsqrt(jnp.mean(x * x, axis=-1, keepdims=True) + 1e-6) * w


def layer_norm_na(x, eps=1e-5):
    m = jnp.mean(x, axis=-1, keepdims=True)
    v = jnp.mean((x - m) ** 2, axis=-1, keepdims=True)
    return (x - m) / jnp.sqrt(v + eps)


def rotate_half(x):
    x1 = x[..., : x.shape[-1] // 2]
    x2 = x[..., x.shape[-1] // 2 :]
    return jnp.concatenate((-x2, x1), axis=-1)


def rope_tables(T):
    inv_freq = 1.0 / (BASE ** (jnp.arange(0, HEAD_DIM, 2, dtype=jnp.float32) / HEAD_DIM))
    t = jnp.arange(T, dtype=jnp.float32)
    freqs = jnp.outer(t, inv_freq)
    emb = jnp.concatenate((freqs, freqs), axis=-1)
    return jnp.cos(emb), jnp.sin(emb)


def attention(x, l_conv_w, c_attn_w, c_proj_w):
    B, T, C = x.shape
    xc = jnp.transpose(x, (0, 2, 1))
    xc = jnp.pad(xc, ((0, 0), (0, 0), (KERNEL - 1, 0)))
    xc = jax.lax.conv_general_dilated(xc, l_conv_w, (1,), 'VALID',
                                      dimension_numbers=('NCH', 'OIH', 'NCH'),
                                      feature_group_count=C)
    x = jnp.transpose(xc, (0, 2, 1))
    qkv = x @ c_attn_w.T
    q = qkv[..., :N_EMBD].reshape(B, T, N_HEAD, HEAD_DIM)
    k = qkv[..., N_EMBD:N_EMBD + KV_DIM].reshape(B, T, N_KV_HEAD, HEAD_DIM)
    v = qkv[..., N_EMBD + KV_DIM:].reshape(B, T, N_KV_HEAD, HEAD_DIM)
    cos, sin = rope_tables(T)
    cos = cos[None, :, None, :]
    sin = sin[None, :, None, :]
    q = q * cos + rotate_half(q) * sin
    k = k * cos + rotate_half(k) * sin
    k = jnp.repeat(k, N_GROUPS, axis=2)
    v = jnp.repeat(v, N_GROUPS, axis=2)
    q = jnp.transpose(layer_norm_na(q), (0, 2, 1, 3))
    k = jnp.transpose(layer_norm_na(k), (0, 2, 1, 3))
    v = jnp.transpose(v, (0, 2, 1, 3))
    scores = (q @ jnp.swapaxes(k, -1, -2)) / jnp.sqrt(jnp.float32(HEAD_DIM))
    mask = jnp.tril(jnp.ones((T, T), dtype=bool))
    scores = jnp.where(mask[None, None, :, :], scores, -jnp.inf)
    att = jax.nn.softmax(scores, axis=-1)
    y = att @ v
    y = jnp.transpose(y, (0, 2, 1, 3)).reshape(B, T, C)
    return y @ c_proj_w.T


def moe(x, router_w, expert_wv, expert_wproj):
    B, T, C = x.shape
    logits = x @ router_w.T
    probs = jax.nn.softmax(logits, axis=-1)
    weights, indices = jax.lax.top_k(probs, TOP_K)
    weights = weights / jnp.sum(weights, axis=-1, keepdims=True)
    avg = jnp.mean(probs, axis=(0, 1))
    aux_loss = N_EXP * jnp.sum(avg * avg)
    xf = x.reshape(B * T, C)
    wf = weights.reshape(B * T, TOP_K)
    idxf = indices.reshape(B * T, TOP_K)
    gate = jnp.zeros((B * T, N_EXP), x.dtype)
    for kk in range(TOP_K):
        gate = gate + wf[:, kk:kk + 1] * jax.nn.one_hot(idxf[:, kk], N_EXP, dtype=x.dtype)
    # dense (mathematically identical) dispatch: every expert applied, masked by gate
    h = jnp.einsum('td,efd->etf', xf, expert_wv)
    g, val = jnp.split(h, 2, axis=-1)
    act = jax.nn.silu(g) * val
    act_g = act * jnp.transpose(gate)[:, :, None]
    out = jnp.einsum('etf,edf->td', act_g, expert_wproj)
    return out.reshape(B, T, C), aux_loss


def block_forward(x, ln1_w, ln2_w, l_conv_w, c_attn_w, c_proj_w, router_w, expert_wv, expert_wproj):
    x = x + attention(rms_norm(x, ln1_w), l_conv_w, c_attn_w, c_proj_w)
    moe_out, aux_loss = moe(rms_norm(x, ln2_w), router_w, expert_wv, expert_wproj)
    x = x + moe_out
    return x, aux_loss


def setup_inputs(seed: int = 0) -> dict:
    key = jax.random.key(seed)
    ks = jax.random.split(key, 8)
    B, T = 1, 2048
    x = jax.random.normal(ks[0], (B, T, N_EMBD), dtype=jnp.float32)
    ln1_w = jnp.ones((N_EMBD,), jnp.float32)
    ln2_w = jnp.ones((N_EMBD,), jnp.float32)
    l_conv_w = 0.2 * jax.random.normal(ks[1], (N_EMBD, 1, KERNEL), dtype=jnp.float32)
    c_attn_w = 0.02 * jax.random.normal(ks[2], (N_EMBD + 2 * KV_DIM, N_EMBD), dtype=jnp.float32)
    c_proj_w = 0.02 * jax.random.normal(ks[3], (N_EMBD, N_EMBD), dtype=jnp.float32)
    router_w = 0.02 * jax.random.normal(ks[4], (N_EXP, N_EMBD), dtype=jnp.float32)
    expert_wv = 0.02 * jax.random.normal(ks[5], (N_EXP, 2 * FFN, N_EMBD), dtype=jnp.float32)
    expert_wproj = 0.02 * jax.random.normal(ks[6], (N_EXP, N_EMBD, FFN), dtype=jnp.float32)
    return {'x': x, 'ln1_w': ln1_w, 'ln2_w': ln2_w, 'l_conv_w': l_conv_w,
            'c_attn_w': c_attn_w, 'c_proj_w': c_proj_w, 'router_w': router_w,
            'expert_wv': expert_wv, 'expert_wproj': expert_wproj}


def reference(x, ln1_w, ln2_w, l_conv_w, c_attn_w, c_proj_w, router_w, expert_wv, expert_wproj):
    return block_forward(x, ln1_w, ln2_w, l_conv_w, c_attn_w, c_proj_w, router_w, expert_wv, expert_wproj)

if __name__ == "__main__":
    import jax
    _d = setup_inputs()
    print(jax.jit(kernel)(*tuple(_d.values())))

</pallas_src>

<mosaic_0001>
#map = affine_map<(d0, d1) -> (0, 0)>
#map1 = affine_map<(d0, d1) -> (0)>
module attributes {stable_mosaic.version = 14 : i64} {
  func.func @k(%arg0: i32, %arg1: i32, %arg2: memref<4096x768xf32, #tpu.memory_space<hbm>>, %arg3: memref<2048xi32, #tpu.memory_space<hbm>>, %arg4: memref<2048xi32, #tpu.memory_space<hbm>>, %arg5: memref<2048x768xf32, #tpu.memory_space<hbm>>, %arg6: memref<2048x768xf32, #tpu.memory_space<hbm>>, %arg7: memref<64xi32, #tpu.memory_space<vmem>>, %arg8: memref<64x768xf32, #tpu.memory_space<vmem>>, %arg9: memref<!tpu.dma_semaphore, #tpu.memory_space<semaphore_mem>>) attributes {dimension_semantics = [#tpu.dimension_semantics<core_parallel>, #tpu.dimension_semantics<subcore_parallel>], iteration_bounds = array<i64: 2, 16>, scalar_prefetch = 0 : i64, scratch_operands = 3 : i64, tpu.core_type = #tpu.core_type<sc_vector_subcore>, window_params = [{transform_indices = #map}, {transform_indices = #map1}, {transform_indices = #map1}, {transform_indices = #map}, {transform_indices = #map}]} {
    %mul3A = arith.constant 2 : i32
    %mul3A_0 = arith.muli %arg1, %mul3A : i32
    %add3A = arith.addi %mul3A_0, %arg0 : i32
    %mul3A_1 = arith.constant 64 : i32
    %mul3A_2 = arith.muli %add3A, %mul3A_1 : i32
    "tpu.region"() ({
      %run_scoped3A = tpu.sem_alloc : memref<!tpu.dma_semaphore, #tpu.memory_space<semaphore_mem>>
      %dma_start3A_13 = tpu.memref_slice %arg3[%mul3A_2] : memref<2048xi32, #tpu.memory_space<hbm>> -> memref<64xi32, #tpu.memory_space<hbm>>
      %dma_start3A_14 = tpu.memref_slice %arg3[%mul3A_2] : memref<2048xi32, #tpu.memory_space<hbm>> -> memref<64xi32, #tpu.memory_space<hbm>>
      tpu.enqueue_dma source(%dma_start3A_14 : memref<64xi32, #tpu.memory_space<hbm>>) target(%arg7 : memref<64xi32, #tpu.memory_space<vmem>>) target_semaphore(%run_scoped3A : memref<!tpu.dma_semaphore, #tpu.memory_space<semaphore_mem>>)
      %dma_wait3A_15 = tpu.memref_slice %arg3[%mul3A_2] : memref<2048xi32, #tpu.memory_space<hbm>> -> memref<64xi32, #tpu.memory_space<hbm>>
      %dma_wait3A_16 = tpu.memref_slice %arg3[%mul3A_2] : memref<2048xi32, #tpu.memory_space<hbm>> -> memref<64xi32, #tpu.memory_space<hbm>>
      tpu.wait_dma2 semaphore(%run_scoped3A : memref<!tpu.dma_semaphore, #tpu.memory_space<semaphore_mem>>) src(%dma_wait3A_16 : memref<64xi32, #tpu.memory_space<hbm>>) dst(%arg7 : memref<64xi32, #tpu.memory_space<vmem>>)
      tpu.yield
    }) : () -> ()
    %dma_start3A = arith.constant 0 : i32
    %dma_start3A_3 = arith.constant 0 : i32
    %dma_start3A_4 = tpu.memref_slice %arg2[%dma_start3A, %dma_start3A_3] : memref<4096x768xf32, #tpu.memory_space<hbm>> -> memref<4096x768xf32, #tpu.memory_space<hbm>>
    tpu.enqueue_indirect_dma source(%dma_start3A_4 : memref<4096x768xf32, #tpu.memory_space<hbm>>) target(%arg8 : memref<64x768xf32, #tpu.memory_space<vmem>>) offsets(%arg7 : memref<64xi32, #tpu.memory_space<vmem>>) semaphore(%arg9 : memref<!tpu.dma_semaphore, #tpu.memory_space<semaphore_mem>>)
    %dma_wait3A = arith.constant 0 : i32
    %dma_wait3A_5 = arith.constant 0 : i32
    %dma_wait3A_6 = tpu.memref_slice %arg2[%dma_wait3A, %dma_wait3A_5] : memref<4096x768xf32, #tpu.memory_space<hbm>> -> memref<4096x768xf32, #tpu.memory_space<hbm>>
    tpu.wait_indirect_dma semaphore(%arg9 : memref<!tpu.dma_semaphore, #tpu.memory_space<semaphore_mem>>) src(%dma_wait3A_6 : memref<4096x768xf32, #tpu.memory_space<hbm>>) dst(%arg8 : memref<64x768xf32, #tpu.memory_space<vmem>>)
    "tpu.region"() ({
      %run_scoped3A = tpu.sem_alloc : memref<!tpu.dma_semaphore, #tpu.memory_space<semaphore_mem>>
      %dma_start3A_13 = arith.constant 0 : i32
      %dma_start3A_14 = tpu.memref_slice %arg5[%mul3A_2, %dma_start3A_13] : memref<2048x768xf32, #tpu.memory_space<hbm>> -> memref<64x768xf32, #tpu.memory_space<hbm>>
      %dma_start3A_15 = arith.constant 0 : i32
      %dma_start3A_16 = tpu.memref_slice %arg5[%mul3A_2, %dma_start3A_15] : memref<2048x768xf32, #tpu.memory_space<hbm>> -> memref<64x768xf32, #tpu.memory_space<hbm>>
      tpu.enqueue_dma source(%arg8 : memref<64x768xf32, #tpu.memory_space<vmem>>) target(%dma_start3A_16 : memref<64x768xf32, #tpu.memory_space<hbm>>) target_semaphore(%run_scoped3A : memref<!tpu.dma_semaphore, #tpu.memory_space<semaphore_mem>>)
      %dma_wait3A_17 = arith.constant 0 : i32
      %dma_wait3A_18 = tpu.memref_slice %arg5[%mul3A_2, %dma_wait3A_17] : memref<2048x768xf32, #tpu.memory_space<hbm>> -> memref<64x768xf32, #tpu.memory_space<hbm>>
      %dma_wait3A_19 = arith.constant 0 : i32
      %dma_wait3A_20 = tpu.memref_slice %arg5[%mul3A_2, %dma_wait3A_19] : memref<2048x768xf32, #tpu.memory_space<hbm>> -> memref<64x768xf32, #tpu.memory_space<hbm>>
      tpu.wait_dma2 semaphore(%run_scoped3A : memref<!tpu.dma_semaphore, #tpu.memory_space<semaphore_mem>>) src(%arg8 : memref<64x768xf32, #tpu.memory_space<vmem>>) dst(%dma_wait3A_20 : memref<64x768xf32, #tpu.memory_space<hbm>>)
      tpu.yield
    }) : () -> ()
    "tpu.region"() ({
      %run_scoped3A = tpu.sem_alloc : memref<!tpu.dma_semaphore, #tpu.memory_space<semaphore_mem>>
      %dma_start3A_13 = tpu.memref_slice %arg4[%mul3A_2] : memref<2048xi32, #tpu.memory_space<hbm>> -> memref<64xi32, #tpu.memory_space<hbm>>
      %dma_start3A_14 = tpu.memref_slice %arg4[%mul3A_2] : memref<2048xi32, #tpu.memory_space<hbm>> -> memref<64xi32, #tpu.memory_space<hbm>>
      tpu.enqueue_dma source(%dma_start3A_14 : memref<64xi32, #tpu.memory_space<hbm>>) target(%arg7 : memref<64xi32, #tpu.memory_space<vmem>>) target_semaphore(%run_scoped3A : memref<!tpu.dma_semaphore, #tpu.memory_space<semaphore_mem>>)
      %dma_wait3A_15 = tpu.memref_slice %arg4[%mul3A_2] : memref<2048xi32, #tpu.memory_space<hbm>> -> memref<64xi32, #tpu.memory_space<hbm>>
      %dma_wait3A_16 = tpu.memref_slice %arg4[%mul3A_2] : memref<2048xi32, #tpu.memory_space<hbm>> -> memref<64xi32, #tpu.memory_space<hbm>>
      tpu.wait_dma2 semaphore(%run_scoped3A : memref<!tpu.dma_semaphore, #tpu.memory_space<semaphore_mem>>) src(%dma_wait3A_16 : memref<64xi32, #tpu.memory_space<hbm>>) dst(%arg7 : memref<64xi32, #tpu.memory_space<vmem>>)
      tpu.yield
    }) : () -> ()
    %dma_start3A_7 = arith.constant 0 : i32
    %dma_start3A_8 = arith.constant 0 : i32
    %dma_start3A_9 = tpu.memref_slice %arg2[%dma_start3A_7, %dma_start3A_8] : memref<4096x768xf32, #tpu.memory_space<hbm>> -> memref<4096x768xf32, #tpu.memory_space<hbm>>
    tpu.enqueue_indirect_dma source(%dma_start3A_9 : memref<4096x768xf32, #tpu.memory_space<hbm>>) target(%arg8 : memref<64x768xf32, #tpu.memory_space<vmem>>) offsets(%arg7 : memref<64xi32, #tpu.memory_space<vmem>>) semaphore(%arg9 : memref<!tpu.dma_semaphore, #tpu.memory_space<semaphore_mem>>)
    %dma_wait3A_10 = arith.constant 0 : i32
    %dma_wait3A_11 = arith.constant 0 : i32
    %dma_wait3A_12 = tpu.memref_slice %arg2[%dma_wait3A_10, %dma_wait3A_11] : memref<4096x768xf32, #tpu.memory_space<hbm>> -> memref<4096x768xf32, #tpu.memory_space<hbm>>
    tpu.wait_indirect_dma semaphore(%arg9 : memref<!tpu.dma_semaphore, #tpu.memory_space<semaphore_mem>>) src(%dma_wait3A_12 : memref<4096x768xf32, #tpu.memory_space<hbm>>) dst(%arg8 : memref<64x768xf32, #tpu.memory_space<vmem>>)
    "tpu.region"() ({
      %run_scoped3A = tpu.sem_alloc : memref<!tpu.dma_semaphore, #tpu.memory_space<semaphore_mem>>
      %dma_start3A_13 = arith.constant 0 : i32
      %dma_start3A_14 = tpu.memref_slice %arg6[%mul3A_2, %dma_start3A_13] : memref<2048x768xf32, #tpu.memory_space<hbm>> -> memref<64x768xf32, #tpu.memory_space<hbm>>
      %dma_start3A_15 = arith.constant 0 : i32
      %dma_start3A_16 = tpu.memref_slice %arg6[%mul3A_2, %dma_start3A_15] : memref<2048x768xf32, #tpu.memory_space<hbm>> -> memref<64x768xf32, #tpu.memory_space<hbm>>
      tpu.enqueue_dma source(%arg8 : memref<64x768xf32, #tpu.memory_space<vmem>>) target(%dma_start3A_16 : memref<64x768xf32, #tpu.memory_space<hbm>>) target_semaphore(%run_scoped3A : memref<!tpu.dma_semaphore, #tpu.memory_space<semaphore_mem>>)
      %dma_wait3A_17 = arith.constant 0 : i32
      %dma_wait3A_18 = tpu.memref_slice %arg6[%mul3A_2, %dma_wait3A_17] : memref<2048x768xf32, #tpu.memory_space<hbm>> -> memref<64x768xf32, #tpu.memory_space<hbm>>
      %dma_wait3A_19 = arith.constant 0 : i32
      %dma_wait3A_20 = tpu.memref_slice %arg6[%mul3A_2, %dma_wait3A_19] : memref<2048x768xf32, #tpu.memory_space<hbm>> -> memref<64x768xf32, #tpu.memory_space<hbm>>
      tpu.wait_dma2 semaphore(%run_scoped3A : memref<!tpu.dma_semaphore, #tpu.memory_space<semaphore_mem>>) src(%arg8 : memref<64x768xf32, #tpu.memory_space<vmem>>) dst(%dma_wait3A_20 : memref<64x768xf32, #tpu.memory_space<hbm>>)
      tpu.yield
    }) : () -> ()
    return
  }
}

#map = affine_map<(d0, d1) -> (0, 0)>
#map1 = affine_map<(d0, d1) -> (0)>
module attributes {stable_mosaic.version = 14 : i64} {
  func.func @k(%arg0: i32, %arg1: i32, %arg2: memref<2048x768xf32, #tpu.memory_space<hbm>>, %arg3: memref<2048xi32, #tpu.memory_space<hbm>>, %arg4: memref<2048xi32, #tpu.memory_space<hbm>>, %arg5: memref<4096x768xf32, #tpu.memory_space<hbm>>, %arg6: memref<64xi32, #tpu.memory_space<vmem>>, %arg7: memref<64x768xf32, #tpu.memory_space<vmem>>, %arg8: memref<!tpu.dma_semaphore, #tpu.memory_space<semaphore_mem>>) attributes {dimension_semantics = [#tpu.dimension_semantics<core_parallel>, #tpu.dimension_semantics<subcore_parallel>], iteration_bounds = array<i64: 2, 16>, scalar_prefetch = 0 : i64, scratch_operands = 3 : i64, tpu.core_type = #tpu.core_type<sc_vector_subcore>, window_params = [{transform_indices = #map}, {transform_indices = #map1}, {transform_indices = #map1}, {transform_indices = #map}]} {
    %mul3A = arith.constant 2 : i32
    %mul3A_0 = arith.muli %arg1, %mul3A : i32
    %add3A = arith.addi %mul3A_0, %arg0 : i32
    %mul3A_1 = arith.constant 64 : i32
    %mul3A_2 = arith.muli %add3A, %mul3A_1 : i32
    "tpu.region"() ({
      %run_scoped3A = tpu.sem_alloc : memref<!tpu.dma_semaphore, #tpu.memory_space<semaphore_mem>>
      %dma_start3A_13 = arith.constant 0 : i32
      %dma_start3A_14 = tpu.memref_slice %arg2[%mul3A_2, %dma_start3A_13] : memref<2048x768xf32, #tpu.memory_space<hbm>> -> memref<64x768xf32, #tpu.memory_space<hbm>>
      %dma_start3A_15 = arith.constant 0 : i32
      %dma_start3A_16 = tpu.memref_slice %arg2[%mul3A_2, %dma_start3A_15] : memref<2048x768xf32, #tpu.memory_space<hbm>> -> memref<64x768xf32, #tpu.memory_space<hbm>>
      tpu.enqueue_dma source(%dma_start3A_16 : memref<64x768xf32, #tpu.memory_space<hbm>>) target(%arg7 : memref<64x768xf32, #tpu.memory_space<vmem>>) target_semaphore(%run_scoped3A : memref<!tpu.dma_semaphore, #tpu.memory_space<semaphore_mem>>)
      %dma_wait3A_17 = arith.constant 0 : i32
      %dma_wait3A_18 = tpu.memref_slice %arg2[%mul3A_2, %dma_wait3A_17] : memref<2048x768xf32, #tpu.memory_space<hbm>> -> memref<64x768xf32, #tpu.memory_space<hbm>>
      %dma_wait3A_19 = arith.constant 0 : i32
      %dma_wait3A_20 = tpu.memref_slice %arg2[%mul3A_2, %dma_wait3A_19] : memref<2048x768xf32, #tpu.memory_space<hbm>> -> memref<64x768xf32, #tpu.memory_space<hbm>>
      tpu.wait_dma2 semaphore(%run_scoped3A : memref<!tpu.dma_semaphore, #tpu.memory_space<semaphore_mem>>) src(%dma_wait3A_20 : memref<64x768xf32, #tpu.memory_space<hbm>>) dst(%arg7 : memref<64x768xf32, #tpu.memory_space<vmem>>)
      tpu.yield
    }) : () -> ()
    "tpu.region"() ({
      %run_scoped3A = tpu.sem_alloc : memref<!tpu.dma_semaphore, #tpu.memory_space<semaphore_mem>>
      %dma_start3A_13 = tpu.memref_slice %arg3[%mul3A_2] : memref<2048xi32, #tpu.memory_space<hbm>> -> memref<64xi32, #tpu.memory_space<hbm>>
      %dma_start3A_14 = tpu.memref_slice %arg3[%mul3A_2] : memref<2048xi32, #tpu.memory_space<hbm>> -> memref<64xi32, #tpu.memory_space<hbm>>
      tpu.enqueue_dma source(%dma_start3A_14 : memref<64xi32, #tpu.memory_space<hbm>>) target(%arg6 : memref<64xi32, #tpu.memory_space<vmem>>) target_semaphore(%run_scoped3A : memref<!tpu.dma_semaphore, #tpu.memory_space<semaphore_mem>>)
      %dma_wait3A_15 = tpu.memref_slice %arg3[%mul3A_2] : memref<2048xi32, #tpu.memory_space<hbm>> -> memref<64xi32, #tpu.memory_space<hbm>>
      %dma_wait3A_16 = tpu.memref_slice %arg3[%mul3A_2] : memref<2048xi32, #tpu.memory_space<hbm>> -> memref<64xi32, #tpu.memory_space<hbm>>
      tpu.wait_dma2 semaphore(%run_scoped3A : memref<!tpu.dma_semaphore, #tpu.memory_space<semaphore_mem>>) src(%dma_wait3A_16 : memref<64xi32, #tpu.memory_space<hbm>>) dst(%arg6 : memref<64xi32, #tpu.memory_space<vmem>>)
      tpu.yield
    }) : () -> ()
    %dma_start3A = arith.constant 0 : i32
    %dma_start3A_3 = arith.constant 0 : i32
    %dma_start3A_4 = tpu.memref_slice %arg5[%dma_start3A, %dma_start3A_3] : memref<4096x768xf32, #tpu.memory_space<hbm>> -> memref<4096x768xf32, #tpu.memory_space<hbm>>
    tpu.enqueue_indirect_dma source(%arg7 : memref<64x768xf32, #tpu.memory_space<vmem>>) target(%dma_start3A_4 : memref<4096x768xf32, #tpu.memory_space<hbm>>) offsets(%arg6 : memref<64xi32, #tpu.memory_space<vmem>>) semaphore(%arg8 : memref<!tpu.dma_semaphore, #tpu.memory_space<semaphore_mem>>)
    %dma_wait3A = arith.constant 0 : i32
    %dma_wait3A_5 = arith.constant 0 : i32
    %dma_wait3A_6 = tpu.memref_slice %arg5[%dma_wait3A, %dma_wait3A_5] : memref<4096x768xf32, #tpu.memory_space<hbm>> -> memref<4096x768xf32, #tpu.memory_space<hbm>>
    tpu.wait_indirect_dma semaphore(%arg8 : memref<!tpu.dma_semaphore, #tpu.memory_space<semaphore_mem>>) src(%arg7 : memref<64x768xf32, #tpu.memory_space<vmem>>) dst(%dma_wait3A_6 : memref<4096x768xf32, #tpu.memory_space<hbm>>)
    "tpu.region"() ({
      %run_scoped3A = tpu.sem_alloc : memref<!tpu.dma_semaphore, #tpu.memory_space<semaphore_mem>>
      %dma_start3A_13 = tpu.memref_slice %arg4[%mul3A_2] : memref<2048xi32, #tpu.memory_space<hbm>> -> memref<64xi32, #tpu.memory_space<hbm>>
      %dma_start3A_14 = tpu.memref_slice %arg4[%mul3A_2] : memref<2048xi32, #tpu.memory_space<hbm>> -> memref<64xi32, #tpu.memory_space<hbm>>
      tpu.enqueue_dma source(%dma_start3A_14 : memref<64xi32, #tpu.memory_space<hbm>>) target(%arg6 : memref<64xi32, #tpu.memory_space<vmem>>) target_semaphore(%run_scoped3A : memref<!tpu.dma_semaphore, #tpu.memory_space<semaphore_mem>>)
      %dma_wait3A_15 = tpu.memref_slice %arg4[%mul3A_2] : memref<2048xi32, #tpu.memory_space<hbm>> -> memref<64xi32, #tpu.memory_space<hbm>>
      %dma_wait3A_16 = tpu.memref_slice %arg4[%mul3A_2] : memref<2048xi32, #tpu.memory_space<hbm>> -> memref<64xi32, #tpu.memory_space<hbm>>
      tpu.wait_dma2 semaphore(%run_scoped3A : memref<!tpu.dma_semaphore, #tpu.memory_space<semaphore_mem>>) src(%dma_wait3A_16 : memref<64xi32, #tpu.memory_space<hbm>>) dst(%arg6 : memref<64xi32, #tpu.memory_space<vmem>>)
      tpu.yield
    }) : () -> ()
    %dma_start3A_7 = arith.constant 0 : i32
    %dma_start3A_8 = arith.constant 0 : i32
    %dma_start3A_9 = tpu.memref_slice %arg5[%dma_start3A_7, %dma_start3A_8] : memref<4096x768xf32, #tpu.memory_space<hbm>> -> memref<4096x768xf32, #tpu.memory_space<hbm>>
    tpu.enqueue_indirect_dma source(%arg7 : memref<64x768xf32, #tpu.memory_space<vmem>>) target(%dma_start3A_9 : memref<4096x768xf32, #tpu.memory_space<hbm>>) offsets(%arg6 : memref<64xi32, #tpu.memory_space<vmem>>) semaphore(%arg8 : memref<!tpu.dma_semaphore, #tpu.memory_space<semaphore_mem>>)
    %dma_wait3A_10 = arith.constant 0 : i32
    %dma_wait3A_11 = arith.constant 0 : i32
    %dma_wait3A_12 = tpu.memref_slice %arg5[%dma_wait3A_10, %dma_wait3A_11] : memref<4096x768xf32, #tpu.memory_space<hbm>> -> memref<4096x768xf32, #tpu.memory_space<hbm>>
    tpu.wait_indirect_dma semaphore(%arg8 : memref<!tpu.dma_semaphore, #tpu.memory_space<semaphore_mem>>) src(%arg7 : memref<64x768xf32, #tpu.memory_space<vmem>>) dst(%dma_wait3A_12 : memref<4096x768xf32, #tpu.memory_space<hbm>>)
    return
  }
}

module attributes {stable_mosaic.version = 14 : i64} {
  func.func @_attn_band_body(%arg0: i32, %arg1: memref<128x768xbf16, #tpu.memory_space<vmem>>, %arg2: memref<4x2048x64xbf16, #tpu.memory_space<vmem>>, %arg3: memref<4x2048x64xbf16, #tpu.memory_space<vmem>>, %arg4: memref<128x768xf32, #tpu.memory_space<vmem>>) attributes {dimension_semantics = [#tpu.dimension_semantics<arbitrary>], iteration_bounds = array<i64: 4>, scalar_prefetch = 0 : i64, scratch_operands = 0 : i64, tpu.core_type = #tpu.core_type<tc>, window_params = [{transform_indices = @transform_0, window_bounds = array<i64: 128, 768>}, {pipeline_mode = #tpu.pipeline_mode<synchronous>, transform_indices = @transform_1, window_bounds = array<i64: 4, 2048, 64>}, {pipeline_mode = #tpu.pipeline_mode<synchronous>, transform_indices = @transform_2, window_bounds = array<i64: 4, 2048, 64>}, {transform_indices = @transform_3, window_bounds = array<i64: 128, 768>}]} {
    %add3A = arith.constant 12 : i32
    %add3A_0 = arith.addi %add3A, %arg0 : i32
    %get3A = arith.constant 0 : index
    %get3A_1 = arith.constant 0 : index
    %get3A_2 = vector.load %arg1[%get3A, %get3A_1] : memref<128x768xbf16, #tpu.memory_space<vmem>>, vector<128x768xbf16>
    %sqrt3A = arith.constant 6.400000e+01 : f32
    %sqrt3A_3 = math.sqrt %sqrt3A : f32
    %div3A = arith.constant 1.000000e+00 : f32
    %div3A_4 = arith.divf %div3A, %sqrt3A_3 : f32
    %mul3A = arith.constant 128 : i32
    %mul3A_5 = arith.muli %add3A_0, %mul3A : i32
    %iota3A = tpu.iota {dimensions = array<i32: 0>} : vector<128x2048xi32>
    %add3A_6 = vector.broadcast %mul3A_5 : i32 to vector<128x2048xi32>
    %add3A_7 = arith.addi %add3A_6, %iota3A : vector<128x2048xi32>
    %iota3A_8 = tpu.iota {dimensions = array<i32: 1>} : vector<128x2048xi32>
    %le3A = arith.cmpi sle, %iota3A_8, %add3A_7 : vector<128x2048xi32>
    %slice3A = vector.extract_strided_slice %get3A_2 {offsets = [0, 0], sizes = [128, 64], strides = [1, 1]} : vector<128x768xbf16> to vector<128x64xbf16>
    %get3A_9 = arith.constant 0 : index
    %get3A_10 = arith.constant 0 : index
    %get3A_11 = arith.constant 0 : index
    %get3A_12 = vector.load %arg2[%get3A_9, %get3A_10, %get3A_11] : memref<4x2048x64xbf16, #tpu.memory_space<vmem>>, vector<1x2048x64xbf16>
    %get3A_13 = vector.shape_cast %get3A_12 : vector<1x2048x64xbf16> to vector<2048x64xbf16>
    %get3A_14 = arith.constant 0 : index
    %get3A_15 = arith.constant 0 : index
    %get3A_16 = arith.constant 0 : index
    %get3A_17 = vector.load %arg3[%get3A_14, %get3A_15, %get3A_16] : memref<4x2048x64xbf16, #tpu.memory_space<vmem>>, vector<1x2048x64xbf16>
    %get3A_18 = vector.shape_cast %get3A_17 : vector<1x2048x64xbf16> to vector<2048x64xbf16>
    %dot_general3A = arith.constant dense<0.000000e+00> : vector<128x2048xf32>
    %dot_general3A_19 = tpu.matmul %slice3A, %get3A_13, %dot_general3A {dimension_numbers = #tpu.dot_dimension_numbers<[1], [1], [0], [0], [0, 0, 1, 0], [], []>, transpose_lhs_hint = false} : vector<128x64xbf16>, vector<2048x64xbf16>, vector<128x2048xf32> -> vector<128x2048xf32>
    %mul3A_20 = vector.broadcast %div3A_4 : f32 to vector<128x2048xf32>
    %mul3A_21 = arith.mulf %dot_general3A_19, %mul3A_20 : vector<128x2048xf32>
    %jit3A = arith.constant 0xFF800000 : f32
    %broadcast_in_dim3A = vector.broadcast %jit3A : f32 to vector<128x2048xf32>
    %select_n3A = arith.select %le3A, %mul3A_21, %broadcast_in_dim3A : vector<128x2048xi1>, vector<128x2048xf32>
    %reduce_max3A = arith.constant dense<0xFF800000> : vector<128xf32>
    %reduce_max3A_22 = vector.multi_reduction <maximumf>, %select_n3A, %reduce_max3A [1] : vector<128x2048xf32> to vector<128xf32>
    %broadcast_in_dim3A_23 = vector.shape_cast %reduce_max3A_22 : vector<128xf32> to vector<128x1xf32>
    %sub3A = vector.broadcast %broadcast_in_dim3A_23 : vector<128x1xf32> to vector<128x2048xf32>
    %sub3A_24 = arith.subf %select_n3A, %sub3A : vector<128x2048xf32>
    %exp3A = math.exp %sub3A_24 : vector<128x2048xf32>
    %reduce_sum3A = arith.constant dense<0.000000e+00> : vector<128xf32>
    %reduce_sum3A_25 = vector.multi_reduction <add>, %exp3A, %reduce_sum3A [1] : vector<128x2048xf32> to vector<128xf32>
    %broadcast_in_dim3A_26 = vector.shape_cast %reduce_sum3A_25 : vector<128xf32> to vector<128x1xf32>
    %div3A_27 = vector.broadcast %broadcast_in_dim3A_26 : vector<128x1xf32> to vector<128x2048xf32>
    %div3A_28 = arith.divf %exp3A, %div3A_27 : vector<128x2048xf32>
    %convert_element_type3A = arith.truncf %div3A_28 : vector<128x2048xf32> to vector<128x2048xbf16>
    %dot_general3A_29 = arith.constant dense<0.000000e+00> : vector<128x64xf32>
    %dot_general3A_30 = tpu.matmul %convert_element_type3A, %get3A_18, %dot_general3A_29 {dimension_numbers = #tpu.dot_dimension_numbers<[1], [0], [0], [1], [0, 0, 1, 1], [], []>, transpose_lhs_hint = false} : vector<128x2048xbf16>, vector<2048x64xbf16>, vector<128x64xf32> -> vector<128x64xf32>
    %swap3A = arith.constant 0 : index
    %swap3A_31 = arith.constant 0 : index
    %swap3A_32 = vector.load %arg4[%swap3A, %swap3A_31] : memref<128x768xf32, #tpu.memory_space<vmem>>, vector<128x64xf32>
    tpu.vector_store %arg4[%swap3A, %swap3A_31], %dot_general3A_30 {strides = array<i32>} : memref<128x768xf32, #tpu.memory_space<vmem>>, vector<128x64xf32>,
    %slice3A_33 = vector.extract_strided_slice %get3A_2 {offsets = [0, 64], sizes = [128, 64], strides = [1, 1]} : vector<128x768xbf16> to vector<128x64xbf16>
    %get3A_34 = arith.constant 0 : index
    %get3A_35 = arith.constant 0 : index
    %get3A_36 = arith.constant 0 : index
    %get3A_37 = vector.load %arg2[%get3A_34, %get3A_35, %get3A_36] : memref<4x2048x64xbf16, #tpu.memory_space<vmem>>, vector<1x2048x64xbf16>
    %get3A_38 = vector.shape_cast %get3A_37 : vector<1x2048x64xbf16> to vector<2048x64xbf16>
    %get3A_39 = arith.constant 0 : index
    %get3A_40 = arith.constant 0 : index
    %get3A_41 = arith.constant 0 : index
    %get3A_42 = vector.load %arg3[%get3A_39, %get3A_40, %get3A_41] : memref<4x2048x64xbf16, #tpu.memory_space<vmem>>, vector<1x2048x64xbf16>
    %get3A_43 = vector.shape_cast %get3A_42 : vector<1x2048x64xbf16> to vector<2048x64xbf16>
    %dot_general3A_44 = arith.constant dense<0.000000e+00> : vector<128x2048xf32>
    %dot_general3A_45 = tpu.matmul %slice3A_33, %get3A_38, %dot_general3A_44 {dimension_numbers = #tpu.dot_dimension_numbers<[1], [1], [0], [0], [0, 0, 1, 0], [], []>, transpose_lhs_hint = false} : vector<128x64xbf16>, vector<2048x64xbf16>, vector<128x2048xf32> -> vector<128x2048xf32>
    %mul3A_46 = vector.broadcast %div3A_4 : f32 to vector<128x2048xf32>
    %mul3A_47 = arith.mulf %dot_general3A_45, %mul3A_46 : vector<128x2048xf32>
    %jit3A_48 = arith.constant 0xFF800000 : f32
    %broadcast_in_dim3A_49 = vector.broadcast %jit3A_48 : f32 to vector<128x2048xf32>
    %select_n3A_50 = arith.select %le3A, %mul3A_47, %broadcast_in_dim3A_49 : vector<128x2048xi1>, vector<128x2048xf32>
    %reduce_max3A_51 = arith.constant dense<0xFF800000> : vector<128xf32>
    %reduce_max3A_52 = vector.multi_reduction <maximumf>, %select_n3A_50, %reduce_max3A_51 [1] : vector<128x2048xf32> to vector<128xf32>
    %broadcast_in_dim3A_53 = vector.shape_cast %reduce_max3A_52 : vector<128xf32> to vector<128x1xf32>
    %sub3A_54 = vector.broadcast %broadcast_in_dim3A_53 : vector<128x1xf32> to vector<128x2048xf32>
    %sub3A_55 = arith.subf %select_n3A_50, %sub3A_54 : vector<128x2048xf32>
    %exp3A_56 = math.exp %sub3A_55 : vector<128x2048xf32>
    %reduce_sum3A_57 = arith.constant dense<0.000000e+00> : vector<128xf32>
    %reduce_sum3A_58 = vector.multi_reduction <add>, %exp3A_56, %reduce_sum3A_57 [1] : vector<128x2048xf32> to vector<128xf32>
    %broadcast_in_dim3A_59 = vector.shape_cast %reduce_sum3A_58 : vector<128xf32> to vector<128x1xf32>
    %div3A_60 = vector.broadcast %broadcast_in_dim3A_59 : vector<128x1xf32> to vector<128x2048xf32>
    %div3A_61 = arith.divf %exp3A_56, %div3A_60 : vector<128x2048xf32>
    %convert_element_type3A_62 = arith.truncf %div3A_61 : vector<128x2048xf32> to vector<128x2048xbf16>
    %dot_general3A_63 = arith.constant dense<0.000000e+00> : vector<128x64xf32>
    %dot_general3A_64 = tpu.matmul %convert_element_type3A_62, %get3A_43, %dot_general3A_63 {dimension_numbers = #tpu.dot_dimension_numbers<[1], [0], [0], [1], [0, 0, 1, 1], [], []>, transpose_lhs_hint = false} : vector<128x2048xbf16>, vector<2048x64xbf16>, vector<128x64xf32> -> vector<128x64xf32>
    %swap3A_65 = arith.constant 0 : index
    %swap3A_66 = arith.constant 64 : index
    %swap3A_67 = vector.load %arg4[%swap3A_65, %swap3A_66] : memref<128x768xf32, #tpu.memory_space<vmem>>, vector<128x64xf32>
    tpu.vector_store %arg4[%swap3A_65, %swap3A_66], %dot_general3A_64 {strides = array<i32>} : memref<128x768xf32, #tpu.memory_space<vmem>>, vector<128x64xf32>,
    %slice3A_68 = vector.extract_strided_slice %get3A_2 {offsets = [0, 128], sizes = [128, 64], strides = [1, 1]} : vector<128x768xbf16> to vector<128x64xbf16>
    %get3A_69 = arith.constant 0 : index
    %get3A_70 = arith.constant 0 : index
    %get3A_71 = arith.constant 0 : index
    %get3A_72 = vector.load %arg2[%get3A_69, %get3A_70, %get3A_71] : memref<4x2048x64xbf16, #tpu.memory_space<vmem>>, vector<1x2048x64xbf16>
    %get3A_73 = vector.shape_cast %get3A_72 : vector<1x2048x64xbf16> to vector<2048x64xbf16>
    %get3A_74 = arith.constant 0 : index
    %get3A_75 = arith.constant 0 : index
    %get3A_76 = arith.constant 0 : index
    %get3A_77 = vector.load %arg3[%get3A_74, %get3A_75, %get3A_76] : memref<4x2048x64xbf16, #tpu.memory_space<vmem>>, vector<1x2048x64xbf16>
    %get3A_78 = vector.shape_cast %get3A_77 : vector<1x2048x64xbf16> to vector<2048x64xbf16>
    %dot_general3A_79 = arith.constant dense<0.000000e+00> : vector<128x2048xf32>
    %dot_general3A_80 = tpu.matmul %slice3A_68, %get3A_73, %dot_general3A_79 {dimension_numbers = #tpu.dot_dimension_numbers<[1], [1], [0], [0], [0, 0, 1, 0], [], []>, transpose_lhs_hint = false} : vector<128x64xbf16>, vector<2048x64xbf16>, vector<128x2048xf32> -> vector<128x2048xf32>
    %mul3A_81 = vector.broadcast %div3A_4 : f32 to vector<128x2048xf32>
    %mul3A_82 = arith.mulf %dot_general3A_80, %mul3A_81 : vector<128x2048xf32>
    %jit3A_83 = arith.constant 0xFF800000 : f32
    %broadcast_in_dim3A_84 = vector.broadcast %jit3A_83 : f32 to vector<128x2048xf32>
    %select_n3A_85 = arith.select %le3A, %mul3A_82, %broadcast_in_dim3A_84 : vector<128x2048xi1>, vector<128x2048xf32>
    %reduce_max3A_86 = arith.constant dense<0xFF800000> : vector<128xf32>
    %reduce_max3A_87 = vector.multi_reduction <maximumf>, %select_n3A_85, %reduce_max3A_86 [1] : vector<128x2048xf32> to vector<128xf32>
    %broadcast_in_dim3A_88 = vector.shape_cast %reduce_max3A_87 : vector<128xf32> to vector<128x1xf32>
    %sub3A_89 = vector.broadcast %broadcast_in_dim3A_88 : vector<128x1xf32> to vector<128x2048xf32>
    %sub3A_90 = arith.subf %select_n3A_85, %sub3A_89 : vector<128x2048xf32>
    %exp3A_91 = math.exp %sub3A_90 : vector<128x2048xf32>
    %reduce_sum3A_92 = arith.constant dense<0.000000e+00> : vector<128xf32>
    %reduce_sum3A_93 = vector.multi_reduction <add>, %exp3A_91, %reduce_sum3A_92 [1] : vector<128x2048xf32> to vector<128xf32>
    %broadcast_in_dim3A_94 = vector.shape_cast %reduce_sum3A_93 : vector<128xf32> to vector<128x1xf32>
    %div3A_95 = vector.broadcast %broadcast_in_dim3A_94 : vector<128x1xf32> to vector<128x2048xf32>
    %div3A_96 = arith.divf %exp3A_91, %div3A_95 : vector<128x2048xf32>
    %convert_element_type3A_97 = arith.truncf %div3A_96 : vector<128x2048xf32> to vector<128x2048xbf16>
    %dot_general3A_98 = arith.constant dense<0.000000e+00> : vector<128x64xf32>
    %dot_general3A_99 = tpu.matmul %convert_element_type3A_97, %get3A_78, %dot_general3A_98 {dimension_numbers = #tpu.dot_dimension_numbers<[1], [0], [0], [1], [0, 0, 1, 1], [], []>, transpose_lhs_hint = false} : vector<128x2048xbf16>, vector<2048x64xbf16>, vector<128x64xf32> -> vector<128x64xf32>
    %swap3A_100 = arith.constant 0 : index
    %swap3A_101 = arith.constant 128 : index
    %swap3A_102 = vector.load %arg4[%swap3A_100, %swap3A_101] : memref<128x768xf32, #tpu.memory_space<vmem>>, vector<128x64xf32>
    tpu.vector_store %arg4[%swap3A_100, %swap3A_101], %dot_general3A_99 {strides = array<i32>} : memref<128x768xf32, #tpu.memory_space<vmem>>, vector<128x64xf32>,
    %slice3A_103 = vector.extract_strided_slice %get3A_2 {offsets = [0, 192], sizes = [128, 64], strides = [1, 1]} : vector<128x768xbf16> to vector<128x64xbf16>
    %get3A_104 = arith.constant 1 : index
    %get3A_105 = arith.constant 0 : index
    %get3A_106 = arith.constant 0 : index
    %get3A_107 = vector.load %arg2[%get3A_104, %get3A_105, %get3A_106] : memref<4x2048x64xbf16, #tpu.memory_space<vmem>>, vector<1x2048x64xbf16>
    %get3A_108 = vector.shape_cast %get3A_107 : vector<1x2048x64xbf16> to vector<2048x64xbf16>
    %get3A_109 = arith.constant 1 : index
    %get3A_110 = arith.constant 0 : index
    %get3A_111 = arith.constant 0 : index
    %get3A_112 = vector.load %arg3[%get3A_109, %get3A_110, %get3A_111] : memref<4x2048x64xbf16, #tpu.memory_space<vmem>>, vector<1x2048x64xbf16>
    %get3A_113 = vector.shape_cast %get3A_112 : vector<1x2048x64xbf16> to vector<2048x64xbf16>
    %dot_general3A_114 = arith.constant dense<0.000000e+00> : vector<128x2048xf32>
    %dot_general3A_115 = tpu.matmul %slice3A_103, %get3A_108, %dot_general3A_114 {dimension_numbers = #tpu.dot_dimension_numbers<[1], [1], [0], [0], [0, 0, 1, 0], [], []>, transpose_lhs_hint = false} : vector<128x64xbf16>, vector<2048x64xbf16>, vector<128x2048xf32> -> vector<128x2048xf32>
    %mul3A_116 = vector.broadcast %div3A_4 : f32 to vector<128x2048xf32>
    %mul3A_117 = arith.mulf %dot_general3A_115, %mul3A_116 : vector<128x2048xf32>
    %jit3A_118 = arith.constant 0xFF800000 : f32
    %broadcast_in_dim3A_119 = vector.broadcast %jit3A_118 : f32 to vector<128x2048xf32>
    %select_n3A_120 = arith.select %le3A, %mul3A_117, %broadcast_in_dim3A_119 : vector<128x2048xi1>, vector<128x2048xf32>
    %reduce_max3A_121 = arith.constant dense<0xFF800000> : vector<128xf32>
    %reduce_max3A_122 = vector.multi_reduction <maximumf>, %select_n3A_120, %reduce_max3A_121 [1] : vector<128x2048xf32> to vector<128xf32>
    %broadcast_in_dim3A_123 = vector.shape_cast %reduce_max3A_122 : vector<128xf32> to vector<128x1xf32>
    %sub3A_124 = vector.broadcast %broadcast_in_dim3A_123 : vector<128x1xf32> to vector<128x2048xf32>
    %sub3A_125 = arith.subf %select_n3A_120, %sub3A_124 : vector<128x2048xf32>
    %exp3A_126 = math.exp %sub3A_125 : vector<128x2048xf32>
    %reduce_sum3A_127 = arith.constant dense<0.000000e+00> : vector<128xf32>
    %reduce_sum3A_128 = vector.multi_reduction <add>, %exp3A_126, %reduce_sum3A_127 [1] : vector<128x2048xf32> to vector<128xf32>
    %broadcast_in_dim3A_129 = vector.shape_cast %reduce_sum3A_128 : vector<128xf32> to vector<128x1xf32>
    %div3A_130 = vector.broadcast %broadcast_in_dim3A_129 : vector<128x1xf32> to vector<128x2048xf32>
    %div3A_131 = arith.divf %exp3A_126, %div3A_130 : vector<128x2048xf32>
    %convert_element_type3A_132 = arith.truncf %div3A_131 : vector<128x2048xf32> to vector<128x2048xbf16>
    %dot_general3A_133 = arith.constant dense<0.000000e+00> : vector<128x64xf32>
    %dot_general3A_134 = tpu.matmul %convert_element_type3A_132, %get3A_113, %dot_general3A_133 {dimension_numbers = #tpu.dot_dimension_numbers<[1], [0], [0], [1], [0, 0, 1, 1], [], []>, transpose_lhs_hint = false} : vector<128x2048xbf16>, vector<2048x64xbf16>, vector<128x64xf32> -> vector<128x64xf32>
    %swap3A_135 = arith.constant 0 : index
    %swap3A_136 = arith.constant 192 : index
    %swap3A_137 = vector.load %arg4[%swap3A_135, %swap3A_136] : memref<128x768xf32, #tpu.memory_space<vmem>>, vector<128x64xf32>
    tpu.vector_store %arg4[%swap3A_135, %swap3A_136], %dot_general3A_134 {strides = array<i32>} : memref<128x768xf32, #tpu.memory_space<vmem>>, vector<128x64xf32>,
    %slice3A_138 = vector.extract_strided_slice %get3A_2 {offsets = [0, 256], sizes = [128, 64], strides = [1, 1]} : vector<128x768xbf16> to vector<128x64xbf16>
    %get3A_139 = arith.constant 1 : index
    %get3A_140 = arith.constant 0 : index
    %get3A_141 = arith.constant 0 : index
    %get3A_142 = vector.load %arg2[%get3A_139, %get3A_140, %get3A_141] : memref<4x2048x64xbf16, #tpu.memory_space<vmem>>, vector<1x2048x64xbf16>
    %get3A_143 = vector.shape_cast %get3A_142 : vector<1x2048x64xbf16> to vector<2048x64xbf16>
    %get3A_144 = arith.constant 1 : index
    %get3A_145 = arith.constant 0 : index
    %get3A_146 = arith.constant 0 : index
    %get3A_147 = vector.load %arg3[%get3A_144, %get3A_145, %get3A_146] : memref<4x2048x64xbf16, #tpu.memory_space<vmem>>, vector<1x2048x64xbf16>
    %get3A_148 = vector.shape_cast %get3A_147 : vector<1x2048x64xbf16> to vector<2048x64xbf16>
    %dot_general3A_149 = arith.constant dense<0.000000e+00> : vector<128x2048xf32>
    %dot_general3A_150 = tpu.matmul %slice3A_138, %get3A_143, %dot_general3A_149 {dimension_numbers = #tpu.dot_dimension_numbers<[1], [1], [0], [0], [0, 0, 1, 0], [], []>, transpose_lhs_hint = false} : vector<128x64xbf16>, vector<2048x64xbf16>, vector<128x2048xf32> -> vector<128x2048xf32>
    %mul3A_151 = vector.broadcast %div3A_4 : f32 to vector<128x2048xf32>
    %mul3A_152 = arith.mulf %dot_general3A_150, %mul3A_151 : vector<128x2048xf32>
    %jit3A_153 = arith.constant 0xFF800000 : f32
    %broadcast_in_dim3A_154 = vector.broadcast %jit3A_153 : f32 to vector<128x2048xf32>
    %select_n3A_155 = arith.select %le3A, %mul3A_152, %broadcast_in_dim3A_154 : vector<128x2048xi1>, vector<128x2048xf32>
    %reduce_max3A_156 = arith.constant dense<0xFF800000> : vector<128xf32>
    %reduce_max3A_157 = vector.multi_reduction <maximumf>, %select_n3A_155, %reduce_max3A_156 [1] : vector<128x2048xf32> to vector<128xf32>
    %broadcast_in_dim3A_158 = vector.shape_cast %reduce_max3A_157 : vector<128xf32> to vector<128x1xf32>
    %sub3A_159 = vector.broadcast %broadcast_in_dim3A_158 : vector<128x1xf32> to vector<128x2048xf32>
    %sub3A_160 = arith.subf %select_n3A_155, %sub3A_159 : vector<128x2048xf32>
    %exp3A_161 = math.exp %sub3A_160 : vector<128x2048xf32>
    %reduce_sum3A_162 = arith.constant dense<0.000000e+00> : vector<128xf32>
    %reduce_sum3A_163 = vector.multi_reduction <add>, %exp3A_161, %reduce_sum3A_162 [1] : vector<128x2048xf32> to vector<128xf32>
    %broadcast_in_dim3A_164 = vector.shape_cast %reduce_sum3A_163 : vector<128xf32> to vector<128x1xf32>
    %div3A_165 = vector.broadcast %broadcast_in_dim3A_164 : vector<128x1xf32> to vector<128x2048xf32>
    %div3A_166 = arith.divf %exp3A_161, %div3A_165 : vector<128x2048xf32>
    %convert_element_type3A_167 = arith.truncf %div3A_166 : vector<128x2048xf32> to vector<128x2048xbf16>
    %dot_general3A_168 = arith.constant dense<0.000000e+00> : vector<128x64xf32>
    %dot_general3A_169 = tpu.matmul %convert_element_type3A_167, %get3A_148, %dot_general3A_168 {dimension_numbers = #tpu.dot_dimension_numbers<[1], [0], [0], [1], [0, 0, 1, 1], [], []>, transpose_lhs_hint = false} : vector<128x2048xbf16>, vector<2048x64xbf16>, vector<128x64xf32> -> vector<128x64xf32>
    %swap3A_170 = arith.constant 0 : index
    %swap3A_171 = arith.constant 256 : index
    %swap3A_172 = vector.load %arg4[%swap3A_170, %swap3A_171] : memref<128x768xf32, #tpu.memory_space<vmem>>, vector<128x64xf32>
    tpu.vector_store %arg4[%swap3A_170, %swap3A_171], %dot_general3A_169 {strides = array<i32>} : memref<128x768xf32, #tpu.memory_space<vmem>>, vector<128x64xf32>,
    %slice3A_173 = vector.extract_strided_slice %get3A_2 {offsets = [0, 320], sizes = [128, 64], strides = [1, 1]} : vector<128x768xbf16> to vector<128x64xbf16>
    %get3A_174 = arith.constant 1 : index
    %get3A_175 = arith.constant 0 : index
    %get3A_176 = arith.constant 0 : index
    %get3A_177 = vector.load %arg2[%get3A_174, %get3A_175, %get3A_176] : memref<4x2048x64xbf16, #tpu.memory_space<vmem>>, vector<1x2048x64xbf16>
    %get3A_178 = vector.shape_cast %get3A_177 : vector<1x2048x64xbf16> to vector<2048x64xbf16>
    %get3A_179 = arith.constant 1 : index
    %get3A_180 = arith.constant 0 : index
    %get3A_181 = arith.constant 0 : index
    %get3A_182 = vector.load %arg3[%get3A_179, %get3A_180, %get3A_181] : memref<4x2048x64xbf16, #tpu.memory_space<vmem>>, vector<1x2048x64xbf16>
    %get3A_183 = vector.shape_cast %get3A_182 : vector<1x2048x64xbf16> to vector<2048x64xbf16>
    %dot_general3A_184 = arith.constant dense<0.000000e+00> : vector<128x2048xf32>
    %dot_general3A_185 = tpu.matmul %slice3A_173, %get3A_178, %dot_general3A_184 {dimension_numbers = #tpu.dot_dimension_numbers<[1], [1], [0], [0], [0, 0, 1, 0], [], []>, transpose_lhs_hint = false} : vector<128x64xbf16>, vector<2048x64xbf16>, vector<128x2048xf32> -> vector<128x2048xf32>
    %mul3A_186 = vector.broadcast %div3A_4 : f32 to vector<128x2048xf32>
    %mul3A_187 = arith.mulf %dot_general3A_185, %mul3A_186 : vector<128x2048xf32>
    %jit3A_188 = arith.constant 0xFF800000 : f32
    %broadcast_in_dim3A_189 = vector.broadcast %jit3A_188 : f32 to vector<128x2048xf32>
    %select_n3A_190 = arith.select %le3A, %mul3A_187, %broadcast_in_dim3A_189 : vector<128x2048xi1>, vector<128x2048xf32>
    %reduce_max3A_191 = arith.constant dense<0xFF800000> : vector<128xf32>
    %reduce_max3A_192 = vector.multi_reduction <maximumf>, %select_n3A_190, %reduce_max3A_191 [1] : vector<128x2048xf32> to vector<128xf32>
    %broadcast_in_dim3A_193 = vector.shape_cast %reduce_max3A_192 : vector<128xf32> to vector<128x1xf32>
    %sub3A_194 = vector.broadcast %broadcast_in_dim3A_193 : vector<128x1xf32> to vector<128x2048xf32>
    %sub3A_195 = arith.subf %select_n3A_190, %sub3A_194 : vector<128x2048xf32>
    %exp3A_196 = math.exp %sub3A_195 : vector<128x2048xf32>
    %reduce_sum3A_197 = arith.constant dense<0.000000e+00> : vector<128xf32>
    %reduce_sum3A_198 = vector.multi_reduction <add>, %exp3A_196, %reduce_sum3A_197 [1] : vector<128x2048xf32> to vector<128xf32>
    %broadcast_in_dim3A_199 = vector.shape_cast %reduce_sum3A_198 : vector<128xf32> to vector<128x1xf32>
    %div3A_200 = vector.broadcast %broadcast_in_dim3A_199 : vector<128x1xf32> to vector<128x2048xf32>
    %div3A_201 = arith.divf %exp3A_196, %div3A_200 : vector<128x2048xf32>
    %convert_element_type3A_202 = arith.truncf %div3A_201 : vector<128x2048xf32> to vector<128x2048xbf16>
    %dot_general3A_203 = arith.constant dense<0.000000e+00> : vector<128x64xf32>
    %dot_general3A_204 = tpu.matmul %convert_element_type3A_202, %get3A_183, %dot_general3A_203 {dimension_numbers = #tpu.dot_dimension_numbers<[1], [0], [0], [1], [0, 0, 1, 1], [], []>, transpose_lhs_hint = false} : vector<128x2048xbf16>, vector<2048x64xbf16>, vector<128x64xf32> -> vector<128x64xf32>
    %swap3A_205 = arith.constant 0 : index
    %swap3A_206 = arith.constant 320 : index
    %swap3A_207 = vector.load %arg4[%swap3A_205, %swap3A_206] : memref<128x768xf32, #tpu.memory_space<vmem>>, vector<128x64xf32>
    tpu.vector_store %arg4[%swap3A_205, %swap3A_206], %dot_general3A_204 {strides = array<i32>} : memref<128x768xf32, #tpu.memory_space<vmem>>, vector<128x64xf32>,
    %slice3A_208 = vector.extract_strided_slice %get3A_2 {offsets = [0, 384], sizes = [128, 64], strides = [1, 1]} : vector<128x768xbf16> to vector<128x64xbf16>
    %get3A_209 = arith.constant 2 : index
    %get3A_210 = arith.constant 0 : index
    %get3A_211 = arith.constant 0 : index
    %get3A_212 = vector.load %arg2[%get3A_209, %get3A_210, %get3A_211] : memref<4x2048x64xbf16, #tpu.memory_space<vmem>>, vector<1x2048x64xbf16>
    %get3A_213 = vector.shape_cast %get3A_212 : vector<1x2048x64xbf16> to vector<2048x64xbf16>
    %get3A_214 = arith.constant 2 : index
    %get3A_215 = arith.constant 0 : index
    %get3A_216 = arith.constant 0 : index
    %get3A_217 = vector.load %arg3[%get3A_214, %get3A_215, %get3A_216] : memref<4x2048x64xbf16, #tpu.memory_space<vmem>>, vector<1x2048x64xbf16>
    %get3A_218 = vector.shape_cast %get3A_217 : vector<1x2048x64xbf16> to vector<2048x64xbf16>
    %dot_general3A_219 = arith.constant dense<0.000000e+00> : vector<128x2048xf32>
    %dot_general3A_220 = tpu.matmul %slice3A_208, %get3A_213, %dot_general3A_219 {dimension_numbers = #tpu.dot_dimension_numbers<[1], [1], [0], [0], [0, 0, 1, 0], [], []>, transpose_lhs_hint = false} : vector<128x64xbf16>, vector<2048x64xbf16>, vector<128x2048xf32> -> vector<128x2048xf32>
    %mul3A_221 = vector.broadcast %div3A_4 : f32 to vector<128x2048xf32>
    %mul3A_222 = arith.mulf %dot_general3A_220, %mul3A_221 : vector<128x2048xf32>
    %jit3A_223 = arith.constant 0xFF800000 : f32
    %broadcast_in_dim3A_224 = vector.broadcast %jit3A_223 : f32 to vector<128x2048xf32>
    %select_n3A_225 = arith.select %le3A, %mul3A_222, %broadcast_in_dim3A_224 : vector<128x2048xi1>, vector<128x2048xf32>
    %reduce_max3A_226 = arith.constant dense<0xFF800000> : vector<128xf32>
    %reduce_max3A_227 = vector.multi_reduction <maximumf>, %select_n3A_225, %reduce_max3A_226 [1] : vector<128x2048xf32> to vector<128xf32>
    %broadcast_in_dim3A_228 = vector.shape_cast %reduce_max3A_227 : vector<128xf32> to vector<128x1xf32>
    %sub3A_229 = vector.broadcast %broadcast_in_dim3A_228 : vector<128x1xf32> to vector<128x2048xf32>
    %sub3A_230 = arith.subf %select_n3A_225, %sub3A_229 : vector<128x2048xf32>
    %exp3A_231 = math.exp %sub3A_230 : vector<128x2048xf32>
    %reduce_sum3A_232 = arith.constant dense<0.000000e+00> : vector<128xf32>
    %reduce_sum3A_233 = vector.multi_reduction <add>, %exp3A_231, %reduce_sum3A_232 [1] : vector<128x2048xf32> to vector<128xf32>
    %broadcast_in_dim3A_234 = vector.shape_cast %reduce_sum3A_233 : vector<128xf32> to vector<128x1xf32>
    %div3A_235 = vector.broadcast %broadcast_in_dim3A_234 : vector<128x1xf32> to vector<128x2048xf32>
    %div3A_236 = arith.divf %exp3A_231, %div3A_235 : vector<128x2048xf32>
    %convert_element_type3A_237 = arith.truncf %div3A_236 : vector<128x2048xf32> to vector<128x2048xbf16>
    %dot_general3A_238 = arith.constant dense<0.000000e+00> : vector<128x64xf32>
    %dot_general3A_239 = tpu.matmul %convert_element_type3A_237, %get3A_218, %dot_general3A_238 {dimension_numbers = #tpu.dot_dimension_numbers<[1], [0], [0], [1], [0, 0, 1, 1], [], []>, transpose_lhs_hint = false} : vector<128x2048xbf16>, vector<2048x64xbf16>, vector<128x64xf32> -> vector<128x64xf32>
    %swap3A_240 = arith.constant 0 : index
    %swap3A_241 = arith.constant 384 : index
    %swap3A_242 = vector.load %arg4[%swap3A_240, %swap3A_241] : memref<128x768xf32, #tpu.memory_space<vmem>>, vector<128x64xf32>
    tpu.vector_store %arg4[%swap3A_240, %swap3A_241], %dot_general3A_239 {strides = array<i32>} : memref<128x768xf32, #tpu.memory_space<vmem>>, vector<128x64xf32>,
    %slice3A_243 = vector.extract_strided_slice %get3A_2 {offsets = [0, 448], sizes = [128, 64], strides = [1, 1]} : vector<128x768xbf16> to vector<128x64xbf16>
    %get3A_244 = arith.constant 2 : index
    %get3A_245 = arith.constant 0 : index
    %get3A_246 = arith.constant 0 : index
    %get3A_247 = vector.load %arg2[%get3A_244, %get3A_245, %get3A_246] : memref<4x2048x64xbf16, #tpu.memory_space<vmem>>, vector<1x2048x64xbf16>
    %get3A_248 = vector.shape_cast %get3A_247 : vector<1x2048x64xbf16> to vector<2048x64xbf16>
    %get3A_249 = arith.constant 2 : index
    %get3A_250 = arith.constant 0 : index
    %get3A_251 = arith.constant 0 : index
    %get3A_252 = vector.load %arg3[%get3A_249, %get3A_250, %get3A_251] : memref<4x2048x64xbf16, #tpu.memory_space<vmem>>, vector<1x2048x64xbf16>
    %get3A_253 = vector.shape_cast %get3A_252 : vector<1x2048x64xbf16> to vector<2048x64xbf16>
    %dot_general3A_254 = arith.constant dense<0.000000e+00> : vector<128x2048xf32>
    %dot_general3A_255 = tpu.matmul %slice3A_243, %get3A_248, %dot_general3A_254 {dimension_numbers = #tpu.dot_dimension_numbers<[1], [1], [0], [0], [0, 0, 1, 0], [], []>, transpose_lhs_hint = false} : vector<128x64xbf16>, vector<2048x64xbf16>, vector<128x2048xf32> -> vector<128x2048xf32>
    %mul3A_256 = vector.broadcast %div3A_4 : f32 to vector<128x2048xf32>
    %mul3A_257 = arith.mulf %dot_general3A_255, %mul3A_256 : vector<128x2048xf32>
    %jit3A_258 = arith.constant 0xFF800000 : f32
    %broadcast_in_dim3A_259 = vector.broadcast %jit3A_258 : f32 to vector<128x2048xf32>
    %select_n3A_260 = arith.select %le3A, %mul3A_257, %broadcast_in_dim3A_259 : vector<128x2048xi1>, vector<128x2048xf32>
    %reduce_max3A_261 = arith.constant dense<0xFF800000> : vector<128xf32>
    %reduce_max3A_262 = vector.multi_reduction <maximumf>, %select_n3A_260, %reduce_max3A_261 [1] : vector<128x2048xf32> to vector<128xf32>
    %broadcast_in_dim3A_263 = vector.shape_cast %reduce_max3A_262 : vector<128xf32> to vector<128x1xf32>
    %sub3A_264 = vector.broadcast %broadcast_in_dim3A_263 : vector<128x1xf32> to vector<128x2048xf32>
    %sub3A_265 = arith.subf %select_n3A_260, %sub3A_264 : vector<128x2048xf32>
    %exp3A_266 = math.exp %sub3A_265 : vector<128x2048xf32>
    %reduce_sum3A_267 = arith.constant dense<0.000000e+00> : vector<128xf32>
    %reduce_sum3A_268 = vector.multi_reduction <add>, %exp3A_266, %reduce_sum3A_267 [1] : vector<128x2048xf32> to vector<128xf32>
    %broadcast_in_dim3A_269 = vector.shape_cast %reduce_sum3A_268 : vector<128xf32> to vector<128x1xf32>
    %div3A_270 = vector.broadcast %broadcast_in_dim3A_269 : vector<128x1xf32> to vector<128x2048xf32>
    %div3A_271 = arith.divf %exp3A_266, %div3A_270 : vector<128x2048xf32>
    %convert_element_type3A_272 = arith.truncf %div3A_271 : vector<128x2048xf32> to vector<128x2048xbf16>
    %dot_general3A_273 = arith.constant dense<0.000000e+00> : vector<128x64xf32>
    %dot_general3A_274 = tpu.matmul %convert_element_type3A_272, %get3A_253, %dot_general3A_273 {dimension_numbers = #tpu.dot_dimension_numbers<[1], [0], [0], [1], [0, 0, 1, 1], [], []>, transpose_lhs_hint = false} : vector<128x2048xbf16>, vector<2048x64xbf16>, vector<128x64xf32> -> vector<128x64xf32>
    %swap3A_275 = arith.constant 0 : index
    %swap3A_276 = arith.constant 448 : index
    %swap3A_277 = vector.load %arg4[%swap3A_275, %swap3A_276] : memref<128x768xf32, #tpu.memory_space<vmem>>, vector<128x64xf32>
    tpu.vector_store %arg4[%swap3A_275, %swap3A_276], %dot_general3A_274 {strides = array<i32>} : memref<128x768xf32, #tpu.memory_space<vmem>>, vector<128x64xf32>,
    %slice3A_278 = vector.extract_strided_slice %get3A_2 {offsets = [0, 512], sizes = [128, 64], strides = [1, 1]} : vector<128x768xbf16> to vector<128x64xbf16>
    %get3A_279 = arith.constant 2 : index
    %get3A_280 = arith.constant 0 : index
    %get3A_281 = arith.constant 0 : index
    %get3A_282 = vector.load %arg2[%get3A_279, %get3A_280, %get3A_281] : memref<4x2048x64xbf16, #tpu.memory_space<vmem>>, vector<1x2048x64xbf16>
    %get3A_283 = vector.shape_cast %get3A_282 : vector<1x2048x64xbf16> to vector<2048x64xbf16>
    %get3A_284 = arith.constant 2 : index
    %get3A_285 = arith.constant 0 : index
    %get3A_286 = arith.constant 0 : index
    %get3A_287 = vector.load %arg3[%get3A_284, %get3A_285, %get3A_286] : memref<4x2048x64xbf16, #tpu.memory_space<vmem>>, vector<1x2048x64xbf16>
    %get3A_288 = vector.shape_cast %get3A_287 : vector<1x2048x64xbf16> to vector<2048x64xbf16>
    %dot_general3A_289 = arith.constant dense<0.000000e+00> : vector<128x2048xf32>
    %dot_general3A_290 = tpu.matmul %slice3A_278, %get3A_283, %dot_general3A_289 {dimension_numbers = #tpu.dot_dimension_numbers<[1], [1], [0], [0], [0, 0, 1, 0], [], []>, transpose_lhs_hint = false} : vector<128x64xbf16>, vector<2048x64xbf16>, vector<128x2048xf32> -> vector<128x2048xf32>
    %mul3A_291 = vector.broadcast %div3A_4 : f32 to vector<128x2048xf32>
    %mul3A_292 = arith.mulf %dot_general3A_290, %mul3A_291 : vector<128x2048xf32>
    %jit3A_293 = arith.constant 0xFF800000 : f32
    %broadcast_in_dim3A_294 = vector.broadcast %jit3A_293 : f32 to vector<128x2048xf32>
    %select_n3A_295 = arith.select %le3A, %mul3A_292, %broadcast_in_dim3A_294 : vector<128x2048xi1>, vector<128x2048xf32>
    %reduce_max3A_296 = arith.constant dense<0xFF800000> : vector<128xf32>
    %reduce_max3A_297 = vector.multi_reduction <maximumf>, %select_n3A_295, %reduce_max3A_296 [1] : vector<128x2048xf32> to vector<128xf32>
    %broadcast_in_dim3A_298 = vector.shape_cast %reduce_max3A_297 : vector<128xf32> to vector<128x1xf32>
    %sub3A_299 = vector.broadcast %broadcast_in_dim3A_298 : vector<128x1xf32> to vector<128x2048xf32>
    %sub3A_300 = arith.subf %select_n3A_295, %sub3A_299 : vector<128x2048xf32>
    %exp3A_301 = math.exp %sub3A_300 : vector<128x2048xf32>
    %reduce_sum3A_302 = arith.constant dense<0.000000e+00> : vector<128xf32>
    %reduce_sum3A_303 = vector.multi_reduction <add>, %exp3A_301, %reduce_sum3A_302 [1] : vector<128x2048xf32> to vector<128xf32>
    %broadcast_in_dim3A_304 = vector.shape_cast %reduce_sum3A_303 : vector<128xf32> to vector<128x1xf32>
    %div3A_305 = vector.broadcast %broadcast_in_dim3A_304 : vector<128x1xf32> to vector<128x2048xf32>
    %div3A_306 = arith.divf %exp3A_301, %div3A_305 : vector<128x2048xf32>
    %convert_element_type3A_307 = arith.truncf %div3A_306 : vector<128x2048xf32> to vector<128x2048xbf16>
    %dot_general3A_308 = arith.constant dense<0.000000e+00> : vector<128x64xf32>
    %dot_general3A_309 = tpu.matmul %convert_element_type3A_307, %get3A_288, %dot_general3A_308 {dimension_numbers = #tpu.dot_dimension_numbers<[1], [0], [0], [1], [0, 0, 1, 1], [], []>, transpose_lhs_hint = false} : vector<128x2048xbf16>, vector<2048x64xbf16>, vector<128x64xf32> -> vector<128x64xf32>
    %swap3A_310 = arith.constant 0 : index
    %swap3A_311 = arith.constant 512 : index
    %swap3A_312 = vector.load %arg4[%swap3A_310, %swap3A_311] : memref<128x768xf32, #tpu.memory_space<vmem>>, vector<128x64xf32>
    tpu.vector_store %arg4[%swap3A_310, %swap3A_311], %dot_general3A_309 {strides = array<i32>} : memref<128x768xf32, #tpu.memory_space<vmem>>, vector<128x64xf32>,
    %slice3A_313 = vector.extract_strided_slice %get3A_2 {offsets = [0, 576], sizes = [128, 64], strides = [1, 1]} : vector<128x768xbf16> to vector<128x64xbf16>
    %get3A_314 = arith.constant 3 : index
    %get3A_315 = arith.constant 0 : index
    %get3A_316 = arith.constant 0 : index
    %get3A_317 = vector.load %arg2[%get3A_314, %get3A_315, %get3A_316] : memref<4x2048x64xbf16, #tpu.memory_space<vmem>>, vector<1x2048x64xbf16>
    %get3A_318 = vector.shape_cast %get3A_317 : vector<1x2048x64xbf16> to vector<2048x64xbf16>
    %get3A_319 = arith.constant 3 : index
    %get3A_320 = arith.constant 0 : index
    %get3A_321 = arith.constant 0 : index
    %get3A_322 = vector.load %arg3[%get3A_319, %get3A_320, %get3A_321] : memref<4x2048x64xbf16, #tpu.memory_space<vmem>>, vector<1x2048x64xbf16>
    %get3A_323 = vector.shape_cast %get3A_322 : vector<1x2048x64xbf16> to vector<2048x64xbf16>
    %dot_general3A_324 = arith.constant dense<0.000000e+00> : vector<128x2048xf32>
    %dot_general3A_325 = tpu.matmul %slice3A_313, %get3A_318, %dot_general3A_324 {dimension_numbers = #tpu.dot_dimension_numbers<[1], [1], [0], [0], [0, 0, 1, 0], [], []>, transpose_lhs_hint = false} : vector<128x64xbf16>, vector<2048x64xbf16>, vector<128x2048xf32> -> vector<128x2048xf32>
    %mul3A_326 = vector.broadcast %div3A_4 : f32 to vector<128x2048xf32>
    %mul3A_327 = arith.mulf %dot_general3A_325, %mul3A_326 : vector<128x2048xf32>
    %jit3A_328 = arith.constant 0xFF800000 : f32
    %broadcast_in_dim3A_329 = vector.broadcast %jit3A_328 : f32 to vector<128x2048xf32>
    %select_n3A_330 = arith.select %le3A, %mul3A_327, %broadcast_in_dim3A_329 : vector<128x2048xi1>, vector<128x2048xf32>
    %reduce_max3A_331 = arith.constant dense<0xFF800000> : vector<128xf32>
    %reduce_max3A_332 = vector.multi_reduction <maximumf>, %select_n3A_330, %reduce_max3A_331 [1] : vector<128x2048xf32> to vector<128xf32>
    %broadcast_in_dim3A_333 = vector.shape_cast %reduce_max3A_332 : vector<128xf32> to vector<128x1xf32>
    %sub3A_334 = vector.broadcast %broadcast_in_dim3A_333 : vector<128x1xf32> to vector<128x2048xf32>
    %sub3A_335 = arith.subf %select_n3A_330, %sub3A_334 : vector<128x2048xf32>
    %exp3A_336 = math.exp %sub3A_335 : vector<128x2048xf32>
    %reduce_sum3A_337 = arith.constant dense<0.000000e+00> : vector<128xf32>
    %reduce_sum3A_338 = vector.multi_reduction <add>, %exp3A_336, %reduce_sum3A_337 [1] : vector<128x2048xf32> to vector<128xf32>
    %broadcast_in_dim3A_339 = vector.shape_cast %reduce_sum3A_338 : vector<128xf32> to vector<128x1xf32>
    %div3A_340 = vector.broadcast %broadcast_in_dim3A_339 : vector<128x1xf32> to vector<128x2048xf32>
    %div3A_341 = arith.divf %exp3A_336, %div3A_340 : vector<128x2048xf32>
    %convert_element_type3A_342 = arith.truncf %div3A_341 : vector<128x2048xf32> to vector<128x2048xbf16>
    %dot_general3A_343 = arith.constant dense<0.000000e+00> : vector<128x64xf32>
    %dot_general3A_344 = tpu.matmul %convert_element_type3A_342, %get3A_323, %dot_general3A_343 {dimension_numbers = #tpu.dot_dimension_numbers<[1], [0], [0], [1], [0, 0, 1, 1], [], []>, transpose_lhs_hint = false} : vector<128x2048xbf16>, vector<2048x64xbf16>, vector<128x64xf32> -> vector<128x64xf32>
    %swap3A_345 = arith.constant 0 : index
    %swap3A_346 = arith.constant 576 : index
    %swap3A_347 = vector.load %arg4[%swap3A_345, %swap3A_346] : memref<128x768xf32, #tpu.memory_space<vmem>>, vector<128x64xf32>
    tpu.vector_store %arg4[%swap3A_345, %swap3A_346], %dot_general3A_344 {strides = array<i32>} : memref<128x768xf32, #tpu.memory_space<vmem>>, vector<128x64xf32>,
    %slice3A_348 = vector.extract_strided_slice %get3A_2 {offsets = [0, 640], sizes = [128, 64], strides = [1, 1]} : vector<128x768xbf16> to vector<128x64xbf16>
    %get3A_349 = arith.constant 3 : index
    %get3A_350 = arith.constant 0 : index
    %get3A_351 = arith.constant 0 : index
    %get3A_352 = vector.load %arg2[%get3A_349, %get3A_350, %get3A_351] : memref<4x2048x64xbf16, #tpu.memory_space<vmem>>, vector<1x2048x64xbf16>
    %get3A_353 = vector.shape_cast %get3A_352 : vector<1x2048x64xbf16> to vector<2048x64xbf16>
    %get3A_354 = arith.constant 3 : index
    %get3A_355 = arith.constant 0 : index
    %get3A_356 = arith.constant 0 : index
    %get3A_357 = vector.load %arg3[%get3A_354, %get3A_355, %get3A_356] : memref<4x2048x64xbf16, #tpu.memory_space<vmem>>, vector<1x2048x64xbf16>
    %get3A_358 = vector.shape_cast %get3A_357 : vector<1x2048x64xbf16> to vector<2048x64xbf16>
    %dot_general3A_359 = arith.constant dense<0.000000e+00> : vector<128x2048xf32>
    %dot_general3A_360 = tpu.matmul %slice3A_348, %get3A_353, %dot_general3A_359 {dimension_numbers = #tpu.dot_dimension_numbers<[1], [1], [0], [0], [0, 0, 1, 0], [], []>, transpose_lhs_hint = false} : vector<128x64xbf16>, vector<2048x64xbf16>, vector<128x2048xf32> -> vector<128x2048xf32>
    %mul3A_361 = vector.broadcast %div3A_4 : f32 to vector<128x2048xf32>
    %mul3A_362 = arith.mulf %dot_general3A_360, %mul3A_361 : vector<128x2048xf32>
    %jit3A_363 = arith.constant 0xFF800000 : f32
    %broadcast_in_dim3A_364 = vector.broadcast %jit3A_363 : f32 to vector<128x2048xf32>
    %select_n3A_365 = arith.select %le3A, %mul3A_362, %broadcast_in_dim3A_364 : vector<128x2048xi1>, vector<128x2048xf32>
    %reduce_max3A_366 = arith.constant dense<0xFF800000> : vector<128xf32>
    %reduce_max3A_367 = vector.multi_reduction <maximumf>, %select_n3A_365, %reduce_max3A_366 [1] : vector<128x2048xf32> to vector<128xf32>
    %broadcast_in_dim3A_368 = vector.shape_cast %reduce_max3A_367 : vector<128xf32> to vector<128x1xf32>
    %sub3A_369 = vector.broadcast %broadcast_in_dim3A_368 : vector<128x1xf32> to vector<128x2048xf32>
    %sub3A_370 = arith.subf %select_n3A_365, %sub3A_369 : vector<128x2048xf32>
    %exp3A_371 = math.exp %sub3A_370 : vector<128x2048xf32>
    %reduce_sum3A_372 = arith.constant dense<0.000000e+00> : vector<128xf32>
    %reduce_sum3A_373 = vector.multi_reduction <add>, %exp3A_371, %reduce_sum3A_372 [1] : vector<128x2048xf32> to vector<128xf32>
    %broadcast_in_dim3A_374 = vector.shape_cast %reduce_sum3A_373 : vector<128xf32> to vector<128x1xf32>
    %div3A_375 = vector.broadcast %broadcast_in_dim3A_374 : vector<128x1xf32> to vector<128x2048xf32>
    %div3A_376 = arith.divf %exp3A_371, %div3A_375 : vector<128x2048xf32>
    %convert_element_type3A_377 = arith.truncf %div3A_376 : vector<128x2048xf32> to vector<128x2048xbf16>
    %dot_general3A_378 = arith.constant dense<0.000000e+00> : vector<128x64xf32>
    %dot_general3A_379 = tpu.matmul %convert_element_type3A_377, %get3A_358, %dot_general3A_378 {dimension_numbers = #tpu.dot_dimension_numbers<[1], [0], [0], [1], [0, 0, 1, 1], [], []>, transpose_lhs_hint = false} : vector<128x2048xbf16>, vector<2048x64xbf16>, vector<128x64xf32> -> vector<128x64xf32>
    %swap3A_380 = arith.constant 0 : index
    %swap3A_381 = arith.constant 640 : index
    %swap3A_382 = vector.load %arg4[%swap3A_380, %swap3A_381] : memref<128x768xf32, #tpu.memory_space<vmem>>, vector<128x64xf32>
    tpu.vector_store %arg4[%swap3A_380, %swap3A_381], %dot_general3A_379 {strides = array<i32>} : memref<128x768xf32, #tpu.memory_space<vmem>>, vector<128x64xf32>,
    %slice3A_383 = vector.extract_strided_slice %get3A_2 {offsets = [0, 704], sizes = [128, 64], strides = [1, 1]} : vector<128x768xbf16> to vector<128x64xbf16>
    %get3A_384 = arith.constant 3 : index
    %get3A_385 = arith.constant 0 : index
    %get3A_386 = arith.constant 0 : index
    %get3A_387 = vector.load %arg2[%get3A_384, %get3A_385, %get3A_386] : memref<4x2048x64xbf16, #tpu.memory_space<vmem>>, vector<1x2048x64xbf16>
    %get3A_388 = vector.shape_cast %get3A_387 : vector<1x2048x64xbf16> to vector<2048x64xbf16>
    %get3A_389 = arith.constant 3 : index
    %get3A_390 = arith.constant 0 : index
    %get3A_391 = arith.constant 0 : index
    %get3A_392 = vector.load %arg3[%get3A_389, %get3A_390, %get3A_391] : memref<4x2048x64xbf16, #tpu.memory_space<vmem>>, vector<1x2048x64xbf16>
    %get3A_393 = vector.shape_cast %get3A_392 : vector<1x2048x64xbf16> to vector<2048x64xbf16>
    %dot_general3A_394 = arith.constant dense<0.000000e+00> : vector<128x2048xf32>
    %dot_general3A_395 = tpu.matmul %slice3A_383, %get3A_388, %dot_general3A_394 {dimension_numbers = #tpu.dot_dimension_numbers<[1], [1], [0], [0], [0, 0, 1, 0], [], []>, transpose_lhs_hint = false} : vector<128x64xbf16>, vector<2048x64xbf16>, vector<128x2048xf32> -> vector<128x2048xf32>
    %mul3A_396 = vector.broadcast %div3A_4 : f32 to vector<128x2048xf32>
    %mul3A_397 = arith.mulf %dot_general3A_395, %mul3A_396 : vector<128x2048xf32>
    %jit3A_398 = arith.constant 0xFF800000 : f32
    %broadcast_in_dim3A_399 = vector.broadcast %jit3A_398 : f32 to vector<128x2048xf32>
    %select_n3A_400 = arith.select %le3A, %mul3A_397, %broadcast_in_dim3A_399 : vector<128x2048xi1>, vector<128x2048xf32>
    %reduce_max3A_401 = arith.constant dense<0xFF800000> : vector<128xf32>
    %reduce_max3A_402 = vector.multi_reduction <maximumf>, %select_n3A_400, %reduce_max3A_401 [1] : vector<128x2048xf32> to vector<128xf32>
    %broadcast_in_dim3A_403 = vector.shape_cast %reduce_max3A_402 : vector<128xf32> to vector<128x1xf32>
    %sub3A_404 = vector.broadcast %broadcast_in_dim3A_403 : vector<128x1xf32> to vector<128x2048xf32>
    %sub3A_405 = arith.subf %select_n3A_400, %sub3A_404 : vector<128x2048xf32>
    %exp3A_406 = math.exp %sub3A_405 : vector<128x2048xf32>
    %reduce_sum3A_407 = arith.constant dense<0.000000e+00> : vector<128xf32>
    %reduce_sum3A_408 = vector.multi_reduction <add>, %exp3A_406, %reduce_sum3A_407 [1] : vector<128x2048xf32> to vector<128xf32>
    %broadcast_in_dim3A_409 = vector.shape_cast %reduce_sum3A_408 : vector<128xf32> to vector<128x1xf32>
    %div3A_410 = vector.broadcast %broadcast_in_dim3A_409 : vector<128x1xf32> to vector<128x2048xf32>
    %div3A_411 = arith.divf %exp3A_406, %div3A_410 : vector<128x2048xf32>
    %convert_element_type3A_412 = arith.truncf %div3A_411 : vector<128x2048xf32> to vector<128x2048xbf16>
    %dot_general3A_413 = arith.constant dense<0.000000e+00> : vector<128x64xf32>
    %dot_general3A_414 = tpu.matmul %convert_element_type3A_412, %get3A_393, %dot_general3A_413 {dimension_numbers = #tpu.dot_dimension_numbers<[1], [0], [0], [1], [0, 0, 1, 1], [], []>, transpose_lhs_hint = false} : vector<128x2048xbf16>, vector<2048x64xbf16>, vector<128x64xf32> -> vector<128x64xf32>
    %swap3A_415 = arith.constant 0 : index
    %swap3A_416 = arith.constant 704 : index
    %swap3A_417 = vector.load %arg4[%swap3A_415, %swap3A_416] : memref<128x768xf32, #tpu.memory_space<vmem>>, vector<128x64xf32>
    tpu.vector_store %arg4[%swap3A_415, %swap3A_416], %dot_general3A_414 {strides = array<i32>} : memref<128x768xf32, #tpu.memory_space<vmem>>, vector<128x64xf32>,
    return
  }
  func.func @transform_0(%arg0: i32) -> (i32, i32) {
    %add3A = arith.constant 12 : i32
    %add3A_0 = arith.addi %arg0, %add3A : i32
    %c0_i32 = arith.constant 0 : i32
    %c0_i32_1 = arith.constant 0 : i32
    return %add3A_0, %c0_i32 : i32, i32
  }
  func.func @transform_1(%arg0: i32) -> (i32, i32, i32) {
    %c0_i32 = arith.constant 0 : i32
    %c0_i32_0 = arith.constant 0 : i32
    %c0_i32_1 = arith.constant 0 : i32
    %c0_i32_2 = arith.constant 0 : i32
    return %c0_i32, %c0_i32_0, %c0_i32_1 : i32, i32, i32
  }
  func.func @transform_2(%arg0: i32) -> (i32, i32, i32) {
    %c0_i32 = arith.constant 0 : i32
    %c0_i32_0 = arith.constant 0 : i32
    %c0_i32_1 = arith.constant 0 : i32
    %c0_i32_2 = arith.constant 0 : i32
    return %c0_i32, %c0_i32_0, %c0_i32_1 : i32, i32, i32
  }
  func.func @transform_3(%arg0: i32) -> (i32, i32) {
    %c0_i32 = arith.constant 0 : i32
    %c0_i32_0 = arith.constant 0 : i32
    return %arg0, %c0_i32 : i32, i32
  }
}

module attributes {stable_mosaic.version = 14 : i64} {
  func.func @_attn_band_body(%arg0: i32, %arg1: memref<128x768xbf16, #tpu.memory_space<vmem>>, %arg2: memref<4x1536x64xbf16, #tpu.memory_space<vmem>>, %arg3: memref<4x1536x64xbf16, #tpu.memory_space<vmem>>, %arg4: memref<128x768xf32, #tpu.memory_space<vmem>>) attributes {dimension_semantics = [#tpu.dimension_semantics<arbitrary>], iteration_bounds = array<i64: 4>, scalar_prefetch = 0 : i64, scratch_operands = 0 : i64, tpu.core_type = #tpu.core_type<tc>, window_params = [{transform_indices = @transform_0, window_bounds = array<i64: 128, 768>}, {transform_indices = @transform_1, window_bounds = array<i64: 4, 1536, 64>}, {transform_indices = @transform_2, window_bounds = array<i64: 4, 1536, 64>}, {transform_indices = @transform_3, window_bounds = array<i64: 128, 768>}]} {
    %add3A = arith.constant 8 : i32
    %add3A_0 = arith.addi %add3A, %arg0 : i32
    %get3A = arith.constant 0 : index
    %get3A_1 = arith.constant 0 : index
    %get3A_2 = vector.load %arg1[%get3A, %get3A_1] : memref<128x768xbf16, #tpu.memory_space<vmem>>, vector<128x768xbf16>
    %sqrt3A = arith.constant 6.400000e+01 : f32
    %sqrt3A_3 = math.sqrt %sqrt3A : f32
    %div3A = arith.constant 1.000000e+00 : f32
    %div3A_4 = arith.divf %div3A, %sqrt3A_3 : f32
    %mul3A = arith.constant 128 : i32
    %mul3A_5 = arith.muli %add3A_0, %mul3A : i32
    %iota3A = tpu.iota {dimensions = array<i32: 0>} : vector<128x1536xi32>
    %add3A_6 = vector.broadcast %mul3A_5 : i32 to vector<128x1536xi32>
    %add3A_7 = arith.addi %add3A_6, %iota3A : vector<128x1536xi32>
    %iota3A_8 = tpu.iota {dimensions = array<i32: 1>} : vector<128x1536xi32>
    %le3A = arith.cmpi sle, %iota3A_8, %add3A_7 : vector<128x1536xi32>
    %slice3A = vector.extract_strided_slice %get3A_2 {offsets = [0, 0], sizes = [128, 64], strides = [1, 1]} : vector<128x768xbf16> to vector<128x64xbf16>
    %get3A_9 = arith.constant 0 : index
    %get3A_10 = arith.constant 0 : index
    %get3A_11 = arith.constant 0 : index
    %get3A_12 = vector.load %arg2[%get3A_9, %get3A_10, %get3A_11] : memref<4x1536x64xbf16, #tpu.memory_space<vmem>>, vector<1x1536x64xbf16>
    %get3A_13 = vector.shape_cast %get3A_12 : vector<1x1536x64xbf16> to vector<1536x64xbf16>
    %get3A_14 = arith.constant 0 : index
    %get3A_15 = arith.constant 0 : index
    %get3A_16 = arith.constant 0 : index
    %get3A_17 = vector.load %arg3[%get3A_14, %get3A_15, %get3A_16] : memref<4x1536x64xbf16, #tpu.memory_space<vmem>>, vector<1x1536x64xbf16>
    %get3A_18 = vector.shape_cast %get3A_17 : vector<1x1536x64xbf16> to vector<1536x64xbf16>
    %dot_general3A = arith.constant dense<0.000000e+00> : vector<128x1536xf32>
    %dot_general3A_19 = tpu.matmul %slice3A, %get3A_13, %dot_general3A {dimension_numbers = #tpu.dot_dimension_numbers<[1], [1], [0], [0], [0, 0, 1, 0], [], []>, transpose_lhs_hint = false} : vector<128x64xbf16>, vector<1536x64xbf16>, vector<128x1536xf32> -> vector<128x1536xf32>
    %mul3A_20 = vector.broadcast %div3A_4 : f32 to vector<128x1536xf32>
    %mul3A_21 = arith.mulf %dot_general3A_19, %mul3A_20 : vector<128x1536xf32>
    %jit3A = arith.constant 0xFF800000 : f32
    %broadcast_in_dim3A = vector.broadcast %jit3A : f32 to vector<128x1536xf32>
    %select_n3A = arith.select %le3A, %mul3A_21, %broadcast_in_dim3A : vector<128x1536xi1>, vector<128x1536xf32>
    %reduce_max3A = arith.constant dense<0xFF800000> : vector<128xf32>
    %reduce_max3A_22 = vector.multi_reduction <maximumf>, %select_n3A, %reduce_max3A [1] : vector<128x1536xf32> to vector<128xf32>
    %broadcast_in_dim3A_23 = vector.shape_cast %reduce_max3A_22 : vector<128xf32> to vector<128x1xf32>
    %sub3A = vector.broadcast %broadcast_in_dim3A_23 : vector<128x1xf32> to vector<128x1536xf32>
    %sub3A_24 = arith.subf %select_n3A, %sub3A : vector<128x1536xf32>
    %exp3A = math.exp %sub3A_24 : vector<128x1536xf32>
    %reduce_sum3A = arith.constant dense<0.000000e+00> : vector<128xf32>
    %reduce_sum3A_25 = vector.multi_reduction <add>, %exp3A, %reduce_sum3A [1] : vector<128x1536xf32> to vector<128xf32>
    %broadcast_in_dim3A_26 = vector.shape_cast %reduce_sum3A_25 : vector<128xf32> to vector<128x1xf32>
    %div3A_27 = vector.broadcast %broadcast_in_dim3A_26 : vector<128x1xf32> to vector<128x1536xf32>
    %div3A_28 = arith.divf %exp3A, %div3A_27 : vector<128x1536xf32>
    %convert_element_type3A = arith.truncf %div3A_28 : vector<128x1536xf32> to vector<128x1536xbf16>
    %dot_general3A_29 = arith.constant dense<0.000000e+00> : vector<128x64xf32>
    %dot_general3A_30 = tpu.matmul %convert_element_type3A, %get3A_18, %dot_general3A_29 {dimension_numbers = #tpu.dot_dimension_numbers<[1], [0], [0], [1], [0, 0, 1, 1], [], []>, transpose_lhs_hint = false} : vector<128x1536xbf16>, vector<1536x64xbf16>, vector<128x64xf32> -> vector<128x64xf32>
    %swap3A = arith.constant 0 : index
    %swap3A_31 = arith.constant 0 : index
    %swap3A_32 = vector.load %arg4[%swap3A, %swap3A_31] : memref<128x768xf32, #tpu.memory_space<vmem>>, vector<128x64xf32>
    tpu.vector_store %arg4[%swap3A, %swap3A_31], %dot_general3A_30 {strides = array<i32>} : memref<128x768xf32, #tpu.memory_space<vmem>>, vector<128x64xf32>,
    %slice3A_33 = vector.extract_strided_slice %get3A_2 {offsets = [0, 64], sizes = [128, 64], strides = [1, 1]} : vector<128x768xbf16> to vector<128x64xbf16>
    %get3A_34 = arith.constant 0 : index
    %get3A_35 = arith.constant 0 : index
    %get3A_36 = arith.constant 0 : index
    %get3A_37 = vector.load %arg2[%get3A_34, %get3A_35, %get3A_36] : memref<4x1536x64xbf16, #tpu.memory_space<vmem>>, vector<1x1536x64xbf16>
    %get3A_38 = vector.shape_cast %get3A_37 : vector<1x1536x64xbf16> to vector<1536x64xbf16>
    %get3A_39 = arith.constant 0 : index
    %get3A_40 = arith.constant 0 : index
    %get3A_41 = arith.constant 0 : index
    %get3A_42 = vector.load %arg3[%get3A_39, %get3A_40, %get3A_41] : memref<4x1536x64xbf16, #tpu.memory_space<vmem>>, vector<1x1536x64xbf16>
    %get3A_43 = vector.shape_cast %get3A_42 : vector<1x1536x64xbf16> to vector<1536x64xbf16>
    %dot_general3A_44 = arith.constant dense<0.000000e+00> : vector<128x1536xf32>
    %dot_general3A_45 = tpu.matmul %slice3A_33, %get3A_38, %dot_general3A_44 {dimension_numbers = #tpu.dot_dimension_numbers<[1], [1], [0], [0], [0, 0, 1, 0], [], []>, transpose_lhs_hint = false} : vector<128x64xbf16>, vector<1536x64xbf16>, vector<128x1536xf32> -> vector<128x1536xf32>
    %mul3A_46 = vector.broadcast %div3A_4 : f32 to vector<128x1536xf32>
    %mul3A_47 = arith.mulf %dot_general3A_45, %mul3A_46 : vector<128x1536xf32>
    %jit3A_48 = arith.constant 0xFF800000 : f32
    %broadcast_in_dim3A_49 = vector.broadcast %jit3A_48 : f32 to vector<128x1536xf32>
    %select_n3A_50 = arith.select %le3A, %mul3A_47, %broadcast_in_dim3A_49 : vector<128x1536xi1>, vector<128x1536xf32>
    %reduce_max3A_51 = arith.constant dense<0xFF800000> : vector<128xf32>
    %reduce_max3A_52 = vector.multi_reduction <maximumf>, %select_n3A_50, %reduce_max3A_51 [1] : vector<128x1536xf32> to vector<128xf32>
    %broadcast_in_dim3A_53 = vector.shape_cast %reduce_max3A_52 : vector<128xf32> to vector<128x1xf32>
    %sub3A_54 = vector.broadcast %broadcast_in_dim3A_53 : vector<128x1xf32> to vector<128x1536xf32>
    %sub3A_55 = arith.subf %select_n3A_50, %sub3A_54 : vector<128x1536xf32>
    %exp3A_56 = math.exp %sub3A_55 : vector<128x1536xf32>
    %reduce_sum3A_57 = arith.constant dense<0.000000e+00> : vector<128xf32>
    %reduce_sum3A_58 = vector.multi_reduction <add>, %exp3A_56, %reduce_sum3A_57 [1] : vector<128x1536xf32> to vector<128xf32>
    %broadcast_in_dim3A_59 = vector.shape_cast %reduce_sum3A_58 : vector<128xf32> to vector<128x1xf32>
    %div3A_60 = vector.broadcast %broadcast_in_dim3A_59 : vector<128x1xf32> to vector<128x1536xf32>
    %div3A_61 = arith.divf %exp3A_56, %div3A_60 : vector<128x1536xf32>
    %convert_element_type3A_62 = arith.truncf %div3A_61 : vector<128x1536xf32> to vector<128x1536xbf16>
    %dot_general3A_63 = arith.constant dense<0.000000e+00> : vector<128x64xf32>
    %dot_general3A_64 = tpu.matmul %convert_element_type3A_62, %get3A_43, %dot_general3A_63 {dimension_numbers = #tpu.dot_dimension_numbers<[1], [0], [0], [1], [0, 0, 1, 1], [], []>, transpose_lhs_hint = false} : vector<128x1536xbf16>, vector<1536x64xbf16>, vector<128x64xf32> -> vector<128x64xf32>
    %swap3A_65 = arith.constant 0 : index
    %swap3A_66 = arith.constant 64 : index
    %swap3A_67 = vector.load %arg4[%swap3A_65, %swap3A_66] : memref<128x768xf32, #tpu.memory_space<vmem>>, vector<128x64xf32>
    tpu.vector_store %arg4[%swap3A_65, %swap3A_66], %dot_general3A_64 {strides = array<i32>} : memref<128x768xf32, #tpu.memory_space<vmem>>, vector<128x64xf32>,
    %slice3A_68 = vector.extract_strided_slice %get3A_2 {offsets = [0, 128], sizes = [128, 64], strides = [1, 1]} : vector<128x768xbf16> to vector<128x64xbf16>
    %get3A_69 = arith.constant 0 : index
    %get3A_70 = arith.constant 0 : index
    %get3A_71 = arith.constant 0 : index
    %get3A_72 = vector.load %arg2[%get3A_69, %get3A_70, %get3A_71] : memref<4x1536x64xbf16, #tpu.memory_space<vmem>>, vector<1x1536x64xbf16>
    %get3A_73 = vector.shape_cast %get3A_72 : vector<1x1536x64xbf16> to vector<1536x64xbf16>
    %get3A_74 = arith.constant 0 : index
    %get3A_75 = arith.constant 0 : index
    %get3A_76 = arith.constant 0 : index
    %get3A_77 = vector.load %arg3[%get3A_74, %get3A_75, %get3A_76] : memref<4x1536x64xbf16, #tpu.memory_space<vmem>>, vector<1x1536x64xbf16>
    %get3A_78 = vector.shape_cast %get3A_77 : vector<1x1536x64xbf16> to vector<1536x64xbf16>
    %dot_general3A_79 = arith.constant dense<0.000000e+00> : vector<128x1536xf32>
    %dot_general3A_80 = tpu.matmul %slice3A_68, %get3A_73, %dot_general3A_79 {dimension_numbers = #tpu.dot_dimension_numbers<[1], [1], [0], [0], [0, 0, 1, 0], [], []>, transpose_lhs_hint = false} : vector<128x64xbf16>, vector<1536x64xbf16>, vector<128x1536xf32> -> vector<128x1536xf32>
    %mul3A_81 = vector.broadcast %div3A_4 : f32 to vector<128x1536xf32>
    %mul3A_82 = arith.mulf %dot_general3A_80, %mul3A_81 : vector<128x1536xf32>
    %jit3A_83 = arith.constant 0xFF800000 : f32
    %broadcast_in_dim3A_84 = vector.broadcast %jit3A_83 : f32 to vector<128x1536xf32>
    %select_n3A_85 = arith.select %le3A, %mul3A_82, %broadcast_in_dim3A_84 : vector<128x1536xi1>, vector<128x1536xf32>
    %reduce_max3A_86 = arith.constant dense<0xFF800000> : vector<128xf32>
    %reduce_max3A_87 = vector.multi_reduction <maximumf>, %select_n3A_85, %reduce_max3A_86 [1] : vector<128x1536xf32> to vector<128xf32>
    %broadcast_in_dim3A_88 = vector.shape_cast %reduce_max3A_87 : vector<128xf32> to vector<128x1xf32>
    %sub3A_89 = vector.broadcast %broadcast_in_dim3A_88 : vector<128x1xf32> to vector<128x1536xf32>
    %sub3A_90 = arith.subf %select_n3A_85, %sub3A_89 : vector<128x1536xf32>
    %exp3A_91 = math.exp %sub3A_90 : vector<128x1536xf32>
    %reduce_sum3A_92 = arith.constant dense<0.000000e+00> : vector<128xf32>
    %reduce_sum3A_93 = vector.multi_reduction <add>, %exp3A_91, %reduce_sum3A_92 [1] : vector<128x1536xf32> to vector<128xf32>
    %broadcast_in_dim3A_94 = vector.shape_cast %reduce_sum3A_93 : vector<128xf32> to vector<128x1xf32>
    %div3A_95 = vector.broadcast %broadcast_in_dim3A_94 : vector<128x1xf32> to vector<128x1536xf32>
    %div3A_96 = arith.divf %exp3A_91, %div3A_95 : vector<128x1536xf32>
    %convert_element_type3A_97 = arith.truncf %div3A_96 : vector<128x1536xf32> to vector<128x1536xbf16>
    %dot_general3A_98 = arith.constant dense<0.000000e+00> : vector<128x64xf32>
    %dot_general3A_99 = tpu.matmul %convert_element_type3A_97, %get3A_78, %dot_general3A_98 {dimension_numbers = #tpu.dot_dimension_numbers<[1], [0], [0], [1], [0, 0, 1, 1], [], []>, transpose_lhs_hint = false} : vector<128x1536xbf16>, vector<1536x64xbf16>, vector<128x64xf32> -> vector<128x64xf32>
    %swap3A_100 = arith.constant 0 : index
    %swap3A_101 = arith.constant 128 : index
    %swap3A_102 = vector.load %arg4[%swap3A_100, %swap3A_101] : memref<128x768xf32, #tpu.memory_space<vmem>>, vector<128x64xf32>
    tpu.vector_store %arg4[%swap3A_100, %swap3A_101], %dot_general3A_99 {strides = array<i32>} : memref<128x768xf32, #tpu.memory_space<vmem>>, vector<128x64xf32>,
    %slice3A_103 = vector.extract_strided_slice %get3A_2 {offsets = [0, 192], sizes = [128, 64], strides = [1, 1]} : vector<128x768xbf16> to vector<128x64xbf16>
    %get3A_104 = arith.constant 1 : index
    %get3A_105 = arith.constant 0 : index
    %get3A_106 = arith.constant 0 : index
    %get3A_107 = vector.load %arg2[%get3A_104, %get3A_105, %get3A_106] : memref<4x1536x64xbf16, #tpu.memory_space<vmem>>, vector<1x1536x64xbf16>
    %get3A_108 = vector.shape_cast %get3A_107 : vector<1x1536x64xbf16> to vector<1536x64xbf16>
    %get3A_109 = arith.constant 1 : index
    %get3A_110 = arith.constant 0 : index
    %get3A_111 = arith.constant 0 : index
    %get3A_112 = vector.load %arg3[%get3A_109, %get3A_110, %get3A_111] : memref<4x1536x64xbf16, #tpu.memory_space<vmem>>, vector<1x1536x64xbf16>
    %get3A_113 = vector.shape_cast %get3A_112 : vector<1x1536x64xbf16> to vector<1536x64xbf16>
    %dot_general3A_114 = arith.constant dense<0.000000e+00> : vector<128x1536xf32>
    %dot_general3A_115 = tpu.matmul %slice3A_103, %get3A_108, %dot_general3A_114 {dimension_numbers = #tpu.dot_dimension_numbers<[1], [1], [0], [0], [0, 0, 1, 0], [], []>, transpose_lhs_hint = false} : vector<128x64xbf16>, vector<1536x64xbf16>, vector<128x1536xf32> -> vector<128x1536xf32>
    %mul3A_116 = vector.broadcast %div3A_4 : f32 to vector<128x1536xf32>
    %mul3A_117 = arith.mulf %dot_general3A_115, %mul3A_116 : vector<128x1536xf32>
    %jit3A_118 = arith.constant 0xFF800000 : f32
    %broadcast_in_dim3A_119 = vector.broadcast %jit3A_118 : f32 to vector<128x1536xf32>
    %select_n3A_120 = arith.select %le3A, %mul3A_117, %broadcast_in_dim3A_119 : vector<128x1536xi1>, vector<128x1536xf32>
    %reduce_max3A_121 = arith.constant dense<0xFF800000> : vector<128xf32>
    %reduce_max3A_122 = vector.multi_reduction <maximumf>, %select_n3A_120, %reduce_max3A_121 [1] : vector<128x1536xf32> to vector<128xf32>
    %broadcast_in_dim3A_123 = vector.shape_cast %reduce_max3A_122 : vector<128xf32> to vector<128x1xf32>
    %sub3A_124 = vector.broadcast %broadcast_in_dim3A_123 : vector<128x1xf32> to vector<128x1536xf32>
    %sub3A_125 = arith.subf %select_n3A_120, %sub3A_124 : vector<128x1536xf32>
    %exp3A_126 = math.exp %sub3A_125 : vector<128x1536xf32>
    %reduce_sum3A_127 = arith.constant dense<0.000000e+00> : vector<128xf32>
    %reduce_sum3A_128 = vector.multi_reduction <add>, %exp3A_126, %reduce_sum3A_127 [1] : vector<128x1536xf32> to vector<128xf32>
    %broadcast_in_dim3A_129 = vector.shape_cast %reduce_sum3A_128 : vector<128xf32> to vector<128x1xf32>
    %div3A_130 = vector.broadcast %broadcast_in_dim3A_129 : vector<128x1xf32> to vector<128x1536xf32>
    %div3A_131 = arith.divf %exp3A_126, %div3A_130 : vector<128x1536xf32>
    %convert_element_type3A_132 = arith.truncf %div3A_131 : vector<128x1536xf32> to vector<128x1536xbf16>
    %dot_general3A_133 = arith.constant dense<0.000000e+00> : vector<128x64xf32>
    %dot_general3A_134 = tpu.matmul %convert_element_type3A_132, %get3A_113, %dot_general3A_133 {dimension_numbers = #tpu.dot_dimension_numbers<[1], [0], [0], [1], [0, 0, 1, 1], [], []>, transpose_lhs_hint = false} : vector<128x1536xbf16>, vector<1536x64xbf16>, vector<128x64xf32> -> vector<128x64xf32>
    %swap3A_135 = arith.constant 0 : index
    %swap3A_136 = arith.constant 192 : index
    %swap3A_137 = vector.load %arg4[%swap3A_135, %swap3A_136] : memref<128x768xf32, #tpu.memory_space<vmem>>, vector<128x64xf32>
    tpu.vector_store %arg4[%swap3A_135, %swap3A_136], %dot_general3A_134 {strides = array<i32>} : memref<128x768xf32, #tpu.memory_space<vmem>>, vector<128x64xf32>,
    %slice3A_138 = vector.extract_strided_slice %get3A_2 {offsets = [0, 256], sizes = [128, 64], strides = [1, 1]} : vector<128x768xbf16> to vector<128x64xbf16>
    %get3A_139 = arith.constant 1 : index
    %get3A_140 = arith.constant 0 : index
    %get3A_141 = arith.constant 0 : index
    %get3A_142 = vector.load %arg2[%get3A_139, %get3A_140, %get3A_141] : memref<4x1536x64xbf16, #tpu.memory_space<vmem>>, vector<1x1536x64xbf16>
    %get3A_143 = vector.shape_cast %get3A_142 : vector<1x1536x64xbf16> to vector<1536x64xbf16>
    %get3A_144 = arith.constant 1 : index
    %get3A_145 = arith.constant 0 : index
    %get3A_146 = arith.constant 0 : index
    %get3A_147 = vector.load %arg3[%get3A_144, %get3A_145, %get3A_146] : memref<4x1536x64xbf16, #tpu.memory_space<vmem>>, vector<1x1536x64xbf16>
    %get3A_148 = vector.shape_cast %get3A_147 : vector<1x1536x64xbf16> to vector<1536x64xbf16>
    %dot_general3A_149 = arith.constant dense<0.000000e+00> : vector<128x1536xf32>
    %dot_general3A_150 = tpu.matmul %slice3A_138, %get3A_143, %dot_general3A_149 {dimension_numbers = #tpu.dot_dimension_numbers<[1], [1], [0], [0], [0, 0, 1, 0], [], []>, transpose_lhs_hint = false} : vector<128x64xbf16>, vector<1536x64xbf16>, vector<128x1536xf32> -> vector<128x1536xf32>
    %mul3A_151 = vector.broadcast %div3A_4 : f32 to vector<128x1536xf32>
    %mul3A_152 = arith.mulf %dot_general3A_150, %mul3A_151 : vector<128x1536xf32>
    %jit3A_153 = arith.constant 0xFF800000 : f32
    %broadcast_in_dim3A_154 = vector.broadcast %jit3A_153 : f32 to vector<128x1536xf32>
    %select_n3A_155 = arith.select %le3A, %mul3A_152, %broadcast_in_dim3A_154 : vector<128x1536xi1>, vector<128x1536xf32>
    %reduce_max3A_156 = arith.constant dense<0xFF800000> : vector<128xf32>
    %reduce_max3A_157 = vector.multi_reduction <maximumf>, %select_n3A_155, %reduce_max3A_156 [1] : vector<128x1536xf32> to vector<128xf32>
    %broadcast_in_dim3A_158 = vector.shape_cast %reduce_max3A_157 : vector<128xf32> to vector<128x1xf32>
    %sub3A_159 = vector.broadcast %broadcast_in_dim3A_158 : vector<128x1xf32> to vector<128x1536xf32>
    %sub3A_160 = arith.subf %select_n3A_155, %sub3A_159 : vector<128x1536xf32>
    %exp3A_161 = math.exp %sub3A_160 : vector<128x1536xf32>
    %reduce_sum3A_162 = arith.constant dense<0.000000e+00> : vector<128xf32>
    %reduce_sum3A_163 = vector.multi_reduction <add>, %exp3A_161, %reduce_sum3A_162 [1] : vector<128x1536xf32> to vector<128xf32>
    %broadcast_in_dim3A_164 = vector.shape_cast %reduce_sum3A_163 : vector<128xf32> to vector<128x1xf32>
    %div3A_165 = vector.broadcast %broadcast_in_dim3A_164 : vector<128x1xf32> to vector<128x1536xf32>
    %div3A_166 = arith.divf %exp3A_161, %div3A_165 : vector<128x1536xf32>
    %convert_element_type3A_167 = arith.truncf %div3A_166 : vector<128x1536xf32> to vector<128x1536xbf16>
    %dot_general3A_168 = arith.constant dense<0.000000e+00> : vector<128x64xf32>
    %dot_general3A_169 = tpu.matmul %convert_element_type3A_167, %get3A_148, %dot_general3A_168 {dimension_numbers = #tpu.dot_dimension_numbers<[1], [0], [0], [1], [0, 0, 1, 1], [], []>, transpose_lhs_hint = false} : vector<128x1536xbf16>, vector<1536x64xbf16>, vector<128x64xf32> -> vector<128x64xf32>
    %swap3A_170 = arith.constant 0 : index
    %swap3A_171 = arith.constant 256 : index
    %swap3A_172 = vector.load %arg4[%swap3A_170, %swap3A_171] : memref<128x768xf32, #tpu.memory_space<vmem>>, vector<128x64xf32>
    tpu.vector_store %arg4[%swap3A_170, %swap3A_171], %dot_general3A_169 {strides = array<i32>} : memref<128x768xf32, #tpu.memory_space<vmem>>, vector<128x64xf32>,
    %slice3A_173 = vector.extract_strided_slice %get3A_2 {offsets = [0, 320], sizes = [128, 64], strides = [1, 1]} : vector<128x768xbf16> to vector<128x64xbf16>
    %get3A_174 = arith.constant 1 : index
    %get3A_175 = arith.constant 0 : index
    %get3A_176 = arith.constant 0 : index
    %get3A_177 = vector.load %arg2[%get3A_174, %get3A_175, %get3A_176] : memref<4x1536x64xbf16, #tpu.memory_space<vmem>>, vector<1x1536x64xbf16>
    %get3A_178 = vector.shape_cast %get3A_177 : vector<1x1536x64xbf16> to vector<1536x64xbf16>
    %get3A_179 = arith.constant 1 : index
    %get3A_180 = arith.constant 0 : index
    %get3A_181 = arith.constant 0 : index
    %get3A_182 = vector.load %arg3[%get3A_179, %get3A_180, %get3A_181] : memref<4x1536x64xbf16, #tpu.memory_space<vmem>>, vector<1x1536x64xbf16>
    %get3A_183 = vector.shape_cast %get3A_182 : vector<1x1536x64xbf16> to vector<1536x64xbf16>
    %dot_general3A_184 = arith.constant dense<0.000000e+00> : vector<128x1536xf32>
    %dot_general3A_185 = tpu.matmul %slice3A_173, %get3A_178, %dot_general3A_184 {dimension_numbers = #tpu.dot_dimension_numbers<[1], [1], [0], [0], [0, 0, 1, 0], [], []>, transpose_lhs_hint = false} : vector<128x64xbf16>, vector<1536x64xbf16>, vector<128x1536xf32> -> vector<128x1536xf32>
    %mul3A_186 = vector.broadcast %div3A_4 : f32 to vector<128x1536xf32>
    %mul3A_187 = arith.mulf %dot_general3A_185, %mul3A_186 : vector<128x1536xf32>
    %jit3A_188 = arith.constant 0xFF800000 : f32
    %broadcast_in_dim3A_189 = vector.broadcast %jit3A_188 : f32 to vector<128x1536xf32>
    %select_n3A_190 = arith.select %le3A, %mul3A_187, %broadcast_in_dim3A_189 : vector<128x1536xi1>, vector<128x1536xf32>
    %reduce_max3A_191 = arith.constant dense<0xFF800000> : vector<128xf32>
    %reduce_max3A_192 = vector.multi_reduction <maximumf>, %select_n3A_190, %reduce_max3A_191 [1] : vector<128x1536xf32> to vector<128xf32>
    %broadcast_in_dim3A_193 = vector.shape_cast %reduce_max3A_192 : vector<128xf32> to vector<128x1xf32>
    %sub3A_194 = vector.broadcast %broadcast_in_dim3A_193 : vector<128x1xf32> to vector<128x1536xf32>
    %sub3A_195 = arith.subf %select_n3A_190, %sub3A_194 : vector<128x1536xf32>
    %exp3A_196 = math.exp %sub3A_195 : vector<128x1536xf32>
    %reduce_sum3A_197 = arith.constant dense<0.000000e+00> : vector<128xf32>
    %reduce_sum3A_198 = vector.multi_reduction <add>, %exp3A_196, %reduce_sum3A_197 [1] : vector<128x1536xf32> to vector<128xf32>
    %broadcast_in_dim3A_199 = vector.shape_cast %reduce_sum3A_198 : vector<128xf32> to vector<128x1xf32>
    %div3A_200 = vector.broadcast %broadcast_in_dim3A_199 : vector<128x1xf32> to vector<128x1536xf32>
    %div3A_201 = arith.divf %exp3A_196, %div3A_200 : vector<128x1536xf32>
    %convert_element_type3A_202 = arith.truncf %div3A_201 : vector<128x1536xf32> to vector<128x1536xbf16>
    %dot_general3A_203 = arith.constant dense<0.000000e+00> : vector<128x64xf32>
    %dot_general3A_204 = tpu.matmul %convert_element_type3A_202, %get3A_183, %dot_general3A_203 {dimension_numbers = #tpu.dot_dimension_numbers<[1], [0], [0], [1], [0, 0, 1, 1], [], []>, transpose_lhs_hint = false} : vector<128x1536xbf16>, vector<1536x64xbf16>, vector<128x64xf32> -> vector<128x64xf32>
    %swap3A_205 = arith.constant 0 : index
    %swap3A_206 = arith.constant 320 : index
    %swap3A_207 = vector.load %arg4[%swap3A_205, %swap3A_206] : memref<128x768xf32, #tpu.memory_space<vmem>>, vector<128x64xf32>
    tpu.vector_store %arg4[%swap3A_205, %swap3A_206], %dot_general3A_204 {strides = array<i32>} : memref<128x768xf32, #tpu.memory_space<vmem>>, vector<128x64xf32>,
    %slice3A_208 = vector.extract_strided_slice %get3A_2 {offsets = [0, 384], sizes = [128, 64], strides = [1, 1]} : vector<128x768xbf16> to vector<128x64xbf16>
    %get3A_209 = arith.constant 2 : index
    %get3A_210 = arith.constant 0 : index
    %get3A_211 = arith.constant 0 : index
    %get3A_212 = vector.load %arg2[%get3A_209, %get3A_210, %get3A_211] : memref<4x1536x64xbf16, #tpu.memory_space<vmem>>, vector<1x1536x64xbf16>
    %get3A_213 = vector.shape_cast %get3A_212 : vector<1x1536x64xbf16> to vector<1536x64xbf16>
    %get3A_214 = arith.constant 2 : index
    %get3A_215 = arith.constant 0 : index
    %get3A_216 = arith.constant 0 : index
    %get3A_217 = vector.load %arg3[%get3A_214, %get3A_215, %get3A_216] : memref<4x1536x64xbf16, #tpu.memory_space<vmem>>, vector<1x1536x64xbf16>
    %get3A_218 = vector.shape_cast %get3A_217 : vector<1x1536x64xbf16> to vector<1536x64xbf16>
    %dot_general3A_219 = arith.constant dense<0.000000e+00> : vector<128x1536xf32>
    %dot_general3A_220 = tpu.matmul %slice3A_208, %get3A_213, %dot_general3A_219 {dimension_numbers = #tpu.dot_dimension_numbers<[1], [1], [0], [0], [0, 0, 1, 0], [], []>, transpose_lhs_hint = false} : vector<128x64xbf16>, vector<1536x64xbf16>, vector<128x1536xf32> -> vector<128x1536xf32>
    %mul3A_221 = vector.broadcast %div3A_4 : f32 to vector<128x1536xf32>
    %mul3A_222 = arith.mulf %dot_general3A_220, %mul3A_221 : vector<128x1536xf32>
    %jit3A_223 = arith.constant 0xFF800000 : f32
    %broadcast_in_dim3A_224 = vector.broadcast %jit3A_223 : f32 to vector<128x1536xf32>
    %select_n3A_225 = arith.select %le3A, %mul3A_222, %broadcast_in_dim3A_224 : vector<128x1536xi1>, vector<128x1536xf32>
    %reduce_max3A_226 = arith.constant dense<0xFF800000> : vector<128xf32>
    %reduce_max3A_227 = vector.multi_reduction <maximumf>, %select_n3A_225, %reduce_max3A_226 [1] : vector<128x1536xf32> to vector<128xf32>
    %broadcast_in_dim3A_228 = vector.shape_cast %reduce_max3A_227 : vector<128xf32> to vector<128x1xf32>
    %sub3A_229 = vector.broadcast %broadcast_in_dim3A_228 : vector<128x1xf32> to vector<128x1536xf32>
    %sub3A_230 = arith.subf %select_n3A_225, %sub3A_229 : vector<128x1536xf32>
    %exp3A_231 = math.exp %sub3A_230 : vector<128x1536xf32>
    %reduce_sum3A_232 = arith.constant dense<0.000000e+00> : vector<128xf32>
    %reduce_sum3A_233 = vector.multi_reduction <add>, %exp3A_231, %reduce_sum3A_232 [1] : vector<128x1536xf32> to vector<128xf32>
    %broadcast_in_dim3A_234 = vector.shape_cast %reduce_sum3A_233 : vector<128xf32> to vector<128x1xf32>
    %div3A_235 = vector.broadcast %broadcast_in_dim3A_234 : vector<128x1xf32> to vector<128x1536xf32>
    %div3A_236 = arith.divf %exp3A_231, %div3A_235 : vector<128x1536xf32>
    %convert_element_type3A_237 = arith.truncf %div3A_236 : vector<128x1536xf32> to vector<128x1536xbf16>
    %dot_general3A_238 = arith.constant dense<0.000000e+00> : vector<128x64xf32>
    %dot_general3A_239 = tpu.matmul %convert_element_type3A_237, %get3A_218, %dot_general3A_238 {dimension_numbers = #tpu.dot_dimension_numbers<[1], [0], [0], [1], [0, 0, 1, 1], [], []>, transpose_lhs_hint = false} : vector<128x1536xbf16>, vector<1536x64xbf16>, vector<128x64xf32> -> vector<128x64xf32>
    %swap3A_240 = arith.constant 0 : index
    %swap3A_241 = arith.constant 384 : index
    %swap3A_242 = vector.load %arg4[%swap3A_240, %swap3A_241] : memref<128x768xf32, #tpu.memory_space<vmem>>, vector<128x64xf32>
    tpu.vector_store %arg4[%swap3A_240, %swap3A_241], %dot_general3A_239 {strides = array<i32>} : memref<128x768xf32, #tpu.memory_space<vmem>>, vector<128x64xf32>,
    %slice3A_243 = vector.extract_strided_slice %get3A_2 {offsets = [0, 448], sizes = [128, 64], strides = [1, 1]} : vector<128x768xbf16> to vector<128x64xbf16>
    %get3A_244 = arith.constant 2 : index
    %get3A_245 = arith.constant 0 : index
    %get3A_246 = arith.constant 0 : index
    %get3A_247 = vector.load %arg2[%get3A_244, %get3A_245, %get3A_246] : memref<4x1536x64xbf16, #tpu.memory_space<vmem>>, vector<1x1536x64xbf16>
    %get3A_248 = vector.shape_cast %get3A_247 : vector<1x1536x64xbf16> to vector<1536x64xbf16>
    %get3A_249 = arith.constant 2 : index
    %get3A_250 = arith.constant 0 : index
    %get3A_251 = arith.constant 0 : index
    %get3A_252 = vector.load %arg3[%get3A_249, %get3A_250, %get3A_251] : memref<4x1536x64xbf16, #tpu.memory_space<vmem>>, vector<1x1536x64xbf16>
    %get3A_253 = vector.shape_cast %get3A_252 : vector<1x1536x64xbf16> to vector<1536x64xbf16>
    %dot_general3A_254 = arith.constant dense<0.000000e+00> : vector<128x1536xf32>
    %dot_general3A_255 = tpu.matmul %slice3A_243, %get3A_248, %dot_general3A_254 {dimension_numbers = #tpu.dot_dimension_numbers<[1], [1], [0], [0], [0, 0, 1, 0], [], []>, transpose_lhs_hint = false} : vector<128x64xbf16>, vector<1536x64xbf16>, vector<128x1536xf32> -> vector<128x1536xf32>
    %mul3A_256 = vector.broadcast %div3A_4 : f32 to vector<128x1536xf32>
    %mul3A_257 = arith.mulf %dot_general3A_255, %mul3A_256 : vector<128x1536xf32>
    %jit3A_258 = arith.constant 0xFF800000 : f32
    %broadcast_in_dim3A_259 = vector.broadcast %jit3A_258 : f32 to vector<128x1536xf32>
    %select_n3A_260 = arith.select %le3A, %mul3A_257, %broadcast_in_dim3A_259 : vector<128x1536xi1>, vector<128x1536xf32>
    %reduce_max3A_261 = arith.constant dense<0xFF800000> : vector<128xf32>
    %reduce_max3A_262 = vector.multi_reduction <maximumf>, %select_n3A_260, %reduce_max3A_261 [1] : vector<128x1536xf32> to vector<128xf32>
    %broadcast_in_dim3A_263 = vector.shape_cast %reduce_max3A_262 : vector<128xf32> to vector<128x1xf32>
    %sub3A_264 = vector.broadcast %broadcast_in_dim3A_263 : vector<128x1xf32> to vector<128x1536xf32>
    %sub3A_265 = arith.subf %select_n3A_260, %sub3A_264 : vector<128x1536xf32>
    %exp3A_266 = math.exp %sub3A_265 : vector<128x1536xf32>
    %reduce_sum3A_267 = arith.constant dense<0.000000e+00> : vector<128xf32>
    %reduce_sum3A_268 = vector.multi_reduction <add>, %exp3A_266, %reduce_sum3A_267 [1] : vector<128x1536xf32> to vector<128xf32>
    %broadcast_in_dim3A_269 = vector.shape_cast %reduce_sum3A_268 : vector<128xf32> to vector<128x1xf32>
    %div3A_270 = vector.broadcast %broadcast_in_dim3A_269 : vector<128x1xf32> to vector<128x1536xf32>
    %div3A_271 = arith.divf %exp3A_266, %div3A_270 : vector<128x1536xf32>
    %convert_element_type3A_272 = arith.truncf %div3A_271 : vector<128x1536xf32> to vector<128x1536xbf16>
    %dot_general3A_273 = arith.constant dense<0.000000e+00> : vector<128x64xf32>
    %dot_general3A_274 = tpu.matmul %convert_element_type3A_272, %get3A_253, %dot_general3A_273 {dimension_numbers = #tpu.dot_dimension_numbers<[1], [0], [0], [1], [0, 0, 1, 1], [], []>, transpose_lhs_hint = false} : vector<128x1536xbf16>, vector<1536x64xbf16>, vector<128x64xf32> -> vector<128x64xf32>
    %swap3A_275 = arith.constant 0 : index
    %swap3A_276 = arith.constant 448 : index
    %swap3A_277 = vector.load %arg4[%swap3A_275, %swap3A_276] : memref<128x768xf32, #tpu.memory_space<vmem>>, vector<128x64xf32>
    tpu.vector_store %arg4[%swap3A_275, %swap3A_276], %dot_general3A_274 {strides = array<i32>} : memref<128x768xf32, #tpu.memory_space<vmem>>, vector<128x64xf32>,
    %slice3A_278 = vector.extract_strided_slice %get3A_2 {offsets = [0, 512], sizes = [128, 64], strides = [1, 1]} : vector<128x768xbf16> to vector<128x64xbf16>
    %get3A_279 = arith.constant 2 : index
    %get3A_280 = arith.constant 0 : index
    %get3A_281 = arith.constant 0 : index
    %get3A_282 = vector.load %arg2[%get3A_279, %get3A_280, %get3A_281] : memref<4x1536x64xbf16, #tpu.memory_space<vmem>>, vector<1x1536x64xbf16>
    %get3A_283 = vector.shape_cast %get3A_282 : vector<1x1536x64xbf16> to vector<1536x64xbf16>
    %get3A_284 = arith.constant 2 : index
    %get3A_285 = arith.constant 0 : index
    %get3A_286 = arith.constant 0 : index
    %get3A_287 = vector.load %arg3[%get3A_284, %get3A_285, %get3A_286] : memref<4x1536x64xbf16, #tpu.memory_space<vmem>>, vector<1x1536x64xbf16>
    %get3A_288 = vector.shape_cast %get3A_287 : vector<1x1536x64xbf16> to vector<1536x64xbf16>
    %dot_general3A_289 = arith.constant dense<0.000000e+00> : vector<128x1536xf32>
    %dot_general3A_290 = tpu.matmul %slice3A_278, %get3A_283, %dot_general3A_289 {dimension_numbers = #tpu.dot_dimension_numbers<[1], [1], [0], [0], [0, 0, 1, 0], [], []>, transpose_lhs_hint = false} : vector<128x64xbf16>, vector<1536x64xbf16>, vector<128x1536xf32> -> vector<128x1536xf32>
    %mul3A_291 = vector.broadcast %div3A_4 : f32 to vector<128x1536xf32>
    %mul3A_292 = arith.mulf %dot_general3A_290, %mul3A_291 : vector<128x1536xf32>
    %jit3A_293 = arith.constant 0xFF800000 : f32
    %broadcast_in_dim3A_294 = vector.broadcast %jit3A_293 : f32 to vector<128x1536xf32>
    %select_n3A_295 = arith.select %le3A, %mul3A_292, %broadcast_in_dim3A_294 : vector<128x1536xi1>, vector<128x1536xf32>
    %reduce_max3A_296 = arith.constant dense<0xFF800000> : vector<128xf32>
    %reduce_max3A_297 = vector.multi_reduction <maximumf>, %select_n3A_295, %reduce_max3A_296 [1] : vector<128x1536xf32> to vector<128xf32>
    %broadcast_in_dim3A_298 = vector.shape_cast %reduce_max3A_297 : vector<128xf32> to vector<128x1xf32>
    %sub3A_299 = vector.broadcast %broadcast_in_dim3A_298 : vector<128x1xf32> to vector<128x1536xf32>
    %sub3A_300 = arith.subf %select_n3A_295, %sub3A_299 : vector<128x1536xf32>
    %exp3A_301 = math.exp %sub3A_300 : vector<128x1536xf32>
    %reduce_sum3A_302 = arith.constant dense<0.000000e+00> : vector<128xf32>
    %reduce_sum3A_303 = vector.multi_reduction <add>, %exp3A_301, %reduce_sum3A_302 [1] : vector<128x1536xf32> to vector<128xf32>
    %broadcast_in_dim3A_304 = vector.shape_cast %reduce_sum3A_303 : vector<128xf32> to vector<128x1xf32>
    %div3A_305 = vector.broadcast %broadcast_in_dim3A_304 : vector<128x1xf32> to vector<128x1536xf32>
    %div3A_306 = arith.divf %exp3A_301, %div3A_305 : vector<128x1536xf32>
    %convert_element_type3A_307 = arith.truncf %div3A_306 : vector<128x1536xf32> to vector<128x1536xbf16>
    %dot_general3A_308 = arith.constant dense<0.000000e+00> : vector<128x64xf32>
    %dot_general3A_309 = tpu.matmul %convert_element_type3A_307, %get3A_288, %dot_general3A_308 {dimension_numbers = #tpu.dot_dimension_numbers<[1], [0], [0], [1], [0, 0, 1, 1], [], []>, transpose_lhs_hint = false} : vector<128x1536xbf16>, vector<1536x64xbf16>, vector<128x64xf32> -> vector<128x64xf32>
    %swap3A_310 = arith.constant 0 : index
    %swap3A_311 = arith.constant 512 : index
    %swap3A_312 = vector.load %arg4[%swap3A_310, %swap3A_311] : memref<128x768xf32, #tpu.memory_space<vmem>>, vector<128x64xf32>
    tpu.vector_store %arg4[%swap3A_310, %swap3A_311], %dot_general3A_309 {strides = array<i32>} : memref<128x768xf32, #tpu.memory_space<vmem>>, vector<128x64xf32>,
    %slice3A_313 = vector.extract_strided_slice %get3A_2 {offsets = [0, 576], sizes = [128, 64], strides = [1, 1]} : vector<128x768xbf16> to vector<128x64xbf16>
    %get3A_314 = arith.constant 3 : index
    %get3A_315 = arith.constant 0 : index
    %get3A_316 = arith.constant 0 : index
    %get3A_317 = vector.load %arg2[%get3A_314, %get3A_315, %get3A_316] : memref<4x1536x64xbf16, #tpu.memory_space<vmem>>, vector<1x1536x64xbf16>
    %get3A_318 = vector.shape_cast %get3A_317 : vector<1x1536x64xbf16> to vector<1536x64xbf16>
    %get3A_319 = arith.constant 3 : index
    %get3A_320 = arith.constant 0 : index
    %get3A_321 = arith.constant 0 : index
    %get3A_322 = vector.load %arg3[%get3A_319, %get3A_320, %get3A_321] : memref<4x1536x64xbf16, #tpu.memory_space<vmem>>, vector<1x1536x64xbf16>
    %get3A_323 = vector.shape_cast %get3A_322 : vector<1x1536x64xbf16> to vector<1536x64xbf16>
    %dot_general3A_324 = arith.constant dense<0.000000e+00> : vector<128x1536xf32>
    %dot_general3A_325 = tpu.matmul %slice3A_313, %get3A_318, %dot_general3A_324 {dimension_numbers = #tpu.dot_dimension_numbers<[1], [1], [0], [0], [0, 0, 1, 0], [], []>, transpose_lhs_hint = false} : vector<128x64xbf16>, vector<1536x64xbf16>, vector<128x1536xf32> -> vector<128x1536xf32>
    %mul3A_326 = vector.broadcast %div3A_4 : f32 to vector<128x1536xf32>
    %mul3A_327 = arith.mulf %dot_general3A_325, %mul3A_326 : vector<128x1536xf32>
    %jit3A_328 = arith.constant 0xFF800000 : f32
    %broadcast_in_dim3A_329 = vector.broadcast %jit3A_328 : f32 to vector<128x1536xf32>
    %select_n3A_330 = arith.select %le3A, %mul3A_327, %broadcast_in_dim3A_329 : vector<128x1536xi1>, vector<128x1536xf32>
    %reduce_max3A_331 = arith.constant dense<0xFF800000> : vector<128xf32>
    %reduce_max3A_332 = vector.multi_reduction <maximumf>, %select_n3A_330, %reduce_max3A_331 [1] : vector<128x1536xf32> to vector<128xf32>
    %broadcast_in_dim3A_333 = vector.shape_cast %reduce_max3A_332 : vector<128xf32> to vector<128x1xf32>
    %sub3A_334 = vector.broadcast %broadcast_in_dim3A_333 : vector<128x1xf32> to vector<128x1536xf32>
    %sub3A_335 = arith.subf %select_n3A_330, %sub3A_334 : vector<128x1536xf32>
    %exp3A_336 = math.exp %sub3A_335 : vector<128x1536xf32>
    %reduce_sum3A_337 = arith.constant dense<0.000000e+00> : vector<128xf32>
    %reduce_sum3A_338 = vector.multi_reduction <add>, %exp3A_336, %reduce_sum3A_337 [1] : vector<128x1536xf32> to vector<128xf32>
    %broadcast_in_dim3A_339 = vector.shape_cast %reduce_sum3A_338 : vector<128xf32> to vector<128x1xf32>
    %div3A_340 = vector.broadcast %broadcast_in_dim3A_339 : vector<128x1xf32> to vector<128x1536xf32>
    %div3A_341 = arith.divf %exp3A_336, %div3A_340 : vector<128x1536xf32>
    %convert_element_type3A_342 = arith.truncf %div3A_341 : vector<128x1536xf32> to vector<128x1536xbf16>
    %dot_general3A_343 = arith.constant dense<0.000000e+00> : vector<128x64xf32>
    %dot_general3A_344 = tpu.matmul %convert_element_type3A_342, %get3A_323, %dot_general3A_343 {dimension_numbers = #tpu.dot_dimension_numbers<[1], [0], [0], [1], [0, 0, 1, 1], [], []>, transpose_lhs_hint = false} : vector<128x1536xbf16>, vector<1536x64xbf16>, vector<128x64xf32> -> vector<128x64xf32>
    %swap3A_345 = arith.constant 0 : index
    %swap3A_346 = arith.constant 576 : index
    %swap3A_347 = vector.load %arg4[%swap3A_345, %swap3A_346] : memref<128x768xf32, #tpu.memory_space<vmem>>, vector<128x64xf32>
    tpu.vector_store %arg4[%swap3A_345, %swap3A_346], %dot_general3A_344 {strides = array<i32>} : memref<128x768xf32, #tpu.memory_space<vmem>>, vector<128x64xf32>,
    %slice3A_348 = vector.extract_strided_slice %get3A_2 {offsets = [0, 640], sizes = [128, 64], strides = [1, 1]} : vector<128x768xbf16> to vector<128x64xbf16>
    %get3A_349 = arith.constant 3 : index
    %get3A_350 = arith.constant 0 : index
    %get3A_351 = arith.constant 0 : index
    %get3A_352 = vector.load %arg2[%get3A_349, %get3A_350, %get3A_351] : memref<4x1536x64xbf16, #tpu.memory_space<vmem>>, vector<1x1536x64xbf16>
    %get3A_353 = vector.shape_cast %get3A_352 : vector<1x1536x64xbf16> to vector<1536x64xbf16>
    %get3A_354 = arith.constant 3 : index
    %get3A_355 = arith.constant 0 : index
    %get3A_356 = arith.constant 0 : index
    %get3A_357 = vector.load %arg3[%get3A_354, %get3A_355, %get3A_356] : memref<4x1536x64xbf16, #tpu.memory_space<vmem>>, vector<1x1536x64xbf16>
    %get3A_358 = vector.shape_cast %get3A_357 : vector<1x1536x64xbf16> to vector<1536x64xbf16>
    %dot_general3A_359 = arith.constant dense<0.000000e+00> : vector<128x1536xf32>
    %dot_general3A_360 = tpu.matmul %slice3A_348, %get3A_353, %dot_general3A_359 {dimension_numbers = #tpu.dot_dimension_numbers<[1], [1], [0], [0], [0, 0, 1, 0], [], []>, transpose_lhs_hint = false} : vector<128x64xbf16>, vector<1536x64xbf16>, vector<128x1536xf32> -> vector<128x1536xf32>
    %mul3A_361 = vector.broadcast %div3A_4 : f32 to vector<128x1536xf32>
    %mul3A_362 = arith.mulf %dot_general3A_360, %mul3A_361 : vector<128x1536xf32>
    %jit3A_363 = arith.constant 0xFF800000 : f32
    %broadcast_in_dim3A_364 = vector.broadcast %jit3A_363 : f32 to vector<128x1536xf32>
    %select_n3A_365 = arith.select %le3A, %mul3A_362, %broadcast_in_dim3A_364 : vector<128x1536xi1>, vector<128x1536xf32>
    %reduce_max3A_366 = arith.constant dense<0xFF800000> : vector<128xf32>
    %reduce_max3A_367 = vector.multi_reduction <maximumf>, %select_n3A_365, %reduce_max3A_366 [1] : vector<128x1536xf32> to vector<128xf32>
    %broadcast_in_dim3A_368 = vector.shape_cast %reduce_max3A_367 : vector<128xf32> to vector<128x1xf32>
    %sub3A_369 = vector.broadcast %broadcast_in_dim3A_368 : vector<128x1xf32> to vector<128x1536xf32>
    %sub3A_370 = arith.subf %select_n3A_365, %sub3A_369 : vector<128x1536xf32>
    %exp3A_371 = math.exp %sub3A_370 : vector<128x1536xf32>
    %reduce_sum3A_372 = arith.constant dense<0.000000e+00> : vector<128xf32>
    %reduce_sum3A_373 = vector.multi_reduction <add>, %exp3A_371, %reduce_sum3A_372 [1] : vector<128x1536xf32> to vector<128xf32>
    %broadcast_in_dim3A_374 = vector.shape_cast %reduce_sum3A_373 : vector<128xf32> to vector<128x1xf32>
    %div3A_375 = vector.broadcast %broadcast_in_dim3A_374 : vector<128x1xf32> to vector<128x1536xf32>
    %div3A_376 = arith.divf %exp3A_371, %div3A_375 : vector<128x1536xf32>
    %convert_element_type3A_377 = arith.truncf %div3A_376 : vector<128x1536xf32> to vector<128x1536xbf16>
    %dot_general3A_378 = arith.constant dense<0.000000e+00> : vector<128x64xf32>
    %dot_general3A_379 = tpu.matmul %convert_element_type3A_377, %get3A_358, %dot_general3A_378 {dimension_numbers = #tpu.dot_dimension_numbers<[1], [0], [0], [1], [0, 0, 1, 1], [], []>, transpose_lhs_hint = false} : vector<128x1536xbf16>, vector<1536x64xbf16>, vector<128x64xf32> -> vector<128x64xf32>
    %swap3A_380 = arith.constant 0 : index
    %swap3A_381 = arith.constant 640 : index
    %swap3A_382 = vector.load %arg4[%swap3A_380, %swap3A_381] : memref<128x768xf32, #tpu.memory_space<vmem>>, vector<128x64xf32>
    tpu.vector_store %arg4[%swap3A_380, %swap3A_381], %dot_general3A_379 {strides = array<i32>} : memref<128x768xf32, #tpu.memory_space<vmem>>, vector<128x64xf32>,
    %slice3A_383 = vector.extract_strided_slice %get3A_2 {offsets = [0, 704], sizes = [128, 64], strides = [1, 1]} : vector<128x768xbf16> to vector<128x64xbf16>
    %get3A_384 = arith.constant 3 : index
    %get3A_385 = arith.constant 0 : index
    %get3A_386 = arith.constant 0 : index
    %get3A_387 = vector.load %arg2[%get3A_384, %get3A_385, %get3A_386] : memref<4x1536x64xbf16, #tpu.memory_space<vmem>>, vector<1x1536x64xbf16>
    %get3A_388 = vector.shape_cast %get3A_387 : vector<1x1536x64xbf16> to vector<1536x64xbf16>
    %get3A_389 = arith.constant 3 : index
    %get3A_390 = arith.constant 0 : index
    %get3A_391 = arith.constant 0 : index
    %get3A_392 = vector.load %arg3[%get3A_389, %get3A_390, %get3A_391] : memref<4x1536x64xbf16, #tpu.memory_space<vmem>>, vector<1x1536x64xbf16>
    %get3A_393 = vector.shape_cast %get3A_392 : vector<1x1536x64xbf16> to vector<1536x64xbf16>
    %dot_general3A_394 = arith.constant dense<0.000000e+00> : vector<128x1536xf32>
    %dot_general3A_395 = tpu.matmul %slice3A_383, %get3A_388, %dot_general3A_394 {dimension_numbers = #tpu.dot_dimension_numbers<[1], [1], [0], [0], [0, 0, 1, 0], [], []>, transpose_lhs_hint = false} : vector<128x64xbf16>, vector<1536x64xbf16>, vector<128x1536xf32> -> vector<128x1536xf32>
    %mul3A_396 = vector.broadcast %div3A_4 : f32 to vector<128x1536xf32>
    %mul3A_397 = arith.mulf %dot_general3A_395, %mul3A_396 : vector<128x1536xf32>
    %jit3A_398 = arith.constant 0xFF800000 : f32
    %broadcast_in_dim3A_399 = vector.broadcast %jit3A_398 : f32 to vector<128x1536xf32>
    %select_n3A_400 = arith.select %le3A, %mul3A_397, %broadcast_in_dim3A_399 : vector<128x1536xi1>, vector<128x1536xf32>
    %reduce_max3A_401 = arith.constant dense<0xFF800000> : vector<128xf32>
    %reduce_max3A_402 = vector.multi_reduction <maximumf>, %select_n3A_400, %reduce_max3A_401 [1] : vector<128x1536xf32> to vector<128xf32>
    %broadcast_in_dim3A_403 = vector.shape_cast %reduce_max3A_402 : vector<128xf32> to vector<128x1xf32>
    %sub3A_404 = vector.broadcast %broadcast_in_dim3A_403 : vector<128x1xf32> to vector<128x1536xf32>
    %sub3A_405 = arith.subf %select_n3A_400, %sub3A_404 : vector<128x1536xf32>
    %exp3A_406 = math.exp %sub3A_405 : vector<128x1536xf32>
    %reduce_sum3A_407 = arith.constant dense<0.000000e+00> : vector<128xf32>
    %reduce_sum3A_408 = vector.multi_reduction <add>, %exp3A_406, %reduce_sum3A_407 [1] : vector<128x1536xf32> to vector<128xf32>
    %broadcast_in_dim3A_409 = vector.shape_cast %reduce_sum3A_408 : vector<128xf32> to vector<128x1xf32>
    %div3A_410 = vector.broadcast %broadcast_in_dim3A_409 : vector<128x1xf32> to vector<128x1536xf32>
    %div3A_411 = arith.divf %exp3A_406, %div3A_410 : vector<128x1536xf32>
    %convert_element_type3A_412 = arith.truncf %div3A_411 : vector<128x1536xf32> to vector<128x1536xbf16>
    %dot_general3A_413 = arith.constant dense<0.000000e+00> : vector<128x64xf32>
    %dot_general3A_414 = tpu.matmul %convert_element_type3A_412, %get3A_393, %dot_general3A_413 {dimension_numbers = #tpu.dot_dimension_numbers<[1], [0], [0], [1], [0, 0, 1, 1], [], []>, transpose_lhs_hint = false} : vector<128x1536xbf16>, vector<1536x64xbf16>, vector<128x64xf32> -> vector<128x64xf32>
    %swap3A_415 = arith.constant 0 : index
    %swap3A_416 = arith.constant 704 : index
    %swap3A_417 = vector.load %arg4[%swap3A_415, %swap3A_416] : memref<128x768xf32, #tpu.memory_space<vmem>>, vector<128x64xf32>
    tpu.vector_store %arg4[%swap3A_415, %swap3A_416], %dot_general3A_414 {strides = array<i32>} : memref<128x768xf32, #tpu.memory_space<vmem>>, vector<128x64xf32>,
    return
  }
  func.func @transform_0(%arg0: i32) -> (i32, i32) {
    %add3A = arith.constant 8 : i32
    %add3A_0 = arith.addi %arg0, %add3A : i32
    %c0_i32 = arith.constant 0 : i32
    %c0_i32_1 = arith.constant 0 : i32
    return %add3A_0, %c0_i32 : i32, i32
  }
  func.func @transform_1(%arg0: i32) -> (i32, i32, i32) {
    %c0_i32 = arith.constant 0 : i32
    %c0_i32_0 = arith.constant 0 : i32
    %c0_i32_1 = arith.constant 0 : i32
    %c0_i32_2 = arith.constant 0 : i32
    return %c0_i32, %c0_i32_0, %c0_i32_1 : i32, i32, i32
  }
  func.func @transform_2(%arg0: i32) -> (i32, i32, i32) {
    %c0_i32 = arith.constant 0 : i32
    %c0_i32_0 = arith.constant 0 : i32
    %c0_i32_1 = arith.constant 0 : i32
    %c0_i32_2 = arith.constant 0 : i32
    return %c0_i32, %c0_i32_0, %c0_i32_1 : i32, i32, i32
  }
  func.func @transform_3(%arg0: i32) -> (i32, i32) {
    %c0_i32 = arith.constant 0 : i32
    %c0_i32_0 = arith.constant 0 : i32
    return %arg0, %c0_i32 : i32, i32
  }
}

module attributes {stable_mosaic.version = 14 : i64} {
  func.func @_attn_band_body(%arg0: i32, %arg1: memref<128x768xbf16, #tpu.memory_space<vmem>>, %arg2: memref<4x1024x64xbf16, #tpu.memory_space<vmem>>, %arg3: memref<4x1024x64xbf16, #tpu.memory_space<vmem>>, %arg4: memref<128x768xf32, #tpu.memory_space<vmem>>) attributes {dimension_semantics = [#tpu.dimension_semantics<arbitrary>], iteration_bounds = array<i64: 4>, scalar_prefetch = 0 : i64, scratch_operands = 0 : i64, tpu.core_type = #tpu.core_type<tc>, window_params = [{transform_indices = @transform_0, window_bounds = array<i64: 128, 768>}, {transform_indices = @transform_1, window_bounds = array<i64: 4, 1024, 64>}, {transform_indices = @transform_2, window_bounds = array<i64: 4, 1024, 64>}, {transform_indices = @transform_3, window_bounds = array<i64: 128, 768>}]} {
    %add3A = arith.constant 4 : i32
    %add3A_0 = arith.addi %add3A, %arg0 : i32
    %get3A = arith.constant 0 : index
    %get3A_1 = arith.constant 0 : index
    %get3A_2 = vector.load %arg1[%get3A, %get3A_1] : memref<128x768xbf16, #tpu.memory_space<vmem>>, vector<128x768xbf16>
    %sqrt3A = arith.constant 6.400000e+01 : f32
    %sqrt3A_3 = math.sqrt %sqrt3A : f32
    %div3A = arith.constant 1.000000e+00 : f32
    %div3A_4 = arith.divf %div3A, %sqrt3A_3 : f32
    %mul3A = arith.constant 128 : i32
    %mul3A_5 = arith.muli %add3A_0, %mul3A : i32
    %iota3A = tpu.iota {dimensions = array<i32: 0>} : vector<128x1024xi32>
    %add3A_6 = vector.broadcast %mul3A_5 : i32 to vector<128x1024xi32>
    %add3A_7 = arith.addi %add3A_6, %iota3A : vector<128x1024xi32>
    %iota3A_8 = tpu.iota {dimensions = array<i32: 1>} : vector<128x1024xi32>
    %le3A = arith.cmpi sle, %iota3A_8, %add3A_7 : vector<128x1024xi32>
    %slice3A = vector.extract_strided_slice %get3A_2 {offsets = [0, 0], sizes = [128, 64], strides = [1, 1]} : vector<128x768xbf16> to vector<128x64xbf16>
    %get3A_9 = arith.constant 0 : index
    %get3A_10 = arith.constant 0 : index
    %get3A_11 = arith.constant 0 : index
    %get3A_12 = vector.load %arg2[%get3A_9, %get3A_10, %get3A_11] : memref<4x1024x64xbf16, #tpu.memory_space<vmem>>, vector<1x1024x64xbf16>
    %get3A_13 = vector.shape_cast %get3A_12 : vector<1x1024x64xbf16> to vector<1024x64xbf16>
    %get3A_14 = arith.constant 0 : index
    %get3A_15 = arith.constant 0 : index
    %get3A_16 = arith.constant 0 : index
    %get3A_17 = vector.load %arg3[%get3A_14, %get3A_15, %get3A_16] : memref<4x1024x64xbf16, #tpu.memory_space<vmem>>, vector<1x1024x64xbf16>
    %get3A_18 = vector.shape_cast %get3A_17 : vector<1x1024x64xbf16> to vector<1024x64xbf16>
    %dot_general3A = arith.constant dense<0.000000e+00> : vector<128x1024xf32>
    %dot_general3A_19 = tpu.matmul %slice3A, %get3A_13, %dot_general3A {dimension_numbers = #tpu.dot_dimension_numbers<[1], [1], [0], [0], [0, 0, 1, 0], [], []>, transpose_lhs_hint = false} : vector<128x64xbf16>, vector<1024x64xbf16>, vector<128x1024xf32> -> vector<128x1024xf32>
    %mul3A_20 = vector.broadcast %div3A_4 : f32 to vector<128x1024xf32>
    %mul3A_21 = arith.mulf %dot_general3A_19, %mul3A_20 : vector<128x1024xf32>
    %jit3A = arith.constant 0xFF800000 : f32
    %broadcast_in_dim3A = vector.broadcast %jit3A : f32 to vector<128x1024xf32>
    %select_n3A = arith.select %le3A, %mul3A_21, %broadcast_in_dim3A : vector<128x1024xi1>, vector<128x1024xf32>
    %reduce_max3A = arith.constant dense<0xFF800000> : vector<128xf32>
    %reduce_max3A_22 = vector.multi_reduction <maximumf>, %select_n3A, %reduce_max3A [1] : vector<128x1024xf32> to vector<128xf32>
    %broadcast_in_dim3A_23 = vector.shape_cast %reduce_max3A_22 : vector<128xf32> to vector<128x1xf32>
    %sub3A = vector.broadcast %broadcast_in_dim3A_23 : vector<128x1xf32> to vector<128x1024xf32>
    %sub3A_24 = arith.subf %select_n3A, %sub3A : vector<128x1024xf32>
    %exp3A = math.exp %sub3A_24 : vector<128x1024xf32>
    %reduce_sum3A = arith.constant dense<0.000000e+00> : vector<128xf32>
    %reduce_sum3A_25 = vector.multi_reduction <add>, %exp3A, %reduce_sum3A [1] : vector<128x1024xf32> to vector<128xf32>
    %broadcast_in_dim3A_26 = vector.shape_cast %reduce_sum3A_25 : vector<128xf32> to vector<128x1xf32>
    %div3A_27 = vector.broadcast %broadcast_in_dim3A_26 : vector<128x1xf32> to vector<128x1024xf32>
    %div3A_28 = arith.divf %exp3A, %div3A_27 : vector<128x1024xf32>
    %convert_element_type3A = arith.truncf %div3A_28 : vector<128x1024xf32> to vector<128x1024xbf16>
    %dot_general3A_29 = arith.constant dense<0.000000e+00> : vector<128x64xf32>
    %dot_general3A_30 = tpu.matmul %convert_element_type3A, %get3A_18, %dot_general3A_29 {dimension_numbers = #tpu.dot_dimension_numbers<[1], [0], [0], [1], [0, 0, 1, 1], [], []>, transpose_lhs_hint = false} : vector<128x1024xbf16>, vector<1024x64xbf16>, vector<128x64xf32> -> vector<128x64xf32>
    %swap3A = arith.constant 0 : index
    %swap3A_31 = arith.constant 0 : index
    %swap3A_32 = vector.load %arg4[%swap3A, %swap3A_31] : memref<128x768xf32, #tpu.memory_space<vmem>>, vector<128x64xf32>
    tpu.vector_store %arg4[%swap3A, %swap3A_31], %dot_general3A_30 {strides = array<i32>} : memref<128x768xf32, #tpu.memory_space<vmem>>, vector<128x64xf32>,
    %slice3A_33 = vector.extract_strided_slice %get3A_2 {offsets = [0, 64], sizes = [128, 64], strides = [1, 1]} : vector<128x768xbf16> to vector<128x64xbf16>
    %get3A_34 = arith.constant 0 : index
    %get3A_35 = arith.constant 0 : index
    %get3A_36 = arith.constant 0 : index
    %get3A_37 = vector.load %arg2[%get3A_34, %get3A_35, %get3A_36] : memref<4x1024x64xbf16, #tpu.memory_space<vmem>>, vector<1x1024x64xbf16>
    %get3A_38 = vector.shape_cast %get3A_37 : vector<1x1024x64xbf16> to vector<1024x64xbf16>
    %get3A_39 = arith.constant 0 : index
    %get3A_40 = arith.constant 0 : index
    %get3A_41 = arith.constant 0 : index
    %get3A_42 = vector.load %arg3[%get3A_39, %get3A_40, %get3A_41] : memref<4x1024x64xbf16, #tpu.memory_space<vmem>>, vector<1x1024x64xbf16>
    %get3A_43 = vector.shape_cast %get3A_42 : vector<1x1024x64xbf16> to vector<1024x64xbf16>
    %dot_general3A_44 = arith.constant dense<0.000000e+00> : vector<128x1024xf32>
    %dot_general3A_45 = tpu.matmul %slice3A_33, %get3A_38, %dot_general3A_44 {dimension_numbers = #tpu.dot_dimension_numbers<[1], [1], [0], [0], [0, 0, 1, 0], [], []>, transpose_lhs_hint = false} : vector<128x64xbf16>, vector<1024x64xbf16>, vector<128x1024xf32> -> vector<128x1024xf32>
    %mul3A_46 = vector.broadcast %div3A_4 : f32 to vector<128x1024xf32>
    %mul3A_47 = arith.mulf %dot_general3A_45, %mul3A_46 : vector<128x1024xf32>
    %jit3A_48 = arith.constant 0xFF800000 : f32
    %broadcast_in_dim3A_49 = vector.broadcast %jit3A_48 : f32 to vector<128x1024xf32>
    %select_n3A_50 = arith.select %le3A, %mul3A_47, %broadcast_in_dim3A_49 : vector<128x1024xi1>, vector<128x1024xf32>
    %reduce_max3A_51 = arith.constant dense<0xFF800000> : vector<128xf32>
    %reduce_max3A_52 = vector.multi_reduction <maximumf>, %select_n3A_50, %reduce_max3A_51 [1] : vector<128x1024xf32> to vector<128xf32>
    %broadcast_in_dim3A_53 = vector.shape_cast %reduce_max3A_52 : vector<128xf32> to vector<128x1xf32>
    %sub3A_54 = vector.broadcast %broadcast_in_dim3A_53 : vector<128x1xf32> to vector<128x1024xf32>
    %sub3A_55 = arith.subf %select_n3A_50, %sub3A_54 : vector<128x1024xf32>
    %exp3A_56 = math.exp %sub3A_55 : vector<128x1024xf32>
    %reduce_sum3A_57 = arith.constant dense<0.000000e+00> : vector<128xf32>
    %reduce_sum3A_58 = vector.multi_reduction <add>, %exp3A_56, %reduce_sum3A_57 [1] : vector<128x1024xf32> to vector<128xf32>
    %broadcast_in_dim3A_59 = vector.shape_cast %reduce_sum3A_58 : vector<128xf32> to vector<128x1xf32>
    %div3A_60 = vector.broadcast %broadcast_in_dim3A_59 : vector<128x1xf32> to vector<128x1024xf32>
    %div3A_61 = arith.divf %exp3A_56, %div3A_60 : vector<128x1024xf32>
    %convert_element_type3A_62 = arith.truncf %div3A_61 : vector<128x1024xf32> to vector<128x1024xbf16>
    %dot_general3A_63 = arith.constant dense<0.000000e+00> : vector<128x64xf32>
    %dot_general3A_64 = tpu.matmul %convert_element_type3A_62, %get3A_43, %dot_general3A_63 {dimension_numbers = #tpu.dot_dimension_numbers<[1], [0], [0], [1], [0, 0, 1, 1], [], []>, transpose_lhs_hint = false} : vector<128x1024xbf16>, vector<1024x64xbf16>, vector<128x64xf32> -> vector<128x64xf32>
    %swap3A_65 = arith.constant 0 : index
    %swap3A_66 = arith.constant 64 : index
    %swap3A_67 = vector.load %arg4[%swap3A_65, %swap3A_66] : memref<128x768xf32, #tpu.memory_space<vmem>>, vector<128x64xf32>
    tpu.vector_store %arg4[%swap3A_65, %swap3A_66], %dot_general3A_64 {strides = array<i32>} : memref<128x768xf32, #tpu.memory_space<vmem>>, vector<128x64xf32>,
    %slice3A_68 = vector.extract_strided_slice %get3A_2 {offsets = [0, 128], sizes = [128, 64], strides = [1, 1]} : vector<128x768xbf16> to vector<128x64xbf16>
    %get3A_69 = arith.constant 0 : index
    %get3A_70 = arith.constant 0 : index
    %get3A_71 = arith.constant 0 : index
    %get3A_72 = vector.load %arg2[%get3A_69, %get3A_70, %get3A_71] : memref<4x1024x64xbf16, #tpu.memory_space<vmem>>, vector<1x1024x64xbf16>
    %get3A_73 = vector.shape_cast %get3A_72 : vector<1x1024x64xbf16> to vector<1024x64xbf16>
    %get3A_74 = arith.constant 0 : index
    %get3A_75 = arith.constant 0 : index
    %get3A_76 = arith.constant 0 : index
    %get3A_77 = vector.load %arg3[%get3A_74, %get3A_75, %get3A_76] : memref<4x1024x64xbf16, #tpu.memory_space<vmem>>, vector<1x1024x64xbf16>
    %get3A_78 = vector.shape_cast %get3A_77 : vector<1x1024x64xbf16> to vector<1024x64xbf16>
    %dot_general3A_79 = arith.constant dense<0.000000e+00> : vector<128x1024xf32>
    %dot_general3A_80 = tpu.matmul %slice3A_68, %get3A_73, %dot_general3A_79 {dimension_numbers = #tpu.dot_dimension_numbers<[1], [1], [0], [0], [0, 0, 1, 0], [], []>, transpose_lhs_hint = false} : vector<128x64xbf16>, vector<1024x64xbf16>, vector<128x1024xf32> -> vector<128x1024xf32>
    %mul3A_81 = vector.broadcast %div3A_4 : f32 to vector<128x1024xf32>
    %mul3A_82 = arith.mulf %dot_general3A_80, %mul3A_81 : vector<128x1024xf32>
    %jit3A_83 = arith.constant 0xFF800000 : f32
    %broadcast_in_dim3A_84 = vector.broadcast %jit3A_83 : f32 to vector<128x1024xf32>
    %select_n3A_85 = arith.select %le3A, %mul3A_82, %broadcast_in_dim3A_84 : vector<128x1024xi1>, vector<128x1024xf32>
    %reduce_max3A_86 = arith.constant dense<0xFF800000> : vector<128xf32>
    %reduce_max3A_87 = vector.multi_reduction <maximumf>, %select_n3A_85, %reduce_max3A_86 [1] : vector<128x1024xf32> to vector<128xf32>
    %broadcast_in_dim3A_88 = vector.shape_cast %reduce_max3A_87 : vector<128xf32> to vector<128x1xf32>
    %sub3A_89 = vector.broadcast %broadcast_in_dim3A_88 : vector<128x1xf32> to vector<128x1024xf32>
    %sub3A_90 = arith.subf %select_n3A_85, %sub3A_89 : vector<128x1024xf32>
    %exp3A_91 = math.exp %sub3A_90 : vector<128x1024xf32>
    %reduce_sum3A_92 = arith.constant dense<0.000000e+00> : vector<128xf32>
    %reduce_sum3A_93 = vector.multi_reduction <add>, %exp3A_91, %reduce_sum3A_92 [1] : vector<128x1024xf32> to vector<128xf32>
    %broadcast_in_dim3A_94 = vector.shape_cast %reduce_sum3A_93 : vector<128xf32> to vector<128x1xf32>
    %div3A_95 = vector.broadcast %broadcast_in_dim3A_94 : vector<128x1xf32> to vector<128x1024xf32>
    %div3A_96 = arith.divf %exp3A_91, %div3A_95 : vector<128x1024xf32>
    %convert_element_type3A_97 = arith.truncf %div3A_96 : vector<128x1024xf32> to vector<128x1024xbf16>
    %dot_general3A_98 = arith.constant dense<0.000000e+00> : vector<128x64xf32>
    %dot_general3A_99 = tpu.matmul %convert_element_type3A_97, %get3A_78, %dot_general3A_98 {dimension_numbers = #tpu.dot_dimension_numbers<[1], [0], [0], [1], [0, 0, 1, 1], [], []>, transpose_lhs_hint = false} : vector<128x1024xbf16>, vector<1024x64xbf16>, vector<128x64xf32> -> vector<128x64xf32>
    %swap3A_100 = arith.constant 0 : index
    %swap3A_101 = arith.constant 128 : index
    %swap3A_102 = vector.load %arg4[%swap3A_100, %swap3A_101] : memref<128x768xf32, #tpu.memory_space<vmem>>, vector<128x64xf32>
    tpu.vector_store %arg4[%swap3A_100, %swap3A_101], %dot_general3A_99 {strides = array<i32>} : memref<128x768xf32, #tpu.memory_space<vmem>>, vector<128x64xf32>,
    %slice3A_103 = vector.extract_strided_slice %get3A_2 {offsets = [0, 192], sizes = [128, 64], strides = [1, 1]} : vector<128x768xbf16> to vector<128x64xbf16>
    %get3A_104 = arith.constant 1 : index
    %get3A_105 = arith.constant 0 : index
    %get3A_106 = arith.constant 0 : index
    %get3A_107 = vector.load %arg2[%get3A_104, %get3A_105, %get3A_106] : memref<4x1024x64xbf16, #tpu.memory_space<vmem>>, vector<1x1024x64xbf16>
    %get3A_108 = vector.shape_cast %get3A_107 : vector<1x1024x64xbf16> to vector<1024x64xbf16>
    %get3A_109 = arith.constant 1 : index
    %get3A_110 = arith.constant 0 : index
    %get3A_111 = arith.constant 0 : index
    %get3A_112 = vector.load %arg3[%get3A_109, %get3A_110, %get3A_111] : memref<4x1024x64xbf16, #tpu.memory_space<vmem>>, vector<1x1024x64xbf16>
    %get3A_113 = vector.shape_cast %get3A_112 : vector<1x1024x64xbf16> to vector<1024x64xbf16>
    %dot_general3A_114 = arith.constant dense<0.000000e+00> : vector<128x1024xf32>
    %dot_general3A_115 = tpu.matmul %slice3A_103, %get3A_108, %dot_general3A_114 {dimension_numbers = #tpu.dot_dimension_numbers<[1], [1], [0], [0], [0, 0, 1, 0], [], []>, transpose_lhs_hint = false} : vector<128x64xbf16>, vector<1024x64xbf16>, vector<128x1024xf32> -> vector<128x1024xf32>
    %mul3A_116 = vector.broadcast %div3A_4 : f32 to vector<128x1024xf32>
    %mul3A_117 = arith.mulf %dot_general3A_115, %mul3A_116 : vector<128x1024xf32>
    %jit3A_118 = arith.constant 0xFF800000 : f32
    %broadcast_in_dim3A_119 = vector.broadcast %jit3A_118 : f32 to vector<128x1024xf32>
    %select_n3A_120 = arith.select %le3A, %mul3A_117, %broadcast_in_dim3A_119 : vector<128x1024xi1>, vector<128x1024xf32>
    %reduce_max3A_121 = arith.constant dense<0xFF800000> : vector<128xf32>
    %reduce_max3A_122 = vector.multi_reduction <maximumf>, %select_n3A_120, %reduce_max3A_121 [1] : vector<128x1024xf32> to vector<128xf32>
    %broadcast_in_dim3A_123 = vector.shape_cast %reduce_max3A_122 : vector<128xf32> to vector<128x1xf32>
    %sub3A_124 = vector.broadcast %broadcast_in_dim3A_123 : vector<128x1xf32> to vector<128x1024xf32>
    %sub3A_125 = arith.subf %select_n3A_120, %sub3A_124 : vector<128x1024xf32>
    %exp3A_126 = math.exp %sub3A_125 : vector<128x1024xf32>
    %reduce_sum3A_127 = arith.constant dense<0.000000e+00> : vector<128xf32>
    %reduce_sum3A_128 = vector.multi_reduction <add>, %exp3A_126, %reduce_sum3A_127 [1] : vector<128x1024xf32> to vector<128xf32>
    %broadcast_in_dim3A_129 = vector.shape_cast %reduce_sum3A_128 : vector<128xf32> to vector<128x1xf32>
    %div3A_130 = vector.broadcast %broadcast_in_dim3A_129 : vector<128x1xf32> to vector<128x1024xf32>
    %div3A_131 = arith.divf %exp3A_126, %div3A_130 : vector<128x1024xf32>
    %convert_element_type3A_132 = arith.truncf %div3A_131 : vector<128x1024xf32> to vector<128x1024xbf16>
    %dot_general3A_133 = arith.constant dense<0.000000e+00> : vector<128x64xf32>
    %dot_general3A_134 = tpu.matmul %convert_element_type3A_132, %get3A_113, %dot_general3A_133 {dimension_numbers = #tpu.dot_dimension_numbers<[1], [0], [0], [1], [0, 0, 1, 1], [], []>, transpose_lhs_hint = false} : vector<128x1024xbf16>, vector<1024x64xbf16>, vector<128x64xf32> -> vector<128x64xf32>
    %swap3A_135 = arith.constant 0 : index
    %swap3A_136 = arith.constant 192 : index
    %swap3A_137 = vector.load %arg4[%swap3A_135, %swap3A_136] : memref<128x768xf32, #tpu.memory_space<vmem>>, vector<128x64xf32>
    tpu.vector_store %arg4[%swap3A_135, %swap3A_136], %dot_general3A_134 {strides = array<i32>} : memref<128x768xf32, #tpu.memory_space<vmem>>, vector<128x64xf32>,
    %slice3A_138 = vector.extract_strided_slice %get3A_2 {offsets = [0, 256], sizes = [128, 64], strides = [1, 1]} : vector<128x768xbf16> to vector<128x64xbf16>
    %get3A_139 = arith.constant 1 : index
    %get3A_140 = arith.constant 0 : index
    %get3A_141 = arith.constant 0 : index
    %get3A_142 = vector.load %arg2[%get3A_139, %get3A_140, %get3A_141] : memref<4x1024x64xbf16, #tpu.memory_space<vmem>>, vector<1x1024x64xbf16>
    %get3A_143 = vector.shape_cast %get3A_142 : vector<1x1024x64xbf16> to vector<1024x64xbf16>
    %get3A_144 = arith.constant 1 : index
    %get3A_145 = arith.constant 0 : index
    %get3A_146 = arith.constant 0 : index
    %get3A_147 = vector.load %arg3[%get3A_144, %get3A_145, %get3A_146] : memref<4x1024x64xbf16, #tpu.memory_space<vmem>>, vector<1x1024x64xbf16>
    %get3A_148 = vector.shape_cast %get3A_147 : vector<1x1024x64xbf16> to vector<1024x64xbf16>
    %dot_general3A_149 = arith.constant dense<0.000000e+00> : vector<128x1024xf32>
    %dot_general3A_150 = tpu.matmul %slice3A_138, %get3A_143, %dot_general3A_149 {dimension_numbers = #tpu.dot_dimension_numbers<[1], [1], [0], [0], [0, 0, 1, 0], [], []>, transpose_lhs_hint = false} : vector<128x64xbf16>, vector<1024x64xbf16>, vector<128x1024xf32> -> vector<128x1024xf32>
    %mul3A_151 = vector.broadcast %div3A_4 : f32 to vector<128x1024xf32>
    %mul3A_152 = arith.mulf %dot_general3A_150, %mul3A_151 : vector<128x1024xf32>
    %jit3A_153 = arith.constant 0xFF800000 : f32
    %broadcast_in_dim3A_154 = vector.broadcast %jit3A_153 : f32 to vector<128x1024xf32>
    %select_n3A_155 = arith.select %le3A, %mul3A_152, %broadcast_in_dim3A_154 : vector<128x1024xi1>, vector<128x1024xf32>
    %reduce_max3A_156 = arith.constant dense<0xFF800000> : vector<128xf32>
    %reduce_max3A_157 = vector.multi_reduction <maximumf>, %select_n3A_155, %reduce_max3A_156 [1] : vector<128x1024xf32> to vector<128xf32>
    %broadcast_in_dim3A_158 = vector.shape_cast %reduce_max3A_157 : vector<128xf32> to vector<128x1xf32>
    %sub3A_159 = vector.broadcast %broadcast_in_dim3A_158 : vector<128x1xf32> to vector<128x1024xf32>
    %sub3A_160 = arith.subf %select_n3A_155, %sub3A_159 : vector<128x1024xf32>
    %exp3A_161 = math.exp %sub3A_160 : vector<128x1024xf32>
    %reduce_sum3A_162 = arith.constant dense<0.000000e+00> : vector<128xf32>
    %reduce_sum3A_163 = vector.multi_reduction <add>, %exp3A_161, %reduce_sum3A_162 [1] : vector<128x1024xf32> to vector<128xf32>
    %broadcast_in_dim3A_164 = vector.shape_cast %reduce_sum3A_163 : vector<128xf32> to vector<128x1xf32>
    %div3A_165 = vector.broadcast %broadcast_in_dim3A_164 : vector<128x1xf32> to vector<128x1024xf32>
    %div3A_166 = arith.divf %exp3A_161, %div3A_165 : vector<128x1024xf32>
    %convert_element_type3A_167 = arith.truncf %div3A_166 : vector<128x1024xf32> to vector<128x1024xbf16>
    %dot_general3A_168 = arith.constant dense<0.000000e+00> : vector<128x64xf32>
    %dot_general3A_169 = tpu.matmul %convert_element_type3A_167, %get3A_148, %dot_general3A_168 {dimension_numbers = #tpu.dot_dimension_numbers<[1], [0], [0], [1], [0, 0, 1, 1], [], []>, transpose_lhs_hint = false} : vector<128x1024xbf16>, vector<1024x64xbf16>, vector<128x64xf32> -> vector<128x64xf32>
    %swap3A_170 = arith.constant 0 : index
    %swap3A_171 = arith.constant 256 : index
    %swap3A_172 = vector.load %arg4[%swap3A_170, %swap3A_171] : memref<128x768xf32, #tpu.memory_space<vmem>>, vector<128x64xf32>
    tpu.vector_store %arg4[%swap3A_170, %swap3A_171], %dot_general3A_169 {strides = array<i32>} : memref<128x768xf32, #tpu.memory_space<vmem>>, vector<128x64xf32>,
    %slice3A_173 = vector.extract_strided_slice %get3A_2 {offsets = [0, 320], sizes = [128, 64], strides = [1, 1]} : vector<128x768xbf16> to vector<128x64xbf16>
    %get3A_174 = arith.constant 1 : index
    %get3A_175 = arith.constant 0 : index
    %get3A_176 = arith.constant 0 : index
    %get3A_177 = vector.load %arg2[%get3A_174, %get3A_175, %get3A_176] : memref<4x1024x64xbf16, #tpu.memory_space<vmem>>, vector<1x1024x64xbf16>
    %get3A_178 = vector.shape_cast %get3A_177 : vector<1x1024x64xbf16> to vector<1024x64xbf16>
    %get3A_179 = arith.constant 1 : index
    %get3A_180 = arith.constant 0 : index
    %get3A_181 = arith.constant 0 : index
    %get3A_182 = vector.load %arg3[%get3A_179, %get3A_180, %get3A_181] : memref<4x1024x64xbf16, #tpu.memory_space<vmem>>, vector<1x1024x64xbf16>
    %get3A_183 = vector.shape_cast %get3A_182 : vector<1x1024x64xbf16> to vector<1024x64xbf16>
    %dot_general3A_184 = arith.constant dense<0.000000e+00> : vector<128x1024xf32>
    %dot_general3A_185 = tpu.matmul %slice3A_173, %get3A_178, %dot_general3A_184 {dimension_numbers = #tpu.dot_dimension_numbers<[1], [1], [0], [0], [0, 0, 1, 0], [], []>, transpose_lhs_hint = false} : vector<128x64xbf16>, vector<1024x64xbf16>, vector<128x1024xf32> -> vector<128x1024xf32>
    %mul3A_186 = vector.broadcast %div3A_4 : f32 to vector<128x1024xf32>
    %mul3A_187 = arith.mulf %dot_general3A_185, %mul3A_186 : vector<128x1024xf32>
    %jit3A_188 = arith.constant 0xFF800000 : f32
    %broadcast_in_dim3A_189 = vector.broadcast %jit3A_188 : f32 to vector<128x1024xf32>
    %select_n3A_190 = arith.select %le3A, %mul3A_187, %broadcast_in_dim3A_189 : vector<128x1024xi1>, vector<128x1024xf32>
    %reduce_max3A_191 = arith.constant dense<0xFF800000> : vector<128xf32>
    %reduce_max3A_192 = vector.multi_reduction <maximumf>, %select_n3A_190, %reduce_max3A_191 [1] : vector<128x1024xf32> to vector<128xf32>
    %broadcast_in_dim3A_193 = vector.shape_cast %reduce_max3A_192 : vector<128xf32> to vector<128x1xf32>
    %sub3A_194 = vector.broadcast %broadcast_in_dim3A_193 : vector<128x1xf32> to vector<128x1024xf32>
    %sub3A_195 = arith.subf %select_n3A_190, %sub3A_194 : vector<128x1024xf32>
    %exp3A_196 = math.exp %sub3A_195 : vector<128x1024xf32>
    %reduce_sum3A_197 = arith.constant dense<0.000000e+00> : vector<128xf32>
    %reduce_sum3A_198 = vector.multi_reduction <add>, %exp3A_196, %reduce_sum3A_197 [1] : vector<128x1024xf32> to vector<128xf32>
    %broadcast_in_dim3A_199 = vector.shape_cast %reduce_sum3A_198 : vector<128xf32> to vector<128x1xf32>
    %div3A_200 = vector.broadcast %broadcast_in_dim3A_199 : vector<128x1xf32> to vector<128x1024xf32>
    %div3A_201 = arith.divf %exp3A_196, %div3A_200 : vector<128x1024xf32>
    %convert_element_type3A_202 = arith.truncf %div3A_201 : vector<128x1024xf32> to vector<128x1024xbf16>
    %dot_general3A_203 = arith.constant dense<0.000000e+00> : vector<128x64xf32>
    %dot_general3A_204 = tpu.matmul %convert_element_type3A_202, %get3A_183, %dot_general3A_203 {dimension_numbers = #tpu.dot_dimension_numbers<[1], [0], [0], [1], [0, 0, 1, 1], [], []>, transpose_lhs_hint = false} : vector<128x1024xbf16>, vector<1024x64xbf16>, vector<128x64xf32> -> vector<128x64xf32>
    %swap3A_205 = arith.constant 0 : index
    %swap3A_206 = arith.constant 320 : index
    %swap3A_207 = vector.load %arg4[%swap3A_205, %swap3A_206] : memref<128x768xf32, #tpu.memory_space<vmem>>, vector<128x64xf32>
    tpu.vector_store %arg4[%swap3A_205, %swap3A_206], %dot_general3A_204 {strides = array<i32>} : memref<128x768xf32, #tpu.memory_space<vmem>>, vector<128x64xf32>,
    %slice3A_208 = vector.extract_strided_slice %get3A_2 {offsets = [0, 384], sizes = [128, 64], strides = [1, 1]} : vector<128x768xbf16> to vector<128x64xbf16>
    %get3A_209 = arith.constant 2 : index
    %get3A_210 = arith.constant 0 : index
    %get3A_211 = arith.constant 0 : index
    %get3A_212 = vector.load %arg2[%get3A_209, %get3A_210, %get3A_211] : memref<4x1024x64xbf16, #tpu.memory_space<vmem>>, vector<1x1024x64xbf16>
    %get3A_213 = vector.shape_cast %get3A_212 : vector<1x1024x64xbf16> to vector<1024x64xbf16>
    %get3A_214 = arith.constant 2 : index
    %get3A_215 = arith.constant 0 : index
    %get3A_216 = arith.constant 0 : index
    %get3A_217 = vector.load %arg3[%get3A_214, %get3A_215, %get3A_216] : memref<4x1024x64xbf16, #tpu.memory_space<vmem>>, vector<1x1024x64xbf16>
    %get3A_218 = vector.shape_cast %get3A_217 : vector<1x1024x64xbf16> to vector<1024x64xbf16>
    %dot_general3A_219 = arith.constant dense<0.000000e+00> : vector<128x1024xf32>
    %dot_general3A_220 = tpu.matmul %slice3A_208, %get3A_213, %dot_general3A_219 {dimension_numbers = #tpu.dot_dimension_numbers<[1], [1], [0], [0], [0, 0, 1, 0], [], []>, transpose_lhs_hint = false} : vector<128x64xbf16>, vector<1024x64xbf16>, vector<128x1024xf32> -> vector<128x1024xf32>
    %mul3A_221 = vector.broadcast %div3A_4 : f32 to vector<128x1024xf32>
    %mul3A_222 = arith.mulf %dot_general3A_220, %mul3A_221 : vector<128x1024xf32>
    %jit3A_223 = arith.constant 0xFF800000 : f32
    %broadcast_in_dim3A_224 = vector.broadcast %jit3A_223 : f32 to vector<128x1024xf32>
    %select_n3A_225 = arith.select %le3A, %mul3A_222, %broadcast_in_dim3A_224 : vector<128x1024xi1>, vector<128x1024xf32>
    %reduce_max3A_226 = arith.constant dense<0xFF800000> : vector<128xf32>
    %reduce_max3A_227 = vector.multi_reduction <maximumf>, %select_n3A_225, %reduce_max3A_226 [1] : vector<128x1024xf32> to vector<128xf32>
    %broadcast_in_dim3A_228 = vector.shape_cast %reduce_max3A_227 : vector<128xf32> to vector<128x1xf32>
    %sub3A_229 = vector.broadcast %broadcast_in_dim3A_228 : vector<128x1xf32> to vector<128x1024xf32>
    %sub3A_230 = arith.subf %select_n3A_225, %sub3A_229 : vector<128x1024xf32>
    %exp3A_231 = math.exp %sub3A_230 : vector<128x1024xf32>
    %reduce_sum3A_232 = arith.constant dense<0.000000e+00> : vector<128xf32>
    %reduce_sum3A_233 = vector.multi_reduction <add>, %exp3A_231, %reduce_sum3A_232 [1] : vector<128x1024xf32> to vector<128xf32>
    %broadcast_in_dim3A_234 = vector.shape_cast %reduce_sum3A_233 : vector<128xf32> to vector<128x1xf32>
    %div3A_235 = vector.broadcast %broadcast_in_dim3A_234 : vector<128x1xf32> to vector<128x1024xf32>
    %div3A_236 = arith.divf %exp3A_231, %div3A_235 : vector<128x1024xf32>
    %convert_element_type3A_237 = arith.truncf %div3A_236 : vector<128x1024xf32> to vector<128x1024xbf16>
    %dot_general3A_238 = arith.constant dense<0.000000e+00> : vector<128x64xf32>
    %dot_general3A_239 = tpu.matmul %convert_element_type3A_237, %get3A_218, %dot_general3A_238 {dimension_numbers = #tpu.dot_dimension_numbers<[1], [0], [0], [1], [0, 0, 1, 1], [], []>, transpose_lhs_hint = false} : vector<128x1024xbf16>, vector<1024x64xbf16>, vector<128x64xf32> -> vector<128x64xf32>
    %swap3A_240 = arith.constant 0 : index
    %swap3A_241 = arith.constant 384 : index
    %swap3A_242 = vector.load %arg4[%swap3A_240, %swap3A_241] : memref<128x768xf32, #tpu.memory_space<vmem>>, vector<128x64xf32>
    tpu.vector_store %arg4[%swap3A_240, %swap3A_241], %dot_general3A_239 {strides = array<i32>} : memref<128x768xf32, #tpu.memory_space<vmem>>, vector<128x64xf32>,
    %slice3A_243 = vector.extract_strided_slice %get3A_2 {offsets = [0, 448], sizes = [128, 64], strides = [1, 1]} : vector<128x768xbf16> to vector<128x64xbf16>
    %get3A_244 = arith.constant 2 : index
    %get3A_245 = arith.constant 0 : index
    %get3A_246 = arith.constant 0 : index
    %get3A_247 = vector.load %arg2[%get3A_244, %get3A_245, %get3A_246] : memref<4x1024x64xbf16, #tpu.memory_space<vmem>>, vector<1x1024x64xbf16>
    %get3A_248 = vector.shape_cast %get3A_247 : vector<1x1024x64xbf16> to vector<1024x64xbf16>
    %get3A_249 = arith.constant 2 : index
    %get3A_250 = arith.constant 0 : index
    %get3A_251 = arith.constant 0 : index
    %get3A_252 = vector.load %arg3[%get3A_249, %get3A_250, %get3A_251] : memref<4x1024x64xbf16, #tpu.memory_space<vmem>>, vector<1x1024x64xbf16>
    %get3A_253 = vector.shape_cast %get3A_252 : vector<1x1024x64xbf16> to vector<1024x64xbf16>
    %dot_general3A_254 = arith.constant dense<0.000000e+00> : vector<128x1024xf32>
    %dot_general3A_255 = tpu.matmul %slice3A_243, %get3A_248, %dot_general3A_254 {dimension_numbers = #tpu.dot_dimension_numbers<[1], [1], [0], [0], [0, 0, 1, 0], [], []>, transpose_lhs_hint = false} : vector<128x64xbf16>, vector<1024x64xbf16>, vector<128x1024xf32> -> vector<128x1024xf32>
    %mul3A_256 = vector.broadcast %div3A_4 : f32 to vector<128x1024xf32>
    %mul3A_257 = arith.mulf %dot_general3A_255, %mul3A_256 : vector<128x1024xf32>
    %jit3A_258 = arith.constant 0xFF800000 : f32
    %broadcast_in_dim3A_259 = vector.broadcast %jit3A_258 : f32 to vector<128x1024xf32>
    %select_n3A_260 = arith.select %le3A, %mul3A_257, %broadcast_in_dim3A_259 : vector<128x1024xi1>, vector<128x1024xf32>
    %reduce_max3A_261 = arith.constant dense<0xFF800000> : vector<128xf32>
    %reduce_max3A_262 = vector.multi_reduction <maximumf>, %select_n3A_260, %reduce_max3A_261 [1] : vector<128x1024xf32> to vector<128xf32>
    %broadcast_in_dim3A_263 = vector.shape_cast %reduce_max3A_262 : vector<128xf32> to vector<128x1xf32>
    %sub3A_264 = vector.broadcast %broadcast_in_dim3A_263 : vector<128x1xf32> to vector<128x1024xf32>
    %sub3A_265 = arith.subf %select_n3A_260, %sub3A_264 : vector<128x1024xf32>
    %exp3A_266 = math.exp %sub3A_265 : vector<128x1024xf32>
    %reduce_sum3A_267 = arith.constant dense<0.000000e+00> : vector<128xf32>
    %reduce_sum3A_268 = vector.multi_reduction <add>, %exp3A_266, %reduce_sum3A_267 [1] : vector<128x1024xf32> to vector<128xf32>
    %broadcast_in_dim3A_269 = vector.shape_cast %reduce_sum3A_268 : vector<128xf32> to vector<128x1xf32>
    %div3A_270 = vector.broadcast %broadcast_in_dim3A_269 : vector<128x1xf32> to vector<128x1024xf32>
    %div3A_271 = arith.divf %exp3A_266, %div3A_270 : vector<128x1024xf32>
    %convert_element_type3A_272 = arith.truncf %div3A_271 : vector<128x1024xf32> to vector<128x1024xbf16>
    %dot_general3A_273 = arith.constant dense<0.000000e+00> : vector<128x64xf32>
    %dot_general3A_274 = tpu.matmul %convert_element_type3A_272, %get3A_253, %dot_general3A_273 {dimension_numbers = #tpu.dot_dimension_numbers<[1], [0], [0], [1], [0, 0, 1, 1], [], []>, transpose_lhs_hint = false} : vector<128x1024xbf16>, vector<1024x64xbf16>, vector<128x64xf32> -> vector<128x64xf32>
    %swap3A_275 = arith.constant 0 : index
    %swap3A_276 = arith.constant 448 : index
    %swap3A_277 = vector.load %arg4[%swap3A_275, %swap3A_276] : memref<128x768xf32, #tpu.memory_space<vmem>>, vector<128x64xf32>
    tpu.vector_store %arg4[%swap3A_275, %swap3A_276], %dot_general3A_274 {strides = array<i32>} : memref<128x768xf32, #tpu.memory_space<vmem>>, vector<128x64xf32>,
    %slice3A_278 = vector.extract_strided_slice %get3A_2 {offsets = [0, 512], sizes = [128, 64], strides = [1, 1]} : vector<128x768xbf16> to vector<128x64xbf16>
    %get3A_279 = arith.constant 2 : index
    %get3A_280 = arith.constant 0 : index
    %get3A_281 = arith.constant 0 : index
    %get3A_282 = vector.load %arg2[%get3A_279, %get3A_280, %get3A_281] : memref<4x1024x64xbf16, #tpu.memory_space<vmem>>, vector<1x1024x64xbf16>
    %get3A_283 = vector.shape_cast %get3A_282 : vector<1x1024x64xbf16> to vector<1024x64xbf16>
    %get3A_284 = arith.constant 2 : index
    %get3A_285 = arith.constant 0 : index
    %get3A_286 = arith.constant 0 : index
    %get3A_287 = vector.load %arg3[%get3A_284, %get3A_285, %get3A_286] : memref<4x1024x64xbf16, #tpu.memory_space<vmem>>, vector<1x1024x64xbf16>
    %get3A_288 = vector.shape_cast %get3A_287 : vector<1x1024x64xbf16> to vector<1024x64xbf16>
    %dot_general3A_289 = arith.constant dense<0.000000e+00> : vector<128x1024xf32>
    %dot_general3A_290 = tpu.matmul %slice3A_278, %get3A_283, %dot_general3A_289 {dimension_numbers = #tpu.dot_dimension_numbers<[1], [1], [0], [0], [0, 0, 1, 0], [], []>, transpose_lhs_hint = false} : vector<128x64xbf16>, vector<1024x64xbf16>, vector<128x1024xf32> -> vector<128x1024xf32>
    %mul3A_291 = vector.broadcast %div3A_4 : f32 to vector<128x1024xf32>
    %mul3A_292 = arith.mulf %dot_general3A_290, %mul3A_291 : vector<128x1024xf32>
    %jit3A_293 = arith.constant 0xFF800000 : f32
    %broadcast_in_dim3A_294 = vector.broadcast %jit3A_293 : f32 to vector<128x1024xf32>
    %select_n3A_295 = arith.select %le3A, %mul3A_292, %broadcast_in_dim3A_294 : vector<128x1024xi1>, vector<128x1024xf32>
    %reduce_max3A_296 = arith.constant dense<0xFF800000> : vector<128xf32>
    %reduce_max3A_297 = vector.multi_reduction <maximumf>, %select_n3A_295, %reduce_max3A_296 [1] : vector<128x1024xf32> to vector<128xf32>
    %broadcast_in_dim3A_298 = vector.shape_cast %reduce_max3A_297 : vector<128xf32> to vector<128x1xf32>
    %sub3A_299 = vector.broadcast %broadcast_in_dim3A_298 : vector<128x1xf32> to vector<128x1024xf32>
    %sub3A_300 = arith.subf %select_n3A_295, %sub3A_299 : vector<128x1024xf32>
    %exp3A_301 = math.exp %sub3A_300 : vector<128x1024xf32>
    %reduce_sum3A_302 = arith.constant dense<0.000000e+00> : vector<128xf32>
    %reduce_sum3A_303 = vector.multi_reduction <add>, %exp3A_301, %reduce_sum3A_302 [1] : vector<128x1024xf32> to vector<128xf32>
    %broadcast_in_dim3A_304 = vector.shape_cast %reduce_sum3A_303 : vector<128xf32> to vector<128x1xf32>
    %div3A_305 = vector.broadcast %broadcast_in_dim3A_304 : vector<128x1xf32> to vector<128x1024xf32>
    %div3A_306 = arith.divf %exp3A_301, %div3A_305 : vector<128x1024xf32>
    %convert_element_type3A_307 = arith.truncf %div3A_306 : vector<128x1024xf32> to vector<128x1024xbf16>
    %dot_general3A_308 = arith.constant dense<0.000000e+00> : vector<128x64xf32>
    %dot_general3A_309 = tpu.matmul %convert_element_type3A_307, %get3A_288, %dot_general3A_308 {dimension_numbers = #tpu.dot_dimension_numbers<[1], [0], [0], [1], [0, 0, 1, 1], [], []>, transpose_lhs_hint = false} : vector<128x1024xbf16>, vector<1024x64xbf16>, vector<128x64xf32> -> vector<128x64xf32>
    %swap3A_310 = arith.constant 0 : index
    %swap3A_311 = arith.constant 512 : index
    %swap3A_312 = vector.load %arg4[%swap3A_310, %swap3A_311] : memref<128x768xf32, #tpu.memory_space<vmem>>, vector<128x64xf32>
    tpu.vector_store %arg4[%swap3A_310, %swap3A_311], %dot_general3A_309 {strides = array<i32>} : memref<128x768xf32, #tpu.memory_space<vmem>>, vector<128x64xf32>,
    %slice3A_313 = vector.extract_strided_slice %get3A_2 {offsets = [0, 576], sizes = [128, 64], strides = [1, 1]} : vector<128x768xbf16> to vector<128x64xbf16>
    %get3A_314 = arith.constant 3 : index
    %get3A_315 = arith.constant 0 : index
    %get3A_316 = arith.constant 0 : index
    %get3A_317 = vector.load %arg2[%get3A_314, %get3A_315, %get3A_316] : memref<4x1024x64xbf16, #tpu.memory_space<vmem>>, vector<1x1024x64xbf16>
    %get3A_318 = vector.shape_cast %get3A_317 : vector<1x1024x64xbf16> to vector<1024x64xbf16>
    %get3A_319 = arith.constant 3 : index
    %get3A_320 = arith.constant 0 : index
    %get3A_321 = arith.constant 0 : index
    %get3A_322 = vector.load %arg3[%get3A_319, %get3A_320, %get3A_321] : memref<4x1024x64xbf16, #tpu.memory_space<vmem>>, vector<1x1024x64xbf16>
    %get3A_323 = vector.shape_cast %get3A_322 : vector<1x1024x64xbf16> to vector<1024x64xbf16>
    %dot_general3A_324 = arith.constant dense<0.000000e+00> : vector<128x1024xf32>
    %dot_general3A_325 = tpu.matmul %slice3A_313, %get3A_318, %dot_general3A_324 {dimension_numbers = #tpu.dot_dimension_numbers<[1], [1], [0], [0], [0, 0, 1, 0], [], []>, transpose_lhs_hint = false} : vector<128x64xbf16>, vector<1024x64xbf16>, vector<128x1024xf32> -> vector<128x1024xf32>
    %mul3A_326 = vector.broadcast %div3A_4 : f32 to vector<128x1024xf32>
    %mul3A_327 = arith.mulf %dot_general3A_325, %mul3A_326 : vector<128x1024xf32>
    %jit3A_328 = arith.constant 0xFF800000 : f32
    %broadcast_in_dim3A_329 = vector.broadcast %jit3A_328 : f32 to vector<128x1024xf32>
    %select_n3A_330 = arith.select %le3A, %mul3A_327, %broadcast_in_dim3A_329 : vector<128x1024xi1>, vector<128x1024xf32>
    %reduce_max3A_331 = arith.constant dense<0xFF800000> : vector<128xf32>
    %reduce_max3A_332 = vector.multi_reduction <maximumf>, %select_n3A_330, %reduce_max3A_331 [1] : vector<128x1024xf32> to vector<128xf32>
    %broadcast_in_dim3A_333 = vector.shape_cast %reduce_max3A_332 : vector<128xf32> to vector<128x1xf32>
    %sub3A_334 = vector.broadcast %broadcast_in_dim3A_333 : vector<128x1xf32> to vector<128x1024xf32>
    %sub3A_335 = arith.subf %select_n3A_330, %sub3A_334 : vector<128x1024xf32>
    %exp3A_336 = math.exp %sub3A_335 : vector<128x1024xf32>
    %reduce_sum3A_337 = arith.constant dense<0.000000e+00> : vector<128xf32>
    %reduce_sum3A_338 = vector.multi_reduction <add>, %exp3A_336, %reduce_sum3A_337 [1] : vector<128x1024xf32> to vector<128xf32>
    %broadcast_in_dim3A_339 = vector.shape_cast %reduce_sum3A_338 : vector<128xf32> to vector<128x1xf32>
    %div3A_340 = vector.broadcast %broadcast_in_dim3A_339 : vector<128x1xf32> to vector<128x1024xf32>
    %div3A_341 = arith.divf %exp3A_336, %div3A_340 : vector<128x1024xf32>
    %convert_element_type3A_342 = arith.truncf %div3A_341 : vector<128x1024xf32> to vector<128x1024xbf16>
    %dot_general3A_343 = arith.constant dense<0.000000e+00> : vector<128x64xf32>
    %dot_general3A_344 = tpu.matmul %convert_element_type3A_342, %get3A_323, %dot_general3A_343 {dimension_numbers = #tpu.dot_dimension_numbers<[1], [0], [0], [1], [0, 0, 1, 1], [], []>, transpose_lhs_hint = false} : vector<128x1024xbf16>, vector<1024x64xbf16>, vector<128x64xf32> -> vector<128x64xf32>
    %swap3A_345 = arith.constant 0 : index
    %swap3A_346 = arith.constant 576 : index
    %swap3A_347 = vector.load %arg4[%swap3A_345, %swap3A_346] : memref<128x768xf32, #tpu.memory_space<vmem>>, vector<128x64xf32>
    tpu.vector_store %arg4[%swap3A_345, %swap3A_346], %dot_general3A_344 {strides = array<i32>} : memref<128x768xf32, #tpu.memory_space<vmem>>, vector<128x64xf32>,
    %slice3A_348 = vector.extract_strided_slice %get3A_2 {offsets = [0, 640], sizes = [128, 64], strides = [1, 1]} : vector<128x768xbf16> to vector<128x64xbf16>
    %get3A_349 = arith.constant 3 : index
    %get3A_350 = arith.constant 0 : index
    %get3A_351 = arith.constant 0 : index
    %get3A_352 = vector.load %arg2[%get3A_349, %get3A_350, %get3A_351] : memref<4x1024x64xbf16, #tpu.memory_space<vmem>>, vector<1x1024x64xbf16>
    %get3A_353 = vector.shape_cast %get3A_352 : vector<1x1024x64xbf16> to vector<1024x64xbf16>
    %get3A_354 = arith.constant 3 : index
    %get3A_355 = arith.constant 0 : index
    %get3A_356 = arith.constant 0 : index
    %get3A_357 = vector.load %arg3[%get3A_354, %get3A_355, %get3A_356] : memref<4x1024x64xbf16, #tpu.memory_space<vmem>>, vector<1x1024x64xbf16>
    %get3A_358 = vector.shape_cast %get3A_357 : vector<1x1024x64xbf16> to vector<1024x64xbf16>
    %dot_general3A_359 = arith.constant dense<0.000000e+00> : vector<128x1024xf32>
    %dot_general3A_360 = tpu.matmul %slice3A_348, %get3A_353, %dot_general3A_359 {dimension_numbers = #tpu.dot_dimension_numbers<[1], [1], [0], [0], [0, 0, 1, 0], [], []>, transpose_lhs_hint = false} : vector<128x64xbf16>, vector<1024x64xbf16>, vector<128x1024xf32> -> vector<128x1024xf32>
    %mul3A_361 = vector.broadcast %div3A_4 : f32 to vector<128x1024xf32>
    %mul3A_362 = arith.mulf %dot_general3A_360, %mul3A_361 : vector<128x1024xf32>
    %jit3A_363 = arith.constant 0xFF800000 : f32
    %broadcast_in_dim3A_364 = vector.broadcast %jit3A_363 : f32 to vector<128x1024xf32>
    %select_n3A_365 = arith.select %le3A, %mul3A_362, %broadcast_in_dim3A_364 : vector<128x1024xi1>, vector<128x1024xf32>
    %reduce_max3A_366 = arith.constant dense<0xFF800000> : vector<128xf32>
    %reduce_max3A_367 = vector.multi_reduction <maximumf>, %select_n3A_365, %reduce_max3A_366 [1] : vector<128x1024xf32> to vector<128xf32>
    %broadcast_in_dim3A_368 = vector.shape_cast %reduce_max3A_367 : vector<128xf32> to vector<128x1xf32>
    %sub3A_369 = vector.broadcast %broadcast_in_dim3A_368 : vector<128x1xf32> to vector<128x1024xf32>
    %sub3A_370 = arith.subf %select_n3A_365, %sub3A_369 : vector<128x1024xf32>
    %exp3A_371 = math.exp %sub3A_370 : vector<128x1024xf32>
    %reduce_sum3A_372 = arith.constant dense<0.000000e+00> : vector<128xf32>
    %reduce_sum3A_373 = vector.multi_reduction <add>, %exp3A_371, %reduce_sum3A_372 [1] : vector<128x1024xf32> to vector<128xf32>
    %broadcast_in_dim3A_374 = vector.shape_cast %reduce_sum3A_373 : vector<128xf32> to vector<128x1xf32>
    %div3A_375 = vector.broadcast %broadcast_in_dim3A_374 : vector<128x1xf32> to vector<128x1024xf32>
    %div3A_376 = arith.divf %exp3A_371, %div3A_375 : vector<128x1024xf32>
    %convert_element_type3A_377 = arith.truncf %div3A_376 : vector<128x1024xf32> to vector<128x1024xbf16>
    %dot_general3A_378 = arith.constant dense<0.000000e+00> : vector<128x64xf32>
    %dot_general3A_379 = tpu.matmul %convert_element_type3A_377, %get3A_358, %dot_general3A_378 {dimension_numbers = #tpu.dot_dimension_numbers<[1], [0], [0], [1], [0, 0, 1, 1], [], []>, transpose_lhs_hint = false} : vector<128x1024xbf16>, vector<1024x64xbf16>, vector<128x64xf32> -> vector<128x64xf32>
    %swap3A_380 = arith.constant 0 : index
    %swap3A_381 = arith.constant 640 : index
    %swap3A_382 = vector.load %arg4[%swap3A_380, %swap3A_381] : memref<128x768xf32, #tpu.memory_space<vmem>>, vector<128x64xf32>
    tpu.vector_store %arg4[%swap3A_380, %swap3A_381], %dot_general3A_379 {strides = array<i32>} : memref<128x768xf32, #tpu.memory_space<vmem>>, vector<128x64xf32>,
    %slice3A_383 = vector.extract_strided_slice %get3A_2 {offsets = [0, 704], sizes = [128, 64], strides = [1, 1]} : vector<128x768xbf16> to vector<128x64xbf16>
    %get3A_384 = arith.constant 3 : index
    %get3A_385 = arith.constant 0 : index
    %get3A_386 = arith.constant 0 : index
    %get3A_387 = vector.load %arg2[%get3A_384, %get3A_385, %get3A_386] : memref<4x1024x64xbf16, #tpu.memory_space<vmem>>, vector<1x1024x64xbf16>
    %get3A_388 = vector.shape_cast %get3A_387 : vector<1x1024x64xbf16> to vector<1024x64xbf16>
    %get3A_389 = arith.constant 3 : index
    %get3A_390 = arith.constant 0 : index
    %get3A_391 = arith.constant 0 : index
    %get3A_392 = vector.load %arg3[%get3A_389, %get3A_390, %get3A_391] : memref<4x1024x64xbf16, #tpu.memory_space<vmem>>, vector<1x1024x64xbf16>
    %get3A_393 = vector.shape_cast %get3A_392 : vector<1x1024x64xbf16> to vector<1024x64xbf16>
    %dot_general3A_394 = arith.constant dense<0.000000e+00> : vector<128x1024xf32>
    %dot_general3A_395 = tpu.matmul %slice3A_383, %get3A_388, %dot_general3A_394 {dimension_numbers = #tpu.dot_dimension_numbers<[1], [1], [0], [0], [0, 0, 1, 0], [], []>, transpose_lhs_hint = false} : vector<128x64xbf16>, vector<1024x64xbf16>, vector<128x1024xf32> -> vector<128x1024xf32>
    %mul3A_396 = vector.broadcast %div3A_4 : f32 to vector<128x1024xf32>
    %mul3A_397 = arith.mulf %dot_general3A_395, %mul3A_396 : vector<128x1024xf32>
    %jit3A_398 = arith.constant 0xFF800000 : f32
    %broadcast_in_dim3A_399 = vector.broadcast %jit3A_398 : f32 to vector<128x1024xf32>
    %select_n3A_400 = arith.select %le3A, %mul3A_397, %broadcast_in_dim3A_399 : vector<128x1024xi1>, vector<128x1024xf32>
    %reduce_max3A_401 = arith.constant dense<0xFF800000> : vector<128xf32>
    %reduce_max3A_402 = vector.multi_reduction <maximumf>, %select_n3A_400, %reduce_max3A_401 [1] : vector<128x1024xf32> to vector<128xf32>
    %broadcast_in_dim3A_403 = vector.shape_cast %reduce_max3A_402 : vector<128xf32> to vector<128x1xf32>
    %sub3A_404 = vector.broadcast %broadcast_in_dim3A_403 : vector<128x1xf32> to vector<128x1024xf32>
    %sub3A_405 = arith.subf %select_n3A_400, %sub3A_404 : vector<128x1024xf32>
    %exp3A_406 = math.exp %sub3A_405 : vector<128x1024xf32>
    %reduce_sum3A_407 = arith.constant dense<0.000000e+00> : vector<128xf32>
    %reduce_sum3A_408 = vector.multi_reduction <add>, %exp3A_406, %reduce_sum3A_407 [1] : vector<128x1024xf32> to vector<128xf32>
    %broadcast_in_dim3A_409 = vector.shape_cast %reduce_sum3A_408 : vector<128xf32> to vector<128x1xf32>
    %div3A_410 = vector.broadcast %broadcast_in_dim3A_409 : vector<128x1xf32> to vector<128x1024xf32>
    %div3A_411 = arith.divf %exp3A_406, %div3A_410 : vector<128x1024xf32>
    %convert_element_type3A_412 = arith.truncf %div3A_411 : vector<128x1024xf32> to vector<128x1024xbf16>
    %dot_general3A_413 = arith.constant dense<0.000000e+00> : vector<128x64xf32>
    %dot_general3A_414 = tpu.matmul %convert_element_type3A_412, %get3A_393, %dot_general3A_413 {dimension_numbers = #tpu.dot_dimension_numbers<[1], [0], [0], [1], [0, 0, 1, 1], [], []>, transpose_lhs_hint = false} : vector<128x1024xbf16>, vector<1024x64xbf16>, vector<128x64xf32> -> vector<128x64xf32>
    %swap3A_415 = arith.constant 0 : index
    %swap3A_416 = arith.constant 704 : index
    %swap3A_417 = vector.load %arg4[%swap3A_415, %swap3A_416] : memref<128x768xf32, #tpu.memory_space<vmem>>, vector<128x64xf32>
    tpu.vector_store %arg4[%swap3A_415, %swap3A_416], %dot_general3A_414 {strides = array<i32>} : memref<128x768xf32, #tpu.memory_space<vmem>>, vector<128x64xf32>,
    return
  }
  func.func @transform_0(%arg0: i32) -> (i32, i32) {
    %add3A = arith.constant 4 : i32
    %add3A_0 = arith.addi %arg0, %add3A : i32
    %c0_i32 = arith.constant 0 : i32
    %c0_i32_1 = arith.constant 0 : i32
    return %add3A_0, %c0_i32 : i32, i32
  }
  func.func @transform_1(%arg0: i32) -> (i32, i32, i32) {
    %c0_i32 = arith.constant 0 : i32
    %c0_i32_0 = arith.constant 0 : i32
    %c0_i32_1 = arith.constant 0 : i32
    %c0_i32_2 = arith.constant 0 : i32
    return %c0_i32, %c0_i32_0, %c0_i32_1 : i32, i32, i32
  }
  func.func @transform_2(%arg0: i32) -> (i32, i32, i32) {
    %c0_i32 = arith.constant 0 : i32
    %c0_i32_0 = arith.constant 0 : i32
    %c0_i32_1 = arith.constant 0 : i32
    %c0_i32_2 = arith.constant 0 : i32
    return %c0_i32, %c0_i32_0, %c0_i32_1 : i32, i32, i32
  }
  func.func @transform_3(%arg0: i32) -> (i32, i32) {
    %c0_i32 = arith.constant 0 : i32
    %c0_i32_0 = arith.constant 0 : i32
    return %arg0, %c0_i32 : i32, i32
  }
}

module attributes {stable_mosaic.version = 14 : i64} {
  func.func @_qkv_body(%arg0: i32, %arg1: memref<128x768xf32, #tpu.memory_space<vmem>>, %arg2: memref<128x768xf32, #tpu.memory_space<vmem>>, %arg3: memref<1x768xf32, #tpu.memory_space<vmem>>, %arg4: memref<3x768xf32, #tpu.memory_space<vmem>>, %arg5: memref<1280x768xf32, #tpu.memory_space<vmem>>, %arg6: memref<128x1280xf32, #tpu.memory_space<vmem>>, %arg7: memref<128x1280xf32, #tpu.memory_space<vmem>>, %arg8: memref<1280x16xf32, #tpu.memory_space<vmem>>, %arg9: memref<16x1280xf32, #tpu.memory_space<vmem>>, %arg10: memref<128x1280xbf16, #tpu.memory_space<vmem>>, %arg11: memref<4x128x64xbf16, #tpu.memory_space<vmem>>, %arg12: memref<4x128x64xbf16, #tpu.memory_space<vmem>>) attributes {dimension_semantics = [#tpu.dimension_semantics<arbitrary>], iteration_bounds = array<i64: 16>, scalar_prefetch = 0 : i64, scratch_operands = 0 : i64, tpu.core_type = #tpu.core_type<tc>, window_params = [{transform_indices = @transform_0, window_bounds = array<i64: 128, 768>}, {transform_indices = @transform_1, window_bounds = array<i64: 128, 768>}, {pipeline_mode = #tpu.pipeline_mode<synchronous>, transform_indices = @transform_2, window_bounds = array<i64: 1, 768>}, {pipeline_mode = #tpu.pipeline_mode<synchronous>, transform_indices = @transform_3, window_bounds = array<i64: 3, 768>}, {pipeline_mode = #tpu.pipeline_mode<synchronous>, transform_indices = @transform_4, window_bounds = array<i64: 1280, 768>}, {transform_indices = @transform_5, window_bounds = array<i64: 128, 1280>}, {transform_indices = @transform_6, window_bounds = array<i64: 128, 1280>}, {pipeline_mode = #tpu.pipeline_mode<synchronous>, transform_indices = @transform_7, window_bounds = array<i64: 1280, 16>}, {pipeline_mode = #tpu.pipeline_mode<synchronous>, transform_indices = @transform_8, window_bounds = array<i64: 16, 1280>}, {transform_indices = @transform_9, window_bounds = array<i64: 128, 1280>}, {transform_indices = @transform_10, window_bounds = array<i64: 4, 128, 64>}, {transform_indices = @transform_11, window_bounds = array<i64: 4, 128, 64>}]} {
    %get3A = arith.constant 0 : index
    %get3A_0 = arith.constant 0 : index
    %get3A_1 = vector.load %arg1[%get3A, %get3A_0] : memref<128x768xf32, #tpu.memory_space<vmem>>, vector<128x768xf32>
    %get3A_2 = arith.constant 0 : index
    %get3A_3 = arith.constant 0 : index
    %get3A_4 = vector.load %arg3[%get3A_2, %get3A_3] : memref<1x768xf32, #tpu.memory_space<vmem>>, vector<1x768xf32>
    %mul3A = arith.mulf %get3A_1, %get3A_1 : vector<128x768xf32>
    %reduce_sum3A = arith.constant dense<0.000000e+00> : vector<128xf32>
    %reduce_sum3A_5 = vector.multi_reduction <add>, %mul3A, %reduce_sum3A [1] : vector<128x768xf32> to vector<128xf32>
    %broadcast_in_dim3A = vector.shape_cast %reduce_sum3A_5 : vector<128xf32> to vector<128x1xf32>
    %div3A = arith.constant 7.680000e+02 : f32
    %div3A_6 = vector.broadcast %div3A : f32 to vector<128x1xf32>
    %div3A_7 = arith.divf %broadcast_in_dim3A, %div3A_6 : vector<128x1xf32>
    %add3A = arith.constant 9.99999997E-7 : f32
    %add3A_8 = vector.broadcast %add3A : f32 to vector<128x1xf32>
    %add3A_9 = arith.addf %div3A_7, %add3A_8 : vector<128x1xf32>
    %rsqrt3A = math.rsqrt %add3A_9 : vector<128x1xf32>
    %mul3A_10 = vector.broadcast %rsqrt3A : vector<128x1xf32> to vector<128x768xf32>
    %mul3A_11 = arith.mulf %get3A_1, %mul3A_10 : vector<128x768xf32>
    %mul3A_12 = vector.broadcast %get3A_4 : vector<1x768xf32> to vector<128x768xf32>
    %mul3A_13 = arith.mulf %mul3A_11, %mul3A_12 : vector<128x768xf32>
    %get3A_14 = arith.constant 0 : index
    %get3A_15 = arith.constant 0 : index
    %get3A_16 = vector.load %arg2[%get3A_14, %get3A_15] : memref<128x768xf32, #tpu.memory_space<vmem>>, vector<128x768xf32>
    %get3A_17 = arith.constant 0 : index
    %get3A_18 = arith.constant 0 : index
    %get3A_19 = vector.load %arg3[%get3A_17, %get3A_18] : memref<1x768xf32, #tpu.memory_space<vmem>>, vector<1x768xf32>
    %mul3A_20 = arith.mulf %get3A_16, %get3A_16 : vector<128x768xf32>
    %reduce_sum3A_21 = arith.constant dense<0.000000e+00> : vector<128xf32>
    %reduce_sum3A_22 = vector.multi_reduction <add>, %mul3A_20, %reduce_sum3A_21 [1] : vector<128x768xf32> to vector<128xf32>
    %broadcast_in_dim3A_23 = vector.shape_cast %reduce_sum3A_22 : vector<128xf32> to vector<128x1xf32>
    %div3A_24 = arith.constant 7.680000e+02 : f32
    %div3A_25 = vector.broadcast %div3A_24 : f32 to vector<128x1xf32>
    %div3A_26 = arith.divf %broadcast_in_dim3A_23, %div3A_25 : vector<128x1xf32>
    %add3A_27 = arith.constant 9.99999997E-7 : f32
    %add3A_28 = vector.broadcast %add3A_27 : f32 to vector<128x1xf32>
    %add3A_29 = arith.addf %div3A_26, %add3A_28 : vector<128x1xf32>
    %rsqrt3A_30 = math.rsqrt %add3A_29 : vector<128x1xf32>
    %mul3A_31 = vector.broadcast %rsqrt3A_30 : vector<128x1xf32> to vector<128x768xf32>
    %mul3A_32 = arith.mulf %get3A_16, %mul3A_31 : vector<128x768xf32>
    %mul3A_33 = vector.broadcast %get3A_19 : vector<1x768xf32> to vector<128x768xf32>
    %mul3A_34 = arith.mulf %mul3A_32, %mul3A_33 : vector<128x768xf32>
    %slice3A = vector.extract_strided_slice %mul3A_34 {offsets = [127, 0], sizes = [1, 768], strides = [1, 1]} : vector<128x768xf32> to vector<1x768xf32>
    %slice3A_35 = vector.extract_strided_slice %mul3A_13 {offsets = [0, 0], sizes = [127, 768], strides = [1, 1]} : vector<128x768xf32> to vector<127x768xf32>
    %concatenate3A = tpu.concatenate %slice3A, %slice3A_35 in 0 : vector<1x768xf32>, vector<127x768xf32> -> vector<128x768xf32>
    %slice3A_36 = vector.extract_strided_slice %mul3A_34 {offsets = [126, 0], sizes = [2, 768], strides = [1, 1]} : vector<128x768xf32> to vector<2x768xf32>
    %slice3A_37 = vector.extract_strided_slice %mul3A_13 {offsets = [0, 0], sizes = [126, 768], strides = [1, 1]} : vector<128x768xf32> to vector<126x768xf32>
    %concatenate3A_38 = tpu.concatenate %slice3A_36, %slice3A_37 in 0 : vector<2x768xf32>, vector<126x768xf32> -> vector<128x768xf32>
    %mul3A_39 = arith.constant 128 : i32
    %mul3A_40 = arith.muli %arg0, %mul3A_39 : i32
    %iota3A = tpu.iota {dimensions = array<i32: 0>} : vector<128x1xi32>
    %add3A_41 = vector.broadcast %mul3A_40 : i32 to vector<128x1xi32>
    %add3A_42 = arith.addi %add3A_41, %iota3A : vector<128x1xi32>
    %ge3A = arith.constant 1 : i32
    %ge3A_43 = vector.broadcast %ge3A : i32 to vector<128x1xi32>
    %ge3A_44 = arith.cmpi sge, %add3A_42, %ge3A_43 : vector<128x1xi32>
    %jit3A = arith.constant 0.000000e+00 : f32
    %broadcast_in_dim3A_45 = vector.shape_cast %ge3A_44 : vector<128x1xi1> to vector<128x1xi1>
    %broadcast_in_dim3A_46 = vector.broadcast %broadcast_in_dim3A_45 : vector<128x1xi1> to vector<128x768xi1>
    %broadcast_in_dim3A_47 = vector.broadcast %jit3A : f32 to vector<128x768xf32>
    %select_n3A = arith.select %broadcast_in_dim3A_46, %concatenate3A, %broadcast_in_dim3A_47 : vector<128x768xi1>, vector<128x768xf32>
    %ge3A_48 = arith.constant 2 : i32
    %ge3A_49 = vector.broadcast %ge3A_48 : i32 to vector<128x1xi32>
    %ge3A_50 = arith.cmpi sge, %add3A_42, %ge3A_49 : vector<128x1xi32>
    %jit3A_51 = arith.constant 0.000000e+00 : f32
    %broadcast_in_dim3A_52 = vector.shape_cast %ge3A_50 : vector<128x1xi1> to vector<128x1xi1>
    %broadcast_in_dim3A_53 = vector.broadcast %broadcast_in_dim3A_52 : vector<128x1xi1> to vector<128x768xi1>
    %broadcast_in_dim3A_54 = vector.broadcast %jit3A_51 : f32 to vector<128x768xf32>
    %select_n3A_55 = arith.select %broadcast_in_dim3A_53, %concatenate3A_38, %broadcast_in_dim3A_54 : vector<128x768xi1>, vector<128x768xf32>
    %get3A_56 = arith.constant 2 : index
    %get3A_57 = arith.constant 0 : index
    %get3A_58 = vector.load %arg4[%get3A_56, %get3A_57] : memref<3x768xf32, #tpu.memory_space<vmem>>, vector<1x768xf32>
    %mul3A_59 = vector.broadcast %get3A_58 : vector<1x768xf32> to vector<128x768xf32>
    %mul3A_60 = arith.mulf %mul3A_13, %mul3A_59 : vector<128x768xf32>
    %get3A_61 = arith.constant 1 : index
    %get3A_62 = arith.constant 0 : index
    %get3A_63 = vector.load %arg4[%get3A_61, %get3A_62] : memref<3x768xf32, #tpu.memory_space<vmem>>, vector<1x768xf32>
    %mul3A_64 = vector.broadcast %get3A_63 : vector<1x768xf32> to vector<128x768xf32>
    %mul3A_65 = arith.mulf %select_n3A, %mul3A_64 : vector<128x768xf32>
    %add3A_66 = arith.addf %mul3A_60, %mul3A_65 : vector<128x768xf32>
    %get3A_67 = arith.constant 0 : index
    %get3A_68 = arith.constant 0 : index
    %get3A_69 = vector.load %arg4[%get3A_67, %get3A_68] : memref<3x768xf32, #tpu.memory_space<vmem>>, vector<1x768xf32>
    %mul3A_70 = vector.broadcast %get3A_69 : vector<1x768xf32> to vector<128x768xf32>
    %mul3A_71 = arith.mulf %select_n3A_55, %mul3A_70 : vector<128x768xf32>
    %add3A_72 = arith.addf %add3A_66, %mul3A_71 : vector<128x768xf32>
    %get3A_73 = arith.constant 0 : index
    %get3A_74 = arith.constant 0 : index
    %get3A_75 = vector.load %arg5[%get3A_73, %get3A_74] : memref<1280x768xf32, #tpu.memory_space<vmem>>, vector<1280x768xf32>
    %transpose3A = tpu.transpose %get3A_75, [1, 0] : vector<1280x768xf32> -> vector<768x1280xf32>
    %dot_general3A = arith.constant dense<0.000000e+00> : vector<128x1280xf32>
    %dot_general3A_76 = tpu.matmul %add3A_72, %transpose3A, %dot_general3A {dimension_numbers = #tpu.dot_dimension_numbers<[1], [0], [0], [1], [0, 0, 1, 1], [], []>, transpose_lhs_hint = false} : vector<128x768xf32>, vector<768x1280xf32>, vector<128x1280xf32> -> vector<128x1280xf32>
    %iota3A_77 = tpu.iota {dimensions = array<i32: 1>} : vector<128x1280xi32>
    %jit3A_78 = arith.constant 64 : i32
    %eq3A = arith.constant 0 : i32
    %eq3A_79 = arith.cmpi eq, %jit3A_78, %eq3A : i32
    %jit3A_80 = arith.constant 1 : i32
    %select_n3A_81 = arith.select %eq3A_79, %jit3A_80, %jit3A_78 : i32
    %rem3A = vector.broadcast %select_n3A_81 : i32 to vector<128x1280xi32>
    %rem3A_82 = arith.remsi %iota3A_77, %rem3A : vector<128x1280xi32>
    %ne3A = arith.constant 0 : i32
    %ne3A_83 = vector.broadcast %ne3A : i32 to vector<128x1280xi32>
    %ne3A_84 = arith.cmpi ne, %rem3A_82, %ne3A_83 : vector<128x1280xi32>
    %lt3A = arith.constant 0 : i32
    %lt3A_85 = vector.broadcast %lt3A : i32 to vector<128x1280xi32>
    %lt3A_86 = arith.cmpi slt, %rem3A_82, %lt3A_85 : vector<128x1280xi32>
    %lt3A_87 = arith.constant 0 : i32
    %lt3A_88 = arith.cmpi slt, %select_n3A_81, %lt3A_87 : i32
    %ne3A_89 = vector.broadcast %lt3A_88 : i1 to vector<128x1280xi1>
    %ne3A_90 = vector.broadcast %ne3A_89 : vector<128x1280xi1> to vector<128x1280xi1>
    %ne3A_91 = arith.xori %lt3A_86, %ne3A_90 : vector<128x1280xi1>
    %and3A = arith.andi %ne3A_91, %ne3A_84 : vector<128x1280xi1>
    %add3A_92 = vector.broadcast %select_n3A_81 : i32 to vector<128x1280xi32>
    %add3A_93 = arith.addi %rem3A_82, %add3A_92 : vector<128x1280xi32>
    %select_n3A_94 = arith.select %and3A, %add3A_93, %rem3A_82 : vector<128x1280xi1>, vector<128x1280xi32>
    %lt3A_95 = arith.constant 32 : i32
    %lt3A_96 = vector.broadcast %lt3A_95 : i32 to vector<128x1280xi32>
    %lt3A_97 = arith.cmpi slt, %select_n3A_94, %lt3A_96 : vector<128x1280xi32>
    %roll3A = arith.constant 1248 : i32
    %roll3A_98 = tpu.dynamic_rotate %dot_general3A_76 by %roll3A dim 1 : vector<128x1280xf32>, i32 -> vector<128x1280xf32>
    %neg3A = arith.constant 0.000000e+00 : f32
    %neg3A_99 = vector.broadcast %neg3A : f32 to vector<128x1280xf32>
    %neg3A_100 = arith.subf %neg3A_99, %roll3A_98 : vector<128x1280xf32>
    %roll3A_101 = arith.constant 32 : i32
    %roll3A_102 = tpu.dynamic_rotate %dot_general3A_76 by %roll3A_101 dim 1 : vector<128x1280xf32>, i32 -> vector<128x1280xf32>
    %select_n3A_103 = arith.select %lt3A_97, %neg3A_100, %roll3A_102 : vector<128x1280xi1>, vector<128x1280xf32>
    %get3A_104 = arith.constant 0 : index
    %get3A_105 = arith.constant 0 : index
    %get3A_106 = vector.load %arg6[%get3A_104, %get3A_105] : memref<128x1280xf32, #tpu.memory_space<vmem>>, vector<128x1280xf32>
    %mul3A_107 = arith.mulf %dot_general3A_76, %get3A_106 : vector<128x1280xf32>
    %get3A_108 = arith.constant 0 : index
    %get3A_109 = arith.constant 0 : index
    %get3A_110 = vector.load %arg7[%get3A_108, %get3A_109] : memref<128x1280xf32, #tpu.memory_space<vmem>>, vector<128x1280xf32>
    %mul3A_111 = arith.mulf %select_n3A_103, %get3A_110 : vector<128x1280xf32>
    %add3A_112 = arith.addf %mul3A_107, %mul3A_111 : vector<128x1280xf32>
    %get3A_113 = arith.constant 0 : index
    %get3A_114 = arith.constant 0 : index
    %get3A_115 = vector.load %arg8[%get3A_113, %get3A_114] : memref<1280x16xf32, #tpu.memory_space<vmem>>, vector<1280x16xf32>
    %dot_general3A_116 = arith.constant dense<0.000000e+00> : vector<128x16xf32>
    %dot_general3A_117 = tpu.matmul %add3A_112, %get3A_115, %dot_general3A_116 {dimension_numbers = #tpu.dot_dimension_numbers<[1], [0], [0], [1], [0, 0, 1, 1], [], []>, transpose_lhs_hint = false} : vector<128x1280xf32>, vector<1280x16xf32>, vector<128x16xf32> -> vector<128x16xf32>
    %mul3A_118 = arith.mulf %add3A_112, %add3A_112 : vector<128x1280xf32>
    %get3A_119 = arith.constant 0 : index
    %get3A_120 = arith.constant 0 : index
    %get3A_121 = vector.load %arg8[%get3A_119, %get3A_120] : memref<1280x16xf32, #tpu.memory_space<vmem>>, vector<1280x16xf32>
    %dot_general3A_122 = arith.constant dense<0.000000e+00> : vector<128x16xf32>
    %dot_general3A_123 = tpu.matmul %mul3A_118, %get3A_121, %dot_general3A_122 {dimension_numbers = #tpu.dot_dimension_numbers<[1], [0], [0], [1], [0, 0, 1, 1], [], []>, transpose_lhs_hint = false} : vector<128x1280xf32>, vector<1280x16xf32>, vector<128x16xf32> -> vector<128x16xf32>
    %get3A_124 = arith.constant 0 : index
    %get3A_125 = arith.constant 0 : index
    %get3A_126 = vector.load %arg9[%get3A_124, %get3A_125] : memref<16x1280xf32, #tpu.memory_space<vmem>>, vector<16x1280xf32>
    %dot_general3A_127 = arith.constant dense<0.000000e+00> : vector<128x1280xf32>
    %dot_general3A_128 = tpu.matmul %dot_general3A_117, %get3A_126, %dot_general3A_127 {dimension_numbers = #tpu.dot_dimension_numbers<[1], [0], [0], [1], [0, 0, 1, 1], [], []>, transpose_lhs_hint = false} : vector<128x16xf32>, vector<16x1280xf32>, vector<128x1280xf32> -> vector<128x1280xf32>
    %get3A_129 = arith.constant 0 : index
    %get3A_130 = arith.constant 0 : index
    %get3A_131 = vector.load %arg9[%get3A_129, %get3A_130] : memref<16x1280xf32, #tpu.memory_space<vmem>>, vector<16x1280xf32>
    %dot_general3A_132 = arith.constant dense<0.000000e+00> : vector<128x1280xf32>
    %dot_general3A_133 = tpu.matmul %dot_general3A_123, %get3A_131, %dot_general3A_132 {dimension_numbers = #tpu.dot_dimension_numbers<[1], [0], [0], [1], [0, 0, 1, 1], [], []>, transpose_lhs_hint = false} : vector<128x16xf32>, vector<16x1280xf32>, vector<128x1280xf32> -> vector<128x1280xf32>
    %mul3A_134 = arith.mulf %dot_general3A_128, %dot_general3A_128 : vector<128x1280xf32>
    %sub3A = arith.subf %dot_general3A_133, %mul3A_134 : vector<128x1280xf32>
    %sub3A_135 = arith.subf %add3A_112, %dot_general3A_128 : vector<128x1280xf32>
    %add3A_136 = arith.constant 9.99999974E-6 : f32
    %add3A_137 = vector.broadcast %add3A_136 : f32 to vector<128x1280xf32>
    %add3A_138 = arith.addf %sub3A, %add3A_137 : vector<128x1280xf32>
    %rsqrt3A_139 = math.rsqrt %add3A_138 : vector<128x1280xf32>
    %mul3A_140 = arith.mulf %sub3A_135, %rsqrt3A_139 : vector<128x1280xf32>
    %lt3A_141 = arith.constant 1024 : i32
    %lt3A_142 = vector.broadcast %lt3A_141 : i32 to vector<128x1280xi32>
    %lt3A_143 = arith.cmpi slt, %iota3A_77, %lt3A_142 : vector<128x1280xi32>
    %select_n3A_144 = arith.select %lt3A_143, %mul3A_140, %add3A_112 : vector<128x1280xi1>, vector<128x1280xf32>
    %convert_element_type3A = arith.truncf %select_n3A_144 : vector<128x1280xf32> to vector<128x1280xbf16>
    %swap3A = arith.constant 0 : index
    %swap3A_145 = arith.constant 0 : index
    %swap3A_146 = vector.load %arg10[%swap3A, %swap3A_145] : memref<128x1280xbf16, #tpu.memory_space<vmem>>, vector<128x1280xbf16>
    tpu.vector_store %arg10[%swap3A, %swap3A_145], %convert_element_type3A {strides = array<i32>} : memref<128x1280xbf16, #tpu.memory_space<vmem>>, vector<128x1280xbf16>,
    %slice3A_147 = vector.extract_strided_slice %convert_element_type3A {offsets = [0, 768], sizes = [128, 64], strides = [1, 1]} : vector<128x1280xbf16> to vector<128x64xbf16>
    %swap3A_148 = arith.constant 0 : index
    %swap3A_149 = arith.constant 0 : index
    %swap3A_150 = arith.constant 0 : index
    %swap3A_151 = vector.load %arg11[%swap3A_148, %swap3A_149, %swap3A_150] : memref<4x128x64xbf16, #tpu.memory_space<vmem>>, vector<1x128x64xbf16>
    %swap3A_152 = vector.shape_cast %swap3A_151 : vector<1x128x64xbf16> to vector<128x64xbf16>
    %swap3A_153 = vector.shape_cast %slice3A_147 : vector<128x64xbf16> to vector<1x128x64xbf16>
    tpu.vector_store %arg11[%swap3A_148, %swap3A_149, %swap3A_150], %swap3A_153 {strides = array<i32>} : memref<4x128x64xbf16, #tpu.memory_space<vmem>>, vector<1x128x64xbf16>,
    %slice3A_154 = vector.extract_strided_slice %convert_element_type3A {offsets = [0, 1024], sizes = [128, 64], strides = [1, 1]} : vector<128x1280xbf16> to vector<128x64xbf16>
    %swap3A_155 = arith.constant 0 : index
    %swap3A_156 = arith.constant 0 : index
    %swap3A_157 = arith.constant 0 : index
    %swap3A_158 = vector.load %arg12[%swap3A_155, %swap3A_156, %swap3A_157] : memref<4x128x64xbf16, #tpu.memory_space<vmem>>, vector<1x128x64xbf16>
    %swap3A_159 = vector.shape_cast %swap3A_158 : vector<1x128x64xbf16> to vector<128x64xbf16>
    %swap3A_160 = vector.shape_cast %slice3A_154 : vector<128x64xbf16> to vector<1x128x64xbf16>
    tpu.vector_store %arg12[%swap3A_155, %swap3A_156, %swap3A_157], %swap3A_160 {strides = array<i32>} : memref<4x128x64xbf16, #tpu.memory_space<vmem>>, vector<1x128x64xbf16>,
    %slice3A_161 = vector.extract_strided_slice %convert_element_type3A {offsets = [0, 832], sizes = [128, 64], strides = [1, 1]} : vector<128x1280xbf16> to vector<128x64xbf16>
    %swap3A_162 = arith.constant 1 : index
    %swap3A_163 = arith.constant 0 : index
    %swap3A_164 = arith.constant 0 : index
    %swap3A_165 = vector.load %arg11[%swap3A_162, %swap3A_163, %swap3A_164] : memref<4x128x64xbf16, #tpu.memory_space<vmem>>, vector<1x128x64xbf16>
    %swap3A_166 = vector.shape_cast %swap3A_165 : vector<1x128x64xbf16> to vector<128x64xbf16>
    %swap3A_167 = vector.shape_cast %slice3A_161 : vector<128x64xbf16> to vector<1x128x64xbf16>
    tpu.vector_store %arg11[%swap3A_162, %swap3A_163, %swap3A_164], %swap3A_167 {strides = array<i32>} : memref<4x128x64xbf16, #tpu.memory_space<vmem>>, vector<1x128x64xbf16>,
    %slice3A_168 = vector.extract_strided_slice %convert_element_type3A {offsets = [0, 1088], sizes = [128, 64], strides = [1, 1]} : vector<128x1280xbf16> to vector<128x64xbf16>
    %swap3A_169 = arith.constant 1 : index
    %swap3A_170 = arith.constant 0 : index
    %swap3A_171 = arith.constant 0 : index
    %swap3A_172 = vector.load %arg12[%swap3A_169, %swap3A_170, %swap3A_171] : memref<4x128x64xbf16, #tpu.memory_space<vmem>>, vector<1x128x64xbf16>
    %swap3A_173 = vector.shape_cast %swap3A_172 : vector<1x128x64xbf16> to vector<128x64xbf16>
    %swap3A_174 = vector.shape_cast %slice3A_168 : vector<128x64xbf16> to vector<1x128x64xbf16>
    tpu.vector_store %arg12[%swap3A_169, %swap3A_170, %swap3A_171], %swap3A_174 {strides = array<i32>} : memref<4x128x64xbf16, #tpu.memory_space<vmem>>, vector<1x128x64xbf16>,
    %slice3A_175 = vector.extract_strided_slice %convert_element_type3A {offsets = [0, 896], sizes = [128, 64], strides = [1, 1]} : vector<128x1280xbf16> to vector<128x64xbf16>
    %swap3A_176 = arith.constant 2 : index
    %swap3A_177 = arith.constant 0 : index
    %swap3A_178 = arith.constant 0 : index
    %swap3A_179 = vector.load %arg11[%swap3A_176, %swap3A_177, %swap3A_178] : memref<4x128x64xbf16, #tpu.memory_space<vmem>>, vector<1x128x64xbf16>
    %swap3A_180 = vector.shape_cast %swap3A_179 : vector<1x128x64xbf16> to vector<128x64xbf16>
    %swap3A_181 = vector.shape_cast %slice3A_175 : vector<128x64xbf16> to vector<1x128x64xbf16>
    tpu.vector_store %arg11[%swap3A_176, %swap3A_177, %swap3A_178], %swap3A_181 {strides = array<i32>} : memref<4x128x64xbf16, #tpu.memory_space<vmem>>, vector<1x128x64xbf16>,
    %slice3A_182 = vector.extract_strided_slice %convert_element_type3A {offsets = [0, 1152], sizes = [128, 64], strides = [1, 1]} : vector<128x1280xbf16> to vector<128x64xbf16>
    %swap3A_183 = arith.constant 2 : index
    %swap3A_184 = arith.constant 0 : index
    %swap3A_185 = arith.constant 0 : index
    %swap3A_186 = vector.load %arg12[%swap3A_183, %swap3A_184, %swap3A_185] : memref<4x128x64xbf16, #tpu.memory_space<vmem>>, vector<1x128x64xbf16>
    %swap3A_187 = vector.shape_cast %swap3A_186 : vector<1x128x64xbf16> to vector<128x64xbf16>
    %swap3A_188 = vector.shape_cast %slice3A_182 : vector<128x64xbf16> to vector<1x128x64xbf16>
    tpu.vector_store %arg12[%swap3A_183, %swap3A_184, %swap3A_185], %swap3A_188 {strides = array<i32>} : memref<4x128x64xbf16, #tpu.memory_space<vmem>>, vector<1x128x64xbf16>,
    %slice3A_189 = vector.extract_strided_slice %convert_element_type3A {offsets = [0, 960], sizes = [128, 64], strides = [1, 1]} : vector<128x1280xbf16> to vector<128x64xbf16>
    %swap3A_190 = arith.constant 3 : index
    %swap3A_191 = arith.constant 0 : index
    %swap3A_192 = arith.constant 0 : index
    %swap3A_193 = vector.load %arg11[%swap3A_190, %swap3A_191, %swap3A_192] : memref<4x128x64xbf16, #tpu.memory_space<vmem>>, vector<1x128x64xbf16>
    %swap3A_194 = vector.shape_cast %swap3A_193 : vector<1x128x64xbf16> to vector<128x64xbf16>
    %swap3A_195 = vector.shape_cast %slice3A_189 : vector<128x64xbf16> to vector<1x128x64xbf16>
    tpu.vector_store %arg11[%swap3A_190, %swap3A_191, %swap3A_192], %swap3A_195 {strides = array<i32>} : memref<4x128x64xbf16, #tpu.memory_space<vmem>>, vector<1x128x64xbf16>,
    %slice3A_196 = vector.extract_strided_slice %convert_element_type3A {offsets = [0, 1216], sizes = [128, 64], strides = [1, 1]} : vector<128x1280xbf16> to vector<128x64xbf16>
    %swap3A_197 = arith.constant 3 : index
    %swap3A_198 = arith.constant 0 : index
    %swap3A_199 = arith.constant 0 : index
    %swap3A_200 = vector.load %arg12[%swap3A_197, %swap3A_198, %swap3A_199] : memref<4x128x64xbf16, #tpu.memory_space<vmem>>, vector<1x128x64xbf16>
    %swap3A_201 = vector.shape_cast %swap3A_200 : vector<1x128x64xbf16> to vector<128x64xbf16>
    %swap3A_202 = vector.shape_cast %slice3A_196 : vector<128x64xbf16> to vector<1x128x64xbf16>
    tpu.vector_store %arg12[%swap3A_197, %swap3A_198, %swap3A_199], %swap3A_202 {strides = array<i32>} : memref<4x128x64xbf16, #tpu.memory_space<vmem>>, vector<1x128x64xbf16>,
    return
  }
  func.func @transform_0(%arg0: i32) -> (i32, i32) {
    %c0_i32 = arith.constant 0 : i32
    %c0_i32_0 = arith.constant 0 : i32
    return %arg0, %c0_i32 : i32, i32
  }
  func.func @transform_1(%arg0: i32) -> (i32, i32) {
    %sub3A = arith.constant 1 : i32
    %sub3A_0 = arith.subi %arg0, %sub3A : i32
    %max3A = arith.constant 0 : i32
    %max3A_1 = arith.maxsi %sub3A_0, %max3A : i32
    %c0_i32 = arith.constant 0 : i32
    %c0_i32_2 = arith.constant 0 : i32
    return %max3A_1, %c0_i32 : i32, i32
  }
  func.func @transform_2(%arg0: i32) -> (i32, i32) {
    %c0_i32 = arith.constant 0 : i32
    %c0_i32_0 = arith.constant 0 : i32
    %c0_i32_1 = arith.constant 0 : i32
    return %c0_i32, %c0_i32_0 : i32, i32
  }
  func.func @transform_3(%arg0: i32) -> (i32, i32) {
    %c0_i32 = arith.constant 0 : i32
    %c0_i32_0 = arith.constant 0 : i32
    %c0_i32_1 = arith.constant 0 : i32
    return %c0_i32, %c0_i32_0 : i32, i32
  }
  func.func @transform_4(%arg0: i32) -> (i32, i32) {
    %c0_i32 = arith.constant 0 : i32
    %c0_i32_0 = arith.constant 0 : i32
    %c0_i32_1 = arith.constant 0 : i32
    return %c0_i32, %c0_i32_0 : i32, i32
  }
  func.func @transform_5(%arg0: i32) -> (i32, i32) {
    %c0_i32 = arith.constant 0 : i32
    %c0_i32_0 = arith.constant 0 : i32
    return %arg0, %c0_i32 : i32, i32
  }
  func.func @transform_6(%arg0: i32) -> (i32, i32) {
    %c0_i32 = arith.constant 0 : i32
    %c0_i32_0 = arith.constant 0 : i32
    return %arg0, %c0_i32 : i32, i32
  }
  func.func @transform_7(%arg0: i32) -> (i32, i32) {
    %c0_i32 = arith.constant 0 : i32
    %c0_i32_0 = arith.constant 0 : i32
    %c0_i32_1 = arith.constant 0 : i32
    return %c0_i32, %c0_i32_0 : i32, i32
  }
  func.func @transform_8(%arg0: i32) -> (i32, i32) {
    %c0_i32 = arith.constant 0 : i32
    %c0_i32_0 = arith.constant 0 : i32
    %c0_i32_1 = arith.constant 0 : i32
    return %c0_i32, %c0_i32_0 : i32, i32
  }
  func.func @transform_9(%arg0: i32) -> (i32, i32) {
    %c0_i32 = arith.constant 0 : i32
    %c0_i32_0 = arith.constant 0 : i32
    return %arg0, %c0_i32 : i32, i32
  }
  func.func @transform_10(%arg0: i32) -> (i32, i32, i32) {
    %c0_i32 = arith.constant 0 : i32
    %c0_i32_0 = arith.constant 0 : i32
    %c0_i32_1 = arith.constant 0 : i32
    return %c0_i32, %arg0, %c0_i32_0 : i32, i32, i32
  }
  func.func @transform_11(%arg0: i32) -> (i32, i32, i32) {
    %c0_i32 = arith.constant 0 : i32
    %c0_i32_0 = arith.constant 0 : i32
    %c0_i32_1 = arith.constant 0 : i32
    return %c0_i32, %arg0, %c0_i32_0 : i32, i32, i32
  }
}

module attributes {stable_mosaic.version = 14 : i64} {
  func.func @_attn_band_body(%arg0: i32, %arg1: memref<128x768xbf16, #tpu.memory_space<vmem>>, %arg2: memref<4x512x64xbf16, #tpu.memory_space<vmem>>, %arg3: memref<4x512x64xbf16, #tpu.memory_space<vmem>>, %arg4: memref<128x768xf32, #tpu.memory_space<vmem>>) attributes {dimension_semantics = [#tpu.dimension_semantics<arbitrary>], iteration_bounds = array<i64: 4>, scalar_prefetch = 0 : i64, scratch_operands = 0 : i64, tpu.core_type = #tpu.core_type<tc>, window_params = [{transform_indices = @transform_0, window_bounds = array<i64: 128, 768>}, {transform_indices = @transform_1, window_bounds = array<i64: 4, 512, 64>}, {transform_indices = @transform_2, window_bounds = array<i64: 4, 512, 64>}, {transform_indices = @transform_3, window_bounds = array<i64: 128, 768>}]} {
    %add3A = arith.constant 0 : i32
    %add3A_0 = arith.addi %add3A, %arg0 : i32
    %get3A = arith.constant 0 : index
    %get3A_1 = arith.constant 0 : index
    %get3A_2 = vector.load %arg1[%get3A, %get3A_1] : memref<128x768xbf16, #tpu.memory_space<vmem>>, vector<128x768xbf16>
    %sqrt3A = arith.constant 6.400000e+01 : f32
    %sqrt3A_3 = math.sqrt %sqrt3A : f32
    %div3A = arith.constant 1.000000e+00 : f32
    %div3A_4 = arith.divf %div3A, %sqrt3A_3 : f32
    %mul3A = arith.constant 128 : i32
    %mul3A_5 = arith.muli %add3A_0, %mul3A : i32
    %iota3A = tpu.iota {dimensions = array<i32: 0>} : vector<128x512xi32>
    %add3A_6 = vector.broadcast %mul3A_5 : i32 to vector<128x512xi32>
    %add3A_7 = arith.addi %add3A_6, %iota3A : vector<128x512xi32>
    %iota3A_8 = tpu.iota {dimensions = array<i32: 1>} : vector<128x512xi32>
    %le3A = arith.cmpi sle, %iota3A_8, %add3A_7 : vector<128x512xi32>
    %slice3A = vector.extract_strided_slice %get3A_2 {offsets = [0, 0], sizes = [128, 64], strides = [1, 1]} : vector<128x768xbf16> to vector<128x64xbf16>
    %get3A_9 = arith.constant 0 : index
    %get3A_10 = arith.constant 0 : index
    %get3A_11 = arith.constant 0 : index
    %get3A_12 = vector.load %arg2[%get3A_9, %get3A_10, %get3A_11] : memref<4x512x64xbf16, #tpu.memory_space<vmem>>, vector<1x512x64xbf16>
    %get3A_13 = vector.shape_cast %get3A_12 : vector<1x512x64xbf16> to vector<512x64xbf16>
    %get3A_14 = arith.constant 0 : index
    %get3A_15 = arith.constant 0 : index
    %get3A_16 = arith.constant 0 : index
    %get3A_17 = vector.load %arg3[%get3A_14, %get3A_15, %get3A_16] : memref<4x512x64xbf16, #tpu.memory_space<vmem>>, vector<1x512x64xbf16>
    %get3A_18 = vector.shape_cast %get3A_17 : vector<1x512x64xbf16> to vector<512x64xbf16>
    %dot_general3A = arith.constant dense<0.000000e+00> : vector<128x512xf32>
    %dot_general3A_19 = tpu.matmul %slice3A, %get3A_13, %dot_general3A {dimension_numbers = #tpu.dot_dimension_numbers<[1], [1], [0], [0], [0, 0, 1, 0], [], []>, transpose_lhs_hint = false} : vector<128x64xbf16>, vector<512x64xbf16>, vector<128x512xf32> -> vector<128x512xf32>
    %mul3A_20 = vector.broadcast %div3A_4 : f32 to vector<128x512xf32>
    %mul3A_21 = arith.mulf %dot_general3A_19, %mul3A_20 : vector<128x512xf32>
    %jit3A = arith.constant 0xFF800000 : f32
    %broadcast_in_dim3A = vector.broadcast %jit3A : f32 to vector<128x512xf32>
    %select_n3A = arith.select %le3A, %mul3A_21, %broadcast_in_dim3A : vector<128x512xi1>, vector<128x512xf32>
    %reduce_max3A = arith.constant dense<0xFF800000> : vector<128xf32>
    %reduce_max3A_22 = vector.multi_reduction <maximumf>, %select_n3A, %reduce_max3A [1] : vector<128x512xf32> to vector<128xf32>
    %broadcast_in_dim3A_23 = vector.shape_cast %reduce_max3A_22 : vector<128xf32> to vector<128x1xf32>
    %sub3A = vector.broadcast %broadcast_in_dim3A_23 : vector<128x1xf32> to vector<128x512xf32>
    %sub3A_24 = arith.subf %select_n3A, %sub3A : vector<128x512xf32>
    %exp3A = math.exp %sub3A_24 : vector<128x512xf32>
    %reduce_sum3A = arith.constant dense<0.000000e+00> : vector<128xf32>
    %reduce_sum3A_25 = vector.multi_reduction <add>, %exp3A, %reduce_sum3A [1] : vector<128x512xf32> to vector<128xf32>
    %broadcast_in_dim3A_26 = vector.shape_cast %reduce_sum3A_25 : vector<128xf32> to vector<128x1xf32>
    %div3A_27 = vector.broadcast %broadcast_in_dim3A_26 : vector<128x1xf32> to vector<128x512xf32>
    %div3A_28 = arith.divf %exp3A, %div3A_27 : vector<128x512xf32>
    %convert_element_type3A = arith.truncf %div3A_28 : vector<128x512xf32> to vector<128x512xbf16>
    %dot_general3A_29 = arith.constant dense<0.000000e+00> : vector<128x64xf32>
    %dot_general3A_30 = tpu.matmul %convert_element_type3A, %get3A_18, %dot_general3A_29 {dimension_numbers = #tpu.dot_dimension_numbers<[1], [0], [0], [1], [0, 0, 1, 1], [], []>, transpose_lhs_hint = false} : vector<128x512xbf16>, vector<512x64xbf16>, vector<128x64xf32> -> vector<128x64xf32>
    %swap3A = arith.constant 0 : index
    %swap3A_31 = arith.constant 0 : index
    %swap3A_32 = vector.load %arg4[%swap3A, %swap3A_31] : memref<128x768xf32, #tpu.memory_space<vmem>>, vector<128x64xf32>
    tpu.vector_store %arg4[%swap3A, %swap3A_31], %dot_general3A_30 {strides = array<i32>} : memref<128x768xf32, #tpu.memory_space<vmem>>, vector<128x64xf32>,
    %slice3A_33 = vector.extract_strided_slice %get3A_2 {offsets = [0, 64], sizes = [128, 64], strides = [1, 1]} : vector<128x768xbf16> to vector<128x64xbf16>
    %get3A_34 = arith.constant 0 : index
    %get3A_35 = arith.constant 0 : index
    %get3A_36 = arith.constant 0 : index
    %get3A_37 = vector.load %arg2[%get3A_34, %get3A_35, %get3A_36] : memref<4x512x64xbf16, #tpu.memory_space<vmem>>, vector<1x512x64xbf16>
    %get3A_38 = vector.shape_cast %get3A_37 : vector<1x512x64xbf16> to vector<512x64xbf16>
    %get3A_39 = arith.constant 0 : index
    %get3A_40 = arith.constant 0 : index
    %get3A_41 = arith.constant 0 : index
    %get3A_42 = vector.load %arg3[%get3A_39, %get3A_40, %get3A_41] : memref<4x512x64xbf16, #tpu.memory_space<vmem>>, vector<1x512x64xbf16>
    %get3A_43 = vector.shape_cast %get3A_42 : vector<1x512x64xbf16> to vector<512x64xbf16>
    %dot_general3A_44 = arith.constant dense<0.000000e+00> : vector<128x512xf32>
    %dot_general3A_45 = tpu.matmul %slice3A_33, %get3A_38, %dot_general3A_44 {dimension_numbers = #tpu.dot_dimension_numbers<[1], [1], [0], [0], [0, 0, 1, 0], [], []>, transpose_lhs_hint = false} : vector<128x64xbf16>, vector<512x64xbf16>, vector<128x512xf32> -> vector<128x512xf32>
    %mul3A_46 = vector.broadcast %div3A_4 : f32 to vector<128x512xf32>
    %mul3A_47 = arith.mulf %dot_general3A_45, %mul3A_46 : vector<128x512xf32>
    %jit3A_48 = arith.constant 0xFF800000 : f32
    %broadcast_in_dim3A_49 = vector.broadcast %jit3A_48 : f32 to vector<128x512xf32>
    %select_n3A_50 = arith.select %le3A, %mul3A_47, %broadcast_in_dim3A_49 : vector<128x512xi1>, vector<128x512xf32>
    %reduce_max3A_51 = arith.constant dense<0xFF800000> : vector<128xf32>
    %reduce_max3A_52 = vector.multi_reduction <maximumf>, %select_n3A_50, %reduce_max3A_51 [1] : vector<128x512xf32> to vector<128xf32>
    %broadcast_in_dim3A_53 = vector.shape_cast %reduce_max3A_52 : vector<128xf32> to vector<128x1xf32>
    %sub3A_54 = vector.broadcast %broadcast_in_dim3A_53 : vector<128x1xf32> to vector<128x512xf32>
    %sub3A_55 = arith.subf %select_n3A_50, %sub3A_54 : vector<128x512xf32>
    %exp3A_56 = math.exp %sub3A_55 : vector<128x512xf32>
    %reduce_sum3A_57 = arith.constant dense<0.000000e+00> : vector<128xf32>
    %reduce_sum3A_58 = vector.multi_reduction <add>, %exp3A_56, %reduce_sum3A_57 [1] : vector<128x512xf32> to vector<128xf32>
    %broadcast_in_dim3A_59 = vector.shape_cast %reduce_sum3A_58 : vector<128xf32> to vector<128x1xf32>
    %div3A_60 = vector.broadcast %broadcast_in_dim3A_59 : vector<128x1xf32> to vector<128x512xf32>
    %div3A_61 = arith.divf %exp3A_56, %div3A_60 : vector<128x512xf32>
    %convert_element_type3A_62 = arith.truncf %div3A_61 : vector<128x512xf32> to vector<128x512xbf16>
    %dot_general3A_63 = arith.constant dense<0.000000e+00> : vector<128x64xf32>
    %dot_general3A_64 = tpu.matmul %convert_element_type3A_62, %get3A_43, %dot_general3A_63 {dimension_numbers = #tpu.dot_dimension_numbers<[1], [0], [0], [1], [0, 0, 1, 1], [], []>, transpose_lhs_hint = false} : vector<128x512xbf16>, vector<512x64xbf16>, vector<128x64xf32> -> vector<128x64xf32>
    %swap3A_65 = arith.constant 0 : index
    %swap3A_66 = arith.constant 64 : index
    %swap3A_67 = vector.load %arg4[%swap3A_65, %swap3A_66] : memref<128x768xf32, #tpu.memory_space<vmem>>, vector<128x64xf32>
    tpu.vector_store %arg4[%swap3A_65, %swap3A_66], %dot_general3A_64 {strides = array<i32>} : memref<128x768xf32, #tpu.memory_space<vmem>>, vector<128x64xf32>,
    %slice3A_68 = vector.extract_strided_slice %get3A_2 {offsets = [0, 128], sizes = [128, 64], strides = [1, 1]} : vector<128x768xbf16> to vector<128x64xbf16>
    %get3A_69 = arith.constant 0 : index
    %get3A_70 = arith.constant 0 : index
    %get3A_71 = arith.constant 0 : index
    %get3A_72 = vector.load %arg2[%get3A_69, %get3A_70, %get3A_71] : memref<4x512x64xbf16, #tpu.memory_space<vmem>>, vector<1x512x64xbf16>
    %get3A_73 = vector.shape_cast %get3A_72 : vector<1x512x64xbf16> to vector<512x64xbf16>
    %get3A_74 = arith.constant 0 : index
    %get3A_75 = arith.constant 0 : index
    %get3A_76 = arith.constant 0 : index
    %get3A_77 = vector.load %arg3[%get3A_74, %get3A_75, %get3A_76] : memref<4x512x64xbf16, #tpu.memory_space<vmem>>, vector<1x512x64xbf16>
    %get3A_78 = vector.shape_cast %get3A_77 : vector<1x512x64xbf16> to vector<512x64xbf16>
    %dot_general3A_79 = arith.constant dense<0.000000e+00> : vector<128x512xf32>
    %dot_general3A_80 = tpu.matmul %slice3A_68, %get3A_73, %dot_general3A_79 {dimension_numbers = #tpu.dot_dimension_numbers<[1], [1], [0], [0], [0, 0, 1, 0], [], []>, transpose_lhs_hint = false} : vector<128x64xbf16>, vector<512x64xbf16>, vector<128x512xf32> -> vector<128x512xf32>
    %mul3A_81 = vector.broadcast %div3A_4 : f32 to vector<128x512xf32>
    %mul3A_82 = arith.mulf %dot_general3A_80, %mul3A_81 : vector<128x512xf32>
    %jit3A_83 = arith.constant 0xFF800000 : f32
    %broadcast_in_dim3A_84 = vector.broadcast %jit3A_83 : f32 to vector<128x512xf32>
    %select_n3A_85 = arith.select %le3A, %mul3A_82, %broadcast_in_dim3A_84 : vector<128x512xi1>, vector<128x512xf32>
    %reduce_max3A_86 = arith.constant dense<0xFF800000> : vector<128xf32>
    %reduce_max3A_87 = vector.multi_reduction <maximumf>, %select_n3A_85, %reduce_max3A_86 [1] : vector<128x512xf32> to vector<128xf32>
    %broadcast_in_dim3A_88 = vector.shape_cast %reduce_max3A_87 : vector<128xf32> to vector<128x1xf32>
    %sub3A_89 = vector.broadcast %broadcast_in_dim3A_88 : vector<128x1xf32> to vector<128x512xf32>
    %sub3A_90 = arith.subf %select_n3A_85, %sub3A_89 : vector<128x512xf32>
    %exp3A_91 = math.exp %sub3A_90 : vector<128x512xf32>
    %reduce_sum3A_92 = arith.constant dense<0.000000e+00> : vector<128xf32>
    %reduce_sum3A_93 = vector.multi_reduction <add>, %exp3A_91, %reduce_sum3A_92 [1] : vector<128x512xf32> to vector<128xf32>
    %broadcast_in_dim3A_94 = vector.shape_cast %reduce_sum3A_93 : vector<128xf32> to vector<128x1xf32>
    %div3A_95 = vector.broadcast %broadcast_in_dim3A_94 : vector<128x1xf32> to vector<128x512xf32>
    %div3A_96 = arith.divf %exp3A_91, %div3A_95 : vector<128x512xf32>
    %convert_element_type3A_97 = arith.truncf %div3A_96 : vector<128x512xf32> to vector<128x512xbf16>
    %dot_general3A_98 = arith.constant dense<0.000000e+00> : vector<128x64xf32>
    %dot_general3A_99 = tpu.matmul %convert_element_type3A_97, %get3A_78, %dot_general3A_98 {dimension_numbers = #tpu.dot_dimension_numbers<[1], [0], [0], [1], [0, 0, 1, 1], [], []>, transpose_lhs_hint = false} : vector<128x512xbf16>, vector<512x64xbf16>, vector<128x64xf32> -> vector<128x64xf32>
    %swap3A_100 = arith.constant 0 : index
    %swap3A_101 = arith.constant 128 : index
    %swap3A_102 = vector.load %arg4[%swap3A_100, %swap3A_101] : memref<128x768xf32, #tpu.memory_space<vmem>>, vector<128x64xf32>
    tpu.vector_store %arg4[%swap3A_100, %swap3A_101], %dot_general3A_99 {strides = array<i32>} : memref<128x768xf32, #tpu.memory_space<vmem>>, vector<128x64xf32>,
    %slice3A_103 = vector.extract_strided_slice %get3A_2 {offsets = [0, 192], sizes = [128, 64], strides = [1, 1]} : vector<128x768xbf16> to vector<128x64xbf16>
    %get3A_104 = arith.constant 1 : index
    %get3A_105 = arith.constant 0 : index
    %get3A_106 = arith.constant 0 : index
    %get3A_107 = vector.load %arg2[%get3A_104, %get3A_105, %get3A_106] : memref<4x512x64xbf16, #tpu.memory_space<vmem>>, vector<1x512x64xbf16>
    %get3A_108 = vector.shape_cast %get3A_107 : vector<1x512x64xbf16> to vector<512x64xbf16>
    %get3A_109 = arith.constant 1 : index
    %get3A_110 = arith.constant 0 : index
    %get3A_111 = arith.constant 0 : index
    %get3A_112 = vector.load %arg3[%get3A_109, %get3A_110, %get3A_111] : memref<4x512x64xbf16, #tpu.memory_space<vmem>>, vector<1x512x64xbf16>
    %get3A_113 = vector.shape_cast %get3A_112 : vector<1x512x64xbf16> to vector<512x64xbf16>
    %dot_general3A_114 = arith.constant dense<0.000000e+00> : vector<128x512xf32>
    %dot_general3A_115 = tpu.matmul %slice3A_103, %get3A_108, %dot_general3A_114 {dimension_numbers = #tpu.dot_dimension_numbers<[1], [1], [0], [0], [0, 0, 1, 0], [], []>, transpose_lhs_hint = false} : vector<128x64xbf16>, vector<512x64xbf16>, vector<128x512xf32> -> vector<128x512xf32>
    %mul3A_116 = vector.broadcast %div3A_4 : f32 to vector<128x512xf32>
    %mul3A_117 = arith.mulf %dot_general3A_115, %mul3A_116 : vector<128x512xf32>
    %jit3A_118 = arith.constant 0xFF800000 : f32
    %broadcast_in_dim3A_119 = vector.broadcast %jit3A_118 : f32 to vector<128x512xf32>
    %select_n3A_120 = arith.select %le3A, %mul3A_117, %broadcast_in_dim3A_119 : vector<128x512xi1>, vector<128x512xf32>
    %reduce_max3A_121 = arith.constant dense<0xFF800000> : vector<128xf32>
    %reduce_max3A_122 = vector.multi_reduction <maximumf>, %select_n3A_120, %reduce_max3A_121 [1] : vector<128x512xf32> to vector<128xf32>
    %broadcast_in_dim3A_123 = vector.shape_cast %reduce_max3A_122 : vector<128xf32> to vector<128x1xf32>
    %sub3A_124 = vector.broadcast %broadcast_in_dim3A_123 : vector<128x1xf32> to vector<128x512xf32>
    %sub3A_125 = arith.subf %select_n3A_120, %sub3A_124 : vector<128x512xf32>
    %exp3A_126 = math.exp %sub3A_125 : vector<128x512xf32>
    %reduce_sum3A_127 = arith.constant dense<0.000000e+00> : vector<128xf32>
    %reduce_sum3A_128 = vector.multi_reduction <add>, %exp3A_126, %reduce_sum3A_127 [1] : vector<128x512xf32> to vector<128xf32>
    %broadcast_in_dim3A_129 = vector.shape_cast %reduce_sum3A_128 : vector<128xf32> to vector<128x1xf32>
    %div3A_130 = vector.broadcast %broadcast_in_dim3A_129 : vector<128x1xf32> to vector<128x512xf32>
    %div3A_131 = arith.divf %exp3A_126, %div3A_130 : vector<128x512xf32>
    %convert_element_type3A_132 = arith.truncf %div3A_131 : vector<128x512xf32> to vector<128x512xbf16>
    %dot_general3A_133 = arith.constant dense<0.000000e+00> : vector<128x64xf32>
    %dot_general3A_134 = tpu.matmul %convert_element_type3A_132, %get3A_113, %dot_general3A_133 {dimension_numbers = #tpu.dot_dimension_numbers<[1], [0], [0], [1], [0, 0, 1, 1], [], []>, transpose_lhs_hint = false} : vector<128x512xbf16>, vector<512x64xbf16>, vector<128x64xf32> -> vector<128x64xf32>
    %swap3A_135 = arith.constant 0 : index
    %swap3A_136 = arith.constant 192 : index
    %swap3A_137 = vector.load %arg4[%swap3A_135, %swap3A_136] : memref<128x768xf32, #tpu.memory_space<vmem>>, vector<128x64xf32>
    tpu.vector_store %arg4[%swap3A_135, %swap3A_136], %dot_general3A_134 {strides = array<i32>} : memref<128x768xf32, #tpu.memory_space<vmem>>, vector<128x64xf32>,
    %slice3A_138 = vector.extract_strided_slice %get3A_2 {offsets = [0, 256], sizes = [128, 64], strides = [1, 1]} : vector<128x768xbf16> to vector<128x64xbf16>
    %get3A_139 = arith.constant 1 : index
    %get3A_140 = arith.constant 0 : index
    %get3A_141 = arith.constant 0 : index
    %get3A_142 = vector.load %arg2[%get3A_139, %get3A_140, %get3A_141] : memref<4x512x64xbf16, #tpu.memory_space<vmem>>, vector<1x512x64xbf16>
    %get3A_143 = vector.shape_cast %get3A_142 : vector<1x512x64xbf16> to vector<512x64xbf16>
    %get3A_144 = arith.constant 1 : index
    %get3A_145 = arith.constant 0 : index
    %get3A_146 = arith.constant 0 : index
    %get3A_147 = vector.load %arg3[%get3A_144, %get3A_145, %get3A_146] : memref<4x512x64xbf16, #tpu.memory_space<vmem>>, vector<1x512x64xbf16>
    %get3A_148 = vector.shape_cast %get3A_147 : vector<1x512x64xbf16> to vector<512x64xbf16>
    %dot_general3A_149 = arith.constant dense<0.000000e+00> : vector<128x512xf32>
    %dot_general3A_150 = tpu.matmul %slice3A_138, %get3A_143, %dot_general3A_149 {dimension_numbers = #tpu.dot_dimension_numbers<[1], [1], [0], [0], [0, 0, 1, 0], [], []>, transpose_lhs_hint = false} : vector<128x64xbf16>, vector<512x64xbf16>, vector<128x512xf32> -> vector<128x512xf32>
    %mul3A_151 = vector.broadcast %div3A_4 : f32 to vector<128x512xf32>
    %mul3A_152 = arith.mulf %dot_general3A_150, %mul3A_151 : vector<128x512xf32>
    %jit3A_153 = arith.constant 0xFF800000 : f32
    %broadcast_in_dim3A_154 = vector.broadcast %jit3A_153 : f32 to vector<128x512xf32>
    %select_n3A_155 = arith.select %le3A, %mul3A_152, %broadcast_in_dim3A_154 : vector<128x512xi1>, vector<128x512xf32>
    %reduce_max3A_156 = arith.constant dense<0xFF800000> : vector<128xf32>
    %reduce_max3A_157 = vector.multi_reduction <maximumf>, %select_n3A_155, %reduce_max3A_156 [1] : vector<128x512xf32> to vector<128xf32>
    %broadcast_in_dim3A_158 = vector.shape_cast %reduce_max3A_157 : vector<128xf32> to vector<128x1xf32>
    %sub3A_159 = vector.broadcast %broadcast_in_dim3A_158 : vector<128x1xf32> to vector<128x512xf32>
    %sub3A_160 = arith.subf %select_n3A_155, %sub3A_159 : vector<128x512xf32>
    %exp3A_161 = math.exp %sub3A_160 : vector<128x512xf32>
    %reduce_sum3A_162 = arith.constant dense<0.000000e+00> : vector<128xf32>
    %reduce_sum3A_163 = vector.multi_reduction <add>, %exp3A_161, %reduce_sum3A_162 [1] : vector<128x512xf32> to vector<128xf32>
    %broadcast_in_dim3A_164 = vector.shape_cast %reduce_sum3A_163 : vector<128xf32> to vector<128x1xf32>
    %div3A_165 = vector.broadcast %broadcast_in_dim3A_164 : vector<128x1xf32> to vector<128x512xf32>
    %div3A_166 = arith.divf %exp3A_161, %div3A_165 : vector<128x512xf32>
    %convert_element_type3A_167 = arith.truncf %div3A_166 : vector<128x512xf32> to vector<128x512xbf16>
    %dot_general3A_168 = arith.constant dense<0.000000e+00> : vector<128x64xf32>
    %dot_general3A_169 = tpu.matmul %convert_element_type3A_167, %get3A_148, %dot_general3A_168 {dimension_numbers = #tpu.dot_dimension_numbers<[1], [0], [0], [1], [0, 0, 1, 1], [], []>, transpose_lhs_hint = false} : vector<128x512xbf16>, vector<512x64xbf16>, vector<128x64xf32> -> vector<128x64xf32>
    %swap3A_170 = arith.constant 0 : index
    %swap3A_171 = arith.constant 256 : index
    %swap3A_172 = vector.load %arg4[%swap3A_170, %swap3A_171] : memref<128x768xf32, #tpu.memory_space<vmem>>, vector<128x64xf32>
    tpu.vector_store %arg4[%swap3A_170, %swap3A_171], %dot_general3A_169 {strides = array<i32>} : memref<128x768xf32, #tpu.memory_space<vmem>>, vector<128x64xf32>,
    %slice3A_173 = vector.extract_strided_slice %get3A_2 {offsets = [0, 320], sizes = [128, 64], strides = [1, 1]} : vector<128x768xbf16> to vector<128x64xbf16>
    %get3A_174 = arith.constant 1 : index
    %get3A_175 = arith.constant 0 : index
    %get3A_176 = arith.constant 0 : index
    %get3A_177 = vector.load %arg2[%get3A_174, %get3A_175, %get3A_176] : memref<4x512x64xbf16, #tpu.memory_space<vmem>>, vector<1x512x64xbf16>
    %get3A_178 = vector.shape_cast %get3A_177 : vector<1x512x64xbf16> to vector<512x64xbf16>
    %get3A_179 = arith.constant 1 : index
    %get3A_180 = arith.constant 0 : index
    %get3A_181 = arith.constant 0 : index
    %get3A_182 = vector.load %arg3[%get3A_179, %get3A_180, %get3A_181] : memref<4x512x64xbf16, #tpu.memory_space<vmem>>, vector<1x512x64xbf16>
    %get3A_183 = vector.shape_cast %get3A_182 : vector<1x512x64xbf16> to vector<512x64xbf16>
    %dot_general3A_184 = arith.constant dense<0.000000e+00> : vector<128x512xf32>
    %dot_general3A_185 = tpu.matmul %slice3A_173, %get3A_178, %dot_general3A_184 {dimension_numbers = #tpu.dot_dimension_numbers<[1], [1], [0], [0], [0, 0, 1, 0], [], []>, transpose_lhs_hint = false} : vector<128x64xbf16>, vector<512x64xbf16>, vector<128x512xf32> -> vector<128x512xf32>
    %mul3A_186 = vector.broadcast %div3A_4 : f32 to vector<128x512xf32>
    %mul3A_187 = arith.mulf %dot_general3A_185, %mul3A_186 : vector<128x512xf32>
    %jit3A_188 = arith.constant 0xFF800000 : f32
    %broadcast_in_dim3A_189 = vector.broadcast %jit3A_188 : f32 to vector<128x512xf32>
    %select_n3A_190 = arith.select %le3A, %mul3A_187, %broadcast_in_dim3A_189 : vector<128x512xi1>, vector<128x512xf32>
    %reduce_max3A_191 = arith.constant dense<0xFF800000> : vector<128xf32>
    %reduce_max3A_192 = vector.multi_reduction <maximumf>, %select_n3A_190, %reduce_max3A_191 [1] : vector<128x512xf32> to vector<128xf32>
    %broadcast_in_dim3A_193 = vector.shape_cast %reduce_max3A_192 : vector<128xf32> to vector<128x1xf32>
    %sub3A_194 = vector.broadcast %broadcast_in_dim3A_193 : vector<128x1xf32> to vector<128x512xf32>
    %sub3A_195 = arith.subf %select_n3A_190, %sub3A_194 : vector<128x512xf32>
    %exp3A_196 = math.exp %sub3A_195 : vector<128x512xf32>
    %reduce_sum3A_197 = arith.constant dense<0.000000e+00> : vector<128xf32>
    %reduce_sum3A_198 = vector.multi_reduction <add>, %exp3A_196, %reduce_sum3A_197 [1] : vector<128x512xf32> to vector<128xf32>
    %broadcast_in_dim3A_199 = vector.shape_cast %reduce_sum3A_198 : vector<128xf32> to vector<128x1xf32>
    %div3A_200 = vector.broadcast %broadcast_in_dim3A_199 : vector<128x1xf32> to vector<128x512xf32>
    %div3A_201 = arith.divf %exp3A_196, %div3A_200 : vector<128x512xf32>
    %convert_element_type3A_202 = arith.truncf %div3A_201 : vector<128x512xf32> to vector<128x512xbf16>
    %dot_general3A_203 = arith.constant dense<0.000000e+00> : vector<128x64xf32>
    %dot_general3A_204 = tpu.matmul %convert_element_type3A_202, %get3A_183, %dot_general3A_203 {dimension_numbers = #tpu.dot_dimension_numbers<[1], [0], [0], [1], [0, 0, 1, 1], [], []>, transpose_lhs_hint = false} : vector<128x512xbf16>, vector<512x64xbf16>, vector<128x64xf32> -> vector<128x64xf32>
    %swap3A_205 = arith.constant 0 : index
    %swap3A_206 = arith.constant 320 : index
    %swap3A_207 = vector.load %arg4[%swap3A_205, %swap3A_206] : memref<128x768xf32, #tpu.memory_space<vmem>>, vector<128x64xf32>
    tpu.vector_store %arg4[%swap3A_205, %swap3A_206], %dot_general3A_204 {strides = array<i32>} : memref<128x768xf32, #tpu.memory_space<vmem>>, vector<128x64xf32>,
    %slice3A_208 = vector.extract_strided_slice %get3A_2 {offsets = [0, 384], sizes = [128, 64], strides = [1, 1]} : vector<128x768xbf16> to vector<128x64xbf16>
    %get3A_209 = arith.constant 2 : index
    %get3A_210 = arith.constant 0 : index
    %get3A_211 = arith.constant 0 : index
    %get3A_212 = vector.load %arg2[%get3A_209, %get3A_210, %get3A_211] : memref<4x512x64xbf16, #tpu.memory_space<vmem>>, vector<1x512x64xbf16>
    %get3A_213 = vector.shape_cast %get3A_212 : vector<1x512x64xbf16> to vector<512x64xbf16>
    %get3A_214 = arith.constant 2 : index
    %get3A_215 = arith.constant 0 : index
    %get3A_216 = arith.constant 0 : index
    %get3A_217 = vector.load %arg3[%get3A_214, %get3A_215, %get3A_216] : memref<4x512x64xbf16, #tpu.memory_space<vmem>>, vector<1x512x64xbf16>
    %get3A_218 = vector.shape_cast %get3A_217 : vector<1x512x64xbf16> to vector<512x64xbf16>
    %dot_general3A_219 = arith.constant dense<0.000000e+00> : vector<128x512xf32>
    %dot_general3A_220 = tpu.matmul %slice3A_208, %get3A_213, %dot_general3A_219 {dimension_numbers = #tpu.dot_dimension_numbers<[1], [1], [0], [0], [0, 0, 1, 0], [], []>, transpose_lhs_hint = false} : vector<128x64xbf16>, vector<512x64xbf16>, vector<128x512xf32> -> vector<128x512xf32>
    %mul3A_221 = vector.broadcast %div3A_4 : f32 to vector<128x512xf32>
    %mul3A_222 = arith.mulf %dot_general3A_220, %mul3A_221 : vector<128x512xf32>
    %jit3A_223 = arith.constant 0xFF800000 : f32
    %broadcast_in_dim3A_224 = vector.broadcast %jit3A_223 : f32 to vector<128x512xf32>
    %select_n3A_225 = arith.select %le3A, %mul3A_222, %broadcast_in_dim3A_224 : vector<128x512xi1>, vector<128x512xf32>
    %reduce_max3A_226 = arith.constant dense<0xFF800000> : vector<128xf32>
    %reduce_max3A_227 = vector.multi_reduction <maximumf>, %select_n3A_225, %reduce_max3A_226 [1] : vector<128x512xf32> to vector<128xf32>
    %broadcast_in_dim3A_228 = vector.shape_cast %reduce_max3A_227 : vector<128xf32> to vector<128x1xf32>
    %sub3A_229 = vector.broadcast %broadcast_in_dim3A_228 : vector<128x1xf32> to vector<128x512xf32>
    %sub3A_230 = arith.subf %select_n3A_225, %sub3A_229 : vector<128x512xf32>
    %exp3A_231 = math.exp %sub3A_230 : vector<128x512xf32>
    %reduce_sum3A_232 = arith.constant dense<0.000000e+00> : vector<128xf32>
    %reduce_sum3A_233 = vector.multi_reduction <add>, %exp3A_231, %reduce_sum3A_232 [1] : vector<128x512xf32> to vector<128xf32>
    %broadcast_in_dim3A_234 = vector.shape_cast %reduce_sum3A_233 : vector<128xf32> to vector<128x1xf32>
    %div3A_235 = vector.broadcast %broadcast_in_dim3A_234 : vector<128x1xf32> to vector<128x512xf32>
    %div3A_236 = arith.divf %exp3A_231, %div3A_235 : vector<128x512xf32>
    %convert_element_type3A_237 = arith.truncf %div3A_236 : vector<128x512xf32> to vector<128x512xbf16>
    %dot_general3A_238 = arith.constant dense<0.000000e+00> : vector<128x64xf32>
    %dot_general3A_239 = tpu.matmul %convert_element_type3A_237, %get3A_218, %dot_general3A_238 {dimension_numbers = #tpu.dot_dimension_numbers<[1], [0], [0], [1], [0, 0, 1, 1], [], []>, transpose_lhs_hint = false} : vector<128x512xbf16>, vector<512x64xbf16>, vector<128x64xf32> -> vector<128x64xf32>
    %swap3A_240 = arith.constant 0 : index
    %swap3A_241 = arith.constant 384 : index
    %swap3A_242 = vector.load %arg4[%swap3A_240, %swap3A_241] : memref<128x768xf32, #tpu.memory_space<vmem>>, vector<128x64xf32>
    tpu.vector_store %arg4[%swap3A_240, %swap3A_241], %dot_general3A_239 {strides = array<i32>} : memref<128x768xf32, #tpu.memory_space<vmem>>, vector<128x64xf32>,
    %slice3A_243 = vector.extract_strided_slice %get3A_2 {offsets = [0, 448], sizes = [128, 64], strides = [1, 1]} : vector<128x768xbf16> to vector<128x64xbf16>
    %get3A_244 = arith.constant 2 : index
    %get3A_245 = arith.constant 0 : index
    %get3A_246 = arith.constant 0 : index
    %get3A_247 = vector.load %arg2[%get3A_244, %get3A_245, %get3A_246] : memref<4x512x64xbf16, #tpu.memory_space<vmem>>, vector<1x512x64xbf16>
    %get3A_248 = vector.shape_cast %get3A_247 : vector<1x512x64xbf16> to vector<512x64xbf16>
    %get3A_249 = arith.constant 2 : index
    %get3A_250 = arith.constant 0 : index
    %get3A_251 = arith.constant 0 : index
    %get3A_252 = vector.load %arg3[%get3A_249, %get3A_250, %get3A_251] : memref<4x512x64xbf16, #tpu.memory_space<vmem>>, vector<1x512x64xbf16>
    %get3A_253 = vector.shape_cast %get3A_252 : vector<1x512x64xbf16> to vector<512x64xbf16>
    %dot_general3A_254 = arith.constant dense<0.000000e+00> : vector<128x512xf32>
    %dot_general3A_255 = tpu.matmul %slice3A_243, %get3A_248, %dot_general3A_254 {dimension_numbers = #tpu.dot_dimension_numbers<[1], [1], [0], [0], [0, 0, 1, 0], [], []>, transpose_lhs_hint = false} : vector<128x64xbf16>, vector<512x64xbf16>, vector<128x512xf32> -> vector<128x512xf32>
    %mul3A_256 = vector.broadcast %div3A_4 : f32 to vector<128x512xf32>
    %mul3A_257 = arith.mulf %dot_general3A_255, %mul3A_256 : vector<128x512xf32>
    %jit3A_258 = arith.constant 0xFF800000 : f32
    %broadcast_in_dim3A_259 = vector.broadcast %jit3A_258 : f32 to vector<128x512xf32>
    %select_n3A_260 = arith.select %le3A, %mul3A_257, %broadcast_in_dim3A_259 : vector<128x512xi1>, vector<128x512xf32>
    %reduce_max3A_261 = arith.constant dense<0xFF800000> : vector<128xf32>
    %reduce_max3A_262 = vector.multi_reduction <maximumf>, %select_n3A_260, %reduce_max3A_261 [1] : vector<128x512xf32> to vector<128xf32>
    %broadcast_in_dim3A_263 = vector.shape_cast %reduce_max3A_262 : vector<128xf32> to vector<128x1xf32>
    %sub3A_264 = vector.broadcast %broadcast_in_dim3A_263 : vector<128x1xf32> to vector<128x512xf32>
    %sub3A_265 = arith.subf %select_n3A_260, %sub3A_264 : vector<128x512xf32>
    %exp3A_266 = math.exp %sub3A_265 : vector<128x512xf32>
    %reduce_sum3A_267 = arith.constant dense<0.000000e+00> : vector<128xf32>
    %reduce_sum3A_268 = vector.multi_reduction <add>, %exp3A_266, %reduce_sum3A_267 [1] : vector<128x512xf32> to vector<128xf32>
    %broadcast_in_dim3A_269 = vector.shape_cast %reduce_sum3A_268 : vector<128xf32> to vector<128x1xf32>
    %div3A_270 = vector.broadcast %broadcast_in_dim3A_269 : vector<128x1xf32> to vector<128x512xf32>
    %div3A_271 = arith.divf %exp3A_266, %div3A_270 : vector<128x512xf32>
    %convert_element_type3A_272 = arith.truncf %div3A_271 : vector<128x512xf32> to vector<128x512xbf16>
    %dot_general3A_273 = arith.constant dense<0.000000e+00> : vector<128x64xf32>
    %dot_general3A_274 = tpu.matmul %convert_element_type3A_272, %get3A_253, %dot_general3A_273 {dimension_numbers = #tpu.dot_dimension_numbers<[1], [0], [0], [1], [0, 0, 1, 1], [], []>, transpose_lhs_hint = false} : vector<128x512xbf16>, vector<512x64xbf16>, vector<128x64xf32> -> vector<128x64xf32>
    %swap3A_275 = arith.constant 0 : index
    %swap3A_276 = arith.constant 448 : index
    %swap3A_277 = vector.load %arg4[%swap3A_275, %swap3A_276] : memref<128x768xf32, #tpu.memory_space<vmem>>, vector<128x64xf32>
    tpu.vector_store %arg4[%swap3A_275, %swap3A_276], %dot_general3A_274 {strides = array<i32>} : memref<128x768xf32, #tpu.memory_space<vmem>>, vector<128x64xf32>,
    %slice3A_278 = vector.extract_strided_slice %get3A_2 {offsets = [0, 512], sizes = [128, 64], strides = [1, 1]} : vector<128x768xbf16> to vector<128x64xbf16>
    %get3A_279 = arith.constant 2 : index
    %get3A_280 = arith.constant 0 : index
    %get3A_281 = arith.constant 0 : index
    %get3A_282 = vector.load %arg2[%get3A_279, %get3A_280, %get3A_281] : memref<4x512x64xbf16, #tpu.memory_space<vmem>>, vector<1x512x64xbf16>
    %get3A_283 = vector.shape_cast %get3A_282 : vector<1x512x64xbf16> to vector<512x64xbf16>
    %get3A_284 = arith.constant 2 : index
    %get3A_285 = arith.constant 0 : index
    %get3A_286 = arith.constant 0 : index
    %get3A_287 = vector.load %arg3[%get3A_284, %get3A_285, %get3A_286] : memref<4x512x64xbf16, #tpu.memory_space<vmem>>, vector<1x512x64xbf16>
    %get3A_288 = vector.shape_cast %get3A_287 : vector<1x512x64xbf16> to vector<512x64xbf16>
    %dot_general3A_289 = arith.constant dense<0.000000e+00> : vector<128x512xf32>
    %dot_general3A_290 = tpu.matmul %slice3A_278, %get3A_283, %dot_general3A_289 {dimension_numbers = #tpu.dot_dimension_numbers<[1], [1], [0], [0], [0, 0, 1, 0], [], []>, transpose_lhs_hint = false} : vector<128x64xbf16>, vector<512x64xbf16>, vector<128x512xf32> -> vector<128x512xf32>
    %mul3A_291 = vector.broadcast %div3A_4 : f32 to vector<128x512xf32>
    %mul3A_292 = arith.mulf %dot_general3A_290, %mul3A_291 : vector<128x512xf32>
    %jit3A_293 = arith.constant 0xFF800000 : f32
    %broadcast_in_dim3A_294 = vector.broadcast %jit3A_293 : f32 to vector<128x512xf32>
    %select_n3A_295 = arith.select %le3A, %mul3A_292, %broadcast_in_dim3A_294 : vector<128x512xi1>, vector<128x512xf32>
    %reduce_max3A_296 = arith.constant dense<0xFF800000> : vector<128xf32>
    %reduce_max3A_297 = vector.multi_reduction <maximumf>, %select_n3A_295, %reduce_max3A_296 [1] : vector<128x512xf32> to vector<128xf32>
    %broadcast_in_dim3A_298 = vector.shape_cast %reduce_max3A_297 : vector<128xf32> to vector<128x1xf32>
    %sub3A_299 = vector.broadcast %broadcast_in_dim3A_298 : vector<128x1xf32> to vector<128x512xf32>
    %sub3A_300 = arith.subf %select_n3A_295, %sub3A_299 : vector<128x512xf32>
    %exp3A_301 = math.exp %sub3A_300 : vector<128x512xf32>
    %reduce_sum3A_302 = arith.constant dense<0.000000e+00> : vector<128xf32>
    %reduce_sum3A_303 = vector.multi_reduction <add>, %exp3A_301, %reduce_sum3A_302 [1] : vector<128x512xf32> to vector<128xf32>
    %broadcast_in_dim3A_304 = vector.shape_cast %reduce_sum3A_303 : vector<128xf32> to vector<128x1xf32>
    %div3A_305 = vector.broadcast %broadcast_in_dim3A_304 : vector<128x1xf32> to vector<128x512xf32>
    %div3A_306 = arith.divf %exp3A_301, %div3A_305 : vector<128x512xf32>
    %convert_element_type3A_307 = arith.truncf %div3A_306 : vector<128x512xf32> to vector<128x512xbf16>
    %dot_general3A_308 = arith.constant dense<0.000000e+00> : vector<128x64xf32>
    %dot_general3A_309 = tpu.matmul %convert_element_type3A_307, %get3A_288, %dot_general3A_308 {dimension_numbers = #tpu.dot_dimension_numbers<[1], [0], [0], [1], [0, 0, 1, 1], [], []>, transpose_lhs_hint = false} : vector<128x512xbf16>, vector<512x64xbf16>, vector<128x64xf32> -> vector<128x64xf32>
    %swap3A_310 = arith.constant 0 : index
    %swap3A_311 = arith.constant 512 : index
    %swap3A_312 = vector.load %arg4[%swap3A_310, %swap3A_311] : memref<128x768xf32, #tpu.memory_space<vmem>>, vector<128x64xf32>
    tpu.vector_store %arg4[%swap3A_310, %swap3A_311], %dot_general3A_309 {strides = array<i32>} : memref<128x768xf32, #tpu.memory_space<vmem>>, vector<128x64xf32>,
    %slice3A_313 = vector.extract_strided_slice %get3A_2 {offsets = [0, 576], sizes = [128, 64], strides = [1, 1]} : vector<128x768xbf16> to vector<128x64xbf16>
    %get3A_314 = arith.constant 3 : index
    %get3A_315 = arith.constant 0 : index
    %get3A_316 = arith.constant 0 : index
    %get3A_317 = vector.load %arg2[%get3A_314, %get3A_315, %get3A_316] : memref<4x512x64xbf16, #tpu.memory_space<vmem>>, vector<1x512x64xbf16>
    %get3A_318 = vector.shape_cast %get3A_317 : vector<1x512x64xbf16> to vector<512x64xbf16>
    %get3A_319 = arith.constant 3 : index
    %get3A_320 = arith.constant 0 : index
    %get3A_321 = arith.constant 0 : index
    %get3A_322 = vector.load %arg3[%get3A_319, %get3A_320, %get3A_321] : memref<4x512x64xbf16, #tpu.memory_space<vmem>>, vector<1x512x64xbf16>
    %get3A_323 = vector.shape_cast %get3A_322 : vector<1x512x64xbf16> to vector<512x64xbf16>
    %dot_general3A_324 = arith.constant dense<0.000000e+00> : vector<128x512xf32>
    %dot_general3A_325 = tpu.matmul %slice3A_313, %get3A_318, %dot_general3A_324 {dimension_numbers = #tpu.dot_dimension_numbers<[1], [1], [0], [0], [0, 0, 1, 0], [], []>, transpose_lhs_hint = false} : vector<128x64xbf16>, vector<512x64xbf16>, vector<128x512xf32> -> vector<128x512xf32>
    %mul3A_326 = vector.broadcast %div3A_4 : f32 to vector<128x512xf32>
    %mul3A_327 = arith.mulf %dot_general3A_325, %mul3A_326 : vector<128x512xf32>
    %jit3A_328 = arith.constant 0xFF800000 : f32
    %broadcast_in_dim3A_329 = vector.broadcast %jit3A_328 : f32 to vector<128x512xf32>
    %select_n3A_330 = arith.select %le3A, %mul3A_327, %broadcast_in_dim3A_329 : vector<128x512xi1>, vector<128x512xf32>
    %reduce_max3A_331 = arith.constant dense<0xFF800000> : vector<128xf32>
    %reduce_max3A_332 = vector.multi_reduction <maximumf>, %select_n3A_330, %reduce_max3A_331 [1] : vector<128x512xf32> to vector<128xf32>
    %broadcast_in_dim3A_333 = vector.shape_cast %reduce_max3A_332 : vector<128xf32> to vector<128x1xf32>
    %sub3A_334 = vector.broadcast %broadcast_in_dim3A_333 : vector<128x1xf32> to vector<128x512xf32>
    %sub3A_335 = arith.subf %select_n3A_330, %sub3A_334 : vector<128x512xf32>
    %exp3A_336 = math.exp %sub3A_335 : vector<128x512xf32>
    %reduce_sum3A_337 = arith.constant dense<0.000000e+00> : vector<128xf32>
    %reduce_sum3A_338 = vector.multi_reduction <add>, %exp3A_336, %reduce_sum3A_337 [1] : vector<128x512xf32> to vector<128xf32>
    %broadcast_in_dim3A_339 = vector.shape_cast %reduce_sum3A_338 : vector<128xf32> to vector<128x1xf32>
    %div3A_340 = vector.broadcast %broadcast_in_dim3A_339 : vector<128x1xf32> to vector<128x512xf32>
    %div3A_341 = arith.divf %exp3A_336, %div3A_340 : vector<128x512xf32>
    %convert_element_type3A_342 = arith.truncf %div3A_341 : vector<128x512xf32> to vector<128x512xbf16>
    %dot_general3A_343 = arith.constant dense<0.000000e+00> : vector<128x64xf32>
    %dot_general3A_344 = tpu.matmul %convert_element_type3A_342, %get3A_323, %dot_general3A_343 {dimension_numbers = #tpu.dot_dimension_numbers<[1], [0], [0], [1], [0, 0, 1, 1], [], []>, transpose_lhs_hint = false} : vector<128x512xbf16>, vector<512x64xbf16>, vector<128x64xf32> -> vector<128x64xf32>
    %swap3A_345 = arith.constant 0 : index
    %swap3A_346 = arith.constant 576 : index
    %swap3A_347 = vector.load %arg4[%swap3A_345, %swap3A_346] : memref<128x768xf32, #tpu.memory_space<vmem>>, vector<128x64xf32>
    tpu.vector_store %arg4[%swap3A_345, %swap3A_346], %dot_general3A_344 {strides = array<i32>} : memref<128x768xf32, #tpu.memory_space<vmem>>, vector<128x64xf32>,
    %slice3A_348 = vector.extract_strided_slice %get3A_2 {offsets = [0, 640], sizes = [128, 64], strides = [1, 1]} : vector<128x768xbf16> to vector<128x64xbf16>
    %get3A_349 = arith.constant 3 : index
    %get3A_350 = arith.constant 0 : index
    %get3A_351 = arith.constant 0 : index
    %get3A_352 = vector.load %arg2[%get3A_349, %get3A_350, %get3A_351] : memref<4x512x64xbf16, #tpu.memory_space<vmem>>, vector<1x512x64xbf16>
    %get3A_353 = vector.shape_cast %get3A_352 : vector<1x512x64xbf16> to vector<512x64xbf16>
    %get3A_354 = arith.constant 3 : index
    %get3A_355 = arith.constant 0 : index
    %get3A_356 = arith.constant 0 : index
    %get3A_357 = vector.load %arg3[%get3A_354, %get3A_355, %get3A_356] : memref<4x512x64xbf16, #tpu.memory_space<vmem>>, vector<1x512x64xbf16>
    %get3A_358 = vector.shape_cast %get3A_357 : vector<1x512x64xbf16> to vector<512x64xbf16>
    %dot_general3A_359 = arith.constant dense<0.000000e+00> : vector<128x512xf32>
    %dot_general3A_360 = tpu.matmul %slice3A_348, %get3A_353, %dot_general3A_359 {dimension_numbers = #tpu.dot_dimension_numbers<[1], [1], [0], [0], [0, 0, 1, 0], [], []>, transpose_lhs_hint = false} : vector<128x64xbf16>, vector<512x64xbf16>, vector<128x512xf32> -> vector<128x512xf32>
    %mul3A_361 = vector.broadcast %div3A_4 : f32 to vector<128x512xf32>
    %mul3A_362 = arith.mulf %dot_general3A_360, %mul3A_361 : vector<128x512xf32>
    %jit3A_363 = arith.constant 0xFF800000 : f32
    %broadcast_in_dim3A_364 = vector.broadcast %jit3A_363 : f32 to vector<128x512xf32>
    %select_n3A_365 = arith.select %le3A, %mul3A_362, %broadcast_in_dim3A_364 : vector<128x512xi1>, vector<128x512xf32>
    %reduce_max3A_366 = arith.constant dense<0xFF800000> : vector<128xf32>
    %reduce_max3A_367 = vector.multi_reduction <maximumf>, %select_n3A_365, %reduce_max3A_366 [1] : vector<128x512xf32> to vector<128xf32>
    %broadcast_in_dim3A_368 = vector.shape_cast %reduce_max3A_367 : vector<128xf32> to vector<128x1xf32>
    %sub3A_369 = vector.broadcast %broadcast_in_dim3A_368 : vector<128x1xf32> to vector<128x512xf32>
    %sub3A_370 = arith.subf %select_n3A_365, %sub3A_369 : vector<128x512xf32>
    %exp3A_371 = math.exp %sub3A_370 : vector<128x512xf32>
    %reduce_sum3A_372 = arith.constant dense<0.000000e+00> : vector<128xf32>
    %reduce_sum3A_373 = vector.multi_reduction <add>, %exp3A_371, %reduce_sum3A_372 [1] : vector<128x512xf32> to vector<128xf32>
    %broadcast_in_dim3A_374 = vector.shape_cast %reduce_sum3A_373 : vector<128xf32> to vector<128x1xf32>
    %div3A_375 = vector.broadcast %broadcast_in_dim3A_374 : vector<128x1xf32> to vector<128x512xf32>
    %div3A_376 = arith.divf %exp3A_371, %div3A_375 : vector<128x512xf32>
    %convert_element_type3A_377 = arith.truncf %div3A_376 : vector<128x512xf32> to vector<128x512xbf16>
    %dot_general3A_378 = arith.constant dense<0.000000e+00> : vector<128x64xf32>
    %dot_general3A_379 = tpu.matmul %convert_element_type3A_377, %get3A_358, %dot_general3A_378 {dimension_numbers = #tpu.dot_dimension_numbers<[1], [0], [0], [1], [0, 0, 1, 1], [], []>, transpose_lhs_hint = false} : vector<128x512xbf16>, vector<512x64xbf16>, vector<128x64xf32> -> vector<128x64xf32>
    %swap3A_380 = arith.constant 0 : index
    %swap3A_381 = arith.constant 640 : index
    %swap3A_382 = vector.load %arg4[%swap3A_380, %swap3A_381] : memref<128x768xf32, #tpu.memory_space<vmem>>, vector<128x64xf32>
    tpu.vector_store %arg4[%swap3A_380, %swap3A_381], %dot_general3A_379 {strides = array<i32>} : memref<128x768xf32, #tpu.memory_space<vmem>>, vector<128x64xf32>,
    %slice3A_383 = vector.extract_strided_slice %get3A_2 {offsets = [0, 704], sizes = [128, 64], strides = [1, 1]} : vector<128x768xbf16> to vector<128x64xbf16>
    %get3A_384 = arith.constant 3 : index
    %get3A_385 = arith.constant 0 : index
    %get3A_386 = arith.constant 0 : index
    %get3A_387 = vector.load %arg2[%get3A_384, %get3A_385, %get3A_386] : memref<4x512x64xbf16, #tpu.memory_space<vmem>>, vector<1x512x64xbf16>
    %get3A_388 = vector.shape_cast %get3A_387 : vector<1x512x64xbf16> to vector<512x64xbf16>
    %get3A_389 = arith.constant 3 : index
    %get3A_390 = arith.constant 0 : index
    %get3A_391 = arith.constant 0 : index
    %get3A_392 = vector.load %arg3[%get3A_389, %get3A_390, %get3A_391] : memref<4x512x64xbf16, #tpu.memory_space<vmem>>, vector<1x512x64xbf16>
    %get3A_393 = vector.shape_cast %get3A_392 : vector<1x512x64xbf16> to vector<512x64xbf16>
    %dot_general3A_394 = arith.constant dense<0.000000e+00> : vector<128x512xf32>
    %dot_general3A_395 = tpu.matmul %slice3A_383, %get3A_388, %dot_general3A_394 {dimension_numbers = #tpu.dot_dimension_numbers<[1], [1], [0], [0], [0, 0, 1, 0], [], []>, transpose_lhs_hint = false} : vector<128x64xbf16>, vector<512x64xbf16>, vector<128x512xf32> -> vector<128x512xf32>
    %mul3A_396 = vector.broadcast %div3A_4 : f32 to vector<128x512xf32>
    %mul3A_397 = arith.mulf %dot_general3A_395, %mul3A_396 : vector<128x512xf32>
    %jit3A_398 = arith.constant 0xFF800000 : f32
    %broadcast_in_dim3A_399 = vector.broadcast %jit3A_398 : f32 to vector<128x512xf32>
    %select_n3A_400 = arith.select %le3A, %mul3A_397, %broadcast_in_dim3A_399 : vector<128x512xi1>, vector<128x512xf32>
    %reduce_max3A_401 = arith.constant dense<0xFF800000> : vector<128xf32>
    %reduce_max3A_402 = vector.multi_reduction <maximumf>, %select_n3A_400, %reduce_max3A_401 [1] : vector<128x512xf32> to vector<128xf32>
    %broadcast_in_dim3A_403 = vector.shape_cast %reduce_max3A_402 : vector<128xf32> to vector<128x1xf32>
    %sub3A_404 = vector.broadcast %broadcast_in_dim3A_403 : vector<128x1xf32> to vector<128x512xf32>
    %sub3A_405 = arith.subf %select_n3A_400, %sub3A_404 : vector<128x512xf32>
    %exp3A_406 = math.exp %sub3A_405 : vector<128x512xf32>
    %reduce_sum3A_407 = arith.constant dense<0.000000e+00> : vector<128xf32>
    %reduce_sum3A_408 = vector.multi_reduction <add>, %exp3A_406, %reduce_sum3A_407 [1] : vector<128x512xf32> to vector<128xf32>
    %broadcast_in_dim3A_409 = vector.shape_cast %reduce_sum3A_408 : vector<128xf32> to vector<128x1xf32>
    %div3A_410 = vector.broadcast %broadcast_in_dim3A_409 : vector<128x1xf32> to vector<128x512xf32>
    %div3A_411 = arith.divf %exp3A_406, %div3A_410 : vector<128x512xf32>
    %convert_element_type3A_412 = arith.truncf %div3A_411 : vector<128x512xf32> to vector<128x512xbf16>
    %dot_general3A_413 = arith.constant dense<0.000000e+00> : vector<128x64xf32>
    %dot_general3A_414 = tpu.matmul %convert_element_type3A_412, %get3A_393, %dot_general3A_413 {dimension_numbers = #tpu.dot_dimension_numbers<[1], [0], [0], [1], [0, 0, 1, 1], [], []>, transpose_lhs_hint = false} : vector<128x512xbf16>, vector<512x64xbf16>, vector<128x64xf32> -> vector<128x64xf32>
    %swap3A_415 = arith.constant 0 : index
    %swap3A_416 = arith.constant 704 : index
    %swap3A_417 = vector.load %arg4[%swap3A_415, %swap3A_416] : memref<128x768xf32, #tpu.memory_space<vmem>>, vector<128x64xf32>
    tpu.vector_store %arg4[%swap3A_415, %swap3A_416], %dot_general3A_414 {strides = array<i32>} : memref<128x768xf32, #tpu.memory_space<vmem>>, vector<128x64xf32>,
    return
  }
  func.func @transform_0(%arg0: i32) -> (i32, i32) {
    %add3A = arith.constant 0 : i32
    %add3A_0 = arith.addi %arg0, %add3A : i32
    %c0_i32 = arith.constant 0 : i32
    %c0_i32_1 = arith.constant 0 : i32
    return %add3A_0, %c0_i32 : i32, i32
  }
  func.func @transform_1(%arg0: i32) -> (i32, i32, i32) {
    %c0_i32 = arith.constant 0 : i32
    %c0_i32_0 = arith.constant 0 : i32
    %c0_i32_1 = arith.constant 0 : i32
    %c0_i32_2 = arith.constant 0 : i32
    return %c0_i32, %c0_i32_0, %c0_i32_1 : i32, i32, i32
  }
  func.func @transform_2(%arg0: i32) -> (i32, i32, i32) {
    %c0_i32 = arith.constant 0 : i32
    %c0_i32_0 = arith.constant 0 : i32
    %c0_i32_1 = arith.constant 0 : i32
    %c0_i32_2 = arith.constant 0 : i32
    return %c0_i32, %c0_i32_0, %c0_i32_1 : i32, i32, i32
  }
  func.func @transform_3(%arg0: i32) -> (i32, i32) {
    %c0_i32 = arith.constant 0 : i32
    %c0_i32_0 = arith.constant 0 : i32
    return %arg0, %c0_i32 : i32, i32
  }
}

module attributes {stable_mosaic.version = 14 : i64} {
  func.func @_proj_router_body(%arg0: memref<512x768xf32, #tpu.memory_space<vmem>>, %arg1: memref<512x768xf32, #tpu.memory_space<vmem>>, %arg2: memref<512x768xf32, #tpu.memory_space<vmem>>, %arg3: memref<512x768xf32, #tpu.memory_space<vmem>>, %arg4: memref<2048x768xf32, #tpu.memory_space<vmem>>, %arg5: memref<768x768xf32, #tpu.memory_space<vmem>>, %arg6: memref<1x768xf32, #tpu.memory_space<vmem>>, %arg7: memref<64x768xf32, #tpu.memory_space<vmem>>, %arg8: memref<2048x768xf32, #tpu.memory_space<vmem>>, %arg9: memref<2048x768xf32, #tpu.memory_space<vmem>>, %arg10: memref<2048x1xi32, #tpu.memory_space<vmem>>, %arg11: memref<2048x1xi32, #tpu.memory_space<vmem>>, %arg12: memref<2048x1xf32, #tpu.memory_space<vmem>>, %arg13: memref<2048x1xf32, #tpu.memory_space<vmem>>, %arg14: memref<1x64xi32, #tpu.memory_space<vmem>>, %arg15: memref<1x64xi32, #tpu.memory_space<vmem>>, %arg16: memref<1x1xf32, #tpu.memory_space<vmem>>, %arg17: memref<2048x64xf32, #tpu.memory_space<vmem>>) attributes {dimension_semantics = [], scalar_prefetch = 0 : i64, scratch_operands = 1 : i64, tpu.core_type = #tpu.core_type<tc>} {
    %get3A = arith.constant 0 : index
    %get3A_0 = arith.constant 0 : index
    %get3A_1 = vector.load %arg0[%get3A, %get3A_0] : memref<512x768xf32, #tpu.memory_space<vmem>>, vector<512x768xf32>
    %get3A_2 = arith.constant 0 : index
    %get3A_3 = arith.constant 0 : index
    %get3A_4 = vector.load %arg1[%get3A_2, %get3A_3] : memref<512x768xf32, #tpu.memory_space<vmem>>, vector<512x768xf32>
    %get3A_5 = arith.constant 0 : index
    %get3A_6 = arith.constant 0 : index
    %get3A_7 = vector.load %arg2[%get3A_5, %get3A_6] : memref<512x768xf32, #tpu.memory_space<vmem>>, vector<512x768xf32>
    %get3A_8 = arith.constant 0 : index
    %get3A_9 = arith.constant 0 : index
    %get3A_10 = vector.load %arg3[%get3A_8, %get3A_9] : memref<512x768xf32, #tpu.memory_space<vmem>>, vector<512x768xf32>
    %concatenate3A = tpu.concatenate %get3A_1, %get3A_4, %get3A_7, %get3A_10 in 0 : vector<512x768xf32>, vector<512x768xf32>, vector<512x768xf32>, vector<512x768xf32> -> vector<2048x768xf32>
    %get3A_11 = arith.constant 0 : index
    %get3A_12 = arith.constant 0 : index
    %get3A_13 = vector.load %arg5[%get3A_11, %get3A_12] : memref<768x768xf32, #tpu.memory_space<vmem>>, vector<768x768xf32>
    %transpose3A = tpu.transpose %get3A_13, [1, 0] : vector<768x768xf32> -> vector<768x768xf32>
    %dot_general3A = arith.constant dense<0.000000e+00> : vector<2048x768xf32>
    %dot_general3A_14 = tpu.matmul %concatenate3A, %transpose3A, %dot_general3A {dimension_numbers = #tpu.dot_dimension_numbers<[1], [0], [0], [1], [0, 0, 1, 1], [], []>, transpose_lhs_hint = false} : vector<2048x768xf32>, vector<768x768xf32>, vector<2048x768xf32> -> vector<2048x768xf32>
    %get3A_15 = arith.constant 0 : index
    %get3A_16 = arith.constant 0 : index
    %get3A_17 = vector.load %arg4[%get3A_15, %get3A_16] : memref<2048x768xf32, #tpu.memory_space<vmem>>, vector<2048x768xf32>
    %add3A = arith.addf %get3A_17, %dot_general3A_14 : vector<2048x768xf32>
    %swap3A = arith.constant 0 : index
    %swap3A_18 = arith.constant 0 : index
    %swap3A_19 = vector.load %arg8[%swap3A, %swap3A_18] : memref<2048x768xf32, #tpu.memory_space<vmem>>, vector<2048x768xf32>
    tpu.vector_store %arg8[%swap3A, %swap3A_18], %add3A {strides = array<i32>} : memref<2048x768xf32, #tpu.memory_space<vmem>>, vector<2048x768xf32>,
    %get3A_20 = arith.constant 0 : index
    %get3A_21 = arith.constant 0 : index
    %get3A_22 = vector.load %arg6[%get3A_20, %get3A_21] : memref<1x768xf32, #tpu.memory_space<vmem>>, vector<1x768xf32>
    %mul3A = arith.mulf %add3A, %add3A : vector<2048x768xf32>
    %reduce_sum3A = arith.constant dense<0.000000e+00> : vector<2048xf32>
    %reduce_sum3A_23 = vector.multi_reduction <add>, %mul3A, %reduce_sum3A [1] : vector<2048x768xf32> to vector<2048xf32>
    %broadcast_in_dim3A = vector.shape_cast %reduce_sum3A_23 : vector<2048xf32> to vector<2048x1xf32>
    %div3A = arith.constant 7.680000e+02 : f32
    %div3A_24 = vector.broadcast %div3A : f32 to vector<2048x1xf32>
    %div3A_25 = arith.divf %broadcast_in_dim3A, %div3A_24 : vector<2048x1xf32>
    %add3A_26 = arith.constant 9.99999997E-7 : f32
    %add3A_27 = vector.broadcast %add3A_26 : f32 to vector<2048x1xf32>
    %add3A_28 = arith.addf %div3A_25, %add3A_27 : vector<2048x1xf32>
    %rsqrt3A = math.rsqrt %add3A_28 : vector<2048x1xf32>
    %mul3A_29 = vector.broadcast %rsqrt3A : vector<2048x1xf32> to vector<2048x768xf32>
    %mul3A_30 = arith.mulf %add3A, %mul3A_29 : vector<2048x768xf32>
    %mul3A_31 = vector.broadcast %get3A_22 : vector<1x768xf32> to vector<2048x768xf32>
    %mul3A_32 = arith.mulf %mul3A_30, %mul3A_31 : vector<2048x768xf32>
    %swap3A_33 = arith.constant 0 : index
    %swap3A_34 = arith.constant 0 : index
    %swap3A_35 = vector.load %arg9[%swap3A_33, %swap3A_34] : memref<2048x768xf32, #tpu.memory_space<vmem>>, vector<2048x768xf32>
    tpu.vector_store %arg9[%swap3A_33, %swap3A_34], %mul3A_32 {strides = array<i32>} : memref<2048x768xf32, #tpu.memory_space<vmem>>, vector<2048x768xf32>,
    %get3A_36 = arith.constant 0 : index
    %get3A_37 = arith.constant 0 : index
    %get3A_38 = vector.load %arg7[%get3A_36, %get3A_37] : memref<64x768xf32, #tpu.memory_space<vmem>>, vector<64x768xf32>
    %transpose3A_39 = tpu.transpose %get3A_38, [1, 0] : vector<64x768xf32> -> vector<768x64xf32>
    %dot_general3A_40 = arith.constant dense<0.000000e+00> : vector<2048x64xf32>
    %dot_general3A_41 = tpu.matmul %mul3A_32, %transpose3A_39, %dot_general3A_40 {dimension_numbers = #tpu.dot_dimension_numbers<[1], [0], [0], [1], [0, 0, 1, 1], [], []>, transpose_lhs_hint = false} : vector<2048x768xf32>, vector<768x64xf32>, vector<2048x64xf32> -> vector<2048x64xf32>
    %reduce_max3A = arith.constant dense<0xFF800000> : vector<2048xf32>
    %reduce_max3A_42 = vector.multi_reduction <maximumf>, %dot_general3A_41, %reduce_max3A [1] : vector<2048x64xf32> to vector<2048xf32>
    %broadcast_in_dim3A_43 = vector.shape_cast %reduce_max3A_42 : vector<2048xf32> to vector<2048x1xf32>
    %sub3A = vector.broadcast %broadcast_in_dim3A_43 : vector<2048x1xf32> to vector<2048x64xf32>
    %sub3A_44 = arith.subf %dot_general3A_41, %sub3A : vector<2048x64xf32>
    %exp3A = math.exp %sub3A_44 : vector<2048x64xf32>
    %reduce_sum3A_45 = arith.constant dense<0.000000e+00> : vector<2048xf32>
    %reduce_sum3A_46 = vector.multi_reduction <add>, %exp3A, %reduce_sum3A_45 [1] : vector<2048x64xf32> to vector<2048xf32>
    %broadcast_in_dim3A_47 = vector.shape_cast %reduce_sum3A_46 : vector<2048xf32> to vector<2048x1xf32>
    %div3A_48 = vector.broadcast %broadcast_in_dim3A_47 : vector<2048x1xf32> to vector<2048x64xf32>
    %div3A_49 = arith.divf %exp3A, %div3A_48 : vector<2048x64xf32>
    %iota3A = tpu.iota {dimensions = array<i32: 1>} : vector<2048x64xi32>
    %reduce_max3A_50 = arith.constant dense<0xFF800000> : vector<2048xf32>
    %reduce_max3A_51 = vector.multi_reduction <maximumf>, %div3A_49, %reduce_max3A_50 [1] : vector<2048x64xf32> to vector<2048xf32>
    %broadcast_in_dim3A_52 = vector.shape_cast %reduce_max3A_51 : vector<2048xf32> to vector<2048x1xf32>
    %eq3A = vector.broadcast %broadcast_in_dim3A_52 : vector<2048x1xf32> to vector<2048x64xf32>
    %eq3A_53 = arith.cmpf oeq, %div3A_49, %eq3A : vector<2048x64xf32>
    %jit3A = arith.constant 64 : i32
    %broadcast_in_dim3A_54 = vector.broadcast %jit3A : i32 to vector<2048x64xi32>
    %select_n3A = arith.select %eq3A_53, %iota3A, %broadcast_in_dim3A_54 : vector<2048x64xi1>, vector<2048x64xi32>
    %reduce_min3A = arith.constant dense<2147483647> : vector<2048xi32>
    %reduce_min3A_55 = vector.multi_reduction <minsi>, %select_n3A, %reduce_min3A [1] : vector<2048x64xi32> to vector<2048xi32>
    %broadcast_in_dim3A_56 = vector.shape_cast %reduce_min3A_55 : vector<2048xi32> to vector<2048x1xi32>
    %eq3A_57 = vector.broadcast %broadcast_in_dim3A_56 : vector<2048x1xi32> to vector<2048x64xi32>
    %eq3A_58 = arith.cmpi eq, %iota3A, %eq3A_57 : vector<2048x64xi32>
    %jit3A_59 = arith.constant -1.000000e+00 : f32
    %broadcast_in_dim3A_60 = vector.broadcast %jit3A_59 : f32 to vector<2048x64xf32>
    %select_n3A_61 = arith.select %eq3A_58, %broadcast_in_dim3A_60, %div3A_49 : vector<2048x64xi1>, vector<2048x64xf32>
    %reduce_max3A_62 = arith.constant dense<0xFF800000> : vector<2048xf32>
    %reduce_max3A_63 = vector.multi_reduction <maximumf>, %select_n3A_61, %reduce_max3A_62 [1] : vector<2048x64xf32> to vector<2048xf32>
    %broadcast_in_dim3A_64 = vector.shape_cast %reduce_max3A_63 : vector<2048xf32> to vector<2048x1xf32>
    %eq3A_65 = vector.broadcast %broadcast_in_dim3A_64 : vector<2048x1xf32> to vector<2048x64xf32>
    %eq3A_66 = arith.cmpf oeq, %select_n3A_61, %eq3A_65 : vector<2048x64xf32>
    %jit3A_67 = arith.constant 64 : i32
    %broadcast_in_dim3A_68 = vector.broadcast %jit3A_67 : i32 to vector<2048x64xi32>
    %select_n3A_69 = arith.select %eq3A_66, %iota3A, %broadcast_in_dim3A_68 : vector<2048x64xi1>, vector<2048x64xi32>
    %reduce_min3A_70 = arith.constant dense<2147483647> : vector<2048xi32>
    %reduce_min3A_71 = vector.multi_reduction <minsi>, %select_n3A_69, %reduce_min3A_70 [1] : vector<2048x64xi32> to vector<2048xi32>
    %broadcast_in_dim3A_72 = vector.shape_cast %reduce_min3A_71 : vector<2048xi32> to vector<2048x1xi32>
    %eq3A_73 = vector.broadcast %broadcast_in_dim3A_72 : vector<2048x1xi32> to vector<2048x64xi32>
    %eq3A_74 = arith.cmpi eq, %iota3A, %eq3A_73 : vector<2048x64xi32>
    %add3A_75 = arith.addf %broadcast_in_dim3A_52, %broadcast_in_dim3A_64 : vector<2048x1xf32>
    %div3A_76 = arith.divf %broadcast_in_dim3A_52, %add3A_75 : vector<2048x1xf32>
    %swap3A_77 = arith.constant 0 : index
    %swap3A_78 = arith.constant 0 : index
    %swap3A_79 = vector.load %arg12[%swap3A_77, %swap3A_78] : memref<2048x1xf32, #tpu.memory_space<vmem>>, vector<2048x1xf32>
    tpu.vector_store %arg12[%swap3A_77, %swap3A_78], %div3A_76 {strides = array<i32>} : memref<2048x1xf32, #tpu.memory_space<vmem>>, vector<2048x1xf32>,
    %div3A_80 = arith.divf %broadcast_in_dim3A_64, %add3A_75 : vector<2048x1xf32>
    %swap3A_81 = arith.constant 0 : index
    %swap3A_82 = arith.constant 0 : index
    %swap3A_83 = vector.load %arg13[%swap3A_81, %swap3A_82] : memref<2048x1xf32, #tpu.memory_space<vmem>>, vector<2048x1xf32>
    tpu.vector_store %arg13[%swap3A_81, %swap3A_82], %div3A_80 {strides = array<i32>} : memref<2048x1xf32, #tpu.memory_space<vmem>>, vector<2048x1xf32>,
    %reduce_sum3A_84 = arith.constant dense<0.000000e+00> : vector<64xf32>
    %reduce_sum3A_85 = vector.multi_reduction <add>, %div3A_49, %reduce_sum3A_84 [0] : vector<2048x64xf32> to vector<64xf32>
    %broadcast_in_dim3A_86 = vector.shape_cast %reduce_sum3A_85 : vector<64xf32> to vector<1x64xf32>
    %div3A_87 = arith.constant 2.048000e+03 : f32
    %div3A_88 = vector.broadcast %div3A_87 : f32 to vector<1x64xf32>
    %div3A_89 = arith.divf %broadcast_in_dim3A_86, %div3A_88 : vector<1x64xf32>
    %mul3A_90 = arith.mulf %div3A_89, %div3A_89 : vector<1x64xf32>
    %reduce_sum3A_91 = arith.constant dense<0.000000e+00> : vector<1xf32>
    %reduce_sum3A_92 = vector.multi_reduction <add>, %mul3A_90, %reduce_sum3A_91 [1] : vector<1x64xf32> to vector<1xf32>
    %broadcast_in_dim3A_93 = vector.shape_cast %reduce_sum3A_92 : vector<1xf32> to vector<1x1xf32>
    %mul3A_94 = arith.constant 6.400000e+01 : f32
    %mul3A_95 = vector.broadcast %mul3A_94 : f32 to vector<1x1xf32>
    %mul3A_96 = arith.mulf %mul3A_95, %broadcast_in_dim3A_93 : vector<1x1xf32>
    %swap3A_97 = arith.constant 0 : index
    %swap3A_98 = arith.constant 0 : index
    %swap3A_99 = vector.load %arg16[%swap3A_97, %swap3A_98] : memref<1x1xf32, #tpu.memory_space<vmem>>, vector<1x1xf32>
    tpu.vector_store %arg16[%swap3A_97, %swap3A_98], %mul3A_96 {strides = array<i32>} : memref<1x1xf32, #tpu.memory_space<vmem>>, vector<1x1xf32>,
    %convert_element_type3A = arith.extui %eq3A_58 : vector<2048x64xi1> to vector<2048x64xi32>
    %convert_element_type3A_100 = arith.sitofp %convert_element_type3A : vector<2048x64xi32> to vector<2048x64xf32>
    %convert_element_type3A_101 = arith.extui %eq3A_74 : vector<2048x64xi1> to vector<2048x64xi32>
    %convert_element_type3A_102 = arith.sitofp %convert_element_type3A_101 : vector<2048x64xi32> to vector<2048x64xf32>
    %add3A_103 = arith.addf %convert_element_type3A_100, %convert_element_type3A_102 : vector<2048x64xf32>
    %iota3A_104 = tpu.iota {dimensions = array<i32: 0>} : vector<128x128xi32>
    %iota3A_105 = tpu.iota {dimensions = array<i32: 1>} : vector<128x128xi32>
    %gt3A = arith.cmpi sgt, %iota3A_104, %iota3A_105 : vector<128x128xi32>
    %convert_element_type3A_106 = arith.extui %gt3A : vector<128x128xi1> to vector<128x128xi32>
    %convert_element_type3A_107 = arith.sitofp %convert_element_type3A_106 : vector<128x128xi32> to vector<128x128xf32>
    %broadcast_in_dim3A_108 = arith.constant 0.000000e+00 : f32
    %broadcast_in_dim3A_109 = vector.broadcast %broadcast_in_dim3A_108 : f32 to vector<1x64xf32>
    %slice3A = vector.extract_strided_slice %add3A_103 {offsets = [0, 0], sizes = [128, 64], strides = [1, 1]} : vector<2048x64xf32> to vector<128x64xf32>
    %dot_general3A_110 = arith.constant dense<0.000000e+00> : vector<128x64xf32>
    %dot_general3A_111 = tpu.matmul %convert_element_type3A_107, %slice3A, %dot_general3A_110 {dimension_numbers = #tpu.dot_dimension_numbers<[1], [0], [0], [1], [0, 0, 1, 1], [], []>, transpose_lhs_hint = false} : vector<128x128xf32>, vector<128x64xf32>, vector<128x64xf32> -> vector<128x64xf32>
    %add3A_112 = vector.broadcast %broadcast_in_dim3A_109 : vector<1x64xf32> to vector<128x64xf32>
    %add3A_113 = arith.addf %add3A_112, %dot_general3A_111 : vector<128x64xf32>
    %swap3A_114 = arith.constant 0 : index
    %swap3A_115 = arith.constant 0 : index
    %swap3A_116 = vector.load %arg17[%swap3A_114, %swap3A_115] : memref<2048x64xf32, #tpu.memory_space<vmem>>, vector<128x64xf32>
    tpu.vector_store %arg17[%swap3A_114, %swap3A_115], %add3A_113 {strides = array<i32>} : memref<2048x64xf32, #tpu.memory_space<vmem>>, vector<128x64xf32>,
    %reduce_sum3A_117 = arith.constant dense<0.000000e+00> : vector<64xf32>
    %reduce_sum3A_118 = vector.multi_reduction <add>, %slice3A, %reduce_sum3A_117 [0] : vector<128x64xf32> to vector<64xf32>
    %broadcast_in_dim3A_119 = vector.shape_cast %reduce_sum3A_118 : vector<64xf32> to vector<1x64xf32>
    %add3A_120 = arith.addf %broadcast_in_dim3A_109, %broadcast_in_dim3A_119 : vector<1x64xf32>
    %slice3A_121 = vector.extract_strided_slice %add3A_103 {offsets = [128, 0], sizes = [128, 64], strides = [1, 1]} : vector<2048x64xf32> to vector<128x64xf32>
    %dot_general3A_122 = arith.constant dense<0.000000e+00> : vector<128x64xf32>
    %dot_general3A_123 = tpu.matmul %convert_element_type3A_107, %slice3A_121, %dot_general3A_122 {dimension_numbers = #tpu.dot_dimension_numbers<[1], [0], [0], [1], [0, 0, 1, 1], [], []>, transpose_lhs_hint = false} : vector<128x128xf32>, vector<128x64xf32>, vector<128x64xf32> -> vector<128x64xf32>
    %add3A_124 = vector.broadcast %add3A_120 : vector<1x64xf32> to vector<128x64xf32>
    %add3A_125 = arith.addf %add3A_124, %dot_general3A_123 : vector<128x64xf32>
    %swap3A_126 = arith.constant 128 : index
    %swap3A_127 = arith.constant 0 : index
    %swap3A_128 = vector.load %arg17[%swap3A_126, %swap3A_127] : memref<2048x64xf32, #tpu.memory_space<vmem>>, vector<128x64xf32>
    tpu.vector_store %arg17[%swap3A_126, %swap3A_127], %add3A_125 {strides = array<i32>} : memref<2048x64xf32, #tpu.memory_space<vmem>>, vector<128x64xf32>,
    %reduce_sum3A_129 = arith.constant dense<0.000000e+00> : vector<64xf32>
    %reduce_sum3A_130 = vector.multi_reduction <add>, %slice3A_121, %reduce_sum3A_129 [0] : vector<128x64xf32> to vector<64xf32>
    %broadcast_in_dim3A_131 = vector.shape_cast %reduce_sum3A_130 : vector<64xf32> to vector<1x64xf32>
    %add3A_132 = arith.addf %add3A_120, %broadcast_in_dim3A_131 : vector<1x64xf32>
    %slice3A_133 = vector.extract_strided_slice %add3A_103 {offsets = [256, 0], sizes = [128, 64], strides = [1, 1]} : vector<2048x64xf32> to vector<128x64xf32>
    %dot_general3A_134 = arith.constant dense<0.000000e+00> : vector<128x64xf32>
    %dot_general3A_135 = tpu.matmul %convert_element_type3A_107, %slice3A_133, %dot_general3A_134 {dimension_numbers = #tpu.dot_dimension_numbers<[1], [0], [0], [1], [0, 0, 1, 1], [], []>, transpose_lhs_hint = false} : vector<128x128xf32>, vector<128x64xf32>, vector<128x64xf32> -> vector<128x64xf32>
    %add3A_136 = vector.broadcast %add3A_132 : vector<1x64xf32> to vector<128x64xf32>
    %add3A_137 = arith.addf %add3A_136, %dot_general3A_135 : vector<128x64xf32>
    %swap3A_138 = arith.constant 256 : index
    %swap3A_139 = arith.constant 0 : index
    %swap3A_140 = vector.load %arg17[%swap3A_138, %swap3A_139] : memref<2048x64xf32, #tpu.memory_space<vmem>>, vector<128x64xf32>
    tpu.vector_store %arg17[%swap3A_138, %swap3A_139], %add3A_137 {strides = array<i32>} : memref<2048x64xf32, #tpu.memory_space<vmem>>, vector<128x64xf32>,
    %reduce_sum3A_141 = arith.constant dense<0.000000e+00> : vector<64xf32>
    %reduce_sum3A_142 = vector.multi_reduction <add>, %slice3A_133, %reduce_sum3A_141 [0] : vector<128x64xf32> to vector<64xf32>
    %broadcast_in_dim3A_143 = vector.shape_cast %reduce_sum3A_142 : vector<64xf32> to vector<1x64xf32>
    %add3A_144 = arith.addf %add3A_132, %broadcast_in_dim3A_143 : vector<1x64xf32>
    %slice3A_145 = vector.extract_strided_slice %add3A_103 {offsets = [384, 0], sizes = [128, 64], strides = [1, 1]} : vector<2048x64xf32> to vector<128x64xf32>
    %dot_general3A_146 = arith.constant dense<0.000000e+00> : vector<128x64xf32>
    %dot_general3A_147 = tpu.matmul %convert_element_type3A_107, %slice3A_145, %dot_general3A_146 {dimension_numbers = #tpu.dot_dimension_numbers<[1], [0], [0], [1], [0, 0, 1, 1], [], []>, transpose_lhs_hint = false} : vector<128x128xf32>, vector<128x64xf32>, vector<128x64xf32> -> vector<128x64xf32>
    %add3A_148 = vector.broadcast %add3A_144 : vector<1x64xf32> to vector<128x64xf32>
    %add3A_149 = arith.addf %add3A_148, %dot_general3A_147 : vector<128x64xf32>
    %swap3A_150 = arith.constant 384 : index
    %swap3A_151 = arith.constant 0 : index
    %swap3A_152 = vector.load %arg17[%swap3A_150, %swap3A_151] : memref<2048x64xf32, #tpu.memory_space<vmem>>, vector<128x64xf32>
    tpu.vector_store %arg17[%swap3A_150, %swap3A_151], %add3A_149 {strides = array<i32>} : memref<2048x64xf32, #tpu.memory_space<vmem>>, vector<128x64xf32>,
    %reduce_sum3A_153 = arith.constant dense<0.000000e+00> : vector<64xf32>
    %reduce_sum3A_154 = vector.multi_reduction <add>, %slice3A_145, %reduce_sum3A_153 [0] : vector<128x64xf32> to vector<64xf32>
    %broadcast_in_dim3A_155 = vector.shape_cast %reduce_sum3A_154 : vector<64xf32> to vector<1x64xf32>
    %add3A_156 = arith.addf %add3A_144, %broadcast_in_dim3A_155 : vector<1x64xf32>
    %slice3A_157 = vector.extract_strided_slice %add3A_103 {offsets = [512, 0], sizes = [128, 64], strides = [1, 1]} : vector<2048x64xf32> to vector<128x64xf32>
    %dot_general3A_158 = arith.constant dense<0.000000e+00> : vector<128x64xf32>
    %dot_general3A_159 = tpu.matmul %convert_element_type3A_107, %slice3A_157, %dot_general3A_158 {dimension_numbers = #tpu.dot_dimension_numbers<[1], [0], [0], [1], [0, 0, 1, 1], [], []>, transpose_lhs_hint = false} : vector<128x128xf32>, vector<128x64xf32>, vector<128x64xf32> -> vector<128x64xf32>
    %add3A_160 = vector.broadcast %add3A_156 : vector<1x64xf32> to vector<128x64xf32>
    %add3A_161 = arith.addf %add3A_160, %dot_general3A_159 : vector<128x64xf32>
    %swap3A_162 = arith.constant 512 : index
    %swap3A_163 = arith.constant 0 : index
    %swap3A_164 = vector.load %arg17[%swap3A_162, %swap3A_163] : memref<2048x64xf32, #tpu.memory_space<vmem>>, vector<128x64xf32>
    tpu.vector_store %arg17[%swap3A_162, %swap3A_163], %add3A_161 {strides = array<i32>} : memref<2048x64xf32, #tpu.memory_space<vmem>>, vector<128x64xf32>,
    %reduce_sum3A_165 = arith.constant dense<0.000000e+00> : vector<64xf32>
    %reduce_sum3A_166 = vector.multi_reduction <add>, %slice3A_157, %reduce_sum3A_165 [0] : vector<128x64xf32> to vector<64xf32>
    %broadcast_in_dim3A_167 = vector.shape_cast %reduce_sum3A_166 : vector<64xf32> to vector<1x64xf32>
    %add3A_168 = arith.addf %add3A_156, %broadcast_in_dim3A_167 : vector<1x64xf32>
    %slice3A_169 = vector.extract_strided_slice %add3A_103 {offsets = [640, 0], sizes = [128, 64], strides = [1, 1]} : vector<2048x64xf32> to vector<128x64xf32>
    %dot_general3A_170 = arith.constant dense<0.000000e+00> : vector<128x64xf32>
    %dot_general3A_171 = tpu.matmul %convert_element_type3A_107, %slice3A_169, %dot_general3A_170 {dimension_numbers = #tpu.dot_dimension_numbers<[1], [0], [0], [1], [0, 0, 1, 1], [], []>, transpose_lhs_hint = false} : vector<128x128xf32>, vector<128x64xf32>, vector<128x64xf32> -> vector<128x64xf32>
    %add3A_172 = vector.broadcast %add3A_168 : vector<1x64xf32> to vector<128x64xf32>
    %add3A_173 = arith.addf %add3A_172, %dot_general3A_171 : vector<128x64xf32>
    %swap3A_174 = arith.constant 640 : index
    %swap3A_175 = arith.constant 0 : index
    %swap3A_176 = vector.load %arg17[%swap3A_174, %swap3A_175] : memref<2048x64xf32, #tpu.memory_space<vmem>>, vector<128x64xf32>
    tpu.vector_store %arg17[%swap3A_174, %swap3A_175], %add3A_173 {strides = array<i32>} : memref<2048x64xf32, #tpu.memory_space<vmem>>, vector<128x64xf32>,
    %reduce_sum3A_177 = arith.constant dense<0.000000e+00> : vector<64xf32>
    %reduce_sum3A_178 = vector.multi_reduction <add>, %slice3A_169, %reduce_sum3A_177 [0] : vector<128x64xf32> to vector<64xf32>
    %broadcast_in_dim3A_179 = vector.shape_cast %reduce_sum3A_178 : vector<64xf32> to vector<1x64xf32>
    %add3A_180 = arith.addf %add3A_168, %broadcast_in_dim3A_179 : vector<1x64xf32>
    %slice3A_181 = vector.extract_strided_slice %add3A_103 {offsets = [768, 0], sizes = [128, 64], strides = [1, 1]} : vector<2048x64xf32> to vector<128x64xf32>
    %dot_general3A_182 = arith.constant dense<0.000000e+00> : vector<128x64xf32>
    %dot_general3A_183 = tpu.matmul %convert_element_type3A_107, %slice3A_181, %dot_general3A_182 {dimension_numbers = #tpu.dot_dimension_numbers<[1], [0], [0], [1], [0, 0, 1, 1], [], []>, transpose_lhs_hint = false} : vector<128x128xf32>, vector<128x64xf32>, vector<128x64xf32> -> vector<128x64xf32>
    %add3A_184 = vector.broadcast %add3A_180 : vector<1x64xf32> to vector<128x64xf32>
    %add3A_185 = arith.addf %add3A_184, %dot_general3A_183 : vector<128x64xf32>
    %swap3A_186 = arith.constant 768 : index
    %swap3A_187 = arith.constant 0 : index
    %swap3A_188 = vector.load %arg17[%swap3A_186, %swap3A_187] : memref<2048x64xf32, #tpu.memory_space<vmem>>, vector<128x64xf32>
    tpu.vector_store %arg17[%swap3A_186, %swap3A_187], %add3A_185 {strides = array<i32>} : memref<2048x64xf32, #tpu.memory_space<vmem>>, vector<128x64xf32>,
    %reduce_sum3A_189 = arith.constant dense<0.000000e+00> : vector<64xf32>
    %reduce_sum3A_190 = vector.multi_reduction <add>, %slice3A_181, %reduce_sum3A_189 [0] : vector<128x64xf32> to vector<64xf32>
    %broadcast_in_dim3A_191 = vector.shape_cast %reduce_sum3A_190 : vector<64xf32> to vector<1x64xf32>
    %add3A_192 = arith.addf %add3A_180, %broadcast_in_dim3A_191 : vector<1x64xf32>
    %slice3A_193 = vector.extract_strided_slice %add3A_103 {offsets = [896, 0], sizes = [128, 64], strides = [1, 1]} : vector<2048x64xf32> to vector<128x64xf32>
    %dot_general3A_194 = arith.constant dense<0.000000e+00> : vector<128x64xf32>
    %dot_general3A_195 = tpu.matmul %convert_element_type3A_107, %slice3A_193, %dot_general3A_194 {dimension_numbers = #tpu.dot_dimension_numbers<[1], [0], [0], [1], [0, 0, 1, 1], [], []>, transpose_lhs_hint = false} : vector<128x128xf32>, vector<128x64xf32>, vector<128x64xf32> -> vector<128x64xf32>
    %add3A_196 = vector.broadcast %add3A_192 : vector<1x64xf32> to vector<128x64xf32>
    %add3A_197 = arith.addf %add3A_196, %dot_general3A_195 : vector<128x64xf32>
    %swap3A_198 = arith.constant 896 : index
    %swap3A_199 = arith.constant 0 : index
    %swap3A_200 = vector.load %arg17[%swap3A_198, %swap3A_199] : memref<2048x64xf32, #tpu.memory_space<vmem>>, vector<128x64xf32>
    tpu.vector_store %arg17[%swap3A_198, %swap3A_199], %add3A_197 {strides = array<i32>} : memref<2048x64xf32, #tpu.memory_space<vmem>>, vector<128x64xf32>,
    %reduce_sum3A_201 = arith.constant dense<0.000000e+00> : vector<64xf32>
    %reduce_sum3A_202 = vector.multi_reduction <add>, %slice3A_193, %reduce_sum3A_201 [0] : vector<128x64xf32> to vector<64xf32>
    %broadcast_in_dim3A_203 = vector.shape_cast %reduce_sum3A_202 : vector<64xf32> to vector<1x64xf32>
    %add3A_204 = arith.addf %add3A_192, %broadcast_in_dim3A_203 : vector<1x64xf32>
    %slice3A_205 = vector.extract_strided_slice %add3A_103 {offsets = [1024, 0], sizes = [128, 64], strides = [1, 1]} : vector<2048x64xf32> to vector<128x64xf32>
    %dot_general3A_206 = arith.constant dense<0.000000e+00> : vector<128x64xf32>
    %dot_general3A_207 = tpu.matmul %convert_element_type3A_107, %slice3A_205, %dot_general3A_206 {dimension_numbers = #tpu.dot_dimension_numbers<[1], [0], [0], [1], [0, 0, 1, 1], [], []>, transpose_lhs_hint = false} : vector<128x128xf32>, vector<128x64xf32>, vector<128x64xf32> -> vector<128x64xf32>
    %add3A_208 = vector.broadcast %add3A_204 : vector<1x64xf32> to vector<128x64xf32>
    %add3A_209 = arith.addf %add3A_208, %dot_general3A_207 : vector<128x64xf32>
    %swap3A_210 = arith.constant 1024 : index
    %swap3A_211 = arith.constant 0 : index
    %swap3A_212 = vector.load %arg17[%swap3A_210, %swap3A_211] : memref<2048x64xf32, #tpu.memory_space<vmem>>, vector<128x64xf32>
    tpu.vector_store %arg17[%swap3A_210, %swap3A_211], %add3A_209 {strides = array<i32>} : memref<2048x64xf32, #tpu.memory_space<vmem>>, vector<128x64xf32>,
    %reduce_sum3A_213 = arith.constant dense<0.000000e+00> : vector<64xf32>
    %reduce_sum3A_214 = vector.multi_reduction <add>, %slice3A_205, %reduce_sum3A_213 [0] : vector<128x64xf32> to vector<64xf32>
    %broadcast_in_dim3A_215 = vector.shape_cast %reduce_sum3A_214 : vector<64xf32> to vector<1x64xf32>
    %add3A_216 = arith.addf %add3A_204, %broadcast_in_dim3A_215 : vector<1x64xf32>
    %slice3A_217 = vector.extract_strided_slice %add3A_103 {offsets = [1152, 0], sizes = [128, 64], strides = [1, 1]} : vector<2048x64xf32> to vector<128x64xf32>
    %dot_general3A_218 = arith.constant dense<0.000000e+00> : vector<128x64xf32>
    %dot_general3A_219 = tpu.matmul %convert_element_type3A_107, %slice3A_217, %dot_general3A_218 {dimension_numbers = #tpu.dot_dimension_numbers<[1], [0], [0], [1], [0, 0, 1, 1], [], []>, transpose_lhs_hint = false} : vector<128x128xf32>, vector<128x64xf32>, vector<128x64xf32> -> vector<128x64xf32>
    %add3A_220 = vector.broadcast %add3A_216 : vector<1x64xf32> to vector<128x64xf32>
    %add3A_221 = arith.addf %add3A_220, %dot_general3A_219 : vector<128x64xf32>
    %swap3A_222 = arith.constant 1152 : index
    %swap3A_223 = arith.constant 0 : index
    %swap3A_224 = vector.load %arg17[%swap3A_222, %swap3A_223] : memref<2048x64xf32, #tpu.memory_space<vmem>>, vector<128x64xf32>
    tpu.vector_store %arg17[%swap3A_222, %swap3A_223], %add3A_221 {strides = array<i32>} : memref<2048x64xf32, #tpu.memory_space<vmem>>, vector<128x64xf32>,
    %reduce_sum3A_225 = arith.constant dense<0.000000e+00> : vector<64xf32>
    %reduce_sum3A_226 = vector.multi_reduction <add>, %slice3A_217, %reduce_sum3A_225 [0] : vector<128x64xf32> to vector<64xf32>
    %broadcast_in_dim3A_227 = vector.shape_cast %reduce_sum3A_226 : vector<64xf32> to vector<1x64xf32>
    %add3A_228 = arith.addf %add3A_216, %broadcast_in_dim3A_227 : vector<1x64xf32>
    %slice3A_229 = vector.extract_strided_slice %add3A_103 {offsets = [1280, 0], sizes = [128, 64], strides = [1, 1]} : vector<2048x64xf32> to vector<128x64xf32>
    %dot_general3A_230 = arith.constant dense<0.000000e+00> : vector<128x64xf32>
    %dot_general3A_231 = tpu.matmul %convert_element_type3A_107, %slice3A_229, %dot_general3A_230 {dimension_numbers = #tpu.dot_dimension_numbers<[1], [0], [0], [1], [0, 0, 1, 1], [], []>, transpose_lhs_hint = false} : vector<128x128xf32>, vector<128x64xf32>, vector<128x64xf32> -> vector<128x64xf32>
    %add3A_232 = vector.broadcast %add3A_228 : vector<1x64xf32> to vector<128x64xf32>
    %add3A_233 = arith.addf %add3A_232, %dot_general3A_231 : vector<128x64xf32>
    %swap3A_234 = arith.constant 1280 : index
    %swap3A_235 = arith.constant 0 : index
    %swap3A_236 = vector.load %arg17[%swap3A_234, %swap3A_235] : memref<2048x64xf32, #tpu.memory_space<vmem>>, vector<128x64xf32>
    tpu.vector_store %arg17[%swap3A_234, %swap3A_235], %add3A_233 {strides = array<i32>} : memref<2048x64xf32, #tpu.memory_space<vmem>>, vector<128x64xf32>,
    %reduce_sum3A_237 = arith.constant dense<0.000000e+00> : vector<64xf32>
    %reduce_sum3A_238 = vector.multi_reduction <add>, %slice3A_229, %reduce_sum3A_237 [0] : vector<128x64xf32> to vector<64xf32>
    %broadcast_in_dim3A_239 = vector.shape_cast %reduce_sum3A_238 : vector<64xf32> to vector<1x64xf32>
    %add3A_240 = arith.addf %add3A_228, %broadcast_in_dim3A_239 : vector<1x64xf32>
    %slice3A_241 = vector.extract_strided_slice %add3A_103 {offsets = [1408, 0], sizes = [128, 64], strides = [1, 1]} : vector<2048x64xf32> to vector<128x64xf32>
    %dot_general3A_242 = arith.constant dense<0.000000e+00> : vector<128x64xf32>
    %dot_general3A_243 = tpu.matmul %convert_element_type3A_107, %slice3A_241, %dot_general3A_242 {dimension_numbers = #tpu.dot_dimension_numbers<[1], [0], [0], [1], [0, 0, 1, 1], [], []>, transpose_lhs_hint = false} : vector<128x128xf32>, vector<128x64xf32>, vector<128x64xf32> -> vector<128x64xf32>
    %add3A_244 = vector.broadcast %add3A_240 : vector<1x64xf32> to vector<128x64xf32>
    %add3A_245 = arith.addf %add3A_244, %dot_general3A_243 : vector<128x64xf32>
    %swap3A_246 = arith.constant 1408 : index
    %swap3A_247 = arith.constant 0 : index
    %swap3A_248 = vector.load %arg17[%swap3A_246, %swap3A_247] : memref<2048x64xf32, #tpu.memory_space<vmem>>, vector<128x64xf32>
    tpu.vector_store %arg17[%swap3A_246, %swap3A_247], %add3A_245 {strides = array<i32>} : memref<2048x64xf32, #tpu.memory_space<vmem>>, vector<128x64xf32>,
    %reduce_sum3A_249 = arith.constant dense<0.000000e+00> : vector<64xf32>
    %reduce_sum3A_250 = vector.multi_reduction <add>, %slice3A_241, %reduce_sum3A_249 [0] : vector<128x64xf32> to vector<64xf32>
    %broadcast_in_dim3A_251 = vector.shape_cast %reduce_sum3A_250 : vector<64xf32> to vector<1x64xf32>
    %add3A_252 = arith.addf %add3A_240, %broadcast_in_dim3A_251 : vector<1x64xf32>
    %slice3A_253 = vector.extract_strided_slice %add3A_103 {offsets = [1536, 0], sizes = [128, 64], strides = [1, 1]} : vector<2048x64xf32> to vector<128x64xf32>
    %dot_general3A_254 = arith.constant dense<0.000000e+00> : vector<128x64xf32>
    %dot_general3A_255 = tpu.matmul %convert_element_type3A_107, %slice3A_253, %dot_general3A_254 {dimension_numbers = #tpu.dot_dimension_numbers<[1], [0], [0], [1], [0, 0, 1, 1], [], []>, transpose_lhs_hint = false} : vector<128x128xf32>, vector<128x64xf32>, vector<128x64xf32> -> vector<128x64xf32>
    %add3A_256 = vector.broadcast %add3A_252 : vector<1x64xf32> to vector<128x64xf32>
    %add3A_257 = arith.addf %add3A_256, %dot_general3A_255 : vector<128x64xf32>
    %swap3A_258 = arith.constant 1536 : index
    %swap3A_259 = arith.constant 0 : index
    %swap3A_260 = vector.load %arg17[%swap3A_258, %swap3A_259] : memref<2048x64xf32, #tpu.memory_space<vmem>>, vector<128x64xf32>
    tpu.vector_store %arg17[%swap3A_258, %swap3A_259], %add3A_257 {strides = array<i32>} : memref<2048x64xf32, #tpu.memory_space<vmem>>, vector<128x64xf32>,
    %reduce_sum3A_261 = arith.constant dense<0.000000e+00> : vector<64xf32>
    %reduce_sum3A_262 = vector.multi_reduction <add>, %slice3A_253, %reduce_sum3A_261 [0] : vector<128x64xf32> to vector<64xf32>
    %broadcast_in_dim3A_263 = vector.shape_cast %reduce_sum3A_262 : vector<64xf32> to vector<1x64xf32>
    %add3A_264 = arith.addf %add3A_252, %broadcast_in_dim3A_263 : vector<1x64xf32>
    %slice3A_265 = vector.extract_strided_slice %add3A_103 {offsets = [1664, 0], sizes = [128, 64], strides = [1, 1]} : vector<2048x64xf32> to vector<128x64xf32>
    %dot_general3A_266 = arith.constant dense<0.000000e+00> : vector<128x64xf32>
    %dot_general3A_267 = tpu.matmul %convert_element_type3A_107, %slice3A_265, %dot_general3A_266 {dimension_numbers = #tpu.dot_dimension_numbers<[1], [0], [0], [1], [0, 0, 1, 1], [], []>, transpose_lhs_hint = false} : vector<128x128xf32>, vector<128x64xf32>, vector<128x64xf32> -> vector<128x64xf32>
    %add3A_268 = vector.broadcast %add3A_264 : vector<1x64xf32> to vector<128x64xf32>
    %add3A_269 = arith.addf %add3A_268, %dot_general3A_267 : vector<128x64xf32>
    %swap3A_270 = arith.constant 1664 : index
    %swap3A_271 = arith.constant 0 : index
    %swap3A_272 = vector.load %arg17[%swap3A_270, %swap3A_271] : memref<2048x64xf32, #tpu.memory_space<vmem>>, vector<128x64xf32>
    tpu.vector_store %arg17[%swap3A_270, %swap3A_271], %add3A_269 {strides = array<i32>} : memref<2048x64xf32, #tpu.memory_space<vmem>>, vector<128x64xf32>,
    %reduce_sum3A_273 = arith.constant dense<0.000000e+00> : vector<64xf32>
    %reduce_sum3A_274 = vector.multi_reduction <add>, %slice3A_265, %reduce_sum3A_273 [0] : vector<128x64xf32> to vector<64xf32>
    %broadcast_in_dim3A_275 = vector.shape_cast %reduce_sum3A_274 : vector<64xf32> to vector<1x64xf32>
    %add3A_276 = arith.addf %add3A_264, %broadcast_in_dim3A_275 : vector<1x64xf32>
    %slice3A_277 = vector.extract_strided_slice %add3A_103 {offsets = [1792, 0], sizes = [128, 64], strides = [1, 1]} : vector<2048x64xf32> to vector<128x64xf32>
    %dot_general3A_278 = arith.constant dense<0.000000e+00> : vector<128x64xf32>
    %dot_general3A_279 = tpu.matmul %convert_element_type3A_107, %slice3A_277, %dot_general3A_278 {dimension_numbers = #tpu.dot_dimension_numbers<[1], [0], [0], [1], [0, 0, 1, 1], [], []>, transpose_lhs_hint = false} : vector<128x128xf32>, vector<128x64xf32>, vector<128x64xf32> -> vector<128x64xf32>
    %add3A_280 = vector.broadcast %add3A_276 : vector<1x64xf32> to vector<128x64xf32>
    %add3A_281 = arith.addf %add3A_280, %dot_general3A_279 : vector<128x64xf32>
    %swap3A_282 = arith.constant 1792 : index
    %swap3A_283 = arith.constant 0 : index
    %swap3A_284 = vector.load %arg17[%swap3A_282, %swap3A_283] : memref<2048x64xf32, #tpu.memory_space<vmem>>, vector<128x64xf32>
    tpu.vector_store %arg17[%swap3A_282, %swap3A_283], %add3A_281 {strides = array<i32>} : memref<2048x64xf32, #tpu.memory_space<vmem>>, vector<128x64xf32>,
    %reduce_sum3A_285 = arith.constant dense<0.000000e+00> : vector<64xf32>
    %reduce_sum3A_286 = vector.multi_reduction <add>, %slice3A_277, %reduce_sum3A_285 [0] : vector<128x64xf32> to vector<64xf32>
    %broadcast_in_dim3A_287 = vector.shape_cast %reduce_sum3A_286 : vector<64xf32> to vector<1x64xf32>
    %add3A_288 = arith.addf %add3A_276, %broadcast_in_dim3A_287 : vector<1x64xf32>
    %slice3A_289 = vector.extract_strided_slice %add3A_103 {offsets = [1920, 0], sizes = [128, 64], strides = [1, 1]} : vector<2048x64xf32> to vector<128x64xf32>
    %dot_general3A_290 = arith.constant dense<0.000000e+00> : vector<128x64xf32>
    %dot_general3A_291 = tpu.matmul %convert_element_type3A_107, %slice3A_289, %dot_general3A_290 {dimension_numbers = #tpu.dot_dimension_numbers<[1], [0], [0], [1], [0, 0, 1, 1], [], []>, transpose_lhs_hint = false} : vector<128x128xf32>, vector<128x64xf32>, vector<128x64xf32> -> vector<128x64xf32>
    %add3A_292 = vector.broadcast %add3A_288 : vector<1x64xf32> to vector<128x64xf32>
    %add3A_293 = arith.addf %add3A_292, %dot_general3A_291 : vector<128x64xf32>
    %swap3A_294 = arith.constant 1920 : index
    %swap3A_295 = arith.constant 0 : index
    %swap3A_296 = vector.load %arg17[%swap3A_294, %swap3A_295] : memref<2048x64xf32, #tpu.memory_space<vmem>>, vector<128x64xf32>
    tpu.vector_store %arg17[%swap3A_294, %swap3A_295], %add3A_293 {strides = array<i32>} : memref<2048x64xf32, #tpu.memory_space<vmem>>, vector<128x64xf32>,
    %reduce_sum3A_297 = arith.constant dense<0.000000e+00> : vector<64xf32>
    %reduce_sum3A_298 = vector.multi_reduction <add>, %slice3A_289, %reduce_sum3A_297 [0] : vector<128x64xf32> to vector<64xf32>
    %broadcast_in_dim3A_299 = vector.shape_cast %reduce_sum3A_298 : vector<64xf32> to vector<1x64xf32>
    %add3A_300 = arith.addf %add3A_288, %broadcast_in_dim3A_299 : vector<1x64xf32>
    %iota3A_301 = tpu.iota {dimensions = array<i32: 0>} : vector<64x64xi32>
    %iota3A_302 = tpu.iota {dimensions = array<i32: 1>} : vector<64x64xi32>
    %lt3A = arith.cmpi slt, %iota3A_301, %iota3A_302 : vector<64x64xi32>
    %convert_element_type3A_303 = arith.extui %lt3A : vector<64x64xi1> to vector<64x64xi32>
    %convert_element_type3A_304 = arith.sitofp %convert_element_type3A_303 : vector<64x64xi32> to vector<64x64xf32>
    %dot_general3A_305 = arith.constant dense<0.000000e+00> : vector<1x64xf32>
    %dot_general3A_306 = tpu.matmul %add3A_300, %convert_element_type3A_304, %dot_general3A_305 {dimension_numbers = #tpu.dot_dimension_numbers<[1], [0], [0], [1], [0, 0, 1, 1], [], []>, transpose_lhs_hint = false} : vector<1x64xf32>, vector<64x64xf32>, vector<1x64xf32> -> vector<1x64xf32>
    %get3A_307 = arith.constant 0 : index
    %get3A_308 = arith.constant 0 : index
    %get3A_309 = vector.load %arg17[%get3A_307, %get3A_308] : memref<2048x64xf32, #tpu.memory_space<vmem>>, vector<2048x64xf32>
    %add3A_310 = vector.broadcast %dot_general3A_306 : vector<1x64xf32> to vector<2048x64xf32>
    %add3A_311 = arith.addf %add3A_310, %get3A_309 : vector<2048x64xf32>
    %jit3A_312 = arith.constant 0.000000e+00 : f32
    %broadcast_in_dim3A_313 = vector.broadcast %jit3A_312 : f32 to vector<2048x64xf32>
    %select_n3A_314 = arith.select %eq3A_58, %add3A_311, %broadcast_in_dim3A_313 : vector<2048x64xi1>, vector<2048x64xf32>
    %reduce_sum3A_315 = arith.constant dense<0.000000e+00> : vector<2048xf32>
    %reduce_sum3A_316 = vector.multi_reduction <add>, %select_n3A_314, %reduce_sum3A_315 [1] : vector<2048x64xf32> to vector<2048xf32>
    %broadcast_in_dim3A_317 = vector.shape_cast %reduce_sum3A_316 : vector<2048xf32> to vector<2048x1xf32>
    %jit3A_318 = arith.constant 0.000000e+00 : f32
    %broadcast_in_dim3A_319 = vector.broadcast %jit3A_318 : f32 to vector<2048x64xf32>
    %select_n3A_320 = arith.select %eq3A_74, %add3A_311, %broadcast_in_dim3A_319 : vector<2048x64xi1>, vector<2048x64xf32>
    %reduce_sum3A_321 = arith.constant dense<0.000000e+00> : vector<2048xf32>
    %reduce_sum3A_322 = vector.multi_reduction <add>, %select_n3A_320, %reduce_sum3A_321 [1] : vector<2048x64xf32> to vector<2048xf32>
    %broadcast_in_dim3A_323 = vector.shape_cast %reduce_sum3A_322 : vector<2048xf32> to vector<2048x1xf32>
    %convert_element_type3A_324 = arith.fptosi %broadcast_in_dim3A_317 : vector<2048x1xf32> to vector<2048x1xi32>
    %swap3A_325 = arith.constant 0 : index
    %swap3A_326 = arith.constant 0 : index
    %swap3A_327 = vector.load %arg10[%swap3A_325, %swap3A_326] : memref<2048x1xi32, #tpu.memory_space<vmem>>, vector<2048x1xi32>
    tpu.vector_store %arg10[%swap3A_325, %swap3A_326], %convert_element_type3A_324 {strides = array<i32>} : memref<2048x1xi32, #tpu.memory_space<vmem>>, vector<2048x1xi32>,
    %convert_element_type3A_328 = arith.fptosi %broadcast_in_dim3A_323 : vector<2048x1xf32> to vector<2048x1xi32>
    %swap3A_329 = arith.constant 0 : index
    %swap3A_330 = arith.constant 0 : index
    %swap3A_331 = vector.load %arg11[%swap3A_329, %swap3A_330] : memref<2048x1xi32, #tpu.memory_space<vmem>>, vector<2048x1xi32>
    tpu.vector_store %arg11[%swap3A_329, %swap3A_330], %convert_element_type3A_328 {strides = array<i32>} : memref<2048x1xi32, #tpu.memory_space<vmem>>, vector<2048x1xi32>,
    %convert_element_type3A_332 = arith.fptosi %add3A_300 : vector<1x64xf32> to vector<1x64xi32>
    %swap3A_333 = arith.constant 0 : index
    %swap3A_334 = arith.constant 0 : index
    %swap3A_335 = vector.load %arg14[%swap3A_333, %swap3A_334] : memref<1x64xi32, #tpu.memory_space<vmem>>, vector<1x64xi32>
    tpu.vector_store %arg14[%swap3A_333, %swap3A_334], %convert_element_type3A_332 {strides = array<i32>} : memref<1x64xi32, #tpu.memory_space<vmem>>, vector<1x64xi32>,
    %convert_element_type3A_336 = arith.fptosi %dot_general3A_306 : vector<1x64xf32> to vector<1x64xi32>
    %swap3A_337 = arith.constant 0 : index
    %swap3A_338 = arith.constant 0 : index
    %swap3A_339 = vector.load %arg15[%swap3A_337, %swap3A_338] : memref<1x64xi32, #tpu.memory_space<vmem>>, vector<1x64xi32>
    tpu.vector_store %arg15[%swap3A_337, %swap3A_338], %convert_element_type3A_336 {strides = array<i32>} : memref<1x64xi32, #tpu.memory_space<vmem>>, vector<1x64xi32>,
    return
  }
}

module attributes {stable_mosaic.version = 14 : i64} {
  func.func @_gmm_body(%arg0: i32, %arg1: memref<5x96xi32, #tpu.memory_space<smem>>, %arg2: memref<128x768xf32, #tpu.memory_space<vmem>>, %arg3: memref<1x256x768xf32, #tpu.memory_space<vmem>>, %arg4: memref<1x768x128xf32, #tpu.memory_space<vmem>>, %arg5: memref<128x768xf32, #tpu.memory_space<vmem>>) attributes {dimension_semantics = [#tpu.dimension_semantics<arbitrary>], iteration_bounds = array<i64: 96>, scalar_prefetch = 1 : i64, scratch_operands = 0 : i64, tpu.core_type = #tpu.core_type<tc>, window_params = [{transform_indices = @transform_0, window_bounds = array<i64: 128, 768>}, {transform_indices = @transform_1, window_bounds = array<i64: 1, 256, 768>}, {transform_indices = @transform_2, window_bounds = array<i64: 1, 768, 128>}, {transform_indices = @transform_3, window_bounds = array<i64: 128, 768>}]} {
    %get3A = arith.constant 2 : index
    %get3A_0 = arith.index_cast %arg0 : i32 to index
    %get3A_1 = memref.load %arg1[%get3A, %get3A_0] : memref<5x96xi32, #tpu.memory_space<smem>>
    %get3A_2 = arith.constant 3 : index
    %get3A_3 = arith.index_cast %arg0 : i32 to index
    %get3A_4 = memref.load %arg1[%get3A_2, %get3A_3] : memref<5x96xi32, #tpu.memory_space<smem>>
    %get3A_5 = arith.constant 4 : index
    %get3A_6 = arith.index_cast %arg0 : i32 to index
    %get3A_7 = memref.load %arg1[%get3A_5, %get3A_6] : memref<5x96xi32, #tpu.memory_space<smem>>
    %get3A_8 = arith.constant 1 : index
    %get3A_9 = arith.index_cast %arg0 : i32 to index
    %get3A_10 = memref.load %arg1[%get3A_8, %get3A_9] : memref<5x96xi32, #tpu.memory_space<smem>>
    %mul3A = arith.constant 128 : i32
    %mul3A_11 = arith.muli %get3A_10, %mul3A : i32
    %get3A_12 = arith.constant 0 : index
    %get3A_13 = arith.constant 0 : index
    %get3A_14 = vector.load %arg2[%get3A_12, %get3A_13] : memref<128x768xf32, #tpu.memory_space<vmem>>, vector<128x768xf32>
    %convert_element_type3A = arith.truncf %get3A_14 : vector<128x768xf32> to vector<128x768xbf16>
    %get3A_15 = arith.constant 0 : index
    %get3A_16 = arith.constant 0 : index
    %get3A_17 = arith.constant 0 : index
    %get3A_18 = vector.load %arg3[%get3A_15, %get3A_16, %get3A_17] : memref<1x256x768xf32, #tpu.memory_space<vmem>>, vector<1x256x768xf32>
    %get3A_19 = vector.shape_cast %get3A_18 : vector<1x256x768xf32> to vector<256x768xf32>
    %convert_element_type3A_20 = arith.truncf %get3A_19 : vector<256x768xf32> to vector<256x768xbf16>
    %dot_general3A = arith.constant dense<0.000000e+00> : vector<128x256xf32>
    %dot_general3A_21 = tpu.matmul %convert_element_type3A, %convert_element_type3A_20, %dot_general3A {dimension_numbers = #tpu.dot_dimension_numbers<[1], [1], [0], [0], [0, 0, 1, 0], [], []>, transpose_lhs_hint = false} : vector<128x768xbf16>, vector<256x768xbf16>, vector<128x256xf32> -> vector<128x256xf32>
    %slice3A = vector.extract_strided_slice %dot_general3A_21 {offsets = [0, 0], sizes = [128, 128], strides = [1, 1]} : vector<128x256xf32> to vector<128x128xf32>
    %slice3A_22 = vector.extract_strided_slice %dot_general3A_21 {offsets = [0, 128], sizes = [128, 128], strides = [1, 1]} : vector<128x256xf32> to vector<128x128xf32>
    %logistic3A = arith.negf %slice3A : vector<128x128xf32>
    %logistic3A_23 = math.exp %logistic3A : vector<128x128xf32>
    %logistic3A_24 = arith.constant 1.000000e+00 : f32
    %logistic3A_25 = vector.broadcast %logistic3A_24 : f32 to vector<128x128xf32>
    %logistic3A_26 = arith.addf %logistic3A_25, %logistic3A_23 : vector<128x128xf32>
    %logistic3A_27 = arith.divf %logistic3A_25, %logistic3A_26 : vector<128x128xf32>
    %mul3A_28 = arith.mulf %slice3A, %logistic3A_27 : vector<128x128xf32>
    %mul3A_29 = arith.mulf %mul3A_28, %slice3A_22 : vector<128x128xf32>
    %iota3A = tpu.iota {dimensions = array<i32: 0>} : vector<128x1xi32>
    %add3A = vector.broadcast %mul3A_11 : i32 to vector<128x1xi32>
    %add3A_30 = arith.addi %add3A, %iota3A : vector<128x1xi32>
    %ge3A = vector.broadcast %get3A_1 : i32 to vector<128x1xi32>
    %ge3A_31 = arith.cmpi sge, %add3A_30, %ge3A : vector<128x1xi32>
    %lt3A = vector.broadcast %get3A_4 : i32 to vector<128x1xi32>
    %lt3A_32 = arith.cmpi slt, %add3A_30, %lt3A : vector<128x1xi32>
    %and3A = arith.andi %ge3A_31, %lt3A_32 : vector<128x1xi1>
    %jit3A = arith.constant 0.000000e+00 : f32
    %broadcast_in_dim3A = vector.shape_cast %and3A : vector<128x1xi1> to vector<128x1xi1>
    %broadcast_in_dim3A_33 = vector.broadcast %broadcast_in_dim3A : vector<128x1xi1> to vector<128x128xi1>
    %broadcast_in_dim3A_34 = vector.broadcast %jit3A : f32 to vector<128x128xf32>
    %select_n3A = arith.select %broadcast_in_dim3A_33, %mul3A_29, %broadcast_in_dim3A_34 : vector<128x128xi1>, vector<128x128xf32>
    %convert_element_type3A_35 = arith.truncf %select_n3A : vector<128x128xf32> to vector<128x128xbf16>
    %get3A_36 = arith.constant 0 : index
    %get3A_37 = arith.constant 0 : index
    %get3A_38 = arith.constant 0 : index
    %get3A_39 = vector.load %arg4[%get3A_36, %get3A_37, %get3A_38] : memref<1x768x128xf32, #tpu.memory_space<vmem>>, vector<1x768x128xf32>
    %get3A_40 = vector.shape_cast %get3A_39 : vector<1x768x128xf32> to vector<768x128xf32>
    %convert_element_type3A_41 = arith.truncf %get3A_40 : vector<768x128xf32> to vector<768x128xbf16>
    %dot_general3A_42 = arith.constant dense<0.000000e+00> : vector<128x768xf32>
    %dot_general3A_43 = tpu.matmul %convert_element_type3A_35, %convert_element_type3A_41, %dot_general3A_42 {dimension_numbers = #tpu.dot_dimension_numbers<[1], [1], [0], [0], [0, 0, 1, 0], [], []>, transpose_lhs_hint = false} : vector<128x128xbf16>, vector<768x128xbf16>, vector<128x768xf32> -> vector<128x768xf32>
    %eq3A = arith.constant 1 : i32
    %eq3A_44 = arith.cmpi eq, %get3A_7, %eq3A : i32
    %convert_element_type3A_45 = arith.extui %eq3A_44 : i1 to i32
    %cond3A = arith.constant 0 : i32
    %cond3A_46 = arith.cmpi ne, %convert_element_type3A_45, %cond3A : i32
    scf.if %cond3A_46 {
      %swap3A = arith.constant 0 : index
      %swap3A_52 = arith.constant 0 : index
      %swap3A_53 = vector.load %arg5[%swap3A, %swap3A_52] : memref<128x768xf32, #tpu.memory_space<vmem>>, vector<128x768xf32>
      tpu.vector_store %arg5[%swap3A, %swap3A_52], %dot_general3A_43 {strides = array<i32>} : memref<128x768xf32, #tpu.memory_space<vmem>>, vector<128x768xf32>,
    } else {
    }
    %eq3A_47 = arith.constant 0 : i32
    %eq3A_48 = arith.cmpi eq, %get3A_7, %eq3A_47 : i32
    %convert_element_type3A_49 = arith.extui %eq3A_48 : i1 to i32
    %cond3A_50 = arith.constant 0 : i32
    %cond3A_51 = arith.cmpi ne, %convert_element_type3A_49, %cond3A_50 : i32
    scf.if %cond3A_51 {
      %get3A_52 = arith.constant 0 : index
      %get3A_53 = arith.constant 0 : index
      %get3A_54 = vector.load %arg5[%get3A_52, %get3A_53] : memref<128x768xf32, #tpu.memory_space<vmem>>, vector<128x768xf32>
      %add3A_55 = arith.addf %get3A_54, %dot_general3A_43 : vector<128x768xf32>
      %swap3A = arith.constant 0 : index
      %swap3A_56 = arith.constant 0 : index
      %swap3A_57 = vector.load %arg5[%swap3A, %swap3A_56] : memref<128x768xf32, #tpu.memory_space<vmem>>, vector<128x768xf32>
      tpu.vector_store %arg5[%swap3A, %swap3A_56], %add3A_55 {strides = array<i32>} : memref<128x768xf32, #tpu.memory_space<vmem>>, vector<128x768xf32>,
    } else {
    }
    return
  }
  func.func @transform_0(%arg0: i32, %arg1: memref<5x96xi32, #tpu.memory_space<smem>>) -> (i32, i32) {
    %get3A = arith.constant 1 : index
    %get3A_0 = arith.index_cast %arg0 : i32 to index
    %get3A_1 = memref.load %arg1[%get3A, %get3A_0] : memref<5x96xi32, #tpu.memory_space<smem>>
    %c0_i32 = arith.constant 0 : i32
    %c0_i32_2 = arith.constant 0 : i32
    return %get3A_1, %c0_i32 : i32, i32
  }
  func.func @transform_1(%arg0: i32, %arg1: memref<5x96xi32, #tpu.memory_space<smem>>) -> (i32, i32, i32) {
    %get3A = arith.constant 0 : index
    %get3A_0 = arith.index_cast %arg0 : i32 to index
    %get3A_1 = memref.load %arg1[%get3A, %get3A_0] : memref<5x96xi32, #tpu.memory_space<smem>>
    %c0_i32 = arith.constant 0 : i32
    %c0_i32_2 = arith.constant 0 : i32
    %c0_i32_3 = arith.constant 0 : i32
    return %get3A_1, %c0_i32, %c0_i32_2 : i32, i32, i32
  }
  func.func @transform_2(%arg0: i32, %arg1: memref<5x96xi32, #tpu.memory_space<smem>>) -> (i32, i32, i32) {
    %get3A = arith.constant 0 : index
    %get3A_0 = arith.index_cast %arg0 : i32 to index
    %get3A_1 = memref.load %arg1[%get3A, %get3A_0] : memref<5x96xi32, #tpu.memory_space<smem>>
    %c0_i32 = arith.constant 0 : i32
    %c0_i32_2 = arith.constant 0 : i32
    %c0_i32_3 = arith.constant 0 : i32
    return %get3A_1, %c0_i32, %c0_i32_2 : i32, i32, i32
  }
  func.func @transform_3(%arg0: i32, %arg1: memref<5x96xi32, #tpu.memory_space<smem>>) -> (i32, i32) {
    %get3A = arith.constant 1 : index
    %get3A_0 = arith.index_cast %arg0 : i32 to index
    %get3A_1 = memref.load %arg1[%get3A, %get3A_0] : memref<5x96xi32, #tpu.memory_space<smem>>
    %c0_i32 = arith.constant 0 : i32
    %c0_i32_2 = arith.constant 0 : i32
    return %get3A_1, %c0_i32 : i32, i32
  }
}

module attributes {stable_mosaic.version = 14 : i64} {
  func.func @_combine_body(%arg0: i32, %arg1: memref<256x768xf32, #tpu.memory_space<vmem>>, %arg2: memref<256x768xf32, #tpu.memory_space<vmem>>, %arg3: memref<256x768xf32, #tpu.memory_space<vmem>>, %arg4: memref<256x1xf32, #tpu.memory_space<vmem>>, %arg5: memref<256x1xf32, #tpu.memory_space<vmem>>, %arg6: memref<256x768xf32, #tpu.memory_space<vmem>>) attributes {dimension_semantics = [#tpu.dimension_semantics<arbitrary>], iteration_bounds = array<i64: 8>, scalar_prefetch = 0 : i64, scratch_operands = 0 : i64, tpu.core_type = #tpu.core_type<tc>, window_params = [{transform_indices = @transform_0, window_bounds = array<i64: 256, 768>}, {transform_indices = @transform_1, window_bounds = array<i64: 256, 768>}, {transform_indices = @transform_2, window_bounds = array<i64: 256, 768>}, {transform_indices = @transform_3, window_bounds = array<i64: 256, 1>}, {transform_indices = @transform_4, window_bounds = array<i64: 256, 1>}, {transform_indices = @transform_5, window_bounds = array<i64: 256, 768>}]} {
    %get3A = arith.constant 0 : index
    %get3A_0 = arith.constant 0 : index
    %get3A_1 = vector.load %arg1[%get3A, %get3A_0] : memref<256x768xf32, #tpu.memory_space<vmem>>, vector<256x768xf32>
    %get3A_2 = arith.constant 0 : index
    %get3A_3 = arith.constant 0 : index
    %get3A_4 = vector.load %arg4[%get3A_2, %get3A_3] : memref<256x1xf32, #tpu.memory_space<vmem>>, vector<256x1xf32>
    %get3A_5 = arith.constant 0 : index
    %get3A_6 = arith.constant 0 : index
    %get3A_7 = vector.load %arg2[%get3A_5, %get3A_6] : memref<256x768xf32, #tpu.memory_space<vmem>>, vector<256x768xf32>
    %mul3A = vector.broadcast %get3A_4 : vector<256x1xf32> to vector<256x768xf32>
    %mul3A_8 = arith.mulf %mul3A, %get3A_7 : vector<256x768xf32>
    %add3A = arith.addf %get3A_1, %mul3A_8 : vector<256x768xf32>
    %get3A_9 = arith.constant 0 : index
    %get3A_10 = arith.constant 0 : index
    %get3A_11 = vector.load %arg5[%get3A_9, %get3A_10] : memref<256x1xf32, #tpu.memory_space<vmem>>, vector<256x1xf32>
    %get3A_12 = arith.constant 0 : index
    %get3A_13 = arith.constant 0 : index
    %get3A_14 = vector.load %arg3[%get3A_12, %get3A_13] : memref<256x768xf32, #tpu.memory_space<vmem>>, vector<256x768xf32>
    %mul3A_15 = vector.broadcast %get3A_11 : vector<256x1xf32> to vector<256x768xf32>
    %mul3A_16 = arith.mulf %mul3A_15, %get3A_14 : vector<256x768xf32>
    %add3A_17 = arith.addf %add3A, %mul3A_16 : vector<256x768xf32>
    %swap3A = arith.constant 0 : index
    %swap3A_18 = arith.constant 0 : index
    %swap3A_19 = vector.load %arg6[%swap3A, %swap3A_18] : memref<256x768xf32, #tpu.memory_space<vmem>>, vector<256x768xf32>
    tpu.vector_store %arg6[%swap3A, %swap3A_18], %add3A_17 {strides = array<i32>} : memref<256x768xf32, #tpu.memory_space<vmem>>, vector<256x768xf32>,
    return
  }
  func.func @transform_0(%arg0: i32) -> (i32, i32) {
    %c0_i32 = arith.constant 0 : i32
    %c0_i32_0 = arith.constant 0 : i32
    return %arg0, %c0_i32 : i32, i32
  }
  func.func @transform_1(%arg0: i32) -> (i32, i32) {
    %c0_i32 = arith.constant 0 : i32
    %c0_i32_0 = arith.constant 0 : i32
    return %arg0, %c0_i32 : i32, i32
  }
  func.func @transform_2(%arg0: i32) -> (i32, i32) {
    %c0_i32 = arith.constant 0 : i32
    %c0_i32_0 = arith.constant 0 : i32
    return %arg0, %c0_i32 : i32, i32
  }
  func.func @transform_3(%arg0: i32) -> (i32, i32) {
    %c0_i32 = arith.constant 0 : i32
    %c0_i32_0 = arith.constant 0 : i32
    return %arg0, %c0_i32 : i32, i32
  }
  func.func @transform_4(%arg0: i32) -> (i32, i32) {
    %c0_i32 = arith.constant 0 : i32
    %c0_i32_0 = arith.constant 0 : i32
    return %arg0, %c0_i32 : i32, i32
  }
  func.func @transform_5(%arg0: i32) -> (i32, i32) {
    %c0_i32 = arith.constant 0 : i32
    %c0_i32_0 = arith.constant 0 : i32
    return %arg0, %c0_i32 : i32, i32
  }
}

</mosaic_0001>

<sc_bundles>
// kernel: kernel.12.cloned.1.call-start
scs
__scs_entry_jumppad:
0x0: {  	(pc) =	sbr.rel $0x88, $3  }
0x1: {  	(tag) =	ssettag $0x0;
	lr =	simm.s32 $0x1  }
0x2: {  	[smem:$0x3F98] =	sst lr;
	_ =	strace $0xD0000000  }
0x3: {  	_ = 	snop  }
0x4: {  	_ = 	snop  }
0x5: {  	_ = 	snop  }
0x6: {  	_ = 	snop  }
0x7: {  	_ = 	snop  }
__scs_overlays_trampoline_lowered:
0x8: {  	[smem:$0x3FA7] =	sst s0  }
0x9: {  	[smem:$0x3FA8] =	sst s1  }
0xa: {  	[smem:$0x3FA9] =	sst s2  }
0xb: {  	[smem:$0x3FAA] =	sst s3  }
0xc: {  	[smem:$0x3FAB] =	sst s4  }
0xd: {  	[smem:$0x3FAC] =	sst s5  }
0xe: {  	[smem:$0x3FAD] =	sst s6  }
0xf: {  	[smem:$0x3FAE] =	sst s7  }
0x10: {  	[smem:$0x3FAF] =	sst s8  }
0x11: {  	[smem:$0x3FB0] =	sst s9;
	s0 =	simm.s32 @!p0 $0x0  }
0x12: {  	s1 =	sld [smem:$0x3F96];
	s0 =	simm.s32 @p0 $0x1  }
0x13: {  	[smem:$0x3FB1] =	sst s0;
	s0 =	simm.s32 @!p1 $0x0  }
0x14: {  	s2 =	sld [smem:$0x3F95];
	s0 =	simm.s32 @p1 $0x1  }
0x15: {  	[smem:$0x3FB2] =	sst s0;
	s0 =	simm.s32 @!p2 $0x0  }
0x16: {  	s3 =	sld [smem:$0x3FDB];
	s0 =	simm.s32 @p2 $0x1  }
0x17: {  	s4 =	simm.s32 $0x1BF5;
	[smem:$0x3FB4] =	sst s0  }
0x18: {  	s0 =	sld [smem:$0x3F97];
	_ =	swait.ge [sflag:s4], $0x0  }
0x19: {  	s7 =	sld [smem:$0x3F98]  }
0x1a: {  	s8 =	sadd.s32 $0xFFFFE003, lr  }
0x1b: {  	s9 =	sadd.s32 $0xFFFFFEF7, lr;
	s5 =	simm.s32 $0xFFFFFFFF;
	p2 =	slt.u32 s8, $0xFFFFF086  }
0x1c: {  	p1 =	slt.u32 s9, $0xF7A;
	s5 =	simm.s32 @!p2 $0x0  }
0x1d: {  	s5 =	simm.s32 @p1 $0x1;
	p0 =	seq.s32 s7, s2  }
0x1e: {  	s7 =	smul.u32 @!p0 $0xF7A, s2;
	p2 =	seq.s32 @!p0 s5, $0x0  }
0x1f: {  	s9 =	smul.u32 $0xF7A, s1;
	s8 =	simm.s32 @!p0 $0x1BF5;
	p2 =	por !p2, p0  }
0x20: {  	[sflag:s8] =	ssyncset.s32 @!p0 $0xFFFFF086;
	s6 =	sadd.s32 @!p0 s3, s7;
	s7 =	simm.s32 @!p0 $0x108  }
0x21: {  	s3 =	sadd.s32 s3, s9;
	s6 =	sadd.s32 @!p0 $0x88, s6;
	s7 =	simm.s32 @p2 $0x1082  }
0x22: {  	[simem:s7], [sflag:s8] =	dma.local @!p0 [hbm:s6], $0xF7A  }
0x23: {  	s9 =	sor.u32 $0xD0000000, s2;
	s6 =	simm.s32 $0x108;
	_ =	swait.ge @!p0 [sflag:s8], $0x0  }
0x24: {  	s3 =	sadd.s32 $0x88, s3;
	s6 =	simm.s32 @!p1 $0x1082;
	[sflag:s4] =	ssyncset.s32 $0xFFFFF086  }
0x25: {  	[simem:s6], [sflag:s4] =	dma.local [hbm:s3], $0xF7A  }
0x26: {  	[smem:$0x3F98] =	sst s1;
	(tag) =	ssettag s2;
	_ =	strace s9  }
0x27: {  	s1 =	sld [smem:$0x3FA8]  }
0x28: {  	s2 =	sld [smem:$0x3FA9]  }
0x29: {  	s4 =	sld [smem:$0x3FAB]  }
0x2a: {  	p0 =	seq.s32 s5, $0x0;
	s5 =	sld [smem:$0x3FAC]  }
0x2b: {  	s6 =	sld [smem:$0x3FAD]  }
0x2c: {  	s7 =	sld [smem:$0x3FAE]  }
0x2d: {  	s3 =	simm.s32 $0x108;
	s8 =	sld [smem:$0x3FAF]  }
0x2e: {  	s3 =	simm.s32 @!p0 $0x1082;
	s9 =	sld [smem:$0x3FB0]  }
0x2f: {  	lr =	sadd.s32 s0, s3;
	s0 =	sld [smem:$0x3FA7]  }
0x30: {  	s3 =	sld [smem:$0x3FAA]  }
0x31: {  	[smem:$0x3FB3] =	sst s10  }
0x32: {  	s10 =	sld [smem:$0x3FB1];
	_ =	sdelay $0x3  }
0x33: {  	p0 =	seq.s32 s10, $0x1;
	s10 =	sld [smem:$0x3FB3];
	_ =	sdelay $0x3  }
0x34: {  	[smem:$0x3FB3] =	sst s10  }
0x35: {  	s10 =	sld [smem:$0x3FB2];
	_ =	sdelay $0x3  }
0x36: {  	p1 =	seq.s32 s10, $0x1;
	s10 =	sld [smem:$0x3FB3];
	_ =	sdelay $0x3  }
0x37: {  	[smem:$0x3FB3] =	sst s10  }
0x38: {  	s10 =	sld [smem:$0x3FB4]  }
0x39: {  	_ = 	snop;
	(pc) =	sbr.ind lr, $3  }
0x3a: {  	_ = 	snop  }
0x3b: {  	_ = 	snop  }
0x3c: {  	p2 =	seq.s32 s10, $0x1;
	s10 =	sld [smem:$0x3FB3]  }
0x3d: {  	_ =	shalt  }
0x3e: {  	_ =	shalt  }
0x3f: {  	_ =	shalt  }
0x40: {  	_ =	shalt  }
0x41: {  	_ =	shalt  }
0x42: {  	_ =	shalt  }
0x43: {  	_ =	shalt  }
0x44: {  	_ =	shalt  }
0x45: {  	_ =	shalt  }
0x46: {  	_ =	shalt  }
0x47: {  	_ =	shalt  }
0x48: {  	_ =	shalt  }
0x49: {  	_ =	shalt  }
0x4a: {  	_ =	shalt  }
0x4b: {  	_ =	shalt  }
0x4c: {  	_ =	shalt  }
0x4d: {  	_ =	shalt  }
0x4e: {  	_ =	shalt  }
0x4f: {  	_ =	shalt  }
0x50: {  	_ =	shalt  }
0x51: {  	_ =	shalt  }
0x52: {  	_ =	shalt  }
0x53: {  	_ =	shalt  }
0x54: {  	_ =	shalt  }
0x55: {  	_ =	shalt  }
0x56: {  	_ =	shalt  }
0x57: {  	_ =	shalt  }
0x58: {  	_ =	shalt  }
0x59: {  	_ =	shalt  }
0x5a: {  	_ =	shalt  }
0x5b: {  	_ =	shalt  }
0x5c: {  	_ =	shalt  }
0x5d: {  	_ =	shalt  }
0x5e: {  	_ =	shalt  }
0x5f: {  	_ =	shalt  }
0x60: {  	_ =	shalt  }
0x61: {  	_ =	shalt  }
0x62: {  	_ =	shalt  }
0x63: {  	_ =	shalt  }
0x64: {  	_ =	shalt  }
0x65: {  	_ =	shalt  }
0x66: {  	_ =	shalt  }
0x67: {  	_ =	shalt  }
0x68: {  	_ =	shalt  }
0x69: {  	_ =	shalt  }
0x6a: {  	_ =	shalt  }
0x6b: {  	_ =	shalt  }
0x6c: {  	_ =	shalt  }
0x6d: {  	_ =	shalt  }
0x6e: {  	_ =	shalt  }
0x6f: {  	_ =	shalt  }
0x70: {  	_ =	shalt  }
0x71: {  	_ =	shalt  }
0x72: {  	_ =	shalt  }
0x73: {  	_ =	shalt  }
0x74: {  	_ =	shalt  }
0x75: {  	_ =	shalt  }
0x76: {  	_ =	shalt  }
0x77: {  	_ =	shalt  }
0x78: {  	_ =	shalt  }
0x79: {  	_ =	shalt  }
0x7a: {  	_ =	shalt  }
0x7b: {  	_ =	shalt  }
0x7c: {  	_ =	shalt  }
0x7d: {  	_ =	shalt  }
0x7e: {  	_ =	shalt  }
0x7f: {  	_ =	shalt  }
0x80: {  	_ =	shalt  }
0x81: {  	_ =	shalt  }
0x82: {  	_ =	shalt  }
0x83: {  	_ =	shalt  }
0x84: {  	_ =	shalt  }
0x85: {  	_ =	shalt  }
0x86: {  	_ =	shalt  }
0x87: {  	_ =	shalt  }
.Lfunc_end0:
.L_simem_size_0:
called_computation_lowered:
.L_overlay_start_0:
0x88: {  	s2 =	sld [smem:$0x3FD9]  }
0x89: {  	s3 =	sld [smem:$0x3FFE];
	_ =	sdelay $0x1  }
0x8a: {  	s1 =	srdreg.scid  }
0x8b: {  	s0 =	sand.u32 $0x1, s1  }
0x8c: {  	s14 =	sshll.u32 s0, $0xA;
	s2 =	sadd.s32 s3, s2  }
0x8d: {  	s2 =	sadd.s32 s2, s14  }
0x8e: {  	[smem:$0x3FBF] =	sst s2  }
0x8f: {  	_ = 	snop  }
0x90: {  	s2 =	sld [smem:$0x3FD0];
	_ =	sdelay $0x2  }
0x91: {  	s15 =	simm.s32 $0xA;
	s4 =	simm.s32 $0x10  }
0x92: {  	[smem:s4], [sflag:s15] =	dma.local [hbm:s2], $0x1  }
0x93: {  	_ =	swait.eq [sflag:s15], $0x1  }
0x94: {  	[sflag:s15] =	ssyncset.done $0x0  }
0x95: {  	[sflag:s15] =	ssyncadd.s32 $0xFFFFFFFF  }
0x96: {  	s16 =	sld [smem:$0x10];
	(tm) =	ssettm $0x1  }
0x97: {  	s17 =	sld [smem:$0x3FFB];
	_ =	sdelay $0x3  }
0x98: {  	_ =	strace s17  }
0x99: {  	s3 =	sld [smem:$0x3FFC];
	_ =	sdelay $0x3  }
0x9a: {  	_ =	strace s3  }
0x9b: {  	s3 =	sld [smem:$0x3FFD];
	_ =	sdelay $0x3  }
0x9c: {  	_ =	strace s3  }
0x9d: {  	_ =	strace $0x8FFFFFFF  }
0x9e: {  	s18 =	sld [smem:$0x3FDB];
	_ =	sdelay $0x1  }
0x9f: {  	s19 =	simm.s32 $_scs_section_size  }
0xa0: {  	s5 =	simm.s32 $_size__tile_overlayer_lowered;
	s6 =	simm.s32 $_tile_overlayer_lowered  }
0xa1: {  	s22 =	simm.s32 $0x1BFF;
	s21 =	sshll.u32 s6, $0x1;
	s3 =	sadd.s32 s19, s18  }
0xa2: {  	s7 =	simm.s32 $0x0;
	s20 =	sshll.u32 s5, $0x1;
	s5 =	sadd.s32 s21, s3  }
0xa3: {  	[timem:s7], [sflag:s22] =	dma.local [hbm:s5], s20  }
0xa4: {  	_ =	swait.ge [sflag:s22], s20  }
0xa5: {  	s4 =	ssub.s32 $0x0, s20;
	[sflag:s22] =	ssyncset.done $0x0  }
0xa6: {  	[sflag:s22] =	ssyncadd.s32 s4;
	_ =	sdelay $0x1  }
0xa7: {  	s23 =	simm.s32 $0x1B8B  }
0xa8: {  	_ =	swait.ge [sflag:s23], $0x1  }
0xa9: {  	[sflag:s23] =	ssyncset.done $0x0  }
0xaa: {  	s25 =	simm.s32 $0x1B8E;
	s24 =	sld [smem:$0x3FFE];
	[sflag:s23] =	ssyncadd.s32 $0xFFFFFFFF  }
0xab: {  	s26 =	simm.s32 $execute0_lowered;
	[smem:$0x3FD2] =	sst s25  }
0xac: {  	s5 =	sshll.u32 s26, $0x1;
	_ =	strace $0x80000046;
	[dreg:$0x1] =	wrdreg $0xFFFFFFFF  }
0xad: {  	s28 =	simm.s32 $_size_execute0_lowered;
	s3 =	sadd.s32 s3, s5;
	[dreg:$0x0] =	wrdreg $0x0  }
0xae: {  	s5 =	sshll.u32 s28, $0x1;
	[dreg:$0x2] =	wrdreg s3  }
0xaf: {  	[dreg:$0x3] =	wrdreg s5  }
0xb0: {  	[dreg:$0x4] =	wrdreg $0xC0  }
0xb1: {  	_ =	task [dreg:s7], $0x5FFFF  }
0xb2: {  	[dreg:$0x1] =	wrdreg $0xFFFFFFFF  }
0xb3: {  	[dreg:$0x0] =	wrdreg $0x60  }
0xb4: {  	[dreg:$0x2] =	wrdreg s16  }
0xb5: {  	[dreg:$0x3] =	wrdreg s24  }
0xb6: {  	[dreg:$0x4] =	wrdreg $0x9  }
0xb7: {  	_ =	task.clear_ibuf [dreg:s7], $0x5FFFF;
	_ =	strace $0x90000046  }
0xb8: {  	s29 =	simm.s32 $0x9;
	_ =	strace $0x80000048  }
0xb9: {  	_ =	swait.ge [sflag:s29], $0x1  }
0xba: {  	[sflag:s29] =	ssyncadd.s32 $0xFFFFFFFF  }
0xbb: {  	_ =	strace $0x90000048  }
0xbc: {  	_ =	sfence  }
0xbd: {  	s30 =	sld [smem:$0x0];
	_ =	sdelay $0x2  }
0xbe: {  	s31 =	sshll.u32 s1, $0xD;
	s1 =	sshrl.u32 s1, $0x2  }
0xbf: {  	s3 =	sand.u32 $0x4000, s31;
	s1 =	sadd.s32 s1, s30  }
0xc0: {  	s0 =	sor.u32 s3, s0;
	s1 =	sshll.u32 s1, $0x11  }
0xc1: {  	s0 =	sor.u32 s1, s0  }
0xc2: {  	s0 =	sadd.s32 $0x8F2B, s0  }
0xc3: {  	[sflag:s0] =	ssyncadd.remote.s32 $0x1  }
0xc4: {  	_ =	sfence.sel $0xFFFF  }
0xc5: {  	[dreg:$0x0] =	wrdreg $0xFFFFFFFF;
	(pc) =	sbr.abs _section_cstart, $3  }
0xc6: {  	[dreg:$0x1] =	wrdreg $0xFFFFFFFF  }
0xc7: {  	_ =	task.clear_ibuf [dreg:s7], $0x2FFFF;
	_ =	strace $0x9FFFFFFF  }
0xc8: {  	(tm) =	ssettm $0x7FFFFFFF  }
0xc9: {  	_ =	shalt  }
tec
execute0_lowered:
.L_overlay_start_1:
0x0: {  	(tag) =	ssettag $0x1  }
0x1: {  	s0 =	srdreg.scid  }
0x2: {  	s1 =	rddreg [dreg:$0x0];
	s2 =	stileid.u32  }
0x3: {  	s4 =	rddreg [dreg:$0x1];
	s9 =	simm.s32 $0x2;
	s11 =	simm.s32 $0x880  }
0x4: {  	s12 =	simm.s32 $0x1080;
	s13 =	simm.s32 $0x1880;
	s14 =	simm.s32 $0x2080  }
0x5: {  	s15 =	simm.s32 $0x2880;
	s16 =	simm.s32 $0x3080;
	s17 =	simm.s32 $0x3880  }
0x6: {  	s18 =	simm.s32 $0x4080;
	s19 =	simm.s32 $0x4880;
	s20 =	simm.s32 $0x5080  }
0x7: {  	s21 =	simm.s32 $0x5880;
	s22 =	simm.s32 $0x6080;
	s23 =	simm.s32 $0x6880  }
0x8: {  	s24 =	simm.s32 $0x7080;
	s25 =	simm.s32 $0x7880;
	s28 =	simm.s32 $0x8880  }
0x9: {  	s29 =	simm.s32 $0x9080;
	s30 =	simm.s32 $0x9880;
	s31 =	simm.s32 $0xA080  }
0xa: {  	s0 =	sand.u32 $0x1, s0;
	s3 =	sshll.u32 s2, $0x4;
	s2 =	simm.s32 $0x0  }
0xb: {  	s5 =	sshll.u32 s0, $0x3;
	[smem:$0x7FF] =	sst s2;
	s0 =	ssub.s32 $0x2, s0  }
0xc: {  	s5 =	sor.u32 s5, s3;
	_ =	strace $0x80000047;
	s3 =	sadd.s32 $0x400, s4  }
0xd: {  	s7 =	sshrl.u32 s0, $0x1;
	s6 =	smul.u32 $0x300, s5;
	s5 =	sadd.s32 s4, s5  }
0xe: {  	s0 =	ssub.s32 s0, s7;
	[dreg:$0x5] =	wrdreg s5;
	s26 =	sadd.s32 $0x200, s5  }
0xf: {  	v2 =	vlaneseq.u32;
	s5 =	sadd.s32 $0x500, s4;
	s7 =	smax.u32 s0, $0x1;
	s1 =	sadd.s32 s1, s6  }
0x10: {  	vm0 =	vmmov $0xffff;
	v1 =	vshrl.u32 v2, $0x3;
	s6 =	sadd.s32 $0x600, s4;
	[dreg:$0x4] =	wrdreg s26;
	s4 =	simm.s32 $0x1  }
0x11: {  	v0 =	vand.u32 $0x7, v2;
	v2 =	vor.u32 $0x8, v2;
	v1 =	vmul.u32 $0x8, v1;
	s26 =	simm.s32 $0x8080;
	[dreg:$0x3] =	wrdreg s1;
	s1 =	simm.s32 $0xA880  }
.LBB2_1:
0x12: {  	s10 =	rddreg [dreg:$0x3];
	s0 =	simm.s32 $0x80  }
0x13: {  	[tilespmem:s0], [sflag:$0x2] =	stream.linear.gather [hbm4b:s10+s2], $0xC000, $0x38;
	[tilespmem:$0xC080] =	vst v63  }
0x14: {  	_ =	swait.ge [sflag:s9], $0xC000  }
0x15: {  	[sflag:s9] =	ssyncset.done $0x0  }
0x16: {  	s8 =	rddreg [dreg:$0x5];
	[sflag:s9] =	ssyncadd.s32 $0xFFFF4000  }
0x17: {  	[tilespmem:s2], [sflag:$0x2] =	stream.linear.gather [hbm4b:s8+s2], $0x40, $0x38;
	[tilespmem:$0xC080] =	vst v63  }
0x18: {  	_ =	swait.ge [sflag:s9], $0x40  }
0x19: {  	[sflag:s9] =	ssyncset.done $0x0  }
0x1a: {  	[sflag:s9] =	ssyncadd.s32 $0xFFFFFFC0  }
0x1b: {  	v3 =	vld [tilespmem:$0x0];
	_ =	sdelay $0x4  }
0x1c: {  	v4 =	vshrl.u32 v3, $0x3  }
0x1d: {  	v4 =	vmul.u32 $0x30, v4  }
0x1e: {  	v3 =	vand.u32 $0x7, v3  }
0x1f: {  	v3 =	vor.u32 v3, v4  }
0x20: {  	v4 =	vperm.xlane v3, v0;
	_ =	sdelay $0x1  }
0x21: {  	v4 =	vadd.s32 v1, v4;
	_ =	sdelay $0x3  }
0x22: {  	v3 =	vperm.xlane v3, v2  }
0x23: {  	[hbm4b:s3+s2] =	stream.indirect_vreg.scatter [tilespmem:s0], [sflag:$0x1], $0x80, v4, vm0, $0xb8;
	[tilespmem:$0xC080] =	vst v63  }
0x24: {  	v3 =	vadd.s32 v1, v3  }
0x25: {  	[hbm4b:s5+s2] =	stream.indirect_vreg.scatter [tilespmem:s11], [sflag:$0x1], $0x80, v4, vm0, $0xb8;
	[tilespmem:$0xC080] =	vst v63  }
0x26: {  	_ = 	snop  }
0x27: {  	[hbm4b:s6+s2] =	stream.indirect_vreg.scatter [tilespmem:s12], [sflag:$0x1], $0x80, v4, vm0, $0xb8;
	[tilespmem:$0xC080] =	vst v63  }
0x28: {  	_ = 	snop  }
0x29: {  	[hbm4b:s3+s2] =	stream.indirect_vreg.scatter [tilespmem:s13], [sflag:$0x1], $0x80, v3, vm0, $0xb8;
	[tilespmem:$0xC080] =	vst v63  }
0x2a: {  	_ = 	snop  }
0x2b: {  	[hbm4b:s5+s2] =	stream.indirect_vreg.scatter [tilespmem:s14], [sflag:$0x1], $0x80, v3, vm0, $0xb8;
	[tilespmem:$0xC080] =	vst v63  }
0x2c: {  	_ = 	snop  }
0x2d: {  	[hbm4b:s6+s2] =	stream.indirect_vreg.scatter [tilespmem:s15], [sflag:$0x1], $0x80, v3, vm0, $0xb8;
	[tilespmem:$0xC080] =	vst v63  }
0x2e: {  	v3 =	vld [tilespmem:$0x10];
	_ =	sdelay $0x4  }
0x2f: {  	v57 =	vshrl.u32 v3, $0x3  }
0x30: {  	v4 =	vmul.u32 $0x30, v57  }
0x31: {  	v3 =	vand.u32 $0x7, v3  }
0x32: {  	v3 =	vor.u32 v3, v4  }
0x33: {  	v4 =	vperm.xlane v3, v0;
	_ =	sdelay $0x1  }
0x34: {  	v4 =	vadd.s32 v1, v4;
	_ =	sdelay $0x3  }
0x35: {  	v3 =	vperm.xlane v3, v2  }
0x36: {  	[hbm4b:s3+s2] =	stream.indirect_vreg.scatter [tilespmem:s16], [sflag:$0x1], $0x80, v4, vm0, $0xb8;
	[tilespmem:$0xC080] =	vst v63  }
0x37: {  	v3 =	vadd.s32 v1, v3  }
0x38: {  	[hbm4b:s5+s2] =	stream.indirect_vreg.scatter [tilespmem:s17], [sflag:$0x1], $0x80, v4, vm0, $0xb8;
	[tilespmem:$0xC080] =	vst v63  }
0x39: {  	_ = 	snop  }
0x3a: {  	[hbm4b:s6+s2] =	stream.indirect_vreg.scatter [tilespmem:s18], [sflag:$0x1], $0x80, v4, vm0, $0xb8;
	[tilespmem:$0xC080] =	vst v63  }
0x3b: {  	_ = 	snop  }
0x3c: {  	[hbm4b:s3+s2] =	stream.indirect_vreg.scatter [tilespmem:s19], [sflag:$0x1], $0x80, v3, vm0, $0xb8;
	[tilespmem:$0xC080] =	vst v63  }
0x3d: {  	_ = 	snop  }
0x3e: {  	[hbm4b:s5+s2] =	stream.indirect_vreg.scatter [tilespmem:s20], [sflag:$0x1], $0x80, v3, vm0, $0xb8;
	[tilespmem:$0xC080] =	vst v63  }
0x3f: {  	_ = 	snop  }
0x40: {  	[hbm4b:s6+s2] =	stream.indirect_vreg.scatter [tilespmem:s21], [sflag:$0x1], $0x80, v3, vm0, $0xb8;
	[tilespmem:$0xC080] =	vst v63  }
0x41: {  	v3 =	vld [tilespmem:$0x20];
	_ =	sdelay $0x4  }
0x42: {  	v58 =	vshrl.u32 v3, $0x3  }
0x43: {  	v4 =	vmul.u32 $0x30, v58  }
0x44: {  	v3 =	vand.u32 $0x7, v3  }
0x45: {  	v3 =	vor.u32 v3, v4  }
0x46: {  	v4 =	vperm.xlane v3, v0;
	_ =	sdelay $0x1  }
0x47: {  	v4 =	vadd.s32 v1, v4;
	_ =	sdelay $0x3  }
0x48: {  	v3 =	vperm.xlane v3, v2  }
0x49: {  	[hbm4b:s3+s2] =	stream.indirect_vreg.scatter [tilespmem:s22], [sflag:$0x1], $0x80, v4, vm0, $0xb8;
	[tilespmem:$0xC080] =	vst v63  }
0x4a: {  	v3 =	vadd.s32 v1, v3  }
0x4b: {  	[hbm4b:s5+s2] =	stream.indirect_vreg.scatter [tilespmem:s23], [sflag:$0x1], $0x80, v4, vm0, $0xb8;
	[tilespmem:$0xC080] =	vst v63  }
0x4c: {  	_ = 	snop  }
0x4d: {  	[hbm4b:s6+s2] =	stream.indirect_vreg.scatter [tilespmem:s24], [sflag:$0x1], $0x80, v4, vm0, $0xb8;
	[tilespmem:$0xC080] =	vst v63  }
0x4e: {  	_ = 	snop  }
0x4f: {  	[hbm4b:s3+s2] =	stream.indirect_vreg.scatter [tilespmem:s25], [sflag:$0x1], $0x80, v3, vm0, $0xb8;
	[tilespmem:$0xC080] =	vst v63  }
0x50: {  	_ = 	snop  }
0x51: {  	[hbm4b:s5+s2] =	stream.indirect_vreg.scatter [tilespmem:s26], [sflag:$0x1], $0x80, v3, vm0, $0xb8;
	[tilespmem:$0xC080] =	vst v63  }
0x52: {  	_ = 	snop  }
0x53: {  	[hbm4b:s6+s2] =	stream.indirect_vreg.scatter [tilespmem:s28], [sflag:$0x1], $0x80, v3, vm0, $0xb8;
	[tilespmem:$0xC080] =	vst v63  }
0x54: {  	v3 =	vld [tilespmem:$0x30];
	_ =	sdelay $0x4  }
0x55: {  	v59 =	vshrl.u32 v3, $0x3  }
0x56: {  	v4 =	vmul.u32 $0x30, v59  }
0x57: {  	v3 =	vand.u32 $0x7, v3  }
0x58: {  	v3 =	vor.u32 v3, v4  }
0x59: {  	v4 =	vperm.xlane v3, v0;
	_ =	sdelay $0x1  }
0x5a: {  	v4 =	vadd.s32 v1, v4;
	_ =	sdelay $0x3  }
0x5b: {  	v3 =	vperm.xlane v3, v2  }
0x5c: {  	[hbm4b:s3+s2] =	stream.indirect_vreg.scatter [tilespmem:s29], [sflag:$0x1], $0x80, v4, vm0, $0xb8;
	[tilespmem:$0xC080] =	vst v63  }
0x5d: {  	v3 =	vadd.s32 v1, v3  }
0x5e: {  	[hbm4b:s5+s2] =	stream.indirect_vreg.scatter [tilespmem:s30], [sflag:$0x1], $0x80, v4, vm0, $0xb8;
	[tilespmem:$0xC080] =	vst v63  }
0x5f: {  	_ = 	snop  }
0x60: {  	[hbm4b:s6+s2] =	stream.indirect_vreg.scatter [tilespmem:s31], [sflag:$0x1], $0x80, v4, vm0, $0xb8;
	[tilespmem:$0xC080] =	vst v63  }
0x61: {  	_ = 	snop  }
0x62: {  	[hbm4b:s3+s2] =	stream.indirect_vreg.scatter [tilespmem:s1], [sflag:$0x1], $0x80, v3, vm0, $0xb8;
	[tilespmem:$0xC080] =	vst v63  }
0x63: {  	s8 =	simm.s32 $0xB080  }
0x64: {  	[hbm4b:s5+s2] =	stream.indirect_vreg.scatter [tilespmem:s8], [sflag:$0x1], $0x80, v3, vm0, $0xb8;
	[tilespmem:$0xC080] =	vst v63  }
0x65: {  	s8 =	simm.s32 $0xB880  }
0x66: {  	[hbm4b:s6+s2] =	stream.indirect_vreg.scatter [tilespmem:s8], [sflag:$0x1], $0x80, v3, vm0, $0xb8;
	[tilespmem:$0xC080] =	vst v63  }
0x67: {  	_ =	swait.ge [sflag:s4], $0xC000  }
0x68: {  	[sflag:s4] =	ssyncset.done $0x0  }
0x69: {  	s10 =	rddreg [dreg:$0x4];
	[sflag:s4] =	ssyncadd.s32 $0xFFFF4000  }
0x6a: {  	[tilespmem:s2], [sflag:$0x2] =	stream.linear.gather [hbm4b:s10+s2], $0x40, $0x38;
	[tilespmem:$0xC080] =	vst v63  }
0x6b: {  	_ =	swait.ge [sflag:s9], $0x40  }
0x6c: {  	[sflag:s9] =	ssyncset.done $0x0  }
0x6d: {  	[sflag:s9] =	ssyncadd.s32 $0xFFFFFFC0  }
0x6e: {  	v3 =	vld [tilespmem:$0x0];
	_ =	sdelay $0x4  }
0x6f: {  	v60 =	vshrl.u32 v3, $0x3  }
0x70: {  	v4 =	vmul.u32 $0x30, v60  }
0x71: {  	v3 =	vand.u32 $0x7, v3  }
0x72: {  	v3 =	vor.u32 v3, v4  }
0x73: {  	v4 =	vperm.xlane v3, v0;
	_ =	sdelay $0x1  }
0x74: {  	v4 =	vadd.s32 v1, v4;
	_ =	sdelay $0x3  }
0x75: {  	v3 =	vperm.xlane v3, v2  }
0x76: {  	[hbm4b:s3+s2] =	stream.indirect_vreg.scatter [tilespmem:s0], [sflag:$0x1], $0x80, v4, vm0, $0xb8;
	[tilespmem:$0xC080] =	vst v63  }
0x77: {  	v3 =	vadd.s32 v1, v3  }
0x78: {  	[hbm4b:s5+s2] =	stream.indirect_vreg.scatter [tilespmem:s11], [sflag:$0x1], $0x80, v4, vm0, $0xb8;
	[tilespmem:$0xC080] =	vst v63  }
0x79: {  	_ = 	snop  }
0x7a: {  	[hbm4b:s6+s2] =	stream.indirect_vreg.scatter [tilespmem:s12], [sflag:$0x1], $0x80, v4, vm0, $0xb8;
	[tilespmem:$0xC080] =	vst v63  }
0x7b: {  	_ = 	snop  }
0x7c: {  	[hbm4b:s3+s2] =	stream.indirect_vreg.scatter [tilespmem:s13], [sflag:$0x1], $0x80, v3, vm0, $0xb8;
	[tilespmem:$0xC080] =	vst v63  }
0x7d: {  	_ = 	snop  }
0x7e: {  	[hbm4b:s5+s2] =	stream.indirect_vreg.scatter [tilespmem:s14], [sflag:$0x1], $0x80, v3, vm0, $0xb8;
	[tilespmem:$0xC080] =	vst v63  }
0x7f: {  	_ = 	snop  }
0x80: {  	[hbm4b:s6+s2] =	stream.indirect_vreg.scatter [tilespmem:s15], [sflag:$0x1], $0x80, v3, vm0, $0xb8;
	[tilespmem:$0xC080] =	vst v63  }
0x81: {  	v3 =	vld [tilespmem:$0x10];
	_ =	sdelay $0x4  }
0x82: {  	v61 =	vshrl.u32 v3, $0x3  }
0x83: {  	v4 =	vmul.u32 $0x30, v61  }
0x84: {  	v3 =	vand.u32 $0x7, v3  }
0x85: {  	v3 =	vor.u32 v3, v4  }
0x86: {  	v4 =	vperm.xlane v3, v0;
	_ =	sdelay $0x1  }
0x87: {  	v4 =	vadd.s32 v1, v4;
	_ =	sdelay $0x3  }
0x88: {  	v3 =	vperm.xlane v3, v2  }
0x89: {  	[hbm4b:s3+s2] =	stream.indirect_vreg.scatter [tilespmem:s16], [sflag:$0x1], $0x80, v4, vm0, $0xb8;
	[tilespmem:$0xC080] =	vst v63  }
0x8a: {  	v3 =	vadd.s32 v1, v3  }
0x8b: {  	[hbm4b:s5+s2] =	stream.indirect_vreg.scatter [tilespmem:s17], [sflag:$0x1], $0x80, v4, vm0, $0xb8;
	[tilespmem:$0xC080] =	vst v63  }
0x8c: {  	_ = 	snop  }
0x8d: {  	[hbm4b:s6+s2] =	stream.indirect_vreg.scatter [tilespmem:s18], [sflag:$0x1], $0x80, v4, vm0, $0xb8;
	[tilespmem:$0xC080] =	vst v63  }
0x8e: {  	_ = 	snop  }
0x8f: {  	[hbm4b:s3+s2] =	stream.indirect_vreg.scatter [tilespmem:s19], [sflag:$0x1], $0x80, v3, vm0, $0xb8;
	[tilespmem:$0xC080] =	vst v63  }
0x90: {  	_ = 	snop  }
0x91: {  	[hbm4b:s5+s2] =	stream.indirect_vreg.scatter [tilespmem:s20], [sflag:$0x1], $0x80, v3, vm0, $0xb8;
	[tilespmem:$0xC080] =	vst v63  }
0x92: {  	_ = 	snop  }
0x93: {  	[hbm4b:s6+s2] =	stream.indirect_vreg.scatter [tilespmem:s21], [sflag:$0x1], $0x80, v3, vm0, $0xb8;
	[tilespmem:$0xC080] =	vst v63  }
0x94: {  	v3 =	vld [tilespmem:$0x20];
	_ =	sdelay $0x4  }
0x95: {  	v62 =	vshrl.u32 v3, $0x3  }
0x96: {  	v4 =	vmul.u32 $0x30, v62  }
0x97: {  	v3 =	vand.u32 $0x7, v3  }
0x98: {  	v3 =	vor.u32 v3, v4  }
0x99: {  	v4 =	vperm.xlane v3, v0;
	_ =	sdelay $0x1  }
0x9a: {  	v4 =	vadd.s32 v1, v4;
	_ =	sdelay $0x3  }
0x9b: {  	v3 =	vperm.xlane v3, v2  }
0x9c: {  	[hbm4b:s3+s2] =	stream.indirect_vreg.scatter [tilespmem:s22], [sflag:$0x1], $0x80, v4, vm0, $0xb8;
	[tilespmem:$0xC080] =	vst v63  }
0x9d: {  	v3 =	vadd.s32 v1, v3  }
0x9e: {  	[hbm4b:s5+s2] =	stream.indirect_vreg.scatter [tilespmem:s23], [sflag:$0x1], $0x80, v4, vm0, $0xb8;
	[tilespmem:$0xC080] =	vst v63  }
0x9f: {  	_ = 	snop  }
0xa0: {  	[hbm4b:s6+s2] =	stream.indirect_vreg.scatter [tilespmem:s24], [sflag:$0x1], $0x80, v4, vm0, $0xb8;
	[tilespmem:$0xC080] =	vst v63  }
0xa1: {  	_ = 	snop  }
0xa2: {  	[hbm4b:s3+s2] =	stream.indirect_vreg.scatter [tilespmem:s25], [sflag:$0x1], $0x80, v3, vm0, $0xb8;
	[tilespmem:$0xC080] =	vst v63  }
0xa3: {  	_ = 	snop  }
0xa4: {  	[hbm4b:s5+s2] =	stream.indirect_vreg.scatter [tilespmem:s26], [sflag:$0x1], $0x80, v3, vm0, $0xb8;
	[tilespmem:$0xC080] =	vst v63  }
0xa5: {  	_ = 	snop  }
0xa6: {  	[hbm4b:s6+s2] =	stream.indirect_vreg.scatter [tilespmem:s28], [sflag:$0x1], $0x80, v3, vm0, $0xb8;
	[tilespmem:$0xC080] =	vst v63  }
0xa7: {  	v3 =	vld [tilespmem:$0x30];
	_ =	sdelay $0x4  }
0xa8: {  	v63 =	vshrl.u32 v3, $0x3  }
0xa9: {  	v4 =	vmul.u32 $0x30, v63  }
0xaa: {  	v3 =	vand.u32 $0x7, v3  }
0xab: {  	v3 =	vor.u32 v3, v4  }
0xac: {  	v4 =	vperm.xlane v3, v0;
	_ =	sdelay $0x1  }
0xad: {  	v4 =	vadd.s32 v1, v4;
	_ =	sdelay $0x3  }
0xae: {  	v3 =	vperm.xlane v3, v2  }
0xaf: {  	[hbm4b:s3+s2] =	stream.indirect_vreg.scatter [tilespmem:s29], [sflag:$0x1], $0x80, v4, vm0, $0xb8;
	[tilespmem:$0xC080] =	vst v63  }
0xb0: {  	v3 =	vadd.s32 v1, v3  }
0xb1: {  	[hbm4b:s5+s2] =	stream.indirect_vreg.scatter [tilespmem:s30], [sflag:$0x1], $0x80, v4, vm0, $0xb8;
	[tilespmem:$0xC080] =	vst v63  }
0xb2: {  	_ = 	snop  }
0xb3: {  	[hbm4b:s6+s2] =	stream.indirect_vreg.scatter [tilespmem:s31], [sflag:$0x1], $0x80, v4, vm0, $0xb8;
	[tilespmem:$0xC080] =	vst v63  }
0xb4: {  	_ = 	snop  }
0xb5: {  	[hbm4b:s3+s2] =	stream.indirect_vreg.scatter [tilespmem:s1], [sflag:$0x1], $0x80, v3, vm0, $0xb8;
	[tilespmem:$0xC080] =	vst v63  }
0xb6: {  	p0 =	sne.s32 s7, $0x1;
	s10 =	simm.s32 $0xB080  }
0xb7: {  	[hbm4b:s5+s2] =	stream.indirect_vreg.scatter [tilespmem:s10], [sflag:$0x1], $0x80, v3, vm0, $0xb8;
	[tilespmem:$0xC080] =	vst v63  }
.Ltmp0:
0xb8: {  	_ = 	snop;
	(pc) =	sbr.rel @p0 .LBB2_1-.Ltmp0, $4  }
0xb9: {  	[hbm4b:s6+s2] =	stream.indirect_vreg.scatter [tilespmem:s8], [sflag:$0x1], $0x80, v3, vm0, $0xb8;
	[tilespmem:$0xC080] =	vst v63  }
0xba: {  	_ =	swait.ge [sflag:s4], $0xC000  }
0xbb: {  	[sflag:s4] =	ssyncset.done $0x0  }
0xbc: {  	s7 =	sadd.s32 $0xFFFFFFFF, s7;
	[sflag:s4] =	ssyncadd.s32 $0xFFFF4000  }
0xbd: {  	_ =	sfence.sel $0x180000  }
0xbe: {  	[bflag:$0x0] =	sbarrier.arrive $0xFFFF  }
0xbf: {  	_ =	strace $0x90000047  }
0xc0: {  	s0 =	stileid.u32;
	[bflag:$0x2] =	sbarrier.arrive $0xFFFF  }
0xc1: {  	p0 =	sne.s32 s0, $0x0;
	s0 =	rddreg [dreg:$0x2]  }
0xc2: {  	s0 =	sadd.s32 @!p0 $0x100000, s0  }
0xc3: {  	[sflag:s0] =	ssyncadd.tile.s32 @!p0 $0x1;
	_ =	shalt  }
.Lfunc_end2:
_tile_overlayer_lowered:
.L_overlay_start_2:
0xc4: {  	(tag) =	ssettag $0x2  }
0xc5: {  	s0 =	rddreg [dreg:$0x0];
	s2 =	stileid.u32  }
0xc6: {  	s1 =	rddreg [dreg:$0x1];
	p0 =	sne.s32 s2, $0x0  }
0xc7: {  	s3 =	rddreg [dreg:$0x2];
	[bflag:$0x3] =	sbarrier.arrive $0xFFFF;
	s2 =	simm.s32 @!p0 $0x1C02  }
0xc8: {  	[timem:s3], [sflag:s2] =	dma.local @!p0 [hbm:s0], s1  }
0xc9: {  	s0 =	simm.s32 @!p0 $0x2  }
0xca: {  	_ =	swait.ge @!p0 [sflag:s0], s1  }
0xcb: {  	s1 =	ssub.s32 @!p0 $0x0, s1;
	[sflag:s0] =	ssyncset.done @!p0 $0x0  }
0xcc: {  	[sflag:s0] =	ssyncadd.s32 @!p0 s1  }
0xcd: {  	[bflag:$0x3] =	sbarrier.arrive $0xFFFF  }
0xce: {  	_ =	shalt  }

// kernel: kernel.15.cloned.1.call-start
scs
__scs_entry_jumppad:
0x0: {  	(pc) =	sbr.rel $0x88, $3  }
0x1: {  	(tag) =	ssettag $0x0;
	lr =	simm.s32 $0x1  }
0x2: {  	[smem:$0x3F98] =	sst lr;
	_ =	strace $0xD0000000  }
0x3: {  	_ = 	snop  }
0x4: {  	_ = 	snop  }
0x5: {  	_ = 	snop  }
0x6: {  	_ = 	snop  }
0x7: {  	_ = 	snop  }
__scs_overlays_trampoline_lowered:
0x8: {  	[smem:$0x3FA7] =	sst s0  }
0x9: {  	[smem:$0x3FA8] =	sst s1  }
0xa: {  	[smem:$0x3FA9] =	sst s2  }
0xb: {  	[smem:$0x3FAA] =	sst s3  }
0xc: {  	[smem:$0x3FAB] =	sst s4  }
0xd: {  	[smem:$0x3FAC] =	sst s5  }
0xe: {  	[smem:$0x3FAD] =	sst s6  }
0xf: {  	[smem:$0x3FAE] =	sst s7  }
0x10: {  	[smem:$0x3FAF] =	sst s8  }
0x11: {  	[smem:$0x3FB0] =	sst s9;
	s0 =	simm.s32 @!p0 $0x0  }
0x12: {  	s1 =	sld [smem:$0x3F96];
	s0 =	simm.s32 @p0 $0x1  }
0x13: {  	[smem:$0x3FB1] =	sst s0;
	s0 =	simm.s32 @!p1 $0x0  }
0x14: {  	s2 =	sld [smem:$0x3F95];
	s0 =	simm.s32 @p1 $0x1  }
0x15: {  	[smem:$0x3FB2] =	sst s0;
	s0 =	simm.s32 @!p2 $0x0  }
0x16: {  	s3 =	sld [smem:$0x3FDB];
	s0 =	simm.s32 @p2 $0x1  }
0x17: {  	s4 =	simm.s32 $0x1BF5;
	[smem:$0x3FB4] =	sst s0  }
0x18: {  	s0 =	sld [smem:$0x3F97];
	_ =	swait.ge [sflag:s4], $0x0  }
0x19: {  	s7 =	sld [smem:$0x3F98]  }
0x1a: {  	s8 =	sadd.s32 $0xFFFFE003, lr  }
0x1b: {  	s9 =	sadd.s32 $0xFFFFFEF7, lr;
	s5 =	simm.s32 $0xFFFFFFFF;
	p2 =	slt.u32 s8, $0xFFFFF086  }
0x1c: {  	p1 =	slt.u32 s9, $0xF7A;
	s5 =	simm.s32 @!p2 $0x0  }
0x1d: {  	s5 =	simm.s32 @p1 $0x1;
	p0 =	seq.s32 s7, s2  }
0x1e: {  	s7 =	smul.u32 @!p0 $0xF7A, s2;
	p2 =	seq.s32 @!p0 s5, $0x0  }
0x1f: {  	s9 =	smul.u32 $0xF7A, s1;
	s8 =	simm.s32 @!p0 $0x1BF5;
	p2 =	por !p2, p0  }
0x20: {  	[sflag:s8] =	ssyncset.s32 @!p0 $0xFFFFF086;
	s6 =	sadd.s32 @!p0 s3, s7;
	s7 =	simm.s32 @!p0 $0x108  }
0x21: {  	s3 =	sadd.s32 s3, s9;
	s6 =	sadd.s32 @!p0 $0x88, s6;
	s7 =	simm.s32 @p2 $0x1082  }
0x22: {  	[simem:s7], [sflag:s8] =	dma.local @!p0 [hbm:s6], $0xF7A  }
0x23: {  	s9 =	sor.u32 $0xD0000000, s2;
	s6 =	simm.s32 $0x108;
	_ =	swait.ge @!p0 [sflag:s8], $0x0  }
0x24: {  	s3 =	sadd.s32 $0x88, s3;
	s6 =	simm.s32 @!p1 $0x1082;
	[sflag:s4] =	ssyncset.s32 $0xFFFFF086  }
0x25: {  	[simem:s6], [sflag:s4] =	dma.local [hbm:s3], $0xF7A  }
0x26: {  	[smem:$0x3F98] =	sst s1;
	(tag) =	ssettag s2;
	_ =	strace s9  }
0x27: {  	s1 =	sld [smem:$0x3FA8]  }
0x28: {  	s2 =	sld [smem:$0x3FA9]  }
0x29: {  	s4 =	sld [smem:$0x3FAB]  }
0x2a: {  	p0 =	seq.s32 s5, $0x0;
	s5 =	sld [smem:$0x3FAC]  }
0x2b: {  	s6 =	sld [smem:$0x3FAD]  }
0x2c: {  	s7 =	sld [smem:$0x3FAE]  }
0x2d: {  	s3 =	simm.s32 $0x108;
	s8 =	sld [smem:$0x3FAF]  }
0x2e: {  	s3 =	simm.s32 @!p0 $0x1082;
	s9 =	sld [smem:$0x3FB0]  }
0x2f: {  	lr =	sadd.s32 s0, s3;
	s0 =	sld [smem:$0x3FA7]  }
0x30: {  	s3 =	sld [smem:$0x3FAA]  }
0x31: {  	[smem:$0x3FB3] =	sst s10  }
0x32: {  	s10 =	sld [smem:$0x3FB1];
	_ =	sdelay $0x3  }
0x33: {  	p0 =	seq.s32 s10, $0x1;
	s10 =	sld [smem:$0x3FB3];
	_ =	sdelay $0x3  }
0x34: {  	[smem:$0x3FB3] =	sst s10  }
0x35: {  	s10 =	sld [smem:$0x3FB2];
	_ =	sdelay $0x3  }
0x36: {  	p1 =	seq.s32 s10, $0x1;
	s10 =	sld [smem:$0x3FB3];
	_ =	sdelay $0x3  }
0x37: {  	[smem:$0x3FB3] =	sst s10  }
0x38: {  	s10 =	sld [smem:$0x3FB4]  }
0x39: {  	_ = 	snop;
	(pc) =	sbr.ind lr, $3  }
0x3a: {  	_ = 	snop  }
0x3b: {  	_ = 	snop  }
0x3c: {  	p2 =	seq.s32 s10, $0x1;
	s10 =	sld [smem:$0x3FB3]  }
0x3d: {  	_ =	shalt  }
0x3e: {  	_ =	shalt  }
0x3f: {  	_ =	shalt  }
0x40: {  	_ =	shalt  }
0x41: {  	_ =	shalt  }
0x42: {  	_ =	shalt  }
0x43: {  	_ =	shalt  }
0x44: {  	_ =	shalt  }
0x45: {  	_ =	shalt  }
0x46: {  	_ =	shalt  }
0x47: {  	_ =	shalt  }
0x48: {  	_ =	shalt  }
0x49: {  	_ =	shalt  }
0x4a: {  	_ =	shalt  }
0x4b: {  	_ =	shalt  }
0x4c: {  	_ =	shalt  }
0x4d: {  	_ =	shalt  }
0x4e: {  	_ =	shalt  }
0x4f: {  	_ =	shalt  }
0x50: {  	_ =	shalt  }
0x51: {  	_ =	shalt  }
0x52: {  	_ =	shalt  }
0x53: {  	_ =	shalt  }
0x54: {  	_ =	shalt  }
0x55: {  	_ =	shalt  }
0x56: {  	_ =	shalt  }
0x57: {  	_ =	shalt  }
0x58: {  	_ =	shalt  }
0x59: {  	_ =	shalt  }
0x5a: {  	_ =	shalt  }
0x5b: {  	_ =	shalt  }
0x5c: {  	_ =	shalt  }
0x5d: {  	_ =	shalt  }
0x5e: {  	_ =	shalt  }
0x5f: {  	_ =	shalt  }
0x60: {  	_ =	shalt  }
0x61: {  	_ =	shalt  }
0x62: {  	_ =	shalt  }
0x63: {  	_ =	shalt  }
0x64: {  	_ =	shalt  }
0x65: {  	_ =	shalt  }
0x66: {  	_ =	shalt  }
0x67: {  	_ =	shalt  }
0x68: {  	_ =	shalt  }
0x69: {  	_ =	shalt  }
0x6a: {  	_ =	shalt  }
0x6b: {  	_ =	shalt  }
0x6c: {  	_ =	shalt  }
0x6d: {  	_ =	shalt  }
0x6e: {  	_ =	shalt  }
0x6f: {  	_ =	shalt  }
0x70: {  	_ =	shalt  }
0x71: {  	_ =	shalt  }
0x72: {  	_ =	shalt  }
0x73: {  	_ =	shalt  }
0x74: {  	_ =	shalt  }
0x75: {  	_ =	shalt  }
0x76: {  	_ =	shalt  }
0x77: {  	_ =	shalt  }
0x78: {  	_ =	shalt  }
0x79: {  	_ =	shalt  }
0x7a: {  	_ =	shalt  }
0x7b: {  	_ =	shalt  }
0x7c: {  	_ =	shalt  }
0x7d: {  	_ =	shalt  }
0x7e: {  	_ =	shalt  }
0x7f: {  	_ =	shalt  }
0x80: {  	_ =	shalt  }
0x81: {  	_ =	shalt  }
0x82: {  	_ =	shalt  }
0x83: {  	_ =	shalt  }
0x84: {  	_ =	shalt  }
0x85: {  	_ =	shalt  }
0x86: {  	_ =	shalt  }
0x87: {  	_ =	shalt  }
.Lfunc_end0:
.L_simem_size_0:
called_computation.1_lowered:
.L_overlay_start_0:
0x88: {  	s2 =	sld [smem:$0x3FD9]  }
0x89: {  	s3 =	sld [smem:$0x3FFE];
	_ =	sdelay $0x1  }
0x8a: {  	s1 =	srdreg.scid  }
0x8b: {  	s0 =	sand.u32 $0x1, s1  }
0x8c: {  	s14 =	sshll.u32 s0, $0xA;
	s2 =	sadd.s32 s3, s2  }
0x8d: {  	s2 =	sadd.s32 s2, s14  }
0x8e: {  	[smem:$0x3FBF] =	sst s2  }
0x8f: {  	_ = 	snop  }
0x90: {  	s2 =	sld [smem:$0x3FD0];
	_ =	sdelay $0x2  }
0x91: {  	s15 =	simm.s32 $0xA;
	s4 =	simm.s32 $0x10  }
0x92: {  	[smem:s4], [sflag:s15] =	dma.local [hbm:s2], $0x1  }
0x93: {  	_ =	swait.eq [sflag:s15], $0x1  }
0x94: {  	[sflag:s15] =	ssyncset.done $0x0  }
0x95: {  	[sflag:s15] =	ssyncadd.s32 $0xFFFFFFFF  }
0x96: {  	s16 =	sld [smem:$0x10];
	(tm) =	ssettm $0x1  }
0x97: {  	s17 =	sld [smem:$0x3FFB];
	_ =	sdelay $0x3  }
0x98: {  	_ =	strace s17  }
0x99: {  	s3 =	sld [smem:$0x3FFC];
	_ =	sdelay $0x3  }
0x9a: {  	_ =	strace s3  }
0x9b: {  	s3 =	sld [smem:$0x3FFD];
	_ =	sdelay $0x3  }
0x9c: {  	_ =	strace s3  }
0x9d: {  	_ =	strace $0x8FFFFFFF  }
0x9e: {  	s18 =	sld [smem:$0x3FDB];
	_ =	sdelay $0x1  }
0x9f: {  	s19 =	simm.s32 $_scs_section_size  }
0xa0: {  	s5 =	simm.s32 $_size__tile_overlayer_lowered;
	s6 =	simm.s32 $_tile_overlayer_lowered  }
0xa1: {  	s22 =	simm.s32 $0x1BFF;
	s21 =	sshll.u32 s6, $0x1;
	s3 =	sadd.s32 s19, s18  }
0xa2: {  	s7 =	simm.s32 $0x0;
	s20 =	sshll.u32 s5, $0x1;
	s5 =	sadd.s32 s21, s3  }
0xa3: {  	[timem:s7], [sflag:s22] =	dma.local [hbm:s5], s20  }
0xa4: {  	_ =	swait.ge [sflag:s22], s20  }
0xa5: {  	s4 =	ssub.s32 $0x0, s20;
	[sflag:s22] =	ssyncset.done $0x0  }
0xa6: {  	[sflag:s22] =	ssyncadd.s32 s4;
	_ =	sdelay $0x1  }
0xa7: {  	s23 =	simm.s32 $0x1B8B  }
0xa8: {  	_ =	swait.ge [sflag:s23], $0x1  }
0xa9: {  	[sflag:s23] =	ssyncset.done $0x0  }
0xaa: {  	s25 =	simm.s32 $0x1B8E;
	s24 =	sld [smem:$0x3FFE];
	[sflag:s23] =	ssyncadd.s32 $0xFFFFFFFF  }
0xab: {  	s26 =	simm.s32 $execute0_lowered;
	[smem:$0x3FD2] =	sst s25  }
0xac: {  	s5 =	sshll.u32 s26, $0x1;
	_ =	strace $0x80000049;
	[dreg:$0x1] =	wrdreg $0xFFFFFFFF  }
0xad: {  	s28 =	simm.s32 $_size_execute0_lowered;
	s3 =	sadd.s32 s3, s5;
	[dreg:$0x0] =	wrdreg $0x0  }
0xae: {  	s5 =	sshll.u32 s28, $0x1;
	[dreg:$0x2] =	wrdreg s3  }
0xaf: {  	[dreg:$0x3] =	wrdreg s5  }
0xb0: {  	[dreg:$0x4] =	wrdreg $0xC0  }
0xb1: {  	_ =	task [dreg:s7], $0x5FFFF  }
0xb2: {  	[dreg:$0x1] =	wrdreg $0xFFFFFFFF  }
0xb3: {  	[dreg:$0x0] =	wrdreg $0x60  }
0xb4: {  	[dreg:$0x2] =	wrdreg s24  }
0xb5: {  	[dreg:$0x3] =	wrdreg s16  }
0xb6: {  	[dreg:$0x4] =	wrdreg $0x9  }
0xb7: {  	_ =	task.clear_ibuf [dreg:s7], $0x5FFFF;
	_ =	strace $0x90000049  }
0xb8: {  	s29 =	simm.s32 $0x9;
	_ =	strace $0x8000004B  }
0xb9: {  	_ =	swait.ge [sflag:s29], $0x1  }
0xba: {  	[sflag:s29] =	ssyncadd.s32 $0xFFFFFFFF  }
0xbb: {  	_ =	strace $0x9000004B  }
0xbc: {  	_ =	sfence  }
0xbd: {  	s30 =	sld [smem:$0x0];
	_ =	sdelay $0x2  }
0xbe: {  	s31 =	sshll.u32 s1, $0xD;
	s1 =	sshrl.u32 s1, $0x2  }
0xbf: {  	s3 =	sand.u32 $0x4000, s31;
	s1 =	sadd.s32 s1, s30  }
0xc0: {  	s0 =	sor.u32 s3, s0;
	s1 =	sshll.u32 s1, $0x11  }
0xc1: {  	s0 =	sor.u32 s1, s0  }
0xc2: {  	s0 =	sadd.s32 $0x8F2B, s0  }
0xc3: {  	[sflag:s0] =	ssyncadd.remote.s32 $0x1  }
0xc4: {  	_ =	sfence.sel $0xFFFF  }
0xc5: {  	[dreg:$0x0] =	wrdreg $0xFFFFFFFF;
	(pc) =	sbr.abs _section_cstart, $3  }
0xc6: {  	[dreg:$0x1] =	wrdreg $0xFFFFFFFF  }
0xc7: {  	_ =	task.clear_ibuf [dreg:s7], $0x2FFFF;
	_ =	strace $0x9FFFFFFF  }
0xc8: {  	(tm) =	ssettm $0x7FFFFFFF  }
0xc9: {  	_ =	shalt  }
tec
execute0_lowered:
.L_overlay_start_1:
0x0: {  	(tag) =	ssettag $0x1  }
0x1: {  	s0 =	srdreg.scid  }
0x2: {  	s2 =	stileid.u32;
	s1 =	rddreg [dreg:$0x0]  }
0x3: {  	s4 =	rddreg [dreg:$0x1];
	s11 =	simm.s32 $0x880;
	s12 =	simm.s32 $0x1080  }
0x4: {  	s13 =	simm.s32 $0x1880;
	s14 =	simm.s32 $0x2080;
	s15 =	simm.s32 $0x2880  }
0x5: {  	s16 =	simm.s32 $0x3080;
	s17 =	simm.s32 $0x3880;
	s18 =	simm.s32 $0x4080  }
0x6: {  	s19 =	simm.s32 $0x4880;
	s20 =	simm.s32 $0x5080;
	s21 =	simm.s32 $0x5880  }
0x7: {  	s22 =	simm.s32 $0x6080;
	s23 =	simm.s32 $0x6880;
	s28 =	simm.s32 $0x8880  }
0x8: {  	s29 =	simm.s32 $0x9080;
	s30 =	simm.s32 $0x9880;
	s0 =	sand.u32 $0x1, s0  }
0x9: {  	s31 =	simm.s32 $0xA080;
	s2 =	sshll.u32 s2, $0x4;
	s3 =	sshll.u32 s0, $0x3  }
0xa: {  	s0 =	ssub.s32 $0x2, s0;
	s5 =	sor.u32 s3, s2;
	s2 =	simm.s32 $0x0  }
0xb: {  	s3 =	sadd.s32 $0x400, s1;
	s24 =	sshrl.u32 s0, $0x1;
	s6 =	smul.u32 $0x300, s5  }
0xc: {  	[smem:$0x7FF] =	sst s2;
	s8 =	sadd.s32 s1, s5;
	s0 =	ssub.s32 s0, s24  }
0xd: {  	s5 =	sadd.s32 $0x500, s1;
	s24 =	simm.s32 $0x7080;
	_ =	strace $0x8000004A  }
0xe: {  	[dreg:$0x6] =	wrdreg s8;
	s25 =	sadd.s32 $0x200, s8;
	s8 =	simm.s32 $0x2  }
0xf: {  	s7 =	sadd.s32 s6, s1;
	s4 =	sadd.s32 s4, s6;
	[dreg:$0x4] =	wrdreg s25  }
0x10: {  	v2 =	vlaneseq.u32;
	s6 =	sadd.s32 $0x600, s1;
	s25 =	simm.s32 $0x7880;
	[dreg:$0x3] =	wrdreg s4  }
0x11: {  	vm0 =	vmmov $0xffff;
	v1 =	vshrl.u32 v2, $0x3;
	s26 =	sadd.s32 $0x60400, s7;
	s7 =	smax.u32 s0, $0x1;
	s4 =	simm.s32 $0x1  }
0x12: {  	v0 =	vand.u32 $0x7, v2;
	v2 =	vor.u32 $0x8, v2;
	v1 =	vmul.u32 $0x8, v1;
	s0 =	simm.s32 $0x80;
	[dreg:$0x5] =	wrdreg s26;
	s26 =	simm.s32 $0x8080  }
.LBB2_1:
0x13: {  	s10 =	rddreg [dreg:$0x6]  }
0x14: {  	[tilespmem:s2], [sflag:$0x2] =	stream.linear.gather [hbm4b:s10+s2], $0x40, $0x38;
	[tilespmem:$0xC080] =	vst v63  }
0x15: {  	_ =	swait.ge [sflag:s8], $0x40  }
0x16: {  	[sflag:s8] =	ssyncset.done $0x0  }
0x17: {  	[sflag:s8] =	ssyncadd.s32 $0xFFFFFFC0  }
0x18: {  	v3 =	vld [tilespmem:$0x0];
	_ =	sdelay $0x4  }
0x19: {  	v4 =	vshrl.u32 v3, $0x3  }
0x1a: {  	v4 =	vmul.u32 $0x30, v4  }
0x1b: {  	v3 =	vand.u32 $0x7, v3  }
0x1c: {  	v3 =	vor.u32 v3, v4  }
0x1d: {  	v4 =	vperm.xlane v3, v0;
	_ =	sdelay $0x1  }
0x1e: {  	v4 =	vadd.s32 v1, v4;
	_ =	sdelay $0x3  }
0x1f: {  	v3 =	vperm.xlane v3, v2  }
0x20: {  	[tilespmem:s0], [sflag:$0x1] =	stream.indirect_vreg.gather [hbm4b:s3+s2], $0x80, v4, vm0, $0xb8;
	[tilespmem:$0xC080] =	vst v63  }
0x21: {  	v3 =	vadd.s32 v1, v3  }
0x22: {  	[tilespmem:s11], [sflag:$0x1] =	stream.indirect_vreg.gather [hbm4b:s5+s2], $0x80, v4, vm0, $0xb8;
	[tilespmem:$0xC080] =	vst v63  }
0x23: {  	_ = 	snop  }
0x24: {  	[tilespmem:s12], [sflag:$0x1] =	stream.indirect_vreg.gather [hbm4b:s6+s2], $0x80, v4, vm0, $0xb8;
	[tilespmem:$0xC080] =	vst v63  }
0x25: {  	_ = 	snop  }
0x26: {  	[tilespmem:s13], [sflag:$0x1] =	stream.indirect_vreg.gather [hbm4b:s3+s2], $0x80, v3, vm0, $0xb8;
	[tilespmem:$0xC080] =	vst v63  }
0x27: {  	_ = 	snop  }
0x28: {  	[tilespmem:s14], [sflag:$0x1] =	stream.indirect_vreg.gather [hbm4b:s5+s2], $0x80, v3, vm0, $0xb8;
	[tilespmem:$0xC080] =	vst v63  }
0x29: {  	_ = 	snop  }
0x2a: {  	[tilespmem:s15], [sflag:$0x1] =	stream.indirect_vreg.gather [hbm4b:s6+s2], $0x80, v3, vm0, $0xb8;
	[tilespmem:$0xC080] =	vst v63  }
0x2b: {  	v3 =	vld [tilespmem:$0x10];
	_ =	sdelay $0x4  }
0x2c: {  	v57 =	vshrl.u32 v3, $0x3  }
0x2d: {  	v4 =	vmul.u32 $0x30, v57  }
0x2e: {  	v3 =	vand.u32 $0x7, v3  }
0x2f: {  	v3 =	vor.u32 v3, v4  }
0x30: {  	v4 =	vperm.xlane v3, v0;
	_ =	sdelay $0x1  }
0x31: {  	v4 =	vadd.s32 v1, v4;
	_ =	sdelay $0x3  }
0x32: {  	v3 =	vperm.xlane v3, v2  }
0x33: {  	[tilespmem:s16], [sflag:$0x1] =	stream.indirect_vreg.gather [hbm4b:s3+s2], $0x80, v4, vm0, $0xb8;
	[tilespmem:$0xC080] =	vst v63  }
0x34: {  	v3 =	vadd.s32 v1, v3  }
0x35: {  	[tilespmem:s17], [sflag:$0x1] =	stream.indirect_vreg.gather [hbm4b:s5+s2], $0x80, v4, vm0, $0xb8;
	[tilespmem:$0xC080] =	vst v63  }
0x36: {  	_ = 	snop  }
0x37: {  	[tilespmem:s18], [sflag:$0x1] =	stream.indirect_vreg.gather [hbm4b:s6+s2], $0x80, v4, vm0, $0xb8;
	[tilespmem:$0xC080] =	vst v63  }
0x38: {  	_ = 	snop  }
0x39: {  	[tilespmem:s19], [sflag:$0x1] =	stream.indirect_vreg.gather [hbm4b:s3+s2], $0x80, v3, vm0, $0xb8;
	[tilespmem:$0xC080] =	vst v63  }
0x3a: {  	_ = 	snop  }
0x3b: {  	[tilespmem:s20], [sflag:$0x1] =	stream.indirect_vreg.gather [hbm4b:s5+s2], $0x80, v3, vm0, $0xb8;
	[tilespmem:$0xC080] =	vst v63  }
0x3c: {  	_ = 	snop  }
0x3d: {  	[tilespmem:s21], [sflag:$0x1] =	stream.indirect_vreg.gather [hbm4b:s6+s2], $0x80, v3, vm0, $0xb8;
	[tilespmem:$0xC080] =	vst v63  }
0x3e: {  	v3 =	vld [tilespmem:$0x20];
	_ =	sdelay $0x4  }
0x3f: {  	v58 =	vshrl.u32 v3, $0x3  }
0x40: {  	v4 =	vmul.u32 $0x30, v58  }
0x41: {  	v3 =	vand.u32 $0x7, v3  }
0x42: {  	v3 =	vor.u32 v3, v4  }
0x43: {  	v4 =	vperm.xlane v3, v0;
	_ =	sdelay $0x1  }
0x44: {  	v4 =	vadd.s32 v1, v4;
	_ =	sdelay $0x3  }
0x45: {  	v3 =	vperm.xlane v3, v2  }
0x46: {  	[tilespmem:s22], [sflag:$0x1] =	stream.indirect_vreg.gather [hbm4b:s3+s2], $0x80, v4, vm0, $0xb8;
	[tilespmem:$0xC080] =	vst v63  }
0x47: {  	v3 =	vadd.s32 v1, v3  }
0x48: {  	[tilespmem:s23], [sflag:$0x1] =	stream.indirect_vreg.gather [hbm4b:s5+s2], $0x80, v4, vm0, $0xb8;
	[tilespmem:$0xC080] =	vst v63  }
0x49: {  	_ = 	snop  }
0x4a: {  	[tilespmem:s24], [sflag:$0x1] =	stream.indirect_vreg.gather [hbm4b:s6+s2], $0x80, v4, vm0, $0xb8;
	[tilespmem:$0xC080] =	vst v63  }
0x4b: {  	_ = 	snop  }
0x4c: {  	[tilespmem:s25], [sflag:$0x1] =	stream.indirect_vreg.gather [hbm4b:s3+s2], $0x80, v3, vm0, $0xb8;
	[tilespmem:$0xC080] =	vst v63  }
0x4d: {  	_ = 	snop  }
0x4e: {  	[tilespmem:s26], [sflag:$0x1] =	stream.indirect_vreg.gather [hbm4b:s5+s2], $0x80, v3, vm0, $0xb8;
	[tilespmem:$0xC080] =	vst v63  }
0x4f: {  	_ = 	snop  }
0x50: {  	[tilespmem:s28], [sflag:$0x1] =	stream.indirect_vreg.gather [hbm4b:s6+s2], $0x80, v3, vm0, $0xb8;
	[tilespmem:$0xC080] =	vst v63  }
0x51: {  	v3 =	vld [tilespmem:$0x30];
	_ =	sdelay $0x4  }
0x52: {  	v59 =	vshrl.u32 v3, $0x3  }
0x53: {  	v4 =	vmul.u32 $0x30, v59  }
0x54: {  	v3 =	vand.u32 $0x7, v3  }
0x55: {  	v3 =	vor.u32 v3, v4  }
0x56: {  	v4 =	vperm.xlane v3, v0;
	_ =	sdelay $0x1  }
0x57: {  	v4 =	vadd.s32 v1, v4;
	_ =	sdelay $0x3  }
0x58: {  	v3 =	vperm.xlane v3, v2  }
0x59: {  	[tilespmem:s29], [sflag:$0x1] =	stream.indirect_vreg.gather [hbm4b:s3+s2], $0x80, v4, vm0, $0xb8;
	[tilespmem:$0xC080] =	vst v63  }
0x5a: {  	v3 =	vadd.s32 v1, v3  }
0x5b: {  	[tilespmem:s30], [sflag:$0x1] =	stream.indirect_vreg.gather [hbm4b:s5+s2], $0x80, v4, vm0, $0xb8;
	[tilespmem:$0xC080] =	vst v63  }
0x5c: {  	_ = 	snop  }
0x5d: {  	[tilespmem:s31], [sflag:$0x1] =	stream.indirect_vreg.gather [hbm4b:s6+s2], $0x80, v4, vm0, $0xb8;
	[tilespmem:$0xC080] =	vst v63  }
0x5e: {  	s1 =	simm.s32 $0xA880  }
0x5f: {  	[tilespmem:s1], [sflag:$0x1] =	stream.indirect_vreg.gather [hbm4b:s3+s2], $0x80, v3, vm0, $0xb8;
	[tilespmem:$0xC080] =	vst v63  }
0x60: {  	s9 =	simm.s32 $0xB080  }
0x61: {  	[tilespmem:s9], [sflag:$0x1] =	stream.indirect_vreg.gather [hbm4b:s5+s2], $0x80, v3, vm0, $0xb8;
	[tilespmem:$0xC080] =	vst v63  }
0x62: {  	s9 =	simm.s32 $0xB880  }
0x63: {  	[tilespmem:s9], [sflag:$0x1] =	stream.indirect_vreg.gather [hbm4b:s6+s2], $0x80, v3, vm0, $0xb8;
	[tilespmem:$0xC080] =	vst v63  }
0x64: {  	_ =	swait.ge [sflag:s4], $0xC000  }
0x65: {  	[sflag:s4] =	ssyncset.done $0x0  }
0x66: {  	s10 =	rddreg [dreg:$0x3];
	[sflag:s4] =	ssyncadd.s32 $0xFFFF4000  }
0x67: {  	[hbm4b:s10+s2] =	stream.linear.scatter [tilespmem:s0], [sflag:$0x2], $0xC000, $0x38;
	[tilespmem:$0xC080] =	vst v63  }
0x68: {  	_ =	swait.ge [sflag:s8], $0xC000  }
0x69: {  	[sflag:s8] =	ssyncset.done $0x0  }
0x6a: {  	s10 =	rddreg [dreg:$0x4];
	[sflag:s8] =	ssyncadd.s32 $0xFFFF4000  }
0x6b: {  	[tilespmem:s2], [sflag:$0x2] =	stream.linear.gather [hbm4b:s10+s2], $0x40, $0x38;
	[tilespmem:$0xC080] =	vst v63  }
0x6c: {  	_ =	swait.ge [sflag:s8], $0x40  }
0x6d: {  	[sflag:s8] =	ssyncset.done $0x0  }
0x6e: {  	[sflag:s8] =	ssyncadd.s32 $0xFFFFFFC0  }
0x6f: {  	v3 =	vld [tilespmem:$0x0];
	_ =	sdelay $0x4  }
0x70: {  	v60 =	vshrl.u32 v3, $0x3  }
0x71: {  	v4 =	vmul.u32 $0x30, v60  }
0x72: {  	v3 =	vand.u32 $0x7, v3  }
0x73: {  	v3 =	vor.u32 v3, v4  }
0x74: {  	v4 =	vperm.xlane v3, v0;
	_ =	sdelay $0x1  }
0x75: {  	v4 =	vadd.s32 v1, v4;
	_ =	sdelay $0x3  }
0x76: {  	v3 =	vperm.xlane v3, v2  }
0x77: {  	[tilespmem:s0], [sflag:$0x1] =	stream.indirect_vreg.gather [hbm4b:s3+s2], $0x80, v4, vm0, $0xb8;
	[tilespmem:$0xC080] =	vst v63  }
0x78: {  	v3 =	vadd.s32 v1, v3  }
0x79: {  	[tilespmem:s11], [sflag:$0x1] =	stream.indirect_vreg.gather [hbm4b:s5+s2], $0x80, v4, vm0, $0xb8;
	[tilespmem:$0xC080] =	vst v63  }
0x7a: {  	_ = 	snop  }
0x7b: {  	[tilespmem:s12], [sflag:$0x1] =	stream.indirect_vreg.gather [hbm4b:s6+s2], $0x80, v4, vm0, $0xb8;
	[tilespmem:$0xC080] =	vst v63  }
0x7c: {  	_ = 	snop  }
0x7d: {  	[tilespmem:s13], [sflag:$0x1] =	stream.indirect_vreg.gather [hbm4b:s3+s2], $0x80, v3, vm0, $0xb8;
	[tilespmem:$0xC080] =	vst v63  }
0x7e: {  	_ = 	snop  }
0x7f: {  	[tilespmem:s14], [sflag:$0x1] =	stream.indirect_vreg.gather [hbm4b:s5+s2], $0x80, v3, vm0, $0xb8;
	[tilespmem:$0xC080] =	vst v63  }
0x80: {  	_ = 	snop  }
0x81: {  	[tilespmem:s15], [sflag:$0x1] =	stream.indirect_vreg.gather [hbm4b:s6+s2], $0x80, v3, vm0, $0xb8;
	[tilespmem:$0xC080] =	vst v63  }
0x82: {  	v3 =	vld [tilespmem:$0x10];
	_ =	sdelay $0x4  }
0x83: {  	v61 =	vshrl.u32 v3, $0x3  }
0x84: {  	v4 =	vmul.u32 $0x30, v61  }
0x85: {  	v3 =	vand.u32 $0x7, v3  }
0x86: {  	v3 =	vor.u32 v3, v4  }
0x87: {  	v4 =	vperm.xlane v3, v0;
	_ =	sdelay $0x1  }
0x88: {  	v4 =	vadd.s32 v1, v4;
	_ =	sdelay $0x3  }
0x89: {  	v3 =	vperm.xlane v3, v2  }
0x8a: {  	[tilespmem:s16], [sflag:$0x1] =	stream.indirect_vreg.gather [hbm4b:s3+s2], $0x80, v4, vm0, $0xb8;
	[tilespmem:$0xC080] =	vst v63  }
0x8b: {  	v3 =	vadd.s32 v1, v3  }
0x8c: {  	[tilespmem:s17], [sflag:$0x1] =	stream.indirect_vreg.gather [hbm4b:s5+s2], $0x80, v4, vm0, $0xb8;
	[tilespmem:$0xC080] =	vst v63  }
0x8d: {  	_ = 	snop  }
0x8e: {  	[tilespmem:s18], [sflag:$0x1] =	stream.indirect_vreg.gather [hbm4b:s6+s2], $0x80, v4, vm0, $0xb8;
	[tilespmem:$0xC080] =	vst v63  }
0x8f: {  	_ = 	snop  }
0x90: {  	[tilespmem:s19], [sflag:$0x1] =	stream.indirect_vreg.gather [hbm4b:s3+s2], $0x80, v3, vm0, $0xb8;
	[tilespmem:$0xC080] =	vst v63  }
0x91: {  	_ = 	snop  }
0x92: {  	[tilespmem:s20], [sflag:$0x1] =	stream.indirect_vreg.gather [hbm4b:s5+s2], $0x80, v3, vm0, $0xb8;
	[tilespmem:$0xC080] =	vst v63  }
0x93: {  	_ = 	snop  }
0x94: {  	[tilespmem:s21], [sflag:$0x1] =	stream.indirect_vreg.gather [hbm4b:s6+s2], $0x80, v3, vm0, $0xb8;
	[tilespmem:$0xC080] =	vst v63  }
0x95: {  	v3 =	vld [tilespmem:$0x20];
	_ =	sdelay $0x4  }
0x96: {  	v62 =	vshrl.u32 v3, $0x3  }
0x97: {  	v4 =	vmul.u32 $0x30, v62  }
0x98: {  	v3 =	vand.u32 $0x7, v3  }
0x99: {  	v3 =	vor.u32 v3, v4  }
0x9a: {  	v4 =	vperm.xlane v3, v0;
	_ =	sdelay $0x1  }
0x9b: {  	v4 =	vadd.s32 v1, v4;
	_ =	sdelay $0x3  }
0x9c: {  	v3 =	vperm.xlane v3, v2  }
0x9d: {  	[tilespmem:s22], [sflag:$0x1] =	stream.indirect_vreg.gather [hbm4b:s3+s2], $0x80, v4, vm0, $0xb8;
	[tilespmem:$0xC080] =	vst v63  }
0x9e: {  	v3 =	vadd.s32 v1, v3  }
0x9f: {  	[tilespmem:s23], [sflag:$0x1] =	stream.indirect_vreg.gather [hbm4b:s5+s2], $0x80, v4, vm0, $0xb8;
	[tilespmem:$0xC080] =	vst v63  }
0xa0: {  	_ = 	snop  }
0xa1: {  	[tilespmem:s24], [sflag:$0x1] =	stream.indirect_vreg.gather [hbm4b:s6+s2], $0x80, v4, vm0, $0xb8;
	[tilespmem:$0xC080] =	vst v63  }
0xa2: {  	_ = 	snop  }
0xa3: {  	[tilespmem:s25], [sflag:$0x1] =	stream.indirect_vreg.gather [hbm4b:s3+s2], $0x80, v3, vm0, $0xb8;
	[tilespmem:$0xC080] =	vst v63  }
0xa4: {  	_ = 	snop  }
0xa5: {  	[tilespmem:s26], [sflag:$0x1] =	stream.indirect_vreg.gather [hbm4b:s5+s2], $0x80, v3, vm0, $0xb8;
	[tilespmem:$0xC080] =	vst v63  }
0xa6: {  	_ = 	snop  }
0xa7: {  	[tilespmem:s28], [sflag:$0x1] =	stream.indirect_vreg.gather [hbm4b:s6+s2], $0x80, v3, vm0, $0xb8;
	[tilespmem:$0xC080] =	vst v63  }
0xa8: {  	v3 =	vld [tilespmem:$0x30];
	_ =	sdelay $0x4  }
0xa9: {  	v63 =	vshrl.u32 v3, $0x3  }
0xaa: {  	v4 =	vmul.u32 $0x30, v63  }
0xab: {  	v3 =	vand.u32 $0x7, v3  }
0xac: {  	v3 =	vor.u32 v3, v4  }
0xad: {  	v4 =	vperm.xlane v3, v0;
	_ =	sdelay $0x1  }
0xae: {  	v4 =	vadd.s32 v1, v4;
	_ =	sdelay $0x3  }
0xaf: {  	v3 =	vperm.xlane v3, v2  }
0xb0: {  	[tilespmem:s29], [sflag:$0x1] =	stream.indirect_vreg.gather [hbm4b:s3+s2], $0x80, v4, vm0, $0xb8;
	[tilespmem:$0xC080] =	vst v63  }
0xb1: {  	v3 =	vadd.s32 v1, v3  }
0xb2: {  	[tilespmem:s30], [sflag:$0x1] =	stream.indirect_vreg.gather [hbm4b:s5+s2], $0x80, v4, vm0, $0xb8;
	[tilespmem:$0xC080] =	vst v63  }
0xb3: {  	_ = 	snop  }
0xb4: {  	[tilespmem:s31], [sflag:$0x1] =	stream.indirect_vreg.gather [hbm4b:s6+s2], $0x80, v4, vm0, $0xb8;
	[tilespmem:$0xC080] =	vst v63  }
0xb5: {  	_ = 	snop  }
0xb6: {  	[tilespmem:s1], [sflag:$0x1] =	stream.indirect_vreg.gather [hbm4b:s3+s2], $0x80, v3, vm0, $0xb8;
	[tilespmem:$0xC080] =	vst v63  }
0xb7: {  	s10 =	simm.s32 $0xB080  }
0xb8: {  	[tilespmem:s10], [sflag:$0x1] =	stream.indirect_vreg.gather [hbm4b:s5+s2], $0x80, v3, vm0, $0xb8;
	[tilespmem:$0xC080] =	vst v63  }
0xb9: {  	_ = 	snop  }
0xba: {  	[tilespmem:s9], [sflag:$0x1] =	stream.indirect_vreg.gather [hbm4b:s6+s2], $0x80, v3, vm0, $0xb8;
	[tilespmem:$0xC080] =	vst v63  }
0xbb: {  	_ =	swait.ge [sflag:s4], $0xC000  }
0xbc: {  	p0 =	sne.s32 s7, $0x1;
	[sflag:s4] =	ssyncset.done $0x0  }
.Ltmp0:
0xbd: {  	s9 =	rddreg [dreg:$0x5];
	[sflag:s4] =	ssyncadd.s32 $0xFFFF4000;
	(pc) =	sbr.rel @p0 .LBB2_1-.Ltmp0, $4  }
0xbe: {  	[hbm4b:s9+s2] =	stream.linear.scatter [tilespmem:s0], [sflag:$0x2], $0xC000, $0x38;
	[tilespmem:$0xC080] =	vst v63  }
0xbf: {  	_ =	swait.ge [sflag:s8], $0xC000  }
0xc0: {  	[sflag:s8] =	ssyncset.done $0x0  }
0xc1: {  	s7 =	sadd.s32 $0xFFFFFFFF, s7;
	[sflag:s8] =	ssyncadd.s32 $0xFFFF4000  }
0xc2: {  	_ =	sfence.sel $0x180000  }
0xc3: {  	[bflag:$0x0] =	sbarrier.arrive $0xFFFF  }
0xc4: {  	_ =	strace $0x9000004A  }
0xc5: {  	s0 =	stileid.u32;
	[bflag:$0x2] =	sbarrier.arrive $0xFFFF  }
0xc6: {  	p0 =	sne.s32 s0, $0x0;
	s0 =	rddreg [dreg:$0x2]  }
0xc7: {  	s0 =	sadd.s32 @!p0 $0x100000, s0  }
0xc8: {  	[sflag:s0] =	ssyncadd.tile.s32 @!p0 $0x1;
	_ =	shalt  }
.Lfunc_end2:
_tile_overlayer_lowered:
.L_overlay_start_2:
0xc9: {  	(tag) =	ssettag $0x2  }
0xca: {  	s0 =	rddreg [dreg:$0x0];
	s2 =	stileid.u32  }
0xcb: {  	s1 =	rddreg [dreg:$0x1];
	p0 =	sne.s32 s2, $0x0  }
0xcc: {  	s3 =	rddreg [dreg:$0x2];
	[bflag:$0x3] =	sbarrier.arrive $0xFFFF;
	s2 =	simm.s32 @!p0 $0x1C02  }
0xcd: {  	[timem:s3], [sflag:s2] =	dma.local @!p0 [hbm:s0], s1  }
0xce: {  	s0 =	simm.s32 @!p0 $0x2  }
0xcf: {  	_ =	swait.ge @!p0 [sflag:s0], s1  }
0xd0: {  	s1 =	ssub.s32 @!p0 $0x0, s1;
	[sflag:s0] =	ssyncset.done @!p0 $0x0  }
0xd1: {  	[sflag:s0] =	ssyncadd.s32 @!p0 s1  }
0xd2: {  	[bflag:$0x3] =	sbarrier.arrive $0xFFFF  }
0xd3: {  	_ =	shalt  }

</sc_bundles>
